<compile_context>
chip_gen: v7x
topology: tpu7x:2x2x1
jax: 0.10.2.dev20260603
libtpu: 0.0.44.dev20260713+nightly
codegen_flags: <defaults>
</compile_context>

<pallas_src>
import functools

import jax
import jax.numpy as jnp
from jax import lax
from jax.experimental import pallas as pl
from jax.experimental.pallas import tpu as pltpu
from jax.experimental.pallas import tpu_sc as plsc

ROWS = 16384
COLS = 26
D = 32
B = ROWS * COLS
NW = 32
LANES = 128
EPR = LANES // D

TBL_COLS = 1000001
BC = 256
BR = BC // EPR
NBLK = 3906
TAIL_COL = NBLK * BC
SROWS = NBLK * BR + D

CHUNK = 128
NCHUNK_W = B // (NW * CHUNK)
NB = 4

_mesh = plsc.VectorSubcoreMesh(core_axis_name="c", subcore_axis_name="s")
_params = pltpu.CompilerParams(
    use_tc_tiling_on_sc=True, needs_layout_passes=False
)


def _wid():
    return lax.axis_index("s") * 2 + lax.axis_index("c")


def _iota16():
    return lax.iota(jnp.int32, 16)


@functools.partial(
    pl.kernel,
    out_type=jax.ShapeDtypeStruct((SROWS, LANES), jnp.float32),
    mesh=_mesh,
    compiler_params=_params,
    scratch_types=[
        pltpu.VMEM((NB, D, BC + 4), jnp.float32),
        pltpu.VMEM((NB, BR, LANES), jnp.float32),
        pltpu.SemaphoreType.DMA((NB,)),
        pltpu.SemaphoreType.DMA((NB,)),
    ],
)
def _transpose_kernel(table_hbm, tail_hbm, scratch_hbm, tin, tout, isem, osem):
    w = _wid()
    lo = w * NBLK // NW
    hi = (w + 1) * NBLK // NW

    def start_in(c, p):
        pltpu.async_copy(
            table_hbm.at[:, pl.ds(c * BC, BC)],
            tin.at[p, :, pl.ds(0, BC)],
            isem.at[p],
        )

    def wait_in(p):
        pltpu.make_async_copy(
            table_hbm.at[:, pl.ds(0, BC)],
            tin.at[p, :, pl.ds(0, BC)],
            isem.at[p],
        ).wait()

    def start_out(c, p):
        pltpu.async_copy(
            tout.at[p], scratch_hbm.at[pl.ds(c * BR, BR)], osem.at[p]
        )

    def wait_out(p):
        pltpu.make_async_copy(
            tout.at[p], scratch_hbm.at[pl.ds(0, BR)], osem.at[p]
        ).wait()

    def shuffle(p):
        it = _iota16()
        it32 = it * D
        rows = [it + 16 * (g % 2) for g in range(8)]
        srows = [(it >> 2) + (BR // 2 + EPR * t) for t in range(8)]
        colbase = it32 & (LANES - D)

        @plsc.parallel_loop(0, BR // 2, 1, unroll=4)
        def _(jj):
            cj = jnp.full((16,), EPR * jj, jnp.int32)
            cols = [cj + q for q in range(EPR)]
            for g in range(8):
                tout[p, jj, pl.ds(16 * g, 16)] = plsc.load_gather(
                    tin.at[p], [rows[g], cols[g // 2]]
                )
            cs = colbase + jj
            for t in range(8):
                v = tin[p, jj, pl.ds(LANES + 16 * t, 16)]
                plsc.store_scatter(tout.at[p], [srows[t], cs], v)

    for r in range(NB - 1):
        start_in(lo + r, r)

    def body(k, _):
        c = lo + k
        p = lax.rem(k, NB)
        wait_in(p)

        @pl.when(c + NB - 1 < hi)
        def _():
            start_in(c + NB - 1, lax.rem(k + NB - 1, NB))

        @pl.when(k >= NB)
        def _():
            wait_out(p)

        shuffle(p)
        start_out(c, p)
        return 0

    lax.fori_loop(0, hi - lo, body, 0)
    for r in range(NB):
        wait_out(lax.rem(hi - lo - NB + r, NB))

    @pl.when(w == NW - 1)
    def _():
        pltpu.async_copy(
            tail_hbm, tout.at[0, pl.ds(0, 16)], isem.at[0]
        ).wait()
        pltpu.async_copy(
            tout.at[0, pl.ds(0, 16)],
            scratch_hbm.at[pl.ds(NBLK * BR, 16)],
            osem.at[0],
        ).wait()


@functools.partial(
    pl.kernel,
    out_type=jax.ShapeDtypeStruct((COLS, D, ROWS), jnp.float32),
    mesh=_mesh,
    compiler_params=_params,
    scratch_types=[
        pltpu.VMEM((NB, CHUNK), jnp.int32),
        pltpu.VMEM((NB, CHUNK), jnp.int32),
        pltpu.VMEM((NB, CHUNK), jnp.int32),
        pltpu.VMEM((NB, CHUNK, LANES), jnp.float32),
        pltpu.VMEM((NB, D, CHUNK), jnp.float32),
        pltpu.SemaphoreType.DMA((NB,)),
        pltpu.SemaphoreType.DMA((NB,)),
        pltpu.SemaphoreType.DMA((NB,)),
    ],
)
def _gather_kernel(idx_hbm, scratch_hbm, out_hbm, idxv, jl, rb, gbuf, vout,
                   qsem, gsem, osem):
    w = _wid()
    u0 = w * NCHUNK_W

    def unit(k):
        u = u0 + k
        return lax.div(u, ROWS // CHUNK), lax.rem(u, ROWS // CHUNK)

    def start_idx(k, q):
        b, ablk = unit(k)
        pltpu.async_copy(
            idx_hbm.at[b, pl.ds(ablk * CHUNK, CHUNK)], idxv.at[q], qsem.at[q]
        )

    def wait_idx(q):
        pltpu.make_async_copy(
            idx_hbm.at[0, pl.ds(0, CHUNK)], idxv.at[q], qsem.at[q]
        ).wait()

    def compute(q):
        for t in range(CHUNK // 16):
            v = idxv[q, pl.ds(16 * t, 16)]
            jl[q, pl.ds(16 * t, 16)] = v >> 2
            rb[q, pl.ds(16 * t, 16)] = (v & 3) * D

    def start_gather(p):
        pltpu.async_copy(scratch_hbm.at[jl.at[p]], gbuf.at[p], gsem.at[p])

    def wait_gather(p):
        pltpu.make_async_copy(
            scratch_hbm.at[jl.at[p]], gbuf.at[p], gsem.at[p]
        ).wait()

    def start_out(k, p):
        b, ablk = unit(k)
        pltpu.async_copy(
            vout.at[p], out_hbm.at[b, :, pl.ds(ablk * CHUNK, CHUNK)], osem.at[p]
        )

    def wait_out(p):
        pltpu.make_async_copy(
            vout.at[p], out_hbm.at[0, :, pl.ds(0, CHUNK)], osem.at[p]
        ).wait()

    def shuffle(p):
        it = _iota16()
        rows = [it + 16 * g for g in range(8)]
        rbase = [rb[p, pl.ds(16 * g, 16)] for g in range(8)]

        @plsc.parallel_loop(0, D, 1, unroll=4)
        def _(d):
            cd = jnp.full((16,), d, jnp.int32)
            for g in range(8):
                vout[p, d, pl.ds(16 * g, 16)] = plsc.load_gather(
                    gbuf.at[p], [rows[g], rbase[g] + cd]
                )

    for r in range(NB):
        start_idx(r, r)
    for r in range(2):
        wait_idx(r)
        compute(r)
        start_gather(r)

    def body(k, _):
        p = lax.rem(k, NB)

        @pl.when(k + NB < NCHUNK_W)
        def _():
            start_idx(k + NB, p)

        @pl.when(k + 2 < NCHUNK_W)
        def _():
            q = lax.rem(k + 2, NB)
            wait_idx(q)
            compute(q)
            start_gather(q)

        wait_gather(p)

        @pl.when(k >= NB)
        def _():
            wait_out(p)

        shuffle(p)
        start_out(k, p)
        return 0

    lax.fori_loop(0, NCHUNK_W, body, 0)
    for r in range(NB):
        wait_out(r)


def kernel(inputs, embeddings):
    idx_t = inputs.T
    table_t = embeddings.T
    tail16 = embeddings[TAIL_COL:TAIL_COL + 64].reshape(16, LANES)
    scratch = _transpose_kernel(table_t, tail16)
    out_t = _gather_kernel(idx_t, scratch)
    return out_t.transpose(2, 0, 1)

# --- scband reference (transcript-rebuilt; emitter-appended) ---
"""Pipeline reference for scband-embedding-dime-block-23725399343596 (READ-ONLY COPY).

The authoritative reference and input builder live on the scoring server;
editing this copy changes nothing except your own understanding.
"""

import jax, jax.numpy as jnp
import numpy as np

INPUT_DIM = 1000000
OUTPUT_DIM = 32

def setup_inputs(seed: int = 0) -> dict:
    key = jax.random.key(seed)
    k1, k2 = jax.random.split(key)
    inputs = jax.random.randint(k1, (16384, 26), 0, INPUT_DIM, dtype=jnp.int64 if jax.config.jax_enable_x64 else jnp.int32).astype(jnp.int32)
    # Keras 'uniform' initializer default: uniform(-0.05, 0.05); table shape (input_dim + 1, output_dim)
    embeddings = jax.random.uniform(k2, (INPUT_DIM + 1, OUTPUT_DIM), dtype=jnp.float32, minval=-0.05, maxval=0.05)
    return {"inputs": inputs, "embeddings": embeddings}

def reference(inputs, embeddings):
    # out = tf.gather(self.embeddings, tf.cast(inputs, tf.int32))
    idx = inputs.astype(jnp.int32)
    out = jnp.take(embeddings, idx, axis=0)
    return out

if __name__ == "__main__":
    import jax
    _d = setup_inputs()
    print(jax.jit(kernel)(*tuple(_d.values())))

</pallas_src>

<mosaic_0001>
#map = affine_map<(d0, d1) -> (0, 0)>
#map1 = affine_map<(d0, d1) -> (0, 0, 0)>
module attributes {stable_mosaic.version = 14 : i64} {
  func.func @_gather_kernel(%arg0: i32, %arg1: i32, %arg2: memref<26x16384xi32, #tpu.memory_space<hbm>>, %arg3: memref<250016x128xf32, #tpu.memory_space<hbm>>, %arg4: memref<26x32x16384xf32, #tpu.memory_space<hbm>>, %arg5: memref<4x128xi32, #tpu.memory_space<vmem>>, %arg6: memref<4x128xi32, #tpu.memory_space<vmem>>, %arg7: memref<4x128xi32, #tpu.memory_space<vmem>>, %arg8: memref<4x128x128xf32, #tpu.memory_space<vmem>>, %arg9: memref<4x32x128xf32, #tpu.memory_space<vmem>>, %arg10: memref<4x!tpu.dma_semaphore, #tpu.memory_space<semaphore_mem>>, %arg11: memref<4x!tpu.dma_semaphore, #tpu.memory_space<semaphore_mem>>, %arg12: memref<4x!tpu.dma_semaphore, #tpu.memory_space<semaphore_mem>>) attributes {dimension_semantics = [#tpu.dimension_semantics<core_parallel>, #tpu.dimension_semantics<subcore_parallel>], iteration_bounds = array<i64: 2, 16>, scalar_prefetch = 0 : i64, scratch_operands = 8 : i64, tpu.core_type = #tpu.core_type<sc_vector_subcore>, window_params = [{transform_indices = #map}, {transform_indices = #map}, {transform_indices = #map1}]} {
    %mul3A = arith.constant 2 : i32
    %mul3A_0 = arith.muli %arg1, %mul3A : i32
    %add3A = arith.addi %mul3A_0, %arg0 : i32
    %mul3A_1 = arith.constant 104 : i32
    %mul3A_2 = arith.muli %add3A, %mul3A_1 : i32
    %add3A_3 = arith.constant 0 : i32
    %add3A_4 = arith.addi %mul3A_2, %add3A_3 : i32
    %div3A = arith.constant 128 : i32
    %div3A_5 = arith.divsi %add3A_4, %div3A : i32
    %rem3A = arith.constant 128 : i32
    %rem3A_6 = arith.remsi %add3A_4, %rem3A : i32
    %mul3A_7 = arith.constant 128 : i32
    %mul3A_8 = arith.muli %rem3A_6, %mul3A_7 : i32
    %dma_start3A = arith.constant 0 : i32
    %dma_start3A_9 = arith.constant 0 : i32
    %dma_start3A_10 = arith.constant 0 : i32
    %dma_start3A_11 = tpu.memref_slice %arg5[%dma_start3A, %dma_start3A_10] : memref<4x128xi32, #tpu.memory_space<vmem>> -> memref<1x128xi32, #tpu.memory_space<vmem>>
    %dma_start3A_12 = tpu.memref_squeeze %dma_start3A_11 : memref<1x128xi32, #tpu.memory_space<vmem>> -> memref<128xi32, #tpu.memory_space<vmem>>
    %dma_start3A_13 = tpu.memref_slice %arg2[%div3A_5, %mul3A_8] : memref<26x16384xi32, #tpu.memory_space<hbm>> -> memref<1x128xi32, #tpu.memory_space<hbm>>
    %dma_start3A_14 = tpu.memref_squeeze %dma_start3A_13 : memref<1x128xi32, #tpu.memory_space<hbm>> -> memref<128xi32, #tpu.memory_space<hbm>>
    %dma_start3A_15 = tpu.memref_slice %arg10[%dma_start3A_9] : memref<4x!tpu.dma_semaphore, #tpu.memory_space<semaphore_mem>> -> memref<1x!tpu.dma_semaphore, #tpu.memory_space<semaphore_mem>>
    %dma_start3A_16 = tpu.memref_squeeze %dma_start3A_15 : memref<1x!tpu.dma_semaphore, #tpu.memory_space<semaphore_mem>> -> memref<!tpu.dma_semaphore, #tpu.memory_space<semaphore_mem>>
    %dma_start3A_17 = arith.constant 0 : i32
    %dma_start3A_18 = tpu.memref_slice %arg5[%dma_start3A, %dma_start3A_17] : memref<4x128xi32, #tpu.memory_space<vmem>> -> memref<1x128xi32, #tpu.memory_space<vmem>>
    %dma_start3A_19 = tpu.memref_squeeze %dma_start3A_18 : memref<1x128xi32, #tpu.memory_space<vmem>> -> memref<128xi32, #tpu.memory_space<vmem>>
    %dma_start3A_20 = tpu.memref_slice %arg2[%div3A_5, %mul3A_8] : memref<26x16384xi32, #tpu.memory_space<hbm>> -> memref<1x128xi32, #tpu.memory_space<hbm>>
    %dma_start3A_21 = tpu.memref_squeeze %dma_start3A_20 : memref<1x128xi32, #tpu.memory_space<hbm>> -> memref<128xi32, #tpu.memory_space<hbm>>
    tpu.enqueue_dma source(%dma_start3A_21 : memref<128xi32, #tpu.memory_space<hbm>>) target(%dma_start3A_19 : memref<128xi32, #tpu.memory_space<vmem>>) target_semaphore(%dma_start3A_16 : memref<!tpu.dma_semaphore, #tpu.memory_space<semaphore_mem>>)
    %add3A_22 = arith.constant 1 : i32
    %add3A_23 = arith.addi %mul3A_2, %add3A_22 : i32
    %div3A_24 = arith.constant 128 : i32
    %div3A_25 = arith.divsi %add3A_23, %div3A_24 : i32
    %rem3A_26 = arith.constant 128 : i32
    %rem3A_27 = arith.remsi %add3A_23, %rem3A_26 : i32
    %mul3A_28 = arith.constant 128 : i32
    %mul3A_29 = arith.muli %rem3A_27, %mul3A_28 : i32
    %dma_start3A_30 = arith.constant 1 : i32
    %dma_start3A_31 = arith.constant 1 : i32
    %dma_start3A_32 = arith.constant 0 : i32
    %dma_start3A_33 = tpu.memref_slice %arg5[%dma_start3A_30, %dma_start3A_32] : memref<4x128xi32, #tpu.memory_space<vmem>> -> memref<1x128xi32, #tpu.memory_space<vmem>>
    %dma_start3A_34 = tpu.memref_squeeze %dma_start3A_33 : memref<1x128xi32, #tpu.memory_space<vmem>> -> memref<128xi32, #tpu.memory_space<vmem>>
    %dma_start3A_35 = tpu.memref_slice %arg2[%div3A_25, %mul3A_29] : memref<26x16384xi32, #tpu.memory_space<hbm>> -> memref<1x128xi32, #tpu.memory_space<hbm>>
    %dma_start3A_36 = tpu.memref_squeeze %dma_start3A_35 : memref<1x128xi32, #tpu.memory_space<hbm>> -> memref<128xi32, #tpu.memory_space<hbm>>
    %dma_start3A_37 = tpu.memref_slice %arg10[%dma_start3A_31] : memref<4x!tpu.dma_semaphore, #tpu.memory_space<semaphore_mem>> -> memref<1x!tpu.dma_semaphore, #tpu.memory_space<semaphore_mem>>
    %dma_start3A_38 = tpu.memref_squeeze %dma_start3A_37 : memref<1x!tpu.dma_semaphore, #tpu.memory_space<semaphore_mem>> -> memref<!tpu.dma_semaphore, #tpu.memory_space<semaphore_mem>>
    %dma_start3A_39 = arith.constant 0 : i32
    %dma_start3A_40 = tpu.memref_slice %arg5[%dma_start3A_30, %dma_start3A_39] : memref<4x128xi32, #tpu.memory_space<vmem>> -> memref<1x128xi32, #tpu.memory_space<vmem>>
    %dma_start3A_41 = tpu.memref_squeeze %dma_start3A_40 : memref<1x128xi32, #tpu.memory_space<vmem>> -> memref<128xi32, #tpu.memory_space<vmem>>
    %dma_start3A_42 = tpu.memref_slice %arg2[%div3A_25, %mul3A_29] : memref<26x16384xi32, #tpu.memory_space<hbm>> -> memref<1x128xi32, #tpu.memory_space<hbm>>
    %dma_start3A_43 = tpu.memref_squeeze %dma_start3A_42 : memref<1x128xi32, #tpu.memory_space<hbm>> -> memref<128xi32, #tpu.memory_space<hbm>>
    tpu.enqueue_dma source(%dma_start3A_43 : memref<128xi32, #tpu.memory_space<hbm>>) target(%dma_start3A_41 : memref<128xi32, #tpu.memory_space<vmem>>) target_semaphore(%dma_start3A_38 : memref<!tpu.dma_semaphore, #tpu.memory_space<semaphore_mem>>)
    %add3A_44 = arith.constant 2 : i32
    %add3A_45 = arith.addi %mul3A_2, %add3A_44 : i32
    %div3A_46 = arith.constant 128 : i32
    %div3A_47 = arith.divsi %add3A_45, %div3A_46 : i32
    %rem3A_48 = arith.constant 128 : i32
    %rem3A_49 = arith.remsi %add3A_45, %rem3A_48 : i32
    %mul3A_50 = arith.constant 128 : i32
    %mul3A_51 = arith.muli %rem3A_49, %mul3A_50 : i32
    %dma_start3A_52 = arith.constant 2 : i32
    %dma_start3A_53 = arith.constant 2 : i32
    %dma_start3A_54 = arith.constant 0 : i32
    %dma_start3A_55 = tpu.memref_slice %arg5[%dma_start3A_52, %dma_start3A_54] : memref<4x128xi32, #tpu.memory_space<vmem>> -> memref<1x128xi32, #tpu.memory_space<vmem>>
    %dma_start3A_56 = tpu.memref_squeeze %dma_start3A_55 : memref<1x128xi32, #tpu.memory_space<vmem>> -> memref<128xi32, #tpu.memory_space<vmem>>
    %dma_start3A_57 = tpu.memref_slice %arg2[%div3A_47, %mul3A_51] : memref<26x16384xi32, #tpu.memory_space<hbm>> -> memref<1x128xi32, #tpu.memory_space<hbm>>
    %dma_start3A_58 = tpu.memref_squeeze %dma_start3A_57 : memref<1x128xi32, #tpu.memory_space<hbm>> -> memref<128xi32, #tpu.memory_space<hbm>>
    %dma_start3A_59 = tpu.memref_slice %arg10[%dma_start3A_53] : memref<4x!tpu.dma_semaphore, #tpu.memory_space<semaphore_mem>> -> memref<1x!tpu.dma_semaphore, #tpu.memory_space<semaphore_mem>>
    %dma_start3A_60 = tpu.memref_squeeze %dma_start3A_59 : memref<1x!tpu.dma_semaphore, #tpu.memory_space<semaphore_mem>> -> memref<!tpu.dma_semaphore, #tpu.memory_space<semaphore_mem>>
    %dma_start3A_61 = arith.constant 0 : i32
    %dma_start3A_62 = tpu.memref_slice %arg5[%dma_start3A_52, %dma_start3A_61] : memref<4x128xi32, #tpu.memory_space<vmem>> -> memref<1x128xi32, #tpu.memory_space<vmem>>
    %dma_start3A_63 = tpu.memref_squeeze %dma_start3A_62 : memref<1x128xi32, #tpu.memory_space<vmem>> -> memref<128xi32, #tpu.memory_space<vmem>>
    %dma_start3A_64 = tpu.memref_slice %arg2[%div3A_47, %mul3A_51] : memref<26x16384xi32, #tpu.memory_space<hbm>> -> memref<1x128xi32, #tpu.memory_space<hbm>>
    %dma_start3A_65 = tpu.memref_squeeze %dma_start3A_64 : memref<1x128xi32, #tpu.memory_space<hbm>> -> memref<128xi32, #tpu.memory_space<hbm>>
    tpu.enqueue_dma source(%dma_start3A_65 : memref<128xi32, #tpu.memory_space<hbm>>) target(%dma_start3A_63 : memref<128xi32, #tpu.memory_space<vmem>>) target_semaphore(%dma_start3A_60 : memref<!tpu.dma_semaphore, #tpu.memory_space<semaphore_mem>>)
    %add3A_66 = arith.constant 3 : i32
    %add3A_67 = arith.addi %mul3A_2, %add3A_66 : i32
    %div3A_68 = arith.constant 128 : i32
    %div3A_69 = arith.divsi %add3A_67, %div3A_68 : i32
    %rem3A_70 = arith.constant 128 : i32
    %rem3A_71 = arith.remsi %add3A_67, %rem3A_70 : i32
    %mul3A_72 = arith.constant 128 : i32
    %mul3A_73 = arith.muli %rem3A_71, %mul3A_72 : i32
    %dma_start3A_74 = arith.constant 3 : i32
    %dma_start3A_75 = arith.constant 3 : i32
    %dma_start3A_76 = arith.constant 0 : i32
    %dma_start3A_77 = tpu.memref_slice %arg5[%dma_start3A_74, %dma_start3A_76] : memref<4x128xi32, #tpu.memory_space<vmem>> -> memref<1x128xi32, #tpu.memory_space<vmem>>
    %dma_start3A_78 = tpu.memref_squeeze %dma_start3A_77 : memref<1x128xi32, #tpu.memory_space<vmem>> -> memref<128xi32, #tpu.memory_space<vmem>>
    %dma_start3A_79 = tpu.memref_slice %arg2[%div3A_69, %mul3A_73] : memref<26x16384xi32, #tpu.memory_space<hbm>> -> memref<1x128xi32, #tpu.memory_space<hbm>>
    %dma_start3A_80 = tpu.memref_squeeze %dma_start3A_79 : memref<1x128xi32, #tpu.memory_space<hbm>> -> memref<128xi32, #tpu.memory_space<hbm>>
    %dma_start3A_81 = tpu.memref_slice %arg10[%dma_start3A_75] : memref<4x!tpu.dma_semaphore, #tpu.memory_space<semaphore_mem>> -> memref<1x!tpu.dma_semaphore, #tpu.memory_space<semaphore_mem>>
    %dma_start3A_82 = tpu.memref_squeeze %dma_start3A_81 : memref<1x!tpu.dma_semaphore, #tpu.memory_space<semaphore_mem>> -> memref<!tpu.dma_semaphore, #tpu.memory_space<semaphore_mem>>
    %dma_start3A_83 = arith.constant 0 : i32
    %dma_start3A_84 = tpu.memref_slice %arg5[%dma_start3A_74, %dma_start3A_83] : memref<4x128xi32, #tpu.memory_space<vmem>> -> memref<1x128xi32, #tpu.memory_space<vmem>>
    %dma_start3A_85 = tpu.memref_squeeze %dma_start3A_84 : memref<1x128xi32, #tpu.memory_space<vmem>> -> memref<128xi32, #tpu.memory_space<vmem>>
    %dma_start3A_86 = tpu.memref_slice %arg2[%div3A_69, %mul3A_73] : memref<26x16384xi32, #tpu.memory_space<hbm>> -> memref<1x128xi32, #tpu.memory_space<hbm>>
    %dma_start3A_87 = tpu.memref_squeeze %dma_start3A_86 : memref<1x128xi32, #tpu.memory_space<hbm>> -> memref<128xi32, #tpu.memory_space<hbm>>
    tpu.enqueue_dma source(%dma_start3A_87 : memref<128xi32, #tpu.memory_space<hbm>>) target(%dma_start3A_85 : memref<128xi32, #tpu.memory_space<vmem>>) target_semaphore(%dma_start3A_82 : memref<!tpu.dma_semaphore, #tpu.memory_space<semaphore_mem>>)
    %dma_wait3A = arith.constant 0 : i32
    %dma_wait3A_88 = arith.constant 0 : i32
    %dma_wait3A_89 = arith.constant 0 : i32
    %dma_wait3A_90 = arith.constant 0 : i32
    %dma_wait3A_91 = tpu.memref_slice %arg5[%dma_wait3A_88, %dma_wait3A_90] : memref<4x128xi32, #tpu.memory_space<vmem>> -> memref<1x128xi32, #tpu.memory_space<vmem>>
    %dma_wait3A_92 = tpu.memref_squeeze %dma_wait3A_91 : memref<1x128xi32, #tpu.memory_space<vmem>> -> memref<128xi32, #tpu.memory_space<vmem>>
    %dma_wait3A_93 = arith.constant 0 : i32
    %dma_wait3A_94 = tpu.memref_slice %arg2[%dma_wait3A, %dma_wait3A_93] : memref<26x16384xi32, #tpu.memory_space<hbm>> -> memref<1x128xi32, #tpu.memory_space<hbm>>
    %dma_wait3A_95 = tpu.memref_squeeze %dma_wait3A_94 : memref<1x128xi32, #tpu.memory_space<hbm>> -> memref<128xi32, #tpu.memory_space<hbm>>
    %dma_wait3A_96 = tpu.memref_slice %arg10[%dma_wait3A_89] : memref<4x!tpu.dma_semaphore, #tpu.memory_space<semaphore_mem>> -> memref<1x!tpu.dma_semaphore, #tpu.memory_space<semaphore_mem>>
    %dma_wait3A_97 = tpu.memref_squeeze %dma_wait3A_96 : memref<1x!tpu.dma_semaphore, #tpu.memory_space<semaphore_mem>> -> memref<!tpu.dma_semaphore, #tpu.memory_space<semaphore_mem>>
    %dma_wait3A_98 = arith.constant 0 : i32
    %dma_wait3A_99 = tpu.memref_slice %arg5[%dma_wait3A_88, %dma_wait3A_98] : memref<4x128xi32, #tpu.memory_space<vmem>> -> memref<1x128xi32, #tpu.memory_space<vmem>>
    %dma_wait3A_100 = tpu.memref_squeeze %dma_wait3A_99 : memref<1x128xi32, #tpu.memory_space<vmem>> -> memref<128xi32, #tpu.memory_space<vmem>>
    %dma_wait3A_101 = arith.constant 0 : i32
    %dma_wait3A_102 = tpu.memref_slice %arg2[%dma_wait3A, %dma_wait3A_101] : memref<26x16384xi32, #tpu.memory_space<hbm>> -> memref<1x128xi32, #tpu.memory_space<hbm>>
    %dma_wait3A_103 = tpu.memref_squeeze %dma_wait3A_102 : memref<1x128xi32, #tpu.memory_space<hbm>> -> memref<128xi32, #tpu.memory_space<hbm>>
    tpu.wait_dma2 semaphore(%dma_wait3A_97 : memref<!tpu.dma_semaphore, #tpu.memory_space<semaphore_mem>>) src(%dma_wait3A_103 : memref<128xi32, #tpu.memory_space<hbm>>) dst(%dma_wait3A_100 : memref<128xi32, #tpu.memory_space<vmem>>)
    %get3A = arith.constant 0 : i32
    %get3A_104 = arith.index_cast %get3A : i32 to index
    %get3A_105 = arith.constant 0 : index
    %get3A_106 = tpu.vector_load %arg5[%get3A_104, %get3A_105] {strides = array<i32>} : memref<4x128xi32, #tpu.memory_space<vmem>>, vector<16xi32>,
    %shift_right_arithmetic3A = arith.constant 2 : i32
    %shift_right_arithmetic3A_107 = vector.broadcast %shift_right_arithmetic3A : i32 to vector<16xi32>
    %shift_right_arithmetic3A_108 = arith.shrsi %get3A_106, %shift_right_arithmetic3A_107 : vector<16xi32>
    %swap3A = arith.constant 0 : i32
    %swap3A_109 = arith.index_cast %swap3A : i32 to index
    %swap3A_110 = arith.constant 0 : index
    %swap3A_111 = tpu.vector_load %arg6[%swap3A_109, %swap3A_110] {strides = array<i32>} : memref<4x128xi32, #tpu.memory_space<vmem>>, vector<16xi32>,
    tpu.vector_store %arg6[%swap3A_109, %swap3A_110], %shift_right_arithmetic3A_108 {strides = array<i32>} : memref<4x128xi32, #tpu.memory_space<vmem>>, vector<16xi32>,
    %and3A = arith.constant 3 : i32
    %and3A_112 = vector.broadcast %and3A : i32 to vector<16xi32>
    %and3A_113 = arith.andi %get3A_106, %and3A_112 : vector<16xi32>
    %mul3A_114 = arith.constant 32 : i32
    %mul3A_115 = vector.broadcast %mul3A_114 : i32 to vector<16xi32>
    %mul3A_116 = arith.muli %and3A_113, %mul3A_115 : vector<16xi32>
    %swap3A_117 = arith.constant 0 : i32
    %swap3A_118 = arith.index_cast %swap3A_117 : i32 to index
    %swap3A_119 = arith.constant 0 : index
    %swap3A_120 = tpu.vector_load %arg7[%swap3A_118, %swap3A_119] {strides = array<i32>} : memref<4x128xi32, #tpu.memory_space<vmem>>, vector<16xi32>,
    tpu.vector_store %arg7[%swap3A_118, %swap3A_119], %mul3A_116 {strides = array<i32>} : memref<4x128xi32, #tpu.memory_space<vmem>>, vector<16xi32>,
    %get3A_121 = arith.constant 0 : i32
    %get3A_122 = arith.index_cast %get3A_121 : i32 to index
    %get3A_123 = arith.constant 16 : index
    %get3A_124 = tpu.vector_load %arg5[%get3A_122, %get3A_123] {strides = array<i32>} : memref<4x128xi32, #tpu.memory_space<vmem>>, vector<16xi32>,
    %shift_right_arithmetic3A_125 = arith.constant 2 : i32
    %shift_right_arithmetic3A_126 = vector.broadcast %shift_right_arithmetic3A_125 : i32 to vector<16xi32>
    %shift_right_arithmetic3A_127 = arith.shrsi %get3A_124, %shift_right_arithmetic3A_126 : vector<16xi32>
    %swap3A_128 = arith.constant 0 : i32
    %swap3A_129 = arith.index_cast %swap3A_128 : i32 to index
    %swap3A_130 = arith.constant 16 : index
    %swap3A_131 = tpu.vector_load %arg6[%swap3A_129, %swap3A_130] {strides = array<i32>} : memref<4x128xi32, #tpu.memory_space<vmem>>, vector<16xi32>,
    tpu.vector_store %arg6[%swap3A_129, %swap3A_130], %shift_right_arithmetic3A_127 {strides = array<i32>} : memref<4x128xi32, #tpu.memory_space<vmem>>, vector<16xi32>,
    %and3A_132 = arith.constant 3 : i32
    %and3A_133 = vector.broadcast %and3A_132 : i32 to vector<16xi32>
    %and3A_134 = arith.andi %get3A_124, %and3A_133 : vector<16xi32>
    %mul3A_135 = arith.constant 32 : i32
    %mul3A_136 = vector.broadcast %mul3A_135 : i32 to vector<16xi32>
    %mul3A_137 = arith.muli %and3A_134, %mul3A_136 : vector<16xi32>
    %swap3A_138 = arith.constant 0 : i32
    %swap3A_139 = arith.index_cast %swap3A_138 : i32 to index
    %swap3A_140 = arith.constant 16 : index
    %swap3A_141 = tpu.vector_load %arg7[%swap3A_139, %swap3A_140] {strides = array<i32>} : memref<4x128xi32, #tpu.memory_space<vmem>>, vector<16xi32>,
    tpu.vector_store %arg7[%swap3A_139, %swap3A_140], %mul3A_137 {strides = array<i32>} : memref<4x128xi32, #tpu.memory_space<vmem>>, vector<16xi32>,
    %get3A_142 = arith.constant 0 : i32
    %get3A_143 = arith.index_cast %get3A_142 : i32 to index
    %get3A_144 = arith.constant 32 : index
    %get3A_145 = tpu.vector_load %arg5[%get3A_143, %get3A_144] {strides = array<i32>} : memref<4x128xi32, #tpu.memory_space<vmem>>, vector<16xi32>,
    %shift_right_arithmetic3A_146 = arith.constant 2 : i32
    %shift_right_arithmetic3A_147 = vector.broadcast %shift_right_arithmetic3A_146 : i32 to vector<16xi32>
    %shift_right_arithmetic3A_148 = arith.shrsi %get3A_145, %shift_right_arithmetic3A_147 : vector<16xi32>
    %swap3A_149 = arith.constant 0 : i32
    %swap3A_150 = arith.index_cast %swap3A_149 : i32 to index
    %swap3A_151 = arith.constant 32 : index
    %swap3A_152 = tpu.vector_load %arg6[%swap3A_150, %swap3A_151] {strides = array<i32>} : memref<4x128xi32, #tpu.memory_space<vmem>>, vector<16xi32>,
    tpu.vector_store %arg6[%swap3A_150, %swap3A_151], %shift_right_arithmetic3A_148 {strides = array<i32>} : memref<4x128xi32, #tpu.memory_space<vmem>>, vector<16xi32>,
    %and3A_153 = arith.constant 3 : i32
    %and3A_154 = vector.broadcast %and3A_153 : i32 to vector<16xi32>
    %and3A_155 = arith.andi %get3A_145, %and3A_154 : vector<16xi32>
    %mul3A_156 = arith.constant 32 : i32
    %mul3A_157 = vector.broadcast %mul3A_156 : i32 to vector<16xi32>
    %mul3A_158 = arith.muli %and3A_155, %mul3A_157 : vector<16xi32>
    %swap3A_159 = arith.constant 0 : i32
    %swap3A_160 = arith.index_cast %swap3A_159 : i32 to index
    %swap3A_161 = arith.constant 32 : index
    %swap3A_162 = tpu.vector_load %arg7[%swap3A_160, %swap3A_161] {strides = array<i32>} : memref<4x128xi32, #tpu.memory_space<vmem>>, vector<16xi32>,
    tpu.vector_store %arg7[%swap3A_160, %swap3A_161], %mul3A_158 {strides = array<i32>} : memref<4x128xi32, #tpu.memory_space<vmem>>, vector<16xi32>,
    %get3A_163 = arith.constant 0 : i32
    %get3A_164 = arith.index_cast %get3A_163 : i32 to index
    %get3A_165 = arith.constant 48 : index
    %get3A_166 = tpu.vector_load %arg5[%get3A_164, %get3A_165] {strides = array<i32>} : memref<4x128xi32, #tpu.memory_space<vmem>>, vector<16xi32>,
    %shift_right_arithmetic3A_167 = arith.constant 2 : i32
    %shift_right_arithmetic3A_168 = vector.broadcast %shift_right_arithmetic3A_167 : i32 to vector<16xi32>
    %shift_right_arithmetic3A_169 = arith.shrsi %get3A_166, %shift_right_arithmetic3A_168 : vector<16xi32>
    %swap3A_170 = arith.constant 0 : i32
    %swap3A_171 = arith.index_cast %swap3A_170 : i32 to index
    %swap3A_172 = arith.constant 48 : index
    %swap3A_173 = tpu.vector_load %arg6[%swap3A_171, %swap3A_172] {strides = array<i32>} : memref<4x128xi32, #tpu.memory_space<vmem>>, vector<16xi32>,
    tpu.vector_store %arg6[%swap3A_171, %swap3A_172], %shift_right_arithmetic3A_169 {strides = array<i32>} : memref<4x128xi32, #tpu.memory_space<vmem>>, vector<16xi32>,
    %and3A_174 = arith.constant 3 : i32
    %and3A_175 = vector.broadcast %and3A_174 : i32 to vector<16xi32>
    %and3A_176 = arith.andi %get3A_166, %and3A_175 : vector<16xi32>
    %mul3A_177 = arith.constant 32 : i32
    %mul3A_178 = vector.broadcast %mul3A_177 : i32 to vector<16xi32>
    %mul3A_179 = arith.muli %and3A_176, %mul3A_178 : vector<16xi32>
    %swap3A_180 = arith.constant 0 : i32
    %swap3A_181 = arith.index_cast %swap3A_180 : i32 to index
    %swap3A_182 = arith.constant 48 : index
    %swap3A_183 = tpu.vector_load %arg7[%swap3A_181, %swap3A_182] {strides = array<i32>} : memref<4x128xi32, #tpu.memory_space<vmem>>, vector<16xi32>,
    tpu.vector_store %arg7[%swap3A_181, %swap3A_182], %mul3A_179 {strides = array<i32>} : memref<4x128xi32, #tpu.memory_space<vmem>>, vector<16xi32>,
    %get3A_184 = arith.constant 0 : i32
    %get3A_185 = arith.index_cast %get3A_184 : i32 to index
    %get3A_186 = arith.constant 64 : index
    %get3A_187 = tpu.vector_load %arg5[%get3A_185, %get3A_186] {strides = array<i32>} : memref<4x128xi32, #tpu.memory_space<vmem>>, vector<16xi32>,
    %shift_right_arithmetic3A_188 = arith.constant 2 : i32
    %shift_right_arithmetic3A_189 = vector.broadcast %shift_right_arithmetic3A_188 : i32 to vector<16xi32>
    %shift_right_arithmetic3A_190 = arith.shrsi %get3A_187, %shift_right_arithmetic3A_189 : vector<16xi32>
    %swap3A_191 = arith.constant 0 : i32
    %swap3A_192 = arith.index_cast %swap3A_191 : i32 to index
    %swap3A_193 = arith.constant 64 : index
    %swap3A_194 = tpu.vector_load %arg6[%swap3A_192, %swap3A_193] {strides = array<i32>} : memref<4x128xi32, #tpu.memory_space<vmem>>, vector<16xi32>,
    tpu.vector_store %arg6[%swap3A_192, %swap3A_193], %shift_right_arithmetic3A_190 {strides = array<i32>} : memref<4x128xi32, #tpu.memory_space<vmem>>, vector<16xi32>,
    %and3A_195 = arith.constant 3 : i32
    %and3A_196 = vector.broadcast %and3A_195 : i32 to vector<16xi32>
    %and3A_197 = arith.andi %get3A_187, %and3A_196 : vector<16xi32>
    %mul3A_198 = arith.constant 32 : i32
    %mul3A_199 = vector.broadcast %mul3A_198 : i32 to vector<16xi32>
    %mul3A_200 = arith.muli %and3A_197, %mul3A_199 : vector<16xi32>
    %swap3A_201 = arith.constant 0 : i32
    %swap3A_202 = arith.index_cast %swap3A_201 : i32 to index
    %swap3A_203 = arith.constant 64 : index
    %swap3A_204 = tpu.vector_load %arg7[%swap3A_202, %swap3A_203] {strides = array<i32>} : memref<4x128xi32, #tpu.memory_space<vmem>>, vector<16xi32>,
    tpu.vector_store %arg7[%swap3A_202, %swap3A_203], %mul3A_200 {strides = array<i32>} : memref<4x128xi32, #tpu.memory_space<vmem>>, vector<16xi32>,
    %get3A_205 = arith.constant 0 : i32
    %get3A_206 = arith.index_cast %get3A_205 : i32 to index
    %get3A_207 = arith.constant 80 : index
    %get3A_208 = tpu.vector_load %arg5[%get3A_206, %get3A_207] {strides = array<i32>} : memref<4x128xi32, #tpu.memory_space<vmem>>, vector<16xi32>,
    %shift_right_arithmetic3A_209 = arith.constant 2 : i32
    %shift_right_arithmetic3A_210 = vector.broadcast %shift_right_arithmetic3A_209 : i32 to vector<16xi32>
    %shift_right_arithmetic3A_211 = arith.shrsi %get3A_208, %shift_right_arithmetic3A_210 : vector<16xi32>
    %swap3A_212 = arith.constant 0 : i32
    %swap3A_213 = arith.index_cast %swap3A_212 : i32 to index
    %swap3A_214 = arith.constant 80 : index
    %swap3A_215 = tpu.vector_load %arg6[%swap3A_213, %swap3A_214] {strides = array<i32>} : memref<4x128xi32, #tpu.memory_space<vmem>>, vector<16xi32>,
    tpu.vector_store %arg6[%swap3A_213, %swap3A_214], %shift_right_arithmetic3A_211 {strides = array<i32>} : memref<4x128xi32, #tpu.memory_space<vmem>>, vector<16xi32>,
    %and3A_216 = arith.constant 3 : i32
    %and3A_217 = vector.broadcast %and3A_216 : i32 to vector<16xi32>
    %and3A_218 = arith.andi %get3A_208, %and3A_217 : vector<16xi32>
    %mul3A_219 = arith.constant 32 : i32
    %mul3A_220 = vector.broadcast %mul3A_219 : i32 to vector<16xi32>
    %mul3A_221 = arith.muli %and3A_218, %mul3A_220 : vector<16xi32>
    %swap3A_222 = arith.constant 0 : i32
    %swap3A_223 = arith.index_cast %swap3A_222 : i32 to index
    %swap3A_224 = arith.constant 80 : index
    %swap3A_225 = tpu.vector_load %arg7[%swap3A_223, %swap3A_224] {strides = array<i32>} : memref<4x128xi32, #tpu.memory_space<vmem>>, vector<16xi32>,
    tpu.vector_store %arg7[%swap3A_223, %swap3A_224], %mul3A_221 {strides = array<i32>} : memref<4x128xi32, #tpu.memory_space<vmem>>, vector<16xi32>,
    %get3A_226 = arith.constant 0 : i32
    %get3A_227 = arith.index_cast %get3A_226 : i32 to index
    %get3A_228 = arith.constant 96 : index
    %get3A_229 = tpu.vector_load %arg5[%get3A_227, %get3A_228] {strides = array<i32>} : memref<4x128xi32, #tpu.memory_space<vmem>>, vector<16xi32>,
    %shift_right_arithmetic3A_230 = arith.constant 2 : i32
    %shift_right_arithmetic3A_231 = vector.broadcast %shift_right_arithmetic3A_230 : i32 to vector<16xi32>
    %shift_right_arithmetic3A_232 = arith.shrsi %get3A_229, %shift_right_arithmetic3A_231 : vector<16xi32>
    %swap3A_233 = arith.constant 0 : i32
    %swap3A_234 = arith.index_cast %swap3A_233 : i32 to index
    %swap3A_235 = arith.constant 96 : index
    %swap3A_236 = tpu.vector_load %arg6[%swap3A_234, %swap3A_235] {strides = array<i32>} : memref<4x128xi32, #tpu.memory_space<vmem>>, vector<16xi32>,
    tpu.vector_store %arg6[%swap3A_234, %swap3A_235], %shift_right_arithmetic3A_232 {strides = array<i32>} : memref<4x128xi32, #tpu.memory_space<vmem>>, vector<16xi32>,
    %and3A_237 = arith.constant 3 : i32
    %and3A_238 = vector.broadcast %and3A_237 : i32 to vector<16xi32>
    %and3A_239 = arith.andi %get3A_229, %and3A_238 : vector<16xi32>
    %mul3A_240 = arith.constant 32 : i32
    %mul3A_241 = vector.broadcast %mul3A_240 : i32 to vector<16xi32>
    %mul3A_242 = arith.muli %and3A_239, %mul3A_241 : vector<16xi32>
    %swap3A_243 = arith.constant 0 : i32
    %swap3A_244 = arith.index_cast %swap3A_243 : i32 to index
    %swap3A_245 = arith.constant 96 : index
    %swap3A_246 = tpu.vector_load %arg7[%swap3A_244, %swap3A_245] {strides = array<i32>} : memref<4x128xi32, #tpu.memory_space<vmem>>, vector<16xi32>,
    tpu.vector_store %arg7[%swap3A_244, %swap3A_245], %mul3A_242 {strides = array<i32>} : memref<4x128xi32, #tpu.memory_space<vmem>>, vector<16xi32>,
    %get3A_247 = arith.constant 0 : i32
    %get3A_248 = arith.index_cast %get3A_247 : i32 to index
    %get3A_249 = arith.constant 112 : index
    %get3A_250 = tpu.vector_load %arg5[%get3A_248, %get3A_249] {strides = array<i32>} : memref<4x128xi32, #tpu.memory_space<vmem>>, vector<16xi32>,
    %shift_right_arithmetic3A_251 = arith.constant 2 : i32
    %shift_right_arithmetic3A_252 = vector.broadcast %shift_right_arithmetic3A_251 : i32 to vector<16xi32>
    %shift_right_arithmetic3A_253 = arith.shrsi %get3A_250, %shift_right_arithmetic3A_252 : vector<16xi32>
    %swap3A_254 = arith.constant 0 : i32
    %swap3A_255 = arith.index_cast %swap3A_254 : i32 to index
    %swap3A_256 = arith.constant 112 : index
    %swap3A_257 = tpu.vector_load %arg6[%swap3A_255, %swap3A_256] {strides = array<i32>} : memref<4x128xi32, #tpu.memory_space<vmem>>, vector<16xi32>,
    tpu.vector_store %arg6[%swap3A_255, %swap3A_256], %shift_right_arithmetic3A_253 {strides = array<i32>} : memref<4x128xi32, #tpu.memory_space<vmem>>, vector<16xi32>,
    %and3A_258 = arith.constant 3 : i32
    %and3A_259 = vector.broadcast %and3A_258 : i32 to vector<16xi32>
    %and3A_260 = arith.andi %get3A_250, %and3A_259 : vector<16xi32>
    %mul3A_261 = arith.constant 32 : i32
    %mul3A_262 = vector.broadcast %mul3A_261 : i32 to vector<16xi32>
    %mul3A_263 = arith.muli %and3A_260, %mul3A_262 : vector<16xi32>
    %swap3A_264 = arith.constant 0 : i32
    %swap3A_265 = arith.index_cast %swap3A_264 : i32 to index
    %swap3A_266 = arith.constant 112 : index
    %swap3A_267 = tpu.vector_load %arg7[%swap3A_265, %swap3A_266] {strides = array<i32>} : memref<4x128xi32, #tpu.memory_space<vmem>>, vector<16xi32>,
    tpu.vector_store %arg7[%swap3A_265, %swap3A_266], %mul3A_263 {strides = array<i32>} : memref<4x128xi32, #tpu.memory_space<vmem>>, vector<16xi32>,
    %dma_start3A_268 = arith.constant 0 : i32
    %dma_start3A_269 = arith.constant 0 : i32
    %dma_start3A_270 = arith.constant 0 : i32
    %dma_start3A_271 = arith.constant 0 : i32
    %dma_start3A_272 = arith.constant 0 : i32
    %dma_start3A_273 = tpu.memref_slice %arg8[%dma_start3A_269, %dma_start3A_271, %dma_start3A_272] : memref<4x128x128xf32, #tpu.memory_space<vmem>> -> memref<1x128x128xf32, #tpu.memory_space<vmem>>
    %dma_start3A_274 = tpu.memref_squeeze %dma_start3A_273 : memref<1x128x128xf32, #tpu.memory_space<vmem>> -> memref<128x128xf32, #tpu.memory_space<vmem>>
    %dma_start3A_275 = arith.constant 0 : i32
    %dma_start3A_276 = tpu.memref_slice %arg6[%dma_start3A_268, %dma_start3A_275] : memref<4x128xi32, #tpu.memory_space<vmem>> -> memref<1x128xi32, #tpu.memory_space<vmem>>
    %dma_start3A_277 = tpu.memref_squeeze %dma_start3A_276 : memref<1x128xi32, #tpu.memory_space<vmem>> -> memref<128xi32, #tpu.memory_space<vmem>>
    %dma_start3A_278 = arith.constant 0 : i32
    %dma_start3A_279 = arith.constant 0 : i32
    %dma_start3A_280 = tpu.memref_slice %arg3[%dma_start3A_278, %dma_start3A_279] : memref<250016x128xf32, #tpu.memory_space<hbm>> -> memref<250016x128xf32, #tpu.memory_space<hbm>>
    %dma_start3A_281 = tpu.memref_slice %arg11[%dma_start3A_270] : memref<4x!tpu.dma_semaphore, #tpu.memory_space<semaphore_mem>> -> memref<1x!tpu.dma_semaphore, #tpu.memory_space<semaphore_mem>>
    %dma_start3A_282 = tpu.memref_squeeze %dma_start3A_281 : memref<1x!tpu.dma_semaphore, #tpu.memory_space<semaphore_mem>> -> memref<!tpu.dma_semaphore, #tpu.memory_space<semaphore_mem>>
    tpu.enqueue_indirect_dma source(%dma_start3A_280 : memref<250016x128xf32, #tpu.memory_space<hbm>>) target(%dma_start3A_274 : memref<128x128xf32, #tpu.memory_space<vmem>>) offsets(%dma_start3A_277 : memref<128xi32, #tpu.memory_space<vmem>>) semaphore(%dma_start3A_282 : memref<!tpu.dma_semaphore, #tpu.memory_space<semaphore_mem>>)
    %dma_wait3A_283 = arith.constant 0 : i32
    %dma_wait3A_284 = arith.constant 1 : i32
    %dma_wait3A_285 = arith.constant 1 : i32
    %dma_wait3A_286 = arith.constant 0 : i32
    %dma_wait3A_287 = tpu.memref_slice %arg5[%dma_wait3A_284, %dma_wait3A_286] : memref<4x128xi32, #tpu.memory_space<vmem>> -> memref<1x128xi32, #tpu.memory_space<vmem>>
    %dma_wait3A_288 = tpu.memref_squeeze %dma_wait3A_287 : memref<1x128xi32, #tpu.memory_space<vmem>> -> memref<128xi32, #tpu.memory_space<vmem>>
    %dma_wait3A_289 = arith.constant 0 : i32
    %dma_wait3A_290 = tpu.memref_slice %arg2[%dma_wait3A_283, %dma_wait3A_289] : memref<26x16384xi32, #tpu.memory_space<hbm>> -> memref<1x128xi32, #tpu.memory_space<hbm>>
    %dma_wait3A_291 = tpu.memref_squeeze %dma_wait3A_290 : memref<1x128xi32, #tpu.memory_space<hbm>> -> memref<128xi32, #tpu.memory_space<hbm>>
    %dma_wait3A_292 = tpu.memref_slice %arg10[%dma_wait3A_285] : memref<4x!tpu.dma_semaphore, #tpu.memory_space<semaphore_mem>> -> memref<1x!tpu.dma_semaphore, #tpu.memory_space<semaphore_mem>>
    %dma_wait3A_293 = tpu.memref_squeeze %dma_wait3A_292 : memref<1x!tpu.dma_semaphore, #tpu.memory_space<semaphore_mem>> -> memref<!tpu.dma_semaphore, #tpu.memory_space<semaphore_mem>>
    %dma_wait3A_294 = arith.constant 0 : i32
    %dma_wait3A_295 = tpu.memref_slice %arg5[%dma_wait3A_284, %dma_wait3A_294] : memref<4x128xi32, #tpu.memory_space<vmem>> -> memref<1x128xi32, #tpu.memory_space<vmem>>
    %dma_wait3A_296 = tpu.memref_squeeze %dma_wait3A_295 : memref<1x128xi32, #tpu.memory_space<vmem>> -> memref<128xi32, #tpu.memory_space<vmem>>
    %dma_wait3A_297 = arith.constant 0 : i32
    %dma_wait3A_298 = tpu.memref_slice %arg2[%dma_wait3A_283, %dma_wait3A_297] : memref<26x16384xi32, #tpu.memory_space<hbm>> -> memref<1x128xi32, #tpu.memory_space<hbm>>
    %dma_wait3A_299 = tpu.memref_squeeze %dma_wait3A_298 : memref<1x128xi32, #tpu.memory_space<hbm>> -> memref<128xi32, #tpu.memory_space<hbm>>
    tpu.wait_dma2 semaphore(%dma_wait3A_293 : memref<!tpu.dma_semaphore, #tpu.memory_space<semaphore_mem>>) src(%dma_wait3A_299 : memref<128xi32, #tpu.memory_space<hbm>>) dst(%dma_wait3A_296 : memref<128xi32, #tpu.memory_space<vmem>>)
    %get3A_300 = arith.constant 1 : i32
    %get3A_301 = arith.index_cast %get3A_300 : i32 to index
    %get3A_302 = arith.constant 0 : index
    %get3A_303 = tpu.vector_load %arg5[%get3A_301, %get3A_302] {strides = array<i32>} : memref<4x128xi32, #tpu.memory_space<vmem>>, vector<16xi32>,
    %shift_right_arithmetic3A_304 = arith.constant 2 : i32
    %shift_right_arithmetic3A_305 = vector.broadcast %shift_right_arithmetic3A_304 : i32 to vector<16xi32>
    %shift_right_arithmetic3A_306 = arith.shrsi %get3A_303, %shift_right_arithmetic3A_305 : vector<16xi32>
    %swap3A_307 = arith.constant 1 : i32
    %swap3A_308 = arith.index_cast %swap3A_307 : i32 to index
    %swap3A_309 = arith.constant 0 : index
    %swap3A_310 = tpu.vector_load %arg6[%swap3A_308, %swap3A_309] {strides = array<i32>} : memref<4x128xi32, #tpu.memory_space<vmem>>, vector<16xi32>,
    tpu.vector_store %arg6[%swap3A_308, %swap3A_309], %shift_right_arithmetic3A_306 {strides = array<i32>} : memref<4x128xi32, #tpu.memory_space<vmem>>, vector<16xi32>,
    %and3A_311 = arith.constant 3 : i32
    %and3A_312 = vector.broadcast %and3A_311 : i32 to vector<16xi32>
    %and3A_313 = arith.andi %get3A_303, %and3A_312 : vector<16xi32>
    %mul3A_314 = arith.constant 32 : i32
    %mul3A_315 = vector.broadcast %mul3A_314 : i32 to vector<16xi32>
    %mul3A_316 = arith.muli %and3A_313, %mul3A_315 : vector<16xi32>
    %swap3A_317 = arith.constant 1 : i32
    %swap3A_318 = arith.index_cast %swap3A_317 : i32 to index
    %swap3A_319 = arith.constant 0 : index
    %swap3A_320 = tpu.vector_load %arg7[%swap3A_318, %swap3A_319] {strides = array<i32>} : memref<4x128xi32, #tpu.memory_space<vmem>>, vector<16xi32>,
    tpu.vector_store %arg7[%swap3A_318, %swap3A_319], %mul3A_316 {strides = array<i32>} : memref<4x128xi32, #tpu.memory_space<vmem>>, vector<16xi32>,
    %get3A_321 = arith.constant 1 : i32
    %get3A_322 = arith.index_cast %get3A_321 : i32 to index
    %get3A_323 = arith.constant 16 : index
    %get3A_324 = tpu.vector_load %arg5[%get3A_322, %get3A_323] {strides = array<i32>} : memref<4x128xi32, #tpu.memory_space<vmem>>, vector<16xi32>,
    %shift_right_arithmetic3A_325 = arith.constant 2 : i32
    %shift_right_arithmetic3A_326 = vector.broadcast %shift_right_arithmetic3A_325 : i32 to vector<16xi32>
    %shift_right_arithmetic3A_327 = arith.shrsi %get3A_324, %shift_right_arithmetic3A_326 : vector<16xi32>
    %swap3A_328 = arith.constant 1 : i32
    %swap3A_329 = arith.index_cast %swap3A_328 : i32 to index
    %swap3A_330 = arith.constant 16 : index
    %swap3A_331 = tpu.vector_load %arg6[%swap3A_329, %swap3A_330] {strides = array<i32>} : memref<4x128xi32, #tpu.memory_space<vmem>>, vector<16xi32>,
    tpu.vector_store %arg6[%swap3A_329, %swap3A_330], %shift_right_arithmetic3A_327 {strides = array<i32>} : memref<4x128xi32, #tpu.memory_space<vmem>>, vector<16xi32>,
    %and3A_332 = arith.constant 3 : i32
    %and3A_333 = vector.broadcast %and3A_332 : i32 to vector<16xi32>
    %and3A_334 = arith.andi %get3A_324, %and3A_333 : vector<16xi32>
    %mul3A_335 = arith.constant 32 : i32
    %mul3A_336 = vector.broadcast %mul3A_335 : i32 to vector<16xi32>
    %mul3A_337 = arith.muli %and3A_334, %mul3A_336 : vector<16xi32>
    %swap3A_338 = arith.constant 1 : i32
    %swap3A_339 = arith.index_cast %swap3A_338 : i32 to index
    %swap3A_340 = arith.constant 16 : index
    %swap3A_341 = tpu.vector_load %arg7[%swap3A_339, %swap3A_340] {strides = array<i32>} : memref<4x128xi32, #tpu.memory_space<vmem>>, vector<16xi32>,
    tpu.vector_store %arg7[%swap3A_339, %swap3A_340], %mul3A_337 {strides = array<i32>} : memref<4x128xi32, #tpu.memory_space<vmem>>, vector<16xi32>,
    %get3A_342 = arith.constant 1 : i32
    %get3A_343 = arith.index_cast %get3A_342 : i32 to index
    %get3A_344 = arith.constant 32 : index
    %get3A_345 = tpu.vector_load %arg5[%get3A_343, %get3A_344] {strides = array<i32>} : memref<4x128xi32, #tpu.memory_space<vmem>>, vector<16xi32>,
    %shift_right_arithmetic3A_346 = arith.constant 2 : i32
    %shift_right_arithmetic3A_347 = vector.broadcast %shift_right_arithmetic3A_346 : i32 to vector<16xi32>
    %shift_right_arithmetic3A_348 = arith.shrsi %get3A_345, %shift_right_arithmetic3A_347 : vector<16xi32>
    %swap3A_349 = arith.constant 1 : i32
    %swap3A_350 = arith.index_cast %swap3A_349 : i32 to index
    %swap3A_351 = arith.constant 32 : index
    %swap3A_352 = tpu.vector_load %arg6[%swap3A_350, %swap3A_351] {strides = array<i32>} : memref<4x128xi32, #tpu.memory_space<vmem>>, vector<16xi32>,
    tpu.vector_store %arg6[%swap3A_350, %swap3A_351], %shift_right_arithmetic3A_348 {strides = array<i32>} : memref<4x128xi32, #tpu.memory_space<vmem>>, vector<16xi32>,
    %and3A_353 = arith.constant 3 : i32
    %and3A_354 = vector.broadcast %and3A_353 : i32 to vector<16xi32>
    %and3A_355 = arith.andi %get3A_345, %and3A_354 : vector<16xi32>
    %mul3A_356 = arith.constant 32 : i32
    %mul3A_357 = vector.broadcast %mul3A_356 : i32 to vector<16xi32>
    %mul3A_358 = arith.muli %and3A_355, %mul3A_357 : vector<16xi32>
    %swap3A_359 = arith.constant 1 : i32
    %swap3A_360 = arith.index_cast %swap3A_359 : i32 to index
    %swap3A_361 = arith.constant 32 : index
    %swap3A_362 = tpu.vector_load %arg7[%swap3A_360, %swap3A_361] {strides = array<i32>} : memref<4x128xi32, #tpu.memory_space<vmem>>, vector<16xi32>,
    tpu.vector_store %arg7[%swap3A_360, %swap3A_361], %mul3A_358 {strides = array<i32>} : memref<4x128xi32, #tpu.memory_space<vmem>>, vector<16xi32>,
    %get3A_363 = arith.constant 1 : i32
    %get3A_364 = arith.index_cast %get3A_363 : i32 to index
    %get3A_365 = arith.constant 48 : index
    %get3A_366 = tpu.vector_load %arg5[%get3A_364, %get3A_365] {strides = array<i32>} : memref<4x128xi32, #tpu.memory_space<vmem>>, vector<16xi32>,
    %shift_right_arithmetic3A_367 = arith.constant 2 : i32
    %shift_right_arithmetic3A_368 = vector.broadcast %shift_right_arithmetic3A_367 : i32 to vector<16xi32>
    %shift_right_arithmetic3A_369 = arith.shrsi %get3A_366, %shift_right_arithmetic3A_368 : vector<16xi32>
    %swap3A_370 = arith.constant 1 : i32
    %swap3A_371 = arith.index_cast %swap3A_370 : i32 to index
    %swap3A_372 = arith.constant 48 : index
    %swap3A_373 = tpu.vector_load %arg6[%swap3A_371, %swap3A_372] {strides = array<i32>} : memref<4x128xi32, #tpu.memory_space<vmem>>, vector<16xi32>,
    tpu.vector_store %arg6[%swap3A_371, %swap3A_372], %shift_right_arithmetic3A_369 {strides = array<i32>} : memref<4x128xi32, #tpu.memory_space<vmem>>, vector<16xi32>,
    %and3A_374 = arith.constant 3 : i32
    %and3A_375 = vector.broadcast %and3A_374 : i32 to vector<16xi32>
    %and3A_376 = arith.andi %get3A_366, %and3A_375 : vector<16xi32>
    %mul3A_377 = arith.constant 32 : i32
    %mul3A_378 = vector.broadcast %mul3A_377 : i32 to vector<16xi32>
    %mul3A_379 = arith.muli %and3A_376, %mul3A_378 : vector<16xi32>
    %swap3A_380 = arith.constant 1 : i32
    %swap3A_381 = arith.index_cast %swap3A_380 : i32 to index
    %swap3A_382 = arith.constant 48 : index
    %swap3A_383 = tpu.vector_load %arg7[%swap3A_381, %swap3A_382] {strides = array<i32>} : memref<4x128xi32, #tpu.memory_space<vmem>>, vector<16xi32>,
    tpu.vector_store %arg7[%swap3A_381, %swap3A_382], %mul3A_379 {strides = array<i32>} : memref<4x128xi32, #tpu.memory_space<vmem>>, vector<16xi32>,
    %get3A_384 = arith.constant 1 : i32
    %get3A_385 = arith.index_cast %get3A_384 : i32 to index
    %get3A_386 = arith.constant 64 : index
    %get3A_387 = tpu.vector_load %arg5[%get3A_385, %get3A_386] {strides = array<i32>} : memref<4x128xi32, #tpu.memory_space<vmem>>, vector<16xi32>,
    %shift_right_arithmetic3A_388 = arith.constant 2 : i32
    %shift_right_arithmetic3A_389 = vector.broadcast %shift_right_arithmetic3A_388 : i32 to vector<16xi32>
    %shift_right_arithmetic3A_390 = arith.shrsi %get3A_387, %shift_right_arithmetic3A_389 : vector<16xi32>
    %swap3A_391 = arith.constant 1 : i32
    %swap3A_392 = arith.index_cast %swap3A_391 : i32 to index
    %swap3A_393 = arith.constant 64 : index
    %swap3A_394 = tpu.vector_load %arg6[%swap3A_392, %swap3A_393] {strides = array<i32>} : memref<4x128xi32, #tpu.memory_space<vmem>>, vector<16xi32>,
    tpu.vector_store %arg6[%swap3A_392, %swap3A_393], %shift_right_arithmetic3A_390 {strides = array<i32>} : memref<4x128xi32, #tpu.memory_space<vmem>>, vector<16xi32>,
    %and3A_395 = arith.constant 3 : i32
    %and3A_396 = vector.broadcast %and3A_395 : i32 to vector<16xi32>
    %and3A_397 = arith.andi %get3A_387, %and3A_396 : vector<16xi32>
    %mul3A_398 = arith.constant 32 : i32
    %mul3A_399 = vector.broadcast %mul3A_398 : i32 to vector<16xi32>
    %mul3A_400 = arith.muli %and3A_397, %mul3A_399 : vector<16xi32>
    %swap3A_401 = arith.constant 1 : i32
    %swap3A_402 = arith.index_cast %swap3A_401 : i32 to index
    %swap3A_403 = arith.constant 64 : index
    %swap3A_404 = tpu.vector_load %arg7[%swap3A_402, %swap3A_403] {strides = array<i32>} : memref<4x128xi32, #tpu.memory_space<vmem>>, vector<16xi32>,
    tpu.vector_store %arg7[%swap3A_402, %swap3A_403], %mul3A_400 {strides = array<i32>} : memref<4x128xi32, #tpu.memory_space<vmem>>, vector<16xi32>,
    %get3A_405 = arith.constant 1 : i32
    %get3A_406 = arith.index_cast %get3A_405 : i32 to index
    %get3A_407 = arith.constant 80 : index
    %get3A_408 = tpu.vector_load %arg5[%get3A_406, %get3A_407] {strides = array<i32>} : memref<4x128xi32, #tpu.memory_space<vmem>>, vector<16xi32>,
    %shift_right_arithmetic3A_409 = arith.constant 2 : i32
    %shift_right_arithmetic3A_410 = vector.broadcast %shift_right_arithmetic3A_409 : i32 to vector<16xi32>
    %shift_right_arithmetic3A_411 = arith.shrsi %get3A_408, %shift_right_arithmetic3A_410 : vector<16xi32>
    %swap3A_412 = arith.constant 1 : i32
    %swap3A_413 = arith.index_cast %swap3A_412 : i32 to index
    %swap3A_414 = arith.constant 80 : index
    %swap3A_415 = tpu.vector_load %arg6[%swap3A_413, %swap3A_414] {strides = array<i32>} : memref<4x128xi32, #tpu.memory_space<vmem>>, vector<16xi32>,
    tpu.vector_store %arg6[%swap3A_413, %swap3A_414], %shift_right_arithmetic3A_411 {strides = array<i32>} : memref<4x128xi32, #tpu.memory_space<vmem>>, vector<16xi32>,
    %and3A_416 = arith.constant 3 : i32
    %and3A_417 = vector.broadcast %and3A_416 : i32 to vector<16xi32>
    %and3A_418 = arith.andi %get3A_408, %and3A_417 : vector<16xi32>
    %mul3A_419 = arith.constant 32 : i32
    %mul3A_420 = vector.broadcast %mul3A_419 : i32 to vector<16xi32>
    %mul3A_421 = arith.muli %and3A_418, %mul3A_420 : vector<16xi32>
    %swap3A_422 = arith.constant 1 : i32
    %swap3A_423 = arith.index_cast %swap3A_422 : i32 to index
    %swap3A_424 = arith.constant 80 : index
    %swap3A_425 = tpu.vector_load %arg7[%swap3A_423, %swap3A_424] {strides = array<i32>} : memref<4x128xi32, #tpu.memory_space<vmem>>, vector<16xi32>,
    tpu.vector_store %arg7[%swap3A_423, %swap3A_424], %mul3A_421 {strides = array<i32>} : memref<4x128xi32, #tpu.memory_space<vmem>>, vector<16xi32>,
    %get3A_426 = arith.constant 1 : i32
    %get3A_427 = arith.index_cast %get3A_426 : i32 to index
    %get3A_428 = arith.constant 96 : index
    %get3A_429 = tpu.vector_load %arg5[%get3A_427, %get3A_428] {strides = array<i32>} : memref<4x128xi32, #tpu.memory_space<vmem>>, vector<16xi32>,
    %shift_right_arithmetic3A_430 = arith.constant 2 : i32
    %shift_right_arithmetic3A_431 = vector.broadcast %shift_right_arithmetic3A_430 : i32 to vector<16xi32>
    %shift_right_arithmetic3A_432 = arith.shrsi %get3A_429, %shift_right_arithmetic3A_431 : vector<16xi32>
    %swap3A_433 = arith.constant 1 : i32
    %swap3A_434 = arith.index_cast %swap3A_433 : i32 to index
    %swap3A_435 = arith.constant 96 : index
    %swap3A_436 = tpu.vector_load %arg6[%swap3A_434, %swap3A_435] {strides = array<i32>} : memref<4x128xi32, #tpu.memory_space<vmem>>, vector<16xi32>,
    tpu.vector_store %arg6[%swap3A_434, %swap3A_435], %shift_right_arithmetic3A_432 {strides = array<i32>} : memref<4x128xi32, #tpu.memory_space<vmem>>, vector<16xi32>,
    %and3A_437 = arith.constant 3 : i32
    %and3A_438 = vector.broadcast %and3A_437 : i32 to vector<16xi32>
    %and3A_439 = arith.andi %get3A_429, %and3A_438 : vector<16xi32>
    %mul3A_440 = arith.constant 32 : i32
    %mul3A_441 = vector.broadcast %mul3A_440 : i32 to vector<16xi32>
    %mul3A_442 = arith.muli %and3A_439, %mul3A_441 : vector<16xi32>
    %swap3A_443 = arith.constant 1 : i32
    %swap3A_444 = arith.index_cast %swap3A_443 : i32 to index
    %swap3A_445 = arith.constant 96 : index
    %swap3A_446 = tpu.vector_load %arg7[%swap3A_444, %swap3A_445] {strides = array<i32>} : memref<4x128xi32, #tpu.memory_space<vmem>>, vector<16xi32>,
    tpu.vector_store %arg7[%swap3A_444, %swap3A_445], %mul3A_442 {strides = array<i32>} : memref<4x128xi32, #tpu.memory_space<vmem>>, vector<16xi32>,
    %get3A_447 = arith.constant 1 : i32
    %get3A_448 = arith.index_cast %get3A_447 : i32 to index
    %get3A_449 = arith.constant 112 : index
    %get3A_450 = tpu.vector_load %arg5[%get3A_448, %get3A_449] {strides = array<i32>} : memref<4x128xi32, #tpu.memory_space<vmem>>, vector<16xi32>,
    %shift_right_arithmetic3A_451 = arith.constant 2 : i32
    %shift_right_arithmetic3A_452 = vector.broadcast %shift_right_arithmetic3A_451 : i32 to vector<16xi32>
    %shift_right_arithmetic3A_453 = arith.shrsi %get3A_450, %shift_right_arithmetic3A_452 : vector<16xi32>
    %swap3A_454 = arith.constant 1 : i32
    %swap3A_455 = arith.index_cast %swap3A_454 : i32 to index
    %swap3A_456 = arith.constant 112 : index
    %swap3A_457 = tpu.vector_load %arg6[%swap3A_455, %swap3A_456] {strides = array<i32>} : memref<4x128xi32, #tpu.memory_space<vmem>>, vector<16xi32>,
    tpu.vector_store %arg6[%swap3A_455, %swap3A_456], %shift_right_arithmetic3A_453 {strides = array<i32>} : memref<4x128xi32, #tpu.memory_space<vmem>>, vector<16xi32>,
    %and3A_458 = arith.constant 3 : i32
    %and3A_459 = vector.broadcast %and3A_458 : i32 to vector<16xi32>
    %and3A_460 = arith.andi %get3A_450, %and3A_459 : vector<16xi32>
    %mul3A_461 = arith.constant 32 : i32
    %mul3A_462 = vector.broadcast %mul3A_461 : i32 to vector<16xi32>
    %mul3A_463 = arith.muli %and3A_460, %mul3A_462 : vector<16xi32>
    %swap3A_464 = arith.constant 1 : i32
    %swap3A_465 = arith.index_cast %swap3A_464 : i32 to index
    %swap3A_466 = arith.constant 112 : index
    %swap3A_467 = tpu.vector_load %arg7[%swap3A_465, %swap3A_466] {strides = array<i32>} : memref<4x128xi32, #tpu.memory_space<vmem>>, vector<16xi32>,
    tpu.vector_store %arg7[%swap3A_465, %swap3A_466], %mul3A_463 {strides = array<i32>} : memref<4x128xi32, #tpu.memory_space<vmem>>, vector<16xi32>,
    %dma_start3A_468 = arith.constant 1 : i32
    %dma_start3A_469 = arith.constant 1 : i32
    %dma_start3A_470 = arith.constant 1 : i32
    %dma_start3A_471 = arith.constant 0 : i32
    %dma_start3A_472 = arith.constant 0 : i32
    %dma_start3A_473 = tpu.memref_slice %arg8[%dma_start3A_469, %dma_start3A_471, %dma_start3A_472] : memref<4x128x128xf32, #tpu.memory_space<vmem>> -> memref<1x128x128xf32, #tpu.memory_space<vmem>>
    %dma_start3A_474 = tpu.memref_squeeze %dma_start3A_473 : memref<1x128x128xf32, #tpu.memory_space<vmem>> -> memref<128x128xf32, #tpu.memory_space<vmem>>
    %dma_start3A_475 = arith.constant 0 : i32
    %dma_start3A_476 = tpu.memref_slice %arg6[%dma_start3A_468, %dma_start3A_475] : memref<4x128xi32, #tpu.memory_space<vmem>> -> memref<1x128xi32, #tpu.memory_space<vmem>>
    %dma_start3A_477 = tpu.memref_squeeze %dma_start3A_476 : memref<1x128xi32, #tpu.memory_space<vmem>> -> memref<128xi32, #tpu.memory_space<vmem>>
    %dma_start3A_478 = arith.constant 0 : i32
    %dma_start3A_479 = arith.constant 0 : i32
    %dma_start3A_480 = tpu.memref_slice %arg3[%dma_start3A_478, %dma_start3A_479] : memref<250016x128xf32, #tpu.memory_space<hbm>> -> memref<250016x128xf32, #tpu.memory_space<hbm>>
    %dma_start3A_481 = tpu.memref_slice %arg11[%dma_start3A_470] : memref<4x!tpu.dma_semaphore, #tpu.memory_space<semaphore_mem>> -> memref<1x!tpu.dma_semaphore, #tpu.memory_space<semaphore_mem>>
    %dma_start3A_482 = tpu.memref_squeeze %dma_start3A_481 : memref<1x!tpu.dma_semaphore, #tpu.memory_space<semaphore_mem>> -> memref<!tpu.dma_semaphore, #tpu.memory_space<semaphore_mem>>
    tpu.enqueue_indirect_dma source(%dma_start3A_480 : memref<250016x128xf32, #tpu.memory_space<hbm>>) target(%dma_start3A_474 : memref<128x128xf32, #tpu.memory_space<vmem>>) offsets(%dma_start3A_477 : memref<128xi32, #tpu.memory_space<vmem>>) semaphore(%dma_start3A_482 : memref<!tpu.dma_semaphore, #tpu.memory_space<semaphore_mem>>)
    %scan3A = arith.constant 0 : i32
    %scan3A_483 = arith.constant 0 : i32
    %scan3A_484 = arith.constant 104 : i32
    %scan3A_485 = arith.addi %scan3A_483, %scan3A_484 : i32
    %scan3A_486 = arith.constant 1 : i32
    %scan3A_487 = scf.for %scan3A_573 = %scan3A_483 to %scan3A_485 step %scan3A_486 iter_args(%scan3A_574 = %scan3A) -> (i32)  : i32 {
      %rem3A_575 = arith.constant 4 : i32
      %rem3A_576 = arith.remsi %scan3A_573, %rem3A_575 : i32
      %add3A_577 = arith.constant 4 : i32
      %add3A_578 = arith.addi %scan3A_573, %add3A_577 : i32
      %lt3A = arith.constant 104 : i32
      %lt3A_579 = arith.cmpi slt, %add3A_578, %lt3A : i32
      %convert_element_type3A = arith.extui %lt3A_579 : i1 to i32
      %cond3A = arith.constant 0 : i32
      %cond3A_580 = arith.cmpi ne, %convert_element_type3A, %cond3A : i32
      scf.if %cond3A_580 {
        %add3A_678 = arith.constant 4 : i32
        %add3A_679 = arith.addi %scan3A_573, %add3A_678 : i32
        %add3A_680 = arith.addi %mul3A_2, %add3A_679 : i32
        %div3A_681 = arith.constant 128 : i32
        %div3A_682 = arith.divsi %add3A_680, %div3A_681 : i32
        %rem3A_683 = arith.constant 128 : i32
        %rem3A_684 = arith.remsi %add3A_680, %rem3A_683 : i32
        %mul3A_685 = arith.constant 128 : i32
        %mul3A_686 = arith.muli %rem3A_684, %mul3A_685 : i32
        %dma_start3A_687 = arith.constant 0 : i32
        %dma_start3A_688 = tpu.memref_slice %arg5[%rem3A_576, %dma_start3A_687] : memref<4x128xi32, #tpu.memory_space<vmem>> -> memref<1x128xi32, #tpu.memory_space<vmem>>
        %dma_start3A_689 = tpu.memref_squeeze %dma_start3A_688 : memref<1x128xi32, #tpu.memory_space<vmem>> -> memref<128xi32, #tpu.memory_space<vmem>>
        %dma_start3A_690 = tpu.memref_slice %arg2[%div3A_682, %mul3A_686] : memref<26x16384xi32, #tpu.memory_space<hbm>> -> memref<1x128xi32, #tpu.memory_space<hbm>>
        %dma_start3A_691 = tpu.memref_squeeze %dma_start3A_690 : memref<1x128xi32, #tpu.memory_space<hbm>> -> memref<128xi32, #tpu.memory_space<hbm>>
        %dma_start3A_692 = tpu.memref_slice %arg10[%rem3A_576] : memref<4x!tpu.dma_semaphore, #tpu.memory_space<semaphore_mem>> -> memref<1x!tpu.dma_semaphore, #tpu.memory_space<semaphore_mem>>
        %dma_start3A_693 = tpu.memref_squeeze %dma_start3A_692 : memref<1x!tpu.dma_semaphore, #tpu.memory_space<semaphore_mem>> -> memref<!tpu.dma_semaphore, #tpu.memory_space<semaphore_mem>>
        %dma_start3A_694 = arith.constant 0 : i32
        %dma_start3A_695 = tpu.memref_slice %arg5[%rem3A_576, %dma_start3A_694] : memref<4x128xi32, #tpu.memory_space<vmem>> -> memref<1x128xi32, #tpu.memory_space<vmem>>
        %dma_start3A_696 = tpu.memref_squeeze %dma_start3A_695 : memref<1x128xi32, #tpu.memory_space<vmem>> -> memref<128xi32, #tpu.memory_space<vmem>>
        %dma_start3A_697 = tpu.memref_slice %arg2[%div3A_682, %mul3A_686] : memref<26x16384xi32, #tpu.memory_space<hbm>> -> memref<1x128xi32, #tpu.memory_space<hbm>>
        %dma_start3A_698 = tpu.memref_squeeze %dma_start3A_697 : memref<1x128xi32, #tpu.memory_space<hbm>> -> memref<128xi32, #tpu.memory_space<hbm>>
        tpu.enqueue_dma source(%dma_start3A_698 : memref<128xi32, #tpu.memory_space<hbm>>) target(%dma_start3A_696 : memref<128xi32, #tpu.memory_space<vmem>>) target_semaphore(%dma_start3A_693 : memref<!tpu.dma_semaphore, #tpu.memory_space<semaphore_mem>>)
      } else {
      }
      %add3A_581 = arith.constant 2 : i32
      %add3A_582 = arith.addi %scan3A_573, %add3A_581 : i32
      %lt3A_583 = arith.constant 104 : i32
      %lt3A_584 = arith.cmpi slt, %add3A_582, %lt3A_583 : i32
      %convert_element_type3A_585 = arith.extui %lt3A_584 : i1 to i32
      %cond3A_586 = arith.constant 0 : i32
      %cond3A_587 = arith.cmpi ne, %convert_element_type3A_585, %cond3A_586 : i32
      scf.if %cond3A_587 {
        %add3A_678 = arith.constant 2 : i32
        %add3A_679 = arith.addi %scan3A_573, %add3A_678 : i32
        %rem3A_680 = arith.constant 4 : i32
        %rem3A_681 = arith.remsi %add3A_679, %rem3A_680 : i32
        %dma_wait3A_682 = arith.constant 0 : i32
        %dma_wait3A_683 = arith.constant 0 : i32
        %dma_wait3A_684 = tpu.memref_slice %arg5[%rem3A_681, %dma_wait3A_683] : memref<4x128xi32, #tpu.memory_space<vmem>> -> memref<1x128xi32, #tpu.memory_space<vmem>>
        %dma_wait3A_685 = tpu.memref_squeeze %dma_wait3A_684 : memref<1x128xi32, #tpu.memory_space<vmem>> -> memref<128xi32, #tpu.memory_space<vmem>>
        %dma_wait3A_686 = arith.constant 0 : i32
        %dma_wait3A_687 = tpu.memref_slice %arg2[%dma_wait3A_682, %dma_wait3A_686] : memref<26x16384xi32, #tpu.memory_space<hbm>> -> memref<1x128xi32, #tpu.memory_space<hbm>>
        %dma_wait3A_688 = tpu.memref_squeeze %dma_wait3A_687 : memref<1x128xi32, #tpu.memory_space<hbm>> -> memref<128xi32, #tpu.memory_space<hbm>>
        %dma_wait3A_689 = tpu.memref_slice %arg10[%rem3A_681] : memref<4x!tpu.dma_semaphore, #tpu.memory_space<semaphore_mem>> -> memref<1x!tpu.dma_semaphore, #tpu.memory_space<semaphore_mem>>
        %dma_wait3A_690 = tpu.memref_squeeze %dma_wait3A_689 : memref<1x!tpu.dma_semaphore, #tpu.memory_space<semaphore_mem>> -> memref<!tpu.dma_semaphore, #tpu.memory_space<semaphore_mem>>
        %dma_wait3A_691 = arith.constant 0 : i32
        %dma_wait3A_692 = tpu.memref_slice %arg5[%rem3A_681, %dma_wait3A_691] : memref<4x128xi32, #tpu.memory_space<vmem>> -> memref<1x128xi32, #tpu.memory_space<vmem>>
        %dma_wait3A_693 = tpu.memref_squeeze %dma_wait3A_692 : memref<1x128xi32, #tpu.memory_space<vmem>> -> memref<128xi32, #tpu.memory_space<vmem>>
        %dma_wait3A_694 = arith.constant 0 : i32
        %dma_wait3A_695 = tpu.memref_slice %arg2[%dma_wait3A_682, %dma_wait3A_694] : memref<26x16384xi32, #tpu.memory_space<hbm>> -> memref<1x128xi32, #tpu.memory_space<hbm>>
        %dma_wait3A_696 = tpu.memref_squeeze %dma_wait3A_695 : memref<1x128xi32, #tpu.memory_space<hbm>> -> memref<128xi32, #tpu.memory_space<hbm>>
        tpu.wait_dma2 semaphore(%dma_wait3A_690 : memref<!tpu.dma_semaphore, #tpu.memory_space<semaphore_mem>>) src(%dma_wait3A_696 : memref<128xi32, #tpu.memory_space<hbm>>) dst(%dma_wait3A_693 : memref<128xi32, #tpu.memory_space<vmem>>)
        %get3A_697 = arith.index_cast %rem3A_681 : i32 to index
        %get3A_698 = arith.constant 0 : index
        %get3A_699 = tpu.vector_load %arg5[%get3A_697, %get3A_698] {strides = array<i32>} : memref<4x128xi32, #tpu.memory_space<vmem>>, vector<16xi32>,
        %shift_right_arithmetic3A_700 = arith.constant 2 : i32
        %shift_right_arithmetic3A_701 = vector.broadcast %shift_right_arithmetic3A_700 : i32 to vector<16xi32>
        %shift_right_arithmetic3A_702 = arith.shrsi %get3A_699, %shift_right_arithmetic3A_701 : vector<16xi32>
        %swap3A_703 = arith.index_cast %rem3A_681 : i32 to index
        %swap3A_704 = arith.constant 0 : index
        %swap3A_705 = tpu.vector_load %arg6[%swap3A_703, %swap3A_704] {strides = array<i32>} : memref<4x128xi32, #tpu.memory_space<vmem>>, vector<16xi32>,
        tpu.vector_store %arg6[%swap3A_703, %swap3A_704], %shift_right_arithmetic3A_702 {strides = array<i32>} : memref<4x128xi32, #tpu.memory_space<vmem>>, vector<16xi32>,
        %and3A_706 = arith.constant 3 : i32
        %and3A_707 = vector.broadcast %and3A_706 : i32 to vector<16xi32>
        %and3A_708 = arith.andi %get3A_699, %and3A_707 : vector<16xi32>
        %mul3A_709 = arith.constant 32 : i32
        %mul3A_710 = vector.broadcast %mul3A_709 : i32 to vector<16xi32>
        %mul3A_711 = arith.muli %and3A_708, %mul3A_710 : vector<16xi32>
        %swap3A_712 = arith.index_cast %rem3A_681 : i32 to index
        %swap3A_713 = arith.constant 0 : index
        %swap3A_714 = tpu.vector_load %arg7[%swap3A_712, %swap3A_713] {strides = array<i32>} : memref<4x128xi32, #tpu.memory_space<vmem>>, vector<16xi32>,
        tpu.vector_store %arg7[%swap3A_712, %swap3A_713], %mul3A_711 {strides = array<i32>} : memref<4x128xi32, #tpu.memory_space<vmem>>, vector<16xi32>,
        %get3A_715 = arith.index_cast %rem3A_681 : i32 to index
        %get3A_716 = arith.constant 16 : index
        %get3A_717 = tpu.vector_load %arg5[%get3A_715, %get3A_716] {strides = array<i32>} : memref<4x128xi32, #tpu.memory_space<vmem>>, vector<16xi32>,
        %shift_right_arithmetic3A_718 = arith.constant 2 : i32
        %shift_right_arithmetic3A_719 = vector.broadcast %shift_right_arithmetic3A_718 : i32 to vector<16xi32>
        %shift_right_arithmetic3A_720 = arith.shrsi %get3A_717, %shift_right_arithmetic3A_719 : vector<16xi32>
        %swap3A_721 = arith.index_cast %rem3A_681 : i32 to index
        %swap3A_722 = arith.constant 16 : index
        %swap3A_723 = tpu.vector_load %arg6[%swap3A_721, %swap3A_722] {strides = array<i32>} : memref<4x128xi32, #tpu.memory_space<vmem>>, vector<16xi32>,
        tpu.vector_store %arg6[%swap3A_721, %swap3A_722], %shift_right_arithmetic3A_720 {strides = array<i32>} : memref<4x128xi32, #tpu.memory_space<vmem>>, vector<16xi32>,
        %and3A_724 = arith.constant 3 : i32
        %and3A_725 = vector.broadcast %and3A_724 : i32 to vector<16xi32>
        %and3A_726 = arith.andi %get3A_717, %and3A_725 : vector<16xi32>
        %mul3A_727 = arith.constant 32 : i32
        %mul3A_728 = vector.broadcast %mul3A_727 : i32 to vector<16xi32>
        %mul3A_729 = arith.muli %and3A_726, %mul3A_728 : vector<16xi32>
        %swap3A_730 = arith.index_cast %rem3A_681 : i32 to index
        %swap3A_731 = arith.constant 16 : index
        %swap3A_732 = tpu.vector_load %arg7[%swap3A_730, %swap3A_731] {strides = array<i32>} : memref<4x128xi32, #tpu.memory_space<vmem>>, vector<16xi32>,
        tpu.vector_store %arg7[%swap3A_730, %swap3A_731], %mul3A_729 {strides = array<i32>} : memref<4x128xi32, #tpu.memory_space<vmem>>, vector<16xi32>,
        %get3A_733 = arith.index_cast %rem3A_681 : i32 to index
        %get3A_734 = arith.constant 32 : index
        %get3A_735 = tpu.vector_load %arg5[%get3A_733, %get3A_734] {strides = array<i32>} : memref<4x128xi32, #tpu.memory_space<vmem>>, vector<16xi32>,
        %shift_right_arithmetic3A_736 = arith.constant 2 : i32
        %shift_right_arithmetic3A_737 = vector.broadcast %shift_right_arithmetic3A_736 : i32 to vector<16xi32>
        %shift_right_arithmetic3A_738 = arith.shrsi %get3A_735, %shift_right_arithmetic3A_737 : vector<16xi32>
        %swap3A_739 = arith.index_cast %rem3A_681 : i32 to index
        %swap3A_740 = arith.constant 32 : index
        %swap3A_741 = tpu.vector_load %arg6[%swap3A_739, %swap3A_740] {strides = array<i32>} : memref<4x128xi32, #tpu.memory_space<vmem>>, vector<16xi32>,
        tpu.vector_store %arg6[%swap3A_739, %swap3A_740], %shift_right_arithmetic3A_738 {strides = array<i32>} : memref<4x128xi32, #tpu.memory_space<vmem>>, vector<16xi32>,
        %and3A_742 = arith.constant 3 : i32
        %and3A_743 = vector.broadcast %and3A_742 : i32 to vector<16xi32>
        %and3A_744 = arith.andi %get3A_735, %and3A_743 : vector<16xi32>
        %mul3A_745 = arith.constant 32 : i32
        %mul3A_746 = vector.broadcast %mul3A_745 : i32 to vector<16xi32>
        %mul3A_747 = arith.muli %and3A_744, %mul3A_746 : vector<16xi32>
        %swap3A_748 = arith.index_cast %rem3A_681 : i32 to index
        %swap3A_749 = arith.constant 32 : index
        %swap3A_750 = tpu.vector_load %arg7[%swap3A_748, %swap3A_749] {strides = array<i32>} : memref<4x128xi32, #tpu.memory_space<vmem>>, vector<16xi32>,
        tpu.vector_store %arg7[%swap3A_748, %swap3A_749], %mul3A_747 {strides = array<i32>} : memref<4x128xi32, #tpu.memory_space<vmem>>, vector<16xi32>,
        %get3A_751 = arith.index_cast %rem3A_681 : i32 to index
        %get3A_752 = arith.constant 48 : index
        %get3A_753 = tpu.vector_load %arg5[%get3A_751, %get3A_752] {strides = array<i32>} : memref<4x128xi32, #tpu.memory_space<vmem>>, vector<16xi32>,
        %shift_right_arithmetic3A_754 = arith.constant 2 : i32
        %shift_right_arithmetic3A_755 = vector.broadcast %shift_right_arithmetic3A_754 : i32 to vector<16xi32>
        %shift_right_arithmetic3A_756 = arith.shrsi %get3A_753, %shift_right_arithmetic3A_755 : vector<16xi32>
        %swap3A_757 = arith.index_cast %rem3A_681 : i32 to index
        %swap3A_758 = arith.constant 48 : index
        %swap3A_759 = tpu.vector_load %arg6[%swap3A_757, %swap3A_758] {strides = array<i32>} : memref<4x128xi32, #tpu.memory_space<vmem>>, vector<16xi32>,
        tpu.vector_store %arg6[%swap3A_757, %swap3A_758], %shift_right_arithmetic3A_756 {strides = array<i32>} : memref<4x128xi32, #tpu.memory_space<vmem>>, vector<16xi32>,
        %and3A_760 = arith.constant 3 : i32
        %and3A_761 = vector.broadcast %and3A_760 : i32 to vector<16xi32>
        %and3A_762 = arith.andi %get3A_753, %and3A_761 : vector<16xi32>
        %mul3A_763 = arith.constant 32 : i32
        %mul3A_764 = vector.broadcast %mul3A_763 : i32 to vector<16xi32>
        %mul3A_765 = arith.muli %and3A_762, %mul3A_764 : vector<16xi32>
        %swap3A_766 = arith.index_cast %rem3A_681 : i32 to index
        %swap3A_767 = arith.constant 48 : index
        %swap3A_768 = tpu.vector_load %arg7[%swap3A_766, %swap3A_767] {strides = array<i32>} : memref<4x128xi32, #tpu.memory_space<vmem>>, vector<16xi32>,
        tpu.vector_store %arg7[%swap3A_766, %swap3A_767], %mul3A_765 {strides = array<i32>} : memref<4x128xi32, #tpu.memory_space<vmem>>, vector<16xi32>,
        %get3A_769 = arith.index_cast %rem3A_681 : i32 to index
        %get3A_770 = arith.constant 64 : index
        %get3A_771 = tpu.vector_load %arg5[%get3A_769, %get3A_770] {strides = array<i32>} : memref<4x128xi32, #tpu.memory_space<vmem>>, vector<16xi32>,
        %shift_right_arithmetic3A_772 = arith.constant 2 : i32
        %shift_right_arithmetic3A_773 = vector.broadcast %shift_right_arithmetic3A_772 : i32 to vector<16xi32>
        %shift_right_arithmetic3A_774 = arith.shrsi %get3A_771, %shift_right_arithmetic3A_773 : vector<16xi32>
        %swap3A_775 = arith.index_cast %rem3A_681 : i32 to index
        %swap3A_776 = arith.constant 64 : index
        %swap3A_777 = tpu.vector_load %arg6[%swap3A_775, %swap3A_776] {strides = array<i32>} : memref<4x128xi32, #tpu.memory_space<vmem>>, vector<16xi32>,
        tpu.vector_store %arg6[%swap3A_775, %swap3A_776], %shift_right_arithmetic3A_774 {strides = array<i32>} : memref<4x128xi32, #tpu.memory_space<vmem>>, vector<16xi32>,
        %and3A_778 = arith.constant 3 : i32
        %and3A_779 = vector.broadcast %and3A_778 : i32 to vector<16xi32>
        %and3A_780 = arith.andi %get3A_771, %and3A_779 : vector<16xi32>
        %mul3A_781 = arith.constant 32 : i32
        %mul3A_782 = vector.broadcast %mul3A_781 : i32 to vector<16xi32>
        %mul3A_783 = arith.muli %and3A_780, %mul3A_782 : vector<16xi32>
        %swap3A_784 = arith.index_cast %rem3A_681 : i32 to index
        %swap3A_785 = arith.constant 64 : index
        %swap3A_786 = tpu.vector_load %arg7[%swap3A_784, %swap3A_785] {strides = array<i32>} : memref<4x128xi32, #tpu.memory_space<vmem>>, vector<16xi32>,
        tpu.vector_store %arg7[%swap3A_784, %swap3A_785], %mul3A_783 {strides = array<i32>} : memref<4x128xi32, #tpu.memory_space<vmem>>, vector<16xi32>,
        %get3A_787 = arith.index_cast %rem3A_681 : i32 to index
        %get3A_788 = arith.constant 80 : index
        %get3A_789 = tpu.vector_load %arg5[%get3A_787, %get3A_788] {strides = array<i32>} : memref<4x128xi32, #tpu.memory_space<vmem>>, vector<16xi32>,
        %shift_right_arithmetic3A_790 = arith.constant 2 : i32
        %shift_right_arithmetic3A_791 = vector.broadcast %shift_right_arithmetic3A_790 : i32 to vector<16xi32>
        %shift_right_arithmetic3A_792 = arith.shrsi %get3A_789, %shift_right_arithmetic3A_791 : vector<16xi32>
        %swap3A_793 = arith.index_cast %rem3A_681 : i32 to index
        %swap3A_794 = arith.constant 80 : index
        %swap3A_795 = tpu.vector_load %arg6[%swap3A_793, %swap3A_794] {strides = array<i32>} : memref<4x128xi32, #tpu.memory_space<vmem>>, vector<16xi32>,
        tpu.vector_store %arg6[%swap3A_793, %swap3A_794], %shift_right_arithmetic3A_792 {strides = array<i32>} : memref<4x128xi32, #tpu.memory_space<vmem>>, vector<16xi32>,
        %and3A_796 = arith.constant 3 : i32
        %and3A_797 = vector.broadcast %and3A_796 : i32 to vector<16xi32>
        %and3A_798 = arith.andi %get3A_789, %and3A_797 : vector<16xi32>
        %mul3A_799 = arith.constant 32 : i32
        %mul3A_800 = vector.broadcast %mul3A_799 : i32 to vector<16xi32>
        %mul3A_801 = arith.muli %and3A_798, %mul3A_800 : vector<16xi32>
        %swap3A_802 = arith.index_cast %rem3A_681 : i32 to index
        %swap3A_803 = arith.constant 80 : index
        %swap3A_804 = tpu.vector_load %arg7[%swap3A_802, %swap3A_803] {strides = array<i32>} : memref<4x128xi32, #tpu.memory_space<vmem>>, vector<16xi32>,
        tpu.vector_store %arg7[%swap3A_802, %swap3A_803], %mul3A_801 {strides = array<i32>} : memref<4x128xi32, #tpu.memory_space<vmem>>, vector<16xi32>,
        %get3A_805 = arith.index_cast %rem3A_681 : i32 to index
        %get3A_806 = arith.constant 96 : index
        %get3A_807 = tpu.vector_load %arg5[%get3A_805, %get3A_806] {strides = array<i32>} : memref<4x128xi32, #tpu.memory_space<vmem>>, vector<16xi32>,
        %shift_right_arithmetic3A_808 = arith.constant 2 : i32
        %shift_right_arithmetic3A_809 = vector.broadcast %shift_right_arithmetic3A_808 : i32 to vector<16xi32>
        %shift_right_arithmetic3A_810 = arith.shrsi %get3A_807, %shift_right_arithmetic3A_809 : vector<16xi32>
        %swap3A_811 = arith.index_cast %rem3A_681 : i32 to index
        %swap3A_812 = arith.constant 96 : index
        %swap3A_813 = tpu.vector_load %arg6[%swap3A_811, %swap3A_812] {strides = array<i32>} : memref<4x128xi32, #tpu.memory_space<vmem>>, vector<16xi32>,
        tpu.vector_store %arg6[%swap3A_811, %swap3A_812], %shift_right_arithmetic3A_810 {strides = array<i32>} : memref<4x128xi32, #tpu.memory_space<vmem>>, vector<16xi32>,
        %and3A_814 = arith.constant 3 : i32
        %and3A_815 = vector.broadcast %and3A_814 : i32 to vector<16xi32>
        %and3A_816 = arith.andi %get3A_807, %and3A_815 : vector<16xi32>
        %mul3A_817 = arith.constant 32 : i32
        %mul3A_818 = vector.broadcast %mul3A_817 : i32 to vector<16xi32>
        %mul3A_819 = arith.muli %and3A_816, %mul3A_818 : vector<16xi32>
        %swap3A_820 = arith.index_cast %rem3A_681 : i32 to index
        %swap3A_821 = arith.constant 96 : index
        %swap3A_822 = tpu.vector_load %arg7[%swap3A_820, %swap3A_821] {strides = array<i32>} : memref<4x128xi32, #tpu.memory_space<vmem>>, vector<16xi32>,
        tpu.vector_store %arg7[%swap3A_820, %swap3A_821], %mul3A_819 {strides = array<i32>} : memref<4x128xi32, #tpu.memory_space<vmem>>, vector<16xi32>,
        %get3A_823 = arith.index_cast %rem3A_681 : i32 to index
        %get3A_824 = arith.constant 112 : index
        %get3A_825 = tpu.vector_load %arg5[%get3A_823, %get3A_824] {strides = array<i32>} : memref<4x128xi32, #tpu.memory_space<vmem>>, vector<16xi32>,
        %shift_right_arithmetic3A_826 = arith.constant 2 : i32
        %shift_right_arithmetic3A_827 = vector.broadcast %shift_right_arithmetic3A_826 : i32 to vector<16xi32>
        %shift_right_arithmetic3A_828 = arith.shrsi %get3A_825, %shift_right_arithmetic3A_827 : vector<16xi32>
        %swap3A_829 = arith.index_cast %rem3A_681 : i32 to index
        %swap3A_830 = arith.constant 112 : index
        %swap3A_831 = tpu.vector_load %arg6[%swap3A_829, %swap3A_830] {strides = array<i32>} : memref<4x128xi32, #tpu.memory_space<vmem>>, vector<16xi32>,
        tpu.vector_store %arg6[%swap3A_829, %swap3A_830], %shift_right_arithmetic3A_828 {strides = array<i32>} : memref<4x128xi32, #tpu.memory_space<vmem>>, vector<16xi32>,
        %and3A_832 = arith.constant 3 : i32
        %and3A_833 = vector.broadcast %and3A_832 : i32 to vector<16xi32>
        %and3A_834 = arith.andi %get3A_825, %and3A_833 : vector<16xi32>
        %mul3A_835 = arith.constant 32 : i32
        %mul3A_836 = vector.broadcast %mul3A_835 : i32 to vector<16xi32>
        %mul3A_837 = arith.muli %and3A_834, %mul3A_836 : vector<16xi32>
        %swap3A_838 = arith.index_cast %rem3A_681 : i32 to index
        %swap3A_839 = arith.constant 112 : index
        %swap3A_840 = tpu.vector_load %arg7[%swap3A_838, %swap3A_839] {strides = array<i32>} : memref<4x128xi32, #tpu.memory_space<vmem>>, vector<16xi32>,
        tpu.vector_store %arg7[%swap3A_838, %swap3A_839], %mul3A_837 {strides = array<i32>} : memref<4x128xi32, #tpu.memory_space<vmem>>, vector<16xi32>,
        %dma_start3A_841 = arith.constant 0 : i32
        %dma_start3A_842 = arith.constant 0 : i32
        %dma_start3A_843 = tpu.memref_slice %arg8[%rem3A_681, %dma_start3A_841, %dma_start3A_842] : memref<4x128x128xf32, #tpu.memory_space<vmem>> -> memref<1x128x128xf32, #tpu.memory_space<vmem>>
        %dma_start3A_844 = tpu.memref_squeeze %dma_start3A_843 : memref<1x128x128xf32, #tpu.memory_space<vmem>> -> memref<128x128xf32, #tpu.memory_space<vmem>>
        %dma_start3A_845 = arith.constant 0 : i32
        %dma_start3A_846 = tpu.memref_slice %arg6[%rem3A_681, %dma_start3A_845] : memref<4x128xi32, #tpu.memory_space<vmem>> -> memref<1x128xi32, #tpu.memory_space<vmem>>
        %dma_start3A_847 = tpu.memref_squeeze %dma_start3A_846 : memref<1x128xi32, #tpu.memory_space<vmem>> -> memref<128xi32, #tpu.memory_space<vmem>>
        %dma_start3A_848 = arith.constant 0 : i32
        %dma_start3A_849 = arith.constant 0 : i32
        %dma_start3A_850 = tpu.memref_slice %arg3[%dma_start3A_848, %dma_start3A_849] : memref<250016x128xf32, #tpu.memory_space<hbm>> -> memref<250016x128xf32, #tpu.memory_space<hbm>>
        %dma_start3A_851 = tpu.memref_slice %arg11[%rem3A_681] : memref<4x!tpu.dma_semaphore, #tpu.memory_space<semaphore_mem>> -> memref<1x!tpu.dma_semaphore, #tpu.memory_space<semaphore_mem>>
        %dma_start3A_852 = tpu.memref_squeeze %dma_start3A_851 : memref<1x!tpu.dma_semaphore, #tpu.memory_space<semaphore_mem>> -> memref<!tpu.dma_semaphore, #tpu.memory_space<semaphore_mem>>
        tpu.enqueue_indirect_dma source(%dma_start3A_850 : memref<250016x128xf32, #tpu.memory_space<hbm>>) target(%dma_start3A_844 : memref<128x128xf32, #tpu.memory_space<vmem>>) offsets(%dma_start3A_847 : memref<128xi32, #tpu.memory_space<vmem>>) semaphore(%dma_start3A_852 : memref<!tpu.dma_semaphore, #tpu.memory_space<semaphore_mem>>)
      } else {
      }
      %dma_wait3A_588 = arith.constant 0 : i32
      %dma_wait3A_589 = arith.constant 0 : i32
      %dma_wait3A_590 = tpu.memref_slice %arg8[%rem3A_576, %dma_wait3A_588, %dma_wait3A_589] : memref<4x128x128xf32, #tpu.memory_space<vmem>> -> memref<1x128x128xf32, #tpu.memory_space<vmem>>
      %dma_wait3A_591 = tpu.memref_squeeze %dma_wait3A_590 : memref<1x128x128xf32, #tpu.memory_space<vmem>> -> memref<128x128xf32, #tpu.memory_space<vmem>>
      %dma_wait3A_592 = arith.constant 0 : i32
      %dma_wait3A_593 = tpu.memref_slice %arg6[%rem3A_576, %dma_wait3A_592] : memref<4x128xi32, #tpu.memory_space<vmem>> -> memref<1x128xi32, #tpu.memory_space<vmem>>
      %dma_wait3A_594 = tpu.memref_squeeze %dma_wait3A_593 : memref<1x128xi32, #tpu.memory_space<vmem>> -> memref<128xi32, #tpu.memory_space<vmem>>
      %dma_wait3A_595 = arith.constant 0 : i32
      %dma_wait3A_596 = arith.constant 0 : i32
      %dma_wait3A_597 = tpu.memref_slice %arg3[%dma_wait3A_595, %dma_wait3A_596] : memref<250016x128xf32, #tpu.memory_space<hbm>> -> memref<250016x128xf32, #tpu.memory_space<hbm>>
      %dma_wait3A_598 = tpu.memref_slice %arg11[%rem3A_576] : memref<4x!tpu.dma_semaphore, #tpu.memory_space<semaphore_mem>> -> memref<1x!tpu.dma_semaphore, #tpu.memory_space<semaphore_mem>>
      %dma_wait3A_599 = tpu.memref_squeeze %dma_wait3A_598 : memref<1x!tpu.dma_semaphore, #tpu.memory_space<semaphore_mem>> -> memref<!tpu.dma_semaphore, #tpu.memory_space<semaphore_mem>>
      tpu.wait_indirect_dma semaphore(%dma_wait3A_599 : memref<!tpu.dma_semaphore, #tpu.memory_space<semaphore_mem>>) src(%dma_wait3A_597 : memref<250016x128xf32, #tpu.memory_space<hbm>>) dst(%dma_wait3A_591 : memref<128x128xf32, #tpu.memory_space<vmem>>)
      %ge3A = arith.constant 4 : i32
      %ge3A_600 = arith.cmpi sge, %scan3A_573, %ge3A : i32
      %convert_element_type3A_601 = arith.extui %ge3A_600 : i1 to i32
      %cond3A_602 = arith.constant 0 : i32
      %cond3A_603 = arith.cmpi ne, %convert_element_type3A_601, %cond3A_602 : i32
      scf.if %cond3A_603 {
        %dma_wait3A_678 = arith.constant 0 : i32
        %dma_wait3A_679 = arith.constant 0 : i32
        %dma_wait3A_680 = arith.constant 0 : i32
        %dma_wait3A_681 = tpu.memref_slice %arg9[%rem3A_576, %dma_wait3A_679, %dma_wait3A_680] : memref<4x32x128xf32, #tpu.memory_space<vmem>> -> memref<1x32x128xf32, #tpu.memory_space<vmem>>
        %dma_wait3A_682 = tpu.memref_squeeze %dma_wait3A_681 : memref<1x32x128xf32, #tpu.memory_space<vmem>> -> memref<32x128xf32, #tpu.memory_space<vmem>>
        %dma_wait3A_683 = arith.constant 0 : i32
        %dma_wait3A_684 = arith.constant 0 : i32
        %dma_wait3A_685 = tpu.memref_slice %arg4[%dma_wait3A_678, %dma_wait3A_683, %dma_wait3A_684] : memref<26x32x16384xf32, #tpu.memory_space<hbm>> -> memref<1x32x128xf32, #tpu.memory_space<hbm>>
        %dma_wait3A_686 = tpu.memref_squeeze %dma_wait3A_685 : memref<1x32x128xf32, #tpu.memory_space<hbm>> -> memref<32x128xf32, #tpu.memory_space<hbm>>
        %dma_wait3A_687 = tpu.memref_slice %arg12[%rem3A_576] : memref<4x!tpu.dma_semaphore, #tpu.memory_space<semaphore_mem>> -> memref<1x!tpu.dma_semaphore, #tpu.memory_space<semaphore_mem>>
        %dma_wait3A_688 = tpu.memref_squeeze %dma_wait3A_687 : memref<1x!tpu.dma_semaphore, #tpu.memory_space<semaphore_mem>> -> memref<!tpu.dma_semaphore, #tpu.memory_space<semaphore_mem>>
        %dma_wait3A_689 = arith.constant 0 : i32
        %dma_wait3A_690 = arith.constant 0 : i32
        %dma_wait3A_691 = tpu.memref_slice %arg4[%dma_wait3A_678, %dma_wait3A_689, %dma_wait3A_690] : memref<26x32x16384xf32, #tpu.memory_space<hbm>> -> memref<1x32x128xf32, #tpu.memory_space<hbm>>
        %dma_wait3A_692 = tpu.memref_squeeze %dma_wait3A_691 : memref<1x32x128xf32, #tpu.memory_space<hbm>> -> memref<32x128xf32, #tpu.memory_space<hbm>>
        %dma_wait3A_693 = arith.constant 0 : i32
        %dma_wait3A_694 = arith.constant 0 : i32
        %dma_wait3A_695 = tpu.memref_slice %arg9[%rem3A_576, %dma_wait3A_693, %dma_wait3A_694] : memref<4x32x128xf32, #tpu.memory_space<vmem>> -> memref<1x32x128xf32, #tpu.memory_space<vmem>>
        %dma_wait3A_696 = tpu.memref_squeeze %dma_wait3A_695 : memref<1x32x128xf32, #tpu.memory_space<vmem>> -> memref<32x128xf32, #tpu.memory_space<vmem>>
        tpu.wait_dma2 semaphore(%dma_wait3A_688 : memref<!tpu.dma_semaphore, #tpu.memory_space<semaphore_mem>>) src(%dma_wait3A_696 : memref<32x128xf32, #tpu.memory_space<vmem>>) dst(%dma_wait3A_692 : memref<32x128xf32, #tpu.memory_space<hbm>>)
      } else {
      }
      %iota3A = tpu.iota {dimensions = array<i32: 0>} : vector<16xi32>
      %add3A_604 = arith.constant 0 : i32
      %add3A_605 = vector.broadcast %add3A_604 : i32 to vector<16xi32>
      %add3A_606 = arith.addi %iota3A, %add3A_605 : vector<16xi32>
      %add3A_607 = arith.constant 16 : i32
      %add3A_608 = vector.broadcast %add3A_607 : i32 to vector<16xi32>
      %add3A_609 = arith.addi %iota3A, %add3A_608 : vector<16xi32>
      %add3A_610 = arith.constant 32 : i32
      %add3A_611 = vector.broadcast %add3A_610 : i32 to vector<16xi32>
      %add3A_612 = arith.addi %iota3A, %add3A_611 : vector<16xi32>
      %add3A_613 = arith.constant 48 : i32
      %add3A_614 = vector.broadcast %add3A_613 : i32 to vector<16xi32>
      %add3A_615 = arith.addi %iota3A, %add3A_614 : vector<16xi32>
      %add3A_616 = arith.constant 64 : i32
      %add3A_617 = vector.broadcast %add3A_616 : i32 to vector<16xi32>
      %add3A_618 = arith.addi %iota3A, %add3A_617 : vector<16xi32>
      %add3A_619 = arith.constant 80 : i32
      %add3A_620 = vector.broadcast %add3A_619 : i32 to vector<16xi32>
      %add3A_621 = arith.addi %iota3A, %add3A_620 : vector<16xi32>
      %add3A_622 = arith.constant 96 : i32
      %add3A_623 = vector.broadcast %add3A_622 : i32 to vector<16xi32>
      %add3A_624 = arith.addi %iota3A, %add3A_623 : vector<16xi32>
      %add3A_625 = arith.constant 112 : i32
      %add3A_626 = vector.broadcast %add3A_625 : i32 to vector<16xi32>
      %add3A_627 = arith.addi %iota3A, %add3A_626 : vector<16xi32>
      %get3A_628 = arith.index_cast %rem3A_576 : i32 to index
      %get3A_629 = arith.constant 0 : index
      %get3A_630 = tpu.vector_load %arg7[%get3A_628, %get3A_629] {strides = array<i32>} : memref<4x128xi32, #tpu.memory_space<vmem>>, vector<16xi32>,
      %get3A_631 = arith.index_cast %rem3A_576 : i32 to index
      %get3A_632 = arith.constant 16 : index
      %get3A_633 = tpu.vector_load %arg7[%get3A_631, %get3A_632] {strides = array<i32>} : memref<4x128xi32, #tpu.memory_space<vmem>>, vector<16xi32>,
      %get3A_634 = arith.index_cast %rem3A_576 : i32 to index
      %get3A_635 = arith.constant 32 : index
      %get3A_636 = tpu.vector_load %arg7[%get3A_634, %get3A_635] {strides = array<i32>} : memref<4x128xi32, #tpu.memory_space<vmem>>, vector<16xi32>,
      %get3A_637 = arith.index_cast %rem3A_576 : i32 to index
      %get3A_638 = arith.constant 48 : index
      %get3A_639 = tpu.vector_load %arg7[%get3A_637, %get3A_638] {strides = array<i32>} : memref<4x128xi32, #tpu.memory_space<vmem>>, vector<16xi32>,
      %get3A_640 = arith.index_cast %rem3A_576 : i32 to index
      %get3A_641 = arith.constant 64 : index
      %get3A_642 = tpu.vector_load %arg7[%get3A_640, %get3A_641] {strides = array<i32>} : memref<4x128xi32, #tpu.memory_space<vmem>>, vector<16xi32>,
      %get3A_643 = arith.index_cast %rem3A_576 : i32 to index
      %get3A_644 = arith.constant 80 : index
      %get3A_645 = tpu.vector_load %arg7[%get3A_643, %get3A_644] {strides = array<i32>} : memref<4x128xi32, #tpu.memory_space<vmem>>, vector<16xi32>,
      %get3A_646 = arith.index_cast %rem3A_576 : i32 to index
      %get3A_647 = arith.constant 96 : index
      %get3A_648 = tpu.vector_load %arg7[%get3A_646, %get3A_647] {strides = array<i32>} : memref<4x128xi32, #tpu.memory_space<vmem>>, vector<16xi32>,
      %get3A_649 = arith.index_cast %rem3A_576 : i32 to index
      %get3A_650 = arith.constant 112 : index
      %get3A_651 = tpu.vector_load %arg7[%get3A_649, %get3A_650] {strides = array<i32>} : memref<4x128xi32, #tpu.memory_space<vmem>>, vector<16xi32>,
      %parallel_loop3A = arith.constant 0 : i32
      %parallel_loop3A_652 = arith.constant 32 : i32
      %parallel_loop3A_653 = arith.constant 1 : i32
      scf.for %parallel_loop3A_678 = %parallel_loop3A to %parallel_loop3A_652 step %parallel_loop3A_653  : i32 {
        %parallel_loop3A_679 = vector.broadcast %parallel_loop3A_678 : i32 to vector<16xi32>
        %parallel_loop3A_680 = arith.addi %get3A_630, %parallel_loop3A_679 : vector<16xi32>
        %parallel_loop3A_681 = arith.constant 0 : i32
        %parallel_loop3A_682 = arith.constant 0 : i32
        %parallel_loop3A_683 = tpu.memref_slice %arg8[%rem3A_576, %parallel_loop3A_681, %parallel_loop3A_682] : memref<4x128x128xf32, #tpu.memory_space<vmem>> -> memref<1x128x128xf32, #tpu.memory_space<vmem>>
        %parallel_loop3A_684 = tpu.memref_squeeze %parallel_loop3A_683 : memref<1x128x128xf32, #tpu.memory_space<vmem>> -> memref<128x128xf32, #tpu.memory_space<vmem>>
        %parallel_loop3A_685 = tpu.vector_load_idx %parallel_loop3A_684[%add3A_606, %parallel_loop3A_680] : memref<128x128xf32, #tpu.memory_space<vmem>>[vector<16xi32>, vector<16xi32>], vector<16xf32>,
        %parallel_loop3A_686 = arith.index_cast %rem3A_576 : i32 to index
        %parallel_loop3A_687 = arith.index_cast %parallel_loop3A_678 : i32 to index
        %parallel_loop3A_688 = arith.constant 0 : index
        %parallel_loop3A_689 = tpu.vector_load %arg9[%parallel_loop3A_686, %parallel_loop3A_687, %parallel_loop3A_688] {strides = array<i32>} : memref<4x32x128xf32, #tpu.memory_space<vmem>>, vector<16xf32>,
        tpu.vector_store %arg9[%parallel_loop3A_686, %parallel_loop3A_687, %parallel_loop3A_688], %parallel_loop3A_685 {strides = array<i32>} : memref<4x32x128xf32, #tpu.memory_space<vmem>>, vector<16xf32>,
        %parallel_loop3A_690 = arith.addi %get3A_633, %parallel_loop3A_679 : vector<16xi32>
        %parallel_loop3A_691 = arith.constant 0 : i32
        %parallel_loop3A_692 = arith.constant 0 : i32
        %parallel_loop3A_693 = tpu.memref_slice %arg8[%rem3A_576, %parallel_loop3A_691, %parallel_loop3A_692] : memref<4x128x128xf32, #tpu.memory_space<vmem>> -> memref<1x128x128xf32, #tpu.memory_space<vmem>>
        %parallel_loop3A_694 = tpu.memref_squeeze %parallel_loop3A_693 : memref<1x128x128xf32, #tpu.memory_space<vmem>> -> memref<128x128xf32, #tpu.memory_space<vmem>>
        %parallel_loop3A_695 = tpu.vector_load_idx %parallel_loop3A_694[%add3A_609, %parallel_loop3A_690] : memref<128x128xf32, #tpu.memory_space<vmem>>[vector<16xi32>, vector<16xi32>], vector<16xf32>,
        %parallel_loop3A_696 = arith.index_cast %rem3A_576 : i32 to index
        %parallel_loop3A_697 = arith.index_cast %parallel_loop3A_678 : i32 to index
        %parallel_loop3A_698 = arith.constant 16 : index
        %parallel_loop3A_699 = tpu.vector_load %arg9[%parallel_loop3A_696, %parallel_loop3A_697, %parallel_loop3A_698] {strides = array<i32>} : memref<4x32x128xf32, #tpu.memory_space<vmem>>, vector<16xf32>,
        tpu.vector_store %arg9[%parallel_loop3A_696, %parallel_loop3A_697, %parallel_loop3A_698], %parallel_loop3A_695 {strides = array<i32>} : memref<4x32x128xf32, #tpu.memory_space<vmem>>, vector<16xf32>,
        %parallel_loop3A_700 = arith.addi %get3A_636, %parallel_loop3A_679 : vector<16xi32>
        %parallel_loop3A_701 = arith.constant 0 : i32
        %parallel_loop3A_702 = arith.constant 0 : i32
        %parallel_loop3A_703 = tpu.memref_slice %arg8[%rem3A_576, %parallel_loop3A_701, %parallel_loop3A_702] : memref<4x128x128xf32, #tpu.memory_space<vmem>> -> memref<1x128x128xf32, #tpu.memory_space<vmem>>
        %parallel_loop3A_704 = tpu.memref_squeeze %parallel_loop3A_703 : memref<1x128x128xf32, #tpu.memory_space<vmem>> -> memref<128x128xf32, #tpu.memory_space<vmem>>
        %parallel_loop3A_705 = tpu.vector_load_idx %parallel_loop3A_704[%add3A_612, %parallel_loop3A_700] : memref<128x128xf32, #tpu.memory_space<vmem>>[vector<16xi32>, vector<16xi32>], vector<16xf32>,
        %parallel_loop3A_706 = arith.index_cast %rem3A_576 : i32 to index
        %parallel_loop3A_707 = arith.index_cast %parallel_loop3A_678 : i32 to index
        %parallel_loop3A_708 = arith.constant 32 : index
        %parallel_loop3A_709 = tpu.vector_load %arg9[%parallel_loop3A_706, %parallel_loop3A_707, %parallel_loop3A_708] {strides = array<i32>} : memref<4x32x128xf32, #tpu.memory_space<vmem>>, vector<16xf32>,
        tpu.vector_store %arg9[%parallel_loop3A_706, %parallel_loop3A_707, %parallel_loop3A_708], %parallel_loop3A_705 {strides = array<i32>} : memref<4x32x128xf32, #tpu.memory_space<vmem>>, vector<16xf32>,
        %parallel_loop3A_710 = arith.addi %get3A_639, %parallel_loop3A_679 : vector<16xi32>
        %parallel_loop3A_711 = arith.constant 0 : i32
        %parallel_loop3A_712 = arith.constant 0 : i32
        %parallel_loop3A_713 = tpu.memref_slice %arg8[%rem3A_576, %parallel_loop3A_711, %parallel_loop3A_712] : memref<4x128x128xf32, #tpu.memory_space<vmem>> -> memref<1x128x128xf32, #tpu.memory_space<vmem>>
        %parallel_loop3A_714 = tpu.memref_squeeze %parallel_loop3A_713 : memref<1x128x128xf32, #tpu.memory_space<vmem>> -> memref<128x128xf32, #tpu.memory_space<vmem>>
        %parallel_loop3A_715 = tpu.vector_load_idx %parallel_loop3A_714[%add3A_615, %parallel_loop3A_710] : memref<128x128xf32, #tpu.memory_space<vmem>>[vector<16xi32>, vector<16xi32>], vector<16xf32>,
        %parallel_loop3A_716 = arith.index_cast %rem3A_576 : i32 to index
        %parallel_loop3A_717 = arith.index_cast %parallel_loop3A_678 : i32 to index
        %parallel_loop3A_718 = arith.constant 48 : index
        %parallel_loop3A_719 = tpu.vector_load %arg9[%parallel_loop3A_716, %parallel_loop3A_717, %parallel_loop3A_718] {strides = array<i32>} : memref<4x32x128xf32, #tpu.memory_space<vmem>>, vector<16xf32>,
        tpu.vector_store %arg9[%parallel_loop3A_716, %parallel_loop3A_717, %parallel_loop3A_718], %parallel_loop3A_715 {strides = array<i32>} : memref<4x32x128xf32, #tpu.memory_space<vmem>>, vector<16xf32>,
        %parallel_loop3A_720 = arith.addi %get3A_642, %parallel_loop3A_679 : vector<16xi32>
        %parallel_loop3A_721 = arith.constant 0 : i32
        %parallel_loop3A_722 = arith.constant 0 : i32
        %parallel_loop3A_723 = tpu.memref_slice %arg8[%rem3A_576, %parallel_loop3A_721, %parallel_loop3A_722] : memref<4x128x128xf32, #tpu.memory_space<vmem>> -> memref<1x128x128xf32, #tpu.memory_space<vmem>>
        %parallel_loop3A_724 = tpu.memref_squeeze %parallel_loop3A_723 : memref<1x128x128xf32, #tpu.memory_space<vmem>> -> memref<128x128xf32, #tpu.memory_space<vmem>>
        %parallel_loop3A_725 = tpu.vector_load_idx %parallel_loop3A_724[%add3A_618, %parallel_loop3A_720] : memref<128x128xf32, #tpu.memory_space<vmem>>[vector<16xi32>, vector<16xi32>], vector<16xf32>,
        %parallel_loop3A_726 = arith.index_cast %rem3A_576 : i32 to index
        %parallel_loop3A_727 = arith.index_cast %parallel_loop3A_678 : i32 to index
        %parallel_loop3A_728 = arith.constant 64 : index
        %parallel_loop3A_729 = tpu.vector_load %arg9[%parallel_loop3A_726, %parallel_loop3A_727, %parallel_loop3A_728] {strides = array<i32>} : memref<4x32x128xf32, #tpu.memory_space<vmem>>, vector<16xf32>,
        tpu.vector_store %arg9[%parallel_loop3A_726, %parallel_loop3A_727, %parallel_loop3A_728], %parallel_loop3A_725 {strides = array<i32>} : memref<4x32x128xf32, #tpu.memory_space<vmem>>, vector<16xf32>,
        %parallel_loop3A_730 = arith.addi %get3A_645, %parallel_loop3A_679 : vector<16xi32>
        %parallel_loop3A_731 = arith.constant 0 : i32
        %parallel_loop3A_732 = arith.constant 0 : i32
        %parallel_loop3A_733 = tpu.memref_slice %arg8[%rem3A_576, %parallel_loop3A_731, %parallel_loop3A_732] : memref<4x128x128xf32, #tpu.memory_space<vmem>> -> memref<1x128x128xf32, #tpu.memory_space<vmem>>
        %parallel_loop3A_734 = tpu.memref_squeeze %parallel_loop3A_733 : memref<1x128x128xf32, #tpu.memory_space<vmem>> -> memref<128x128xf32, #tpu.memory_space<vmem>>
        %parallel_loop3A_735 = tpu.vector_load_idx %parallel_loop3A_734[%add3A_621, %parallel_loop3A_730] : memref<128x128xf32, #tpu.memory_space<vmem>>[vector<16xi32>, vector<16xi32>], vector<16xf32>,
        %parallel_loop3A_736 = arith.index_cast %rem3A_576 : i32 to index
        %parallel_loop3A_737 = arith.index_cast %parallel_loop3A_678 : i32 to index
        %parallel_loop3A_738 = arith.constant 80 : index
        %parallel_loop3A_739 = tpu.vector_load %arg9[%parallel_loop3A_736, %parallel_loop3A_737, %parallel_loop3A_738] {strides = array<i32>} : memref<4x32x128xf32, #tpu.memory_space<vmem>>, vector<16xf32>,
        tpu.vector_store %arg9[%parallel_loop3A_736, %parallel_loop3A_737, %parallel_loop3A_738], %parallel_loop3A_735 {strides = array<i32>} : memref<4x32x128xf32, #tpu.memory_space<vmem>>, vector<16xf32>,
        %parallel_loop3A_740 = arith.addi %get3A_648, %parallel_loop3A_679 : vector<16xi32>
        %parallel_loop3A_741 = arith.constant 0 : i32
        %parallel_loop3A_742 = arith.constant 0 : i32
        %parallel_loop3A_743 = tpu.memref_slice %arg8[%rem3A_576, %parallel_loop3A_741, %parallel_loop3A_742] : memref<4x128x128xf32, #tpu.memory_space<vmem>> -> memref<1x128x128xf32, #tpu.memory_space<vmem>>
        %parallel_loop3A_744 = tpu.memref_squeeze %parallel_loop3A_743 : memref<1x128x128xf32, #tpu.memory_space<vmem>> -> memref<128x128xf32, #tpu.memory_space<vmem>>
        %parallel_loop3A_745 = tpu.vector_load_idx %parallel_loop3A_744[%add3A_624, %parallel_loop3A_740] : memref<128x128xf32, #tpu.memory_space<vmem>>[vector<16xi32>, vector<16xi32>], vector<16xf32>,
        %parallel_loop3A_746 = arith.index_cast %rem3A_576 : i32 to index
        %parallel_loop3A_747 = arith.index_cast %parallel_loop3A_678 : i32 to index
        %parallel_loop3A_748 = arith.constant 96 : index
        %parallel_loop3A_749 = tpu.vector_load %arg9[%parallel_loop3A_746, %parallel_loop3A_747, %parallel_loop3A_748] {strides = array<i32>} : memref<4x32x128xf32, #tpu.memory_space<vmem>>, vector<16xf32>,
        tpu.vector_store %arg9[%parallel_loop3A_746, %parallel_loop3A_747, %parallel_loop3A_748], %parallel_loop3A_745 {strides = array<i32>} : memref<4x32x128xf32, #tpu.memory_space<vmem>>, vector<16xf32>,
        %parallel_loop3A_750 = arith.addi %get3A_651, %parallel_loop3A_679 : vector<16xi32>
        %parallel_loop3A_751 = arith.constant 0 : i32
        %parallel_loop3A_752 = arith.constant 0 : i32
        %parallel_loop3A_753 = tpu.memref_slice %arg8[%rem3A_576, %parallel_loop3A_751, %parallel_loop3A_752] : memref<4x128x128xf32, #tpu.memory_space<vmem>> -> memref<1x128x128xf32, #tpu.memory_space<vmem>>
        %parallel_loop3A_754 = tpu.memref_squeeze %parallel_loop3A_753 : memref<1x128x128xf32, #tpu.memory_space<vmem>> -> memref<128x128xf32, #tpu.memory_space<vmem>>
        %parallel_loop3A_755 = tpu.vector_load_idx %parallel_loop3A_754[%add3A_627, %parallel_loop3A_750] : memref<128x128xf32, #tpu.memory_space<vmem>>[vector<16xi32>, vector<16xi32>], vector<16xf32>,
        %parallel_loop3A_756 = arith.index_cast %rem3A_576 : i32 to index
        %parallel_loop3A_757 = arith.index_cast %parallel_loop3A_678 : i32 to index
        %parallel_loop3A_758 = arith.constant 112 : index
        %parallel_loop3A_759 = tpu.vector_load %arg9[%parallel_loop3A_756, %parallel_loop3A_757, %parallel_loop3A_758] {strides = array<i32>} : memref<4x32x128xf32, #tpu.memory_space<vmem>>, vector<16xf32>,
        tpu.vector_store %arg9[%parallel_loop3A_756, %parallel_loop3A_757, %parallel_loop3A_758], %parallel_loop3A_755 {strides = array<i32>} : memref<4x32x128xf32, #tpu.memory_space<vmem>>, vector<16xf32>,
      } {sc.loop_unroll_factor = 4 : i64, sc.parallel_access}
      %add3A_654 = arith.addi %mul3A_2, %scan3A_573 : i32
      %div3A_655 = arith.constant 128 : i32
      %div3A_656 = arith.divsi %add3A_654, %div3A_655 : i32
      %rem3A_657 = arith.constant 128 : i32
      %rem3A_658 = arith.remsi %add3A_654, %rem3A_657 : i32
      %mul3A_659 = arith.constant 128 : i32
      %mul3A_660 = arith.muli %rem3A_658, %mul3A_659 : i32
      %dma_start3A_661 = arith.constant 0 : i32
      %dma_start3A_662 = arith.constant 0 : i32
      %dma_start3A_663 = tpu.memref_slice %arg9[%rem3A_576, %dma_start3A_661, %dma_start3A_662] : memref<4x32x128xf32, #tpu.memory_space<vmem>> -> memref<1x32x128xf32, #tpu.memory_space<vmem>>
      %dma_start3A_664 = tpu.memref_squeeze %dma_start3A_663 : memref<1x32x128xf32, #tpu.memory_space<vmem>> -> memref<32x128xf32, #tpu.memory_space<vmem>>
      %dma_start3A_665 = arith.constant 0 : i32
      %dma_start3A_666 = tpu.memref_slice %arg4[%div3A_656, %dma_start3A_665, %mul3A_660] : memref<26x32x16384xf32, #tpu.memory_space<hbm>> -> memref<1x32x128xf32, #tpu.memory_space<hbm>>
      %dma_start3A_667 = tpu.memref_squeeze %dma_start3A_666 : memref<1x32x128xf32, #tpu.memory_space<hbm>> -> memref<32x128xf32, #tpu.memory_space<hbm>>
      %dma_start3A_668 = tpu.memref_slice %arg12[%rem3A_576] : memref<4x!tpu.dma_semaphore, #tpu.memory_space<semaphore_mem>> -> memref<1x!tpu.dma_semaphore, #tpu.memory_space<semaphore_mem>>
      %dma_start3A_669 = tpu.memref_squeeze %dma_start3A_668 : memref<1x!tpu.dma_semaphore, #tpu.memory_space<semaphore_mem>> -> memref<!tpu.dma_semaphore, #tpu.memory_space<semaphore_mem>>
      %dma_start3A_670 = arith.constant 0 : i32
      %dma_start3A_671 = tpu.memref_slice %arg4[%div3A_656, %dma_start3A_670, %mul3A_660] : memref<26x32x16384xf32, #tpu.memory_space<hbm>> -> memref<1x32x128xf32, #tpu.memory_space<hbm>>
      %dma_start3A_672 = tpu.memref_squeeze %dma_start3A_671 : memref<1x32x128xf32, #tpu.memory_space<hbm>> -> memref<32x128xf32, #tpu.memory_space<hbm>>
      %dma_start3A_673 = arith.constant 0 : i32
      %dma_start3A_674 = arith.constant 0 : i32
      %dma_start3A_675 = tpu.memref_slice %arg9[%rem3A_576, %dma_start3A_673, %dma_start3A_674] : memref<4x32x128xf32, #tpu.memory_space<vmem>> -> memref<1x32x128xf32, #tpu.memory_space<vmem>>
      %dma_start3A_676 = tpu.memref_squeeze %dma_start3A_675 : memref<1x32x128xf32, #tpu.memory_space<vmem>> -> memref<32x128xf32, #tpu.memory_space<vmem>>
      tpu.enqueue_dma source(%dma_start3A_676 : memref<32x128xf32, #tpu.memory_space<vmem>>) target(%dma_start3A_672 : memref<32x128xf32, #tpu.memory_space<hbm>>) target_semaphore(%dma_start3A_669 : memref<!tpu.dma_semaphore, #tpu.memory_space<semaphore_mem>>)
      %scan3A_677 = arith.constant 0 : i32
      scf.yield %scan3A_677 : i32
    }
    %scan3A_488 = arith.constant 104 : i32
    %dma_wait3A_489 = arith.constant 0 : i32
    %dma_wait3A_490 = arith.constant 0 : i32
    %dma_wait3A_491 = arith.constant 0 : i32
    %dma_wait3A_492 = arith.constant 0 : i32
    %dma_wait3A_493 = arith.constant 0 : i32
    %dma_wait3A_494 = tpu.memref_slice %arg9[%dma_wait3A_489, %dma_wait3A_492, %dma_wait3A_493] : memref<4x32x128xf32, #tpu.memory_space<vmem>> -> memref<1x32x128xf32, #tpu.memory_space<vmem>>
    %dma_wait3A_495 = tpu.memref_squeeze %dma_wait3A_494 : memref<1x32x128xf32, #tpu.memory_space<vmem>> -> memref<32x128xf32, #tpu.memory_space<vmem>>
    %dma_wait3A_496 = arith.constant 0 : i32
    %dma_wait3A_497 = arith.constant 0 : i32
    %dma_wait3A_498 = tpu.memref_slice %arg4[%dma_wait3A_490, %dma_wait3A_496, %dma_wait3A_497] : memref<26x32x16384xf32, #tpu.memory_space<hbm>> -> memref<1x32x128xf32, #tpu.memory_space<hbm>>
    %dma_wait3A_499 = tpu.memref_squeeze %dma_wait3A_498 : memref<1x32x128xf32, #tpu.memory_space<hbm>> -> memref<32x128xf32, #tpu.memory_space<hbm>>
    %dma_wait3A_500 = tpu.memref_slice %arg12[%dma_wait3A_491] : memref<4x!tpu.dma_semaphore, #tpu.memory_space<semaphore_mem>> -> memref<1x!tpu.dma_semaphore, #tpu.memory_space<semaphore_mem>>
    %dma_wait3A_501 = tpu.memref_squeeze %dma_wait3A_500 : memref<1x!tpu.dma_semaphore, #tpu.memory_space<semaphore_mem>> -> memref<!tpu.dma_semaphore, #tpu.memory_space<semaphore_mem>>
    %dma_wait3A_502 = arith.constant 0 : i32
    %dma_wait3A_503 = arith.constant 0 : i32
    %dma_wait3A_504 = tpu.memref_slice %arg4[%dma_wait3A_490, %dma_wait3A_502, %dma_wait3A_503] : memref<26x32x16384xf32, #tpu.memory_space<hbm>> -> memref<1x32x128xf32, #tpu.memory_space<hbm>>
    %dma_wait3A_505 = tpu.memref_squeeze %dma_wait3A_504 : memref<1x32x128xf32, #tpu.memory_space<hbm>> -> memref<32x128xf32, #tpu.memory_space<hbm>>
    %dma_wait3A_506 = arith.constant 0 : i32
    %dma_wait3A_507 = arith.constant 0 : i32
    %dma_wait3A_508 = tpu.memref_slice %arg9[%dma_wait3A_489, %dma_wait3A_506, %dma_wait3A_507] : memref<4x32x128xf32, #tpu.memory_space<vmem>> -> memref<1x32x128xf32, #tpu.memory_space<vmem>>
    %dma_wait3A_509 = tpu.memref_squeeze %dma_wait3A_508 : memref<1x32x128xf32, #tpu.memory_space<vmem>> -> memref<32x128xf32, #tpu.memory_space<vmem>>
    tpu.wait_dma2 semaphore(%dma_wait3A_501 : memref<!tpu.dma_semaphore, #tpu.memory_space<semaphore_mem>>) src(%dma_wait3A_509 : memref<32x128xf32, #tpu.memory_space<vmem>>) dst(%dma_wait3A_505 : memref<32x128xf32, #tpu.memory_space<hbm>>)
    %dma_wait3A_510 = arith.constant 1 : i32
    %dma_wait3A_511 = arith.constant 0 : i32
    %dma_wait3A_512 = arith.constant 1 : i32
    %dma_wait3A_513 = arith.constant 0 : i32
    %dma_wait3A_514 = arith.constant 0 : i32
    %dma_wait3A_515 = tpu.memref_slice %arg9[%dma_wait3A_510, %dma_wait3A_513, %dma_wait3A_514] : memref<4x32x128xf32, #tpu.memory_space<vmem>> -> memref<1x32x128xf32, #tpu.memory_space<vmem>>
    %dma_wait3A_516 = tpu.memref_squeeze %dma_wait3A_515 : memref<1x32x128xf32, #tpu.memory_space<vmem>> -> memref<32x128xf32, #tpu.memory_space<vmem>>
    %dma_wait3A_517 = arith.constant 0 : i32
    %dma_wait3A_518 = arith.constant 0 : i32
    %dma_wait3A_519 = tpu.memref_slice %arg4[%dma_wait3A_511, %dma_wait3A_517, %dma_wait3A_518] : memref<26x32x16384xf32, #tpu.memory_space<hbm>> -> memref<1x32x128xf32, #tpu.memory_space<hbm>>
    %dma_wait3A_520 = tpu.memref_squeeze %dma_wait3A_519 : memref<1x32x128xf32, #tpu.memory_space<hbm>> -> memref<32x128xf32, #tpu.memory_space<hbm>>
    %dma_wait3A_521 = tpu.memref_slice %arg12[%dma_wait3A_512] : memref<4x!tpu.dma_semaphore, #tpu.memory_space<semaphore_mem>> -> memref<1x!tpu.dma_semaphore, #tpu.memory_space<semaphore_mem>>
    %dma_wait3A_522 = tpu.memref_squeeze %dma_wait3A_521 : memref<1x!tpu.dma_semaphore, #tpu.memory_space<semaphore_mem>> -> memref<!tpu.dma_semaphore, #tpu.memory_space<semaphore_mem>>
    %dma_wait3A_523 = arith.constant 0 : i32
    %dma_wait3A_524 = arith.constant 0 : i32
    %dma_wait3A_525 = tpu.memref_slice %arg4[%dma_wait3A_511, %dma_wait3A_523, %dma_wait3A_524] : memref<26x32x16384xf32, #tpu.memory_space<hbm>> -> memref<1x32x128xf32, #tpu.memory_space<hbm>>
    %dma_wait3A_526 = tpu.memref_squeeze %dma_wait3A_525 : memref<1x32x128xf32, #tpu.memory_space<hbm>> -> memref<32x128xf32, #tpu.memory_space<hbm>>
    %dma_wait3A_527 = arith.constant 0 : i32
    %dma_wait3A_528 = arith.constant 0 : i32
    %dma_wait3A_529 = tpu.memref_slice %arg9[%dma_wait3A_510, %dma_wait3A_527, %dma_wait3A_528] : memref<4x32x128xf32, #tpu.memory_space<vmem>> -> memref<1x32x128xf32, #tpu.memory_space<vmem>>
    %dma_wait3A_530 = tpu.memref_squeeze %dma_wait3A_529 : memref<1x32x128xf32, #tpu.memory_space<vmem>> -> memref<32x128xf32, #tpu.memory_space<vmem>>
    tpu.wait_dma2 semaphore(%dma_wait3A_522 : memref<!tpu.dma_semaphore, #tpu.memory_space<semaphore_mem>>) src(%dma_wait3A_530 : memref<32x128xf32, #tpu.memory_space<vmem>>) dst(%dma_wait3A_526 : memref<32x128xf32, #tpu.memory_space<hbm>>)
    %dma_wait3A_531 = arith.constant 2 : i32
    %dma_wait3A_532 = arith.constant 0 : i32
    %dma_wait3A_533 = arith.constant 2 : i32
    %dma_wait3A_534 = arith.constant 0 : i32
    %dma_wait3A_535 = arith.constant 0 : i32
    %dma_wait3A_536 = tpu.memref_slice %arg9[%dma_wait3A_531, %dma_wait3A_534, %dma_wait3A_535] : memref<4x32x128xf32, #tpu.memory_space<vmem>> -> memref<1x32x128xf32, #tpu.memory_space<vmem>>
    %dma_wait3A_537 = tpu.memref_squeeze %dma_wait3A_536 : memref<1x32x128xf32, #tpu.memory_space<vmem>> -> memref<32x128xf32, #tpu.memory_space<vmem>>
    %dma_wait3A_538 = arith.constant 0 : i32
    %dma_wait3A_539 = arith.constant 0 : i32
    %dma_wait3A_540 = tpu.memref_slice %arg4[%dma_wait3A_532, %dma_wait3A_538, %dma_wait3A_539] : memref<26x32x16384xf32, #tpu.memory_space<hbm>> -> memref<1x32x128xf32, #tpu.memory_space<hbm>>
    %dma_wait3A_541 = tpu.memref_squeeze %dma_wait3A_540 : memref<1x32x128xf32, #tpu.memory_space<hbm>> -> memref<32x128xf32, #tpu.memory_space<hbm>>
    %dma_wait3A_542 = tpu.memref_slice %arg12[%dma_wait3A_533] : memref<4x!tpu.dma_semaphore, #tpu.memory_space<semaphore_mem>> -> memref<1x!tpu.dma_semaphore, #tpu.memory_space<semaphore_mem>>
    %dma_wait3A_543 = tpu.memref_squeeze %dma_wait3A_542 : memref<1x!tpu.dma_semaphore, #tpu.memory_space<semaphore_mem>> -> memref<!tpu.dma_semaphore, #tpu.memory_space<semaphore_mem>>
    %dma_wait3A_544 = arith.constant 0 : i32
    %dma_wait3A_545 = arith.constant 0 : i32
    %dma_wait3A_546 = tpu.memref_slice %arg4[%dma_wait3A_532, %dma_wait3A_544, %dma_wait3A_545] : memref<26x32x16384xf32, #tpu.memory_space<hbm>> -> memref<1x32x128xf32, #tpu.memory_space<hbm>>
    %dma_wait3A_547 = tpu.memref_squeeze %dma_wait3A_546 : memref<1x32x128xf32, #tpu.memory_space<hbm>> -> memref<32x128xf32, #tpu.memory_space<hbm>>
    %dma_wait3A_548 = arith.constant 0 : i32
    %dma_wait3A_549 = arith.constant 0 : i32
    %dma_wait3A_550 = tpu.memref_slice %arg9[%dma_wait3A_531, %dma_wait3A_548, %dma_wait3A_549] : memref<4x32x128xf32, #tpu.memory_space<vmem>> -> memref<1x32x128xf32, #tpu.memory_space<vmem>>
    %dma_wait3A_551 = tpu.memref_squeeze %dma_wait3A_550 : memref<1x32x128xf32, #tpu.memory_space<vmem>> -> memref<32x128xf32, #tpu.memory_space<vmem>>
    tpu.wait_dma2 semaphore(%dma_wait3A_543 : memref<!tpu.dma_semaphore, #tpu.memory_space<semaphore_mem>>) src(%dma_wait3A_551 : memref<32x128xf32, #tpu.memory_space<vmem>>) dst(%dma_wait3A_547 : memref<32x128xf32, #tpu.memory_space<hbm>>)
    %dma_wait3A_552 = arith.constant 3 : i32
    %dma_wait3A_553 = arith.constant 0 : i32
    %dma_wait3A_554 = arith.constant 3 : i32
    %dma_wait3A_555 = arith.constant 0 : i32
    %dma_wait3A_556 = arith.constant 0 : i32
    %dma_wait3A_557 = tpu.memref_slice %arg9[%dma_wait3A_552, %dma_wait3A_555, %dma_wait3A_556] : memref<4x32x128xf32, #tpu.memory_space<vmem>> -> memref<1x32x128xf32, #tpu.memory_space<vmem>>
    %dma_wait3A_558 = tpu.memref_squeeze %dma_wait3A_557 : memref<1x32x128xf32, #tpu.memory_space<vmem>> -> memref<32x128xf32, #tpu.memory_space<vmem>>
    %dma_wait3A_559 = arith.constant 0 : i32
    %dma_wait3A_560 = arith.constant 0 : i32
    %dma_wait3A_561 = tpu.memref_slice %arg4[%dma_wait3A_553, %dma_wait3A_559, %dma_wait3A_560] : memref<26x32x16384xf32, #tpu.memory_space<hbm>> -> memref<1x32x128xf32, #tpu.memory_space<hbm>>
    %dma_wait3A_562 = tpu.memref_squeeze %dma_wait3A_561 : memref<1x32x128xf32, #tpu.memory_space<hbm>> -> memref<32x128xf32, #tpu.memory_space<hbm>>
    %dma_wait3A_563 = tpu.memref_slice %arg12[%dma_wait3A_554] : memref<4x!tpu.dma_semaphore, #tpu.memory_space<semaphore_mem>> -> memref<1x!tpu.dma_semaphore, #tpu.memory_space<semaphore_mem>>
    %dma_wait3A_564 = tpu.memref_squeeze %dma_wait3A_563 : memref<1x!tpu.dma_semaphore, #tpu.memory_space<semaphore_mem>> -> memref<!tpu.dma_semaphore, #tpu.memory_space<semaphore_mem>>
    %dma_wait3A_565 = arith.constant 0 : i32
    %dma_wait3A_566 = arith.constant 0 : i32
    %dma_wait3A_567 = tpu.memref_slice %arg4[%dma_wait3A_553, %dma_wait3A_565, %dma_wait3A_566] : memref<26x32x16384xf32, #tpu.memory_space<hbm>> -> memref<1x32x128xf32, #tpu.memory_space<hbm>>
    %dma_wait3A_568 = tpu.memref_squeeze %dma_wait3A_567 : memref<1x32x128xf32, #tpu.memory_space<hbm>> -> memref<32x128xf32, #tpu.memory_space<hbm>>
    %dma_wait3A_569 = arith.constant 0 : i32
    %dma_wait3A_570 = arith.constant 0 : i32
    %dma_wait3A_571 = tpu.memref_slice %arg9[%dma_wait3A_552, %dma_wait3A_569, %dma_wait3A_570] : memref<4x32x128xf32, #tpu.memory_space<vmem>> -> memref<1x32x128xf32, #tpu.memory_space<vmem>>
    %dma_wait3A_572 = tpu.memref_squeeze %dma_wait3A_571 : memref<1x32x128xf32, #tpu.memory_space<vmem>> -> memref<32x128xf32, #tpu.memory_space<vmem>>
    tpu.wait_dma2 semaphore(%dma_wait3A_564 : memref<!tpu.dma_semaphore, #tpu.memory_space<semaphore_mem>>) src(%dma_wait3A_572 : memref<32x128xf32, #tpu.memory_space<vmem>>) dst(%dma_wait3A_568 : memref<32x128xf32, #tpu.memory_space<hbm>>)
    return
  }
}

#map = affine_map<(d0, d1) -> (0, 0)>
module attributes {stable_mosaic.version = 14 : i64} {
  func.func @_transpose_kernel(%arg0: i32, %arg1: i32, %arg2: memref<32x1000001xf32, #tpu.memory_space<hbm>>, %arg3: memref<16x128xf32, #tpu.memory_space<hbm>>, %arg4: memref<250016x128xf32, #tpu.memory_space<hbm>>, %arg5: memref<4x32x260xf32, #tpu.memory_space<vmem>>, %arg6: memref<4x64x128xf32, #tpu.memory_space<vmem>>, %arg7: memref<4x!tpu.dma_semaphore, #tpu.memory_space<semaphore_mem>>, %arg8: memref<4x!tpu.dma_semaphore, #tpu.memory_space<semaphore_mem>>) attributes {dimension_semantics = [#tpu.dimension_semantics<core_parallel>, #tpu.dimension_semantics<subcore_parallel>], iteration_bounds = array<i64: 2, 16>, scalar_prefetch = 0 : i64, scratch_operands = 4 : i64, tpu.core_type = #tpu.core_type<sc_vector_subcore>, window_params = [{transform_indices = #map}, {transform_indices = #map}, {transform_indices = #map}]} {
    %mul3A = arith.constant 2 : i32
    %mul3A_0 = arith.muli %arg1, %mul3A : i32
    %add3A = arith.addi %mul3A_0, %arg0 : i32
    %mul3A_1 = arith.constant 3906 : i32
    %mul3A_2 = arith.muli %add3A, %mul3A_1 : i32
    %jit3A = arith.constant 32 : i32
    %div3A = arith.divsi %mul3A_2, %jit3A : i32
    %sign3A = arith.constant 0 : i32
    %sign3A_3 = arith.cmpi sgt, %mul3A_2, %sign3A : i32
    %sign3A_4 = arith.extui %sign3A_3 : i1 to i32
    %sign3A_5 = arith.constant 0 : i32
    %sign3A_6 = arith.cmpi slt, %mul3A_2, %sign3A_5 : i32
    %sign3A_7 = arith.extui %sign3A_6 : i1 to i32
    %sign3A_8 = arith.subi %sign3A_4, %sign3A_7 : i32
    %sign3A_9 = arith.constant 0 : i32
    %sign3A_10 = arith.cmpi sgt, %jit3A, %sign3A_9 : i32
    %sign3A_11 = arith.extui %sign3A_10 : i1 to i32
    %sign3A_12 = arith.constant 0 : i32
    %sign3A_13 = arith.cmpi slt, %jit3A, %sign3A_12 : i32
    %sign3A_14 = arith.extui %sign3A_13 : i1 to i32
    %sign3A_15 = arith.subi %sign3A_11, %sign3A_14 : i32
    %ne3A = arith.cmpi ne, %sign3A_8, %sign3A_15 : i32
    %rem3A = arith.remsi %mul3A_2, %jit3A : i32
    %ne3A_16 = arith.constant 0 : i32
    %ne3A_17 = arith.cmpi ne, %rem3A, %ne3A_16 : i32
    %and3A = arith.andi %ne3A, %ne3A_17 : i1
    %sub3A = arith.constant 1 : i32
    %sub3A_18 = arith.subi %div3A, %sub3A : i32
    %select_n3A = arith.select %and3A, %sub3A_18, %div3A : i32
    %add3A_19 = arith.constant 1 : i32
    %add3A_20 = arith.addi %add3A, %add3A_19 : i32
    %mul3A_21 = arith.constant 3906 : i32
    %mul3A_22 = arith.muli %add3A_20, %mul3A_21 : i32
    %jit3A_23 = arith.constant 32 : i32
    %div3A_24 = arith.divsi %mul3A_22, %jit3A_23 : i32
    %sign3A_25 = arith.constant 0 : i32
    %sign3A_26 = arith.cmpi sgt, %mul3A_22, %sign3A_25 : i32
    %sign3A_27 = arith.extui %sign3A_26 : i1 to i32
    %sign3A_28 = arith.constant 0 : i32
    %sign3A_29 = arith.cmpi slt, %mul3A_22, %sign3A_28 : i32
    %sign3A_30 = arith.extui %sign3A_29 : i1 to i32
    %sign3A_31 = arith.subi %sign3A_27, %sign3A_30 : i32
    %sign3A_32 = arith.constant 0 : i32
    %sign3A_33 = arith.cmpi sgt, %jit3A_23, %sign3A_32 : i32
    %sign3A_34 = arith.extui %sign3A_33 : i1 to i32
    %sign3A_35 = arith.constant 0 : i32
    %sign3A_36 = arith.cmpi slt, %jit3A_23, %sign3A_35 : i32
    %sign3A_37 = arith.extui %sign3A_36 : i1 to i32
    %sign3A_38 = arith.subi %sign3A_34, %sign3A_37 : i32
    %ne3A_39 = arith.cmpi ne, %sign3A_31, %sign3A_38 : i32
    %rem3A_40 = arith.remsi %mul3A_22, %jit3A_23 : i32
    %ne3A_41 = arith.constant 0 : i32
    %ne3A_42 = arith.cmpi ne, %rem3A_40, %ne3A_41 : i32
    %and3A_43 = arith.andi %ne3A_39, %ne3A_42 : i1
    %sub3A_44 = arith.constant 1 : i32
    %sub3A_45 = arith.subi %div3A_24, %sub3A_44 : i32
    %select_n3A_46 = arith.select %and3A_43, %sub3A_45, %div3A_24 : i32
    %add3A_47 = arith.constant 0 : i32
    %add3A_48 = arith.addi %select_n3A, %add3A_47 : i32
    %mul3A_49 = arith.constant 256 : i32
    %mul3A_50 = arith.muli %add3A_48, %mul3A_49 : i32
    %dma_start3A = arith.constant 0 : i32
    %dma_start3A_51 = arith.constant 0 : i32
    %dma_start3A_52 = arith.constant 0 : i32
    %dma_start3A_53 = arith.constant 0 : i32
    %dma_start3A_54 = tpu.memref_slice %arg5[%dma_start3A, %dma_start3A_52, %dma_start3A_53] : memref<4x32x260xf32, #tpu.memory_space<vmem>> -> memref<1x32x256xf32, #tpu.memory_space<vmem>>
    %dma_start3A_55 = tpu.memref_squeeze %dma_start3A_54 : memref<1x32x256xf32, #tpu.memory_space<vmem>> -> memref<32x256xf32, #tpu.memory_space<vmem>>
    %dma_start3A_56 = arith.constant 0 : i32
    %dma_start3A_57 = tpu.memref_slice %arg2[%dma_start3A_56, %mul3A_50] : memref<32x1000001xf32, #tpu.memory_space<hbm>> -> memref<32x256xf32, #tpu.memory_space<hbm>>
    %dma_start3A_58 = tpu.memref_slice %arg7[%dma_start3A_51] : memref<4x!tpu.dma_semaphore, #tpu.memory_space<semaphore_mem>> -> memref<1x!tpu.dma_semaphore, #tpu.memory_space<semaphore_mem>>
    %dma_start3A_59 = tpu.memref_squeeze %dma_start3A_58 : memref<1x!tpu.dma_semaphore, #tpu.memory_space<semaphore_mem>> -> memref<!tpu.dma_semaphore, #tpu.memory_space<semaphore_mem>>
    %dma_start3A_60 = arith.constant 0 : i32
    %dma_start3A_61 = arith.constant 0 : i32
    %dma_start3A_62 = tpu.memref_slice %arg5[%dma_start3A, %dma_start3A_60, %dma_start3A_61] : memref<4x32x260xf32, #tpu.memory_space<vmem>> -> memref<1x32x256xf32, #tpu.memory_space<vmem>>
    %dma_start3A_63 = tpu.memref_squeeze %dma_start3A_62 : memref<1x32x256xf32, #tpu.memory_space<vmem>> -> memref<32x256xf32, #tpu.memory_space<vmem>>
    %dma_start3A_64 = arith.constant 0 : i32
    %dma_start3A_65 = tpu.memref_slice %arg2[%dma_start3A_64, %mul3A_50] : memref<32x1000001xf32, #tpu.memory_space<hbm>> -> memref<32x256xf32, #tpu.memory_space<hbm>>
    tpu.enqueue_dma source(%dma_start3A_65 : memref<32x256xf32, #tpu.memory_space<hbm>>) target(%dma_start3A_63 : memref<32x256xf32, #tpu.memory_space<vmem>>) target_semaphore(%dma_start3A_59 : memref<!tpu.dma_semaphore, #tpu.memory_space<semaphore_mem>>)
    %add3A_66 = arith.constant 1 : i32
    %add3A_67 = arith.addi %select_n3A, %add3A_66 : i32
    %mul3A_68 = arith.constant 256 : i32
    %mul3A_69 = arith.muli %add3A_67, %mul3A_68 : i32
    %dma_start3A_70 = arith.constant 1 : i32
    %dma_start3A_71 = arith.constant 1 : i32
    %dma_start3A_72 = arith.constant 0 : i32
    %dma_start3A_73 = arith.constant 0 : i32
    %dma_start3A_74 = tpu.memref_slice %arg5[%dma_start3A_70, %dma_start3A_72, %dma_start3A_73] : memref<4x32x260xf32, #tpu.memory_space<vmem>> -> memref<1x32x256xf32, #tpu.memory_space<vmem>>
    %dma_start3A_75 = tpu.memref_squeeze %dma_start3A_74 : memref<1x32x256xf32, #tpu.memory_space<vmem>> -> memref<32x256xf32, #tpu.memory_space<vmem>>
    %dma_start3A_76 = arith.constant 0 : i32
    %dma_start3A_77 = tpu.memref_slice %arg2[%dma_start3A_76, %mul3A_69] : memref<32x1000001xf32, #tpu.memory_space<hbm>> -> memref<32x256xf32, #tpu.memory_space<hbm>>
    %dma_start3A_78 = tpu.memref_slice %arg7[%dma_start3A_71] : memref<4x!tpu.dma_semaphore, #tpu.memory_space<semaphore_mem>> -> memref<1x!tpu.dma_semaphore, #tpu.memory_space<semaphore_mem>>
    %dma_start3A_79 = tpu.memref_squeeze %dma_start3A_78 : memref<1x!tpu.dma_semaphore, #tpu.memory_space<semaphore_mem>> -> memref<!tpu.dma_semaphore, #tpu.memory_space<semaphore_mem>>
    %dma_start3A_80 = arith.constant 0 : i32
    %dma_start3A_81 = arith.constant 0 : i32
    %dma_start3A_82 = tpu.memref_slice %arg5[%dma_start3A_70, %dma_start3A_80, %dma_start3A_81] : memref<4x32x260xf32, #tpu.memory_space<vmem>> -> memref<1x32x256xf32, #tpu.memory_space<vmem>>
    %dma_start3A_83 = tpu.memref_squeeze %dma_start3A_82 : memref<1x32x256xf32, #tpu.memory_space<vmem>> -> memref<32x256xf32, #tpu.memory_space<vmem>>
    %dma_start3A_84 = arith.constant 0 : i32
    %dma_start3A_85 = tpu.memref_slice %arg2[%dma_start3A_84, %mul3A_69] : memref<32x1000001xf32, #tpu.memory_space<hbm>> -> memref<32x256xf32, #tpu.memory_space<hbm>>
    tpu.enqueue_dma source(%dma_start3A_85 : memref<32x256xf32, #tpu.memory_space<hbm>>) target(%dma_start3A_83 : memref<32x256xf32, #tpu.memory_space<vmem>>) target_semaphore(%dma_start3A_79 : memref<!tpu.dma_semaphore, #tpu.memory_space<semaphore_mem>>)
    %add3A_86 = arith.constant 2 : i32
    %add3A_87 = arith.addi %select_n3A, %add3A_86 : i32
    %mul3A_88 = arith.constant 256 : i32
    %mul3A_89 = arith.muli %add3A_87, %mul3A_88 : i32
    %dma_start3A_90 = arith.constant 2 : i32
    %dma_start3A_91 = arith.constant 2 : i32
    %dma_start3A_92 = arith.constant 0 : i32
    %dma_start3A_93 = arith.constant 0 : i32
    %dma_start3A_94 = tpu.memref_slice %arg5[%dma_start3A_90, %dma_start3A_92, %dma_start3A_93] : memref<4x32x260xf32, #tpu.memory_space<vmem>> -> memref<1x32x256xf32, #tpu.memory_space<vmem>>
    %dma_start3A_95 = tpu.memref_squeeze %dma_start3A_94 : memref<1x32x256xf32, #tpu.memory_space<vmem>> -> memref<32x256xf32, #tpu.memory_space<vmem>>
    %dma_start3A_96 = arith.constant 0 : i32
    %dma_start3A_97 = tpu.memref_slice %arg2[%dma_start3A_96, %mul3A_89] : memref<32x1000001xf32, #tpu.memory_space<hbm>> -> memref<32x256xf32, #tpu.memory_space<hbm>>
    %dma_start3A_98 = tpu.memref_slice %arg7[%dma_start3A_91] : memref<4x!tpu.dma_semaphore, #tpu.memory_space<semaphore_mem>> -> memref<1x!tpu.dma_semaphore, #tpu.memory_space<semaphore_mem>>
    %dma_start3A_99 = tpu.memref_squeeze %dma_start3A_98 : memref<1x!tpu.dma_semaphore, #tpu.memory_space<semaphore_mem>> -> memref<!tpu.dma_semaphore, #tpu.memory_space<semaphore_mem>>
    %dma_start3A_100 = arith.constant 0 : i32
    %dma_start3A_101 = arith.constant 0 : i32
    %dma_start3A_102 = tpu.memref_slice %arg5[%dma_start3A_90, %dma_start3A_100, %dma_start3A_101] : memref<4x32x260xf32, #tpu.memory_space<vmem>> -> memref<1x32x256xf32, #tpu.memory_space<vmem>>
    %dma_start3A_103 = tpu.memref_squeeze %dma_start3A_102 : memref<1x32x256xf32, #tpu.memory_space<vmem>> -> memref<32x256xf32, #tpu.memory_space<vmem>>
    %dma_start3A_104 = arith.constant 0 : i32
    %dma_start3A_105 = tpu.memref_slice %arg2[%dma_start3A_104, %mul3A_89] : memref<32x1000001xf32, #tpu.memory_space<hbm>> -> memref<32x256xf32, #tpu.memory_space<hbm>>
    tpu.enqueue_dma source(%dma_start3A_105 : memref<32x256xf32, #tpu.memory_space<hbm>>) target(%dma_start3A_103 : memref<32x256xf32, #tpu.memory_space<vmem>>) target_semaphore(%dma_start3A_99 : memref<!tpu.dma_semaphore, #tpu.memory_space<semaphore_mem>>)
    %sub3A_106 = arith.subi %select_n3A_46, %select_n3A : i32
    %while3A = arith.constant 0 : i32
    %while3A_107 = arith.constant 0 : i32
    %while3A_108 = arith.subi %sub3A_106, %while3A : i32
    %while3A_109 = arith.addi %while3A, %while3A_108 : i32
    %while3A_110 = arith.constant 1 : i32
    %while3A_111 = arith.divsi %while3A_108, %while3A_110 : i32
    %while3A_112 = arith.muli %while3A_111, %while3A_110 : i32
    %while3A_113 = arith.addi %while3A, %while3A_112 : i32
    %while3A_114 = arith.constant 1 : i32
    %while3A_115 = scf.for %while3A_211 = %while3A to %while3A_113 step %while3A_114 iter_args(%while3A_212 = %while3A_107) -> (i32)  : i32 {
      %add3A_213 = arith.addi %select_n3A, %while3A_211 : i32
      %rem3A_214 = arith.constant 4 : i32
      %rem3A_215 = arith.remsi %while3A_211, %rem3A_214 : i32
      %dma_wait3A_216 = arith.constant 0 : i32
      %dma_wait3A_217 = arith.constant 0 : i32
      %dma_wait3A_218 = tpu.memref_slice %arg5[%rem3A_215, %dma_wait3A_216, %dma_wait3A_217] : memref<4x32x260xf32, #tpu.memory_space<vmem>> -> memref<1x32x256xf32, #tpu.memory_space<vmem>>
      %dma_wait3A_219 = tpu.memref_squeeze %dma_wait3A_218 : memref<1x32x256xf32, #tpu.memory_space<vmem>> -> memref<32x256xf32, #tpu.memory_space<vmem>>
      %dma_wait3A_220 = arith.constant 0 : i32
      %dma_wait3A_221 = arith.constant 0 : i32
      %dma_wait3A_222 = tpu.memref_slice %arg2[%dma_wait3A_220, %dma_wait3A_221] : memref<32x1000001xf32, #tpu.memory_space<hbm>> -> memref<32x256xf32, #tpu.memory_space<hbm>>
      %dma_wait3A_223 = tpu.memref_slice %arg7[%rem3A_215] : memref<4x!tpu.dma_semaphore, #tpu.memory_space<semaphore_mem>> -> memref<1x!tpu.dma_semaphore, #tpu.memory_space<semaphore_mem>>
      %dma_wait3A_224 = tpu.memref_squeeze %dma_wait3A_223 : memref<1x!tpu.dma_semaphore, #tpu.memory_space<semaphore_mem>> -> memref<!tpu.dma_semaphore, #tpu.memory_space<semaphore_mem>>
      %dma_wait3A_225 = arith.constant 0 : i32
      %dma_wait3A_226 = arith.constant 0 : i32
      %dma_wait3A_227 = tpu.memref_slice %arg5[%rem3A_215, %dma_wait3A_225, %dma_wait3A_226] : memref<4x32x260xf32, #tpu.memory_space<vmem>> -> memref<1x32x256xf32, #tpu.memory_space<vmem>>
      %dma_wait3A_228 = tpu.memref_squeeze %dma_wait3A_227 : memref<1x32x256xf32, #tpu.memory_space<vmem>> -> memref<32x256xf32, #tpu.memory_space<vmem>>
      %dma_wait3A_229 = arith.constant 0 : i32
      %dma_wait3A_230 = arith.constant 0 : i32
      %dma_wait3A_231 = tpu.memref_slice %arg2[%dma_wait3A_229, %dma_wait3A_230] : memref<32x1000001xf32, #tpu.memory_space<hbm>> -> memref<32x256xf32, #tpu.memory_space<hbm>>
      tpu.wait_dma2 semaphore(%dma_wait3A_224 : memref<!tpu.dma_semaphore, #tpu.memory_space<semaphore_mem>>) src(%dma_wait3A_231 : memref<32x256xf32, #tpu.memory_space<hbm>>) dst(%dma_wait3A_228 : memref<32x256xf32, #tpu.memory_space<vmem>>)
      %add3A_232 = arith.constant 4 : i32
      %add3A_233 = arith.addi %add3A_213, %add3A_232 : i32
      %sub3A_234 = arith.constant 1 : i32
      %sub3A_235 = arith.subi %add3A_233, %sub3A_234 : i32
      %lt3A = arith.cmpi slt, %sub3A_235, %select_n3A_46 : i32
      %convert_element_type3A_236 = arith.extui %lt3A : i1 to i32
      %cond3A_237 = arith.constant 0 : i32
      %cond3A_238 = arith.cmpi ne, %convert_element_type3A_236, %cond3A_237 : i32
      scf.if %cond3A_238 {
        %add3A_339 = arith.constant 4 : i32
        %add3A_340 = arith.addi %add3A_213, %add3A_339 : i32
        %sub3A_341 = arith.constant 1 : i32
        %sub3A_342 = arith.subi %add3A_340, %sub3A_341 : i32
        %add3A_343 = arith.constant 4 : i32
        %add3A_344 = arith.addi %while3A_211, %add3A_343 : i32
        %sub3A_345 = arith.constant 1 : i32
        %sub3A_346 = arith.subi %add3A_344, %sub3A_345 : i32
        %rem3A_347 = arith.constant 4 : i32
        %rem3A_348 = arith.remsi %sub3A_346, %rem3A_347 : i32
        %mul3A_349 = arith.constant 256 : i32
        %mul3A_350 = arith.muli %sub3A_342, %mul3A_349 : i32
        %dma_start3A_351 = arith.constant 0 : i32
        %dma_start3A_352 = arith.constant 0 : i32
        %dma_start3A_353 = tpu.memref_slice %arg5[%rem3A_348, %dma_start3A_351, %dma_start3A_352] : memref<4x32x260xf32, #tpu.memory_space<vmem>> -> memref<1x32x256xf32, #tpu.memory_space<vmem>>
        %dma_start3A_354 = tpu.memref_squeeze %dma_start3A_353 : memref<1x32x256xf32, #tpu.memory_space<vmem>> -> memref<32x256xf32, #tpu.memory_space<vmem>>
        %dma_start3A_355 = arith.constant 0 : i32
        %dma_start3A_356 = tpu.memref_slice %arg2[%dma_start3A_355, %mul3A_350] : memref<32x1000001xf32, #tpu.memory_space<hbm>> -> memref<32x256xf32, #tpu.memory_space<hbm>>
        %dma_start3A_357 = tpu.memref_slice %arg7[%rem3A_348] : memref<4x!tpu.dma_semaphore, #tpu.memory_space<semaphore_mem>> -> memref<1x!tpu.dma_semaphore, #tpu.memory_space<semaphore_mem>>
        %dma_start3A_358 = tpu.memref_squeeze %dma_start3A_357 : memref<1x!tpu.dma_semaphore, #tpu.memory_space<semaphore_mem>> -> memref<!tpu.dma_semaphore, #tpu.memory_space<semaphore_mem>>
        %dma_start3A_359 = arith.constant 0 : i32
        %dma_start3A_360 = arith.constant 0 : i32
        %dma_start3A_361 = tpu.memref_slice %arg5[%rem3A_348, %dma_start3A_359, %dma_start3A_360] : memref<4x32x260xf32, #tpu.memory_space<vmem>> -> memref<1x32x256xf32, #tpu.memory_space<vmem>>
        %dma_start3A_362 = tpu.memref_squeeze %dma_start3A_361 : memref<1x32x256xf32, #tpu.memory_space<vmem>> -> memref<32x256xf32, #tpu.memory_space<vmem>>
        %dma_start3A_363 = arith.constant 0 : i32
        %dma_start3A_364 = tpu.memref_slice %arg2[%dma_start3A_363, %mul3A_350] : memref<32x1000001xf32, #tpu.memory_space<hbm>> -> memref<32x256xf32, #tpu.memory_space<hbm>>
        tpu.enqueue_dma source(%dma_start3A_364 : memref<32x256xf32, #tpu.memory_space<hbm>>) target(%dma_start3A_362 : memref<32x256xf32, #tpu.memory_space<vmem>>) target_semaphore(%dma_start3A_358 : memref<!tpu.dma_semaphore, #tpu.memory_space<semaphore_mem>>)
      } else {
      }
      %ge3A = arith.constant 4 : i32
      %ge3A_239 = arith.cmpi sge, %while3A_211, %ge3A : i32
      %convert_element_type3A_240 = arith.extui %ge3A_239 : i1 to i32
      %cond3A_241 = arith.constant 0 : i32
      %cond3A_242 = arith.cmpi ne, %convert_element_type3A_240, %cond3A_241 : i32
      scf.if %cond3A_242 {
        %dma_wait3A_339 = arith.constant 0 : i32
        %dma_wait3A_340 = arith.constant 0 : i32
        %dma_wait3A_341 = tpu.memref_slice %arg6[%rem3A_215, %dma_wait3A_339, %dma_wait3A_340] : memref<4x64x128xf32, #tpu.memory_space<vmem>> -> memref<1x64x128xf32, #tpu.memory_space<vmem>>
        %dma_wait3A_342 = tpu.memref_squeeze %dma_wait3A_341 : memref<1x64x128xf32, #tpu.memory_space<vmem>> -> memref<64x128xf32, #tpu.memory_space<vmem>>
        %dma_wait3A_343 = arith.constant 0 : i32
        %dma_wait3A_344 = arith.constant 0 : i32
        %dma_wait3A_345 = tpu.memref_slice %arg4[%dma_wait3A_343, %dma_wait3A_344] : memref<250016x128xf32, #tpu.memory_space<hbm>> -> memref<64x128xf32, #tpu.memory_space<hbm>>
        %dma_wait3A_346 = tpu.memref_slice %arg8[%rem3A_215] : memref<4x!tpu.dma_semaphore, #tpu.memory_space<semaphore_mem>> -> memref<1x!tpu.dma_semaphore, #tpu.memory_space<semaphore_mem>>
        %dma_wait3A_347 = tpu.memref_squeeze %dma_wait3A_346 : memref<1x!tpu.dma_semaphore, #tpu.memory_space<semaphore_mem>> -> memref<!tpu.dma_semaphore, #tpu.memory_space<semaphore_mem>>
        %dma_wait3A_348 = arith.constant 0 : i32
        %dma_wait3A_349 = arith.constant 0 : i32
        %dma_wait3A_350 = tpu.memref_slice %arg4[%dma_wait3A_348, %dma_wait3A_349] : memref<250016x128xf32, #tpu.memory_space<hbm>> -> memref<64x128xf32, #tpu.memory_space<hbm>>
        %dma_wait3A_351 = arith.constant 0 : i32
        %dma_wait3A_352 = arith.constant 0 : i32
        %dma_wait3A_353 = tpu.memref_slice %arg6[%rem3A_215, %dma_wait3A_351, %dma_wait3A_352] : memref<4x64x128xf32, #tpu.memory_space<vmem>> -> memref<1x64x128xf32, #tpu.memory_space<vmem>>
        %dma_wait3A_354 = tpu.memref_squeeze %dma_wait3A_353 : memref<1x64x128xf32, #tpu.memory_space<vmem>> -> memref<64x128xf32, #tpu.memory_space<vmem>>
        tpu.wait_dma2 semaphore(%dma_wait3A_347 : memref<!tpu.dma_semaphore, #tpu.memory_space<semaphore_mem>>) src(%dma_wait3A_354 : memref<64x128xf32, #tpu.memory_space<vmem>>) dst(%dma_wait3A_350 : memref<64x128xf32, #tpu.memory_space<hbm>>)
      } else {
      }
      %iota3A = tpu.iota {dimensions = array<i32: 0>} : vector<16xi32>
      %mul3A_243 = arith.constant 32 : i32
      %mul3A_244 = vector.broadcast %mul3A_243 : i32 to vector<16xi32>
      %mul3A_245 = arith.muli %iota3A, %mul3A_244 : vector<16xi32>
      %add3A_246 = arith.constant 0 : i32
      %add3A_247 = vector.broadcast %add3A_246 : i32 to vector<16xi32>
      %add3A_248 = arith.addi %iota3A, %add3A_247 : vector<16xi32>
      %add3A_249 = arith.constant 16 : i32
      %add3A_250 = vector.broadcast %add3A_249 : i32 to vector<16xi32>
      %add3A_251 = arith.addi %iota3A, %add3A_250 : vector<16xi32>
      %add3A_252 = arith.constant 0 : i32
      %add3A_253 = vector.broadcast %add3A_252 : i32 to vector<16xi32>
      %add3A_254 = arith.addi %iota3A, %add3A_253 : vector<16xi32>
      %add3A_255 = arith.constant 16 : i32
      %add3A_256 = vector.broadcast %add3A_255 : i32 to vector<16xi32>
      %add3A_257 = arith.addi %iota3A, %add3A_256 : vector<16xi32>
      %add3A_258 = arith.constant 0 : i32
      %add3A_259 = vector.broadcast %add3A_258 : i32 to vector<16xi32>
      %add3A_260 = arith.addi %iota3A, %add3A_259 : vector<16xi32>
      %add3A_261 = arith.constant 16 : i32
      %add3A_262 = vector.broadcast %add3A_261 : i32 to vector<16xi32>
      %add3A_263 = arith.addi %iota3A, %add3A_262 : vector<16xi32>
      %add3A_264 = arith.constant 0 : i32
      %add3A_265 = vector.broadcast %add3A_264 : i32 to vector<16xi32>
      %add3A_266 = arith.addi %iota3A, %add3A_265 : vector<16xi32>
      %add3A_267 = arith.constant 16 : i32
      %add3A_268 = vector.broadcast %add3A_267 : i32 to vector<16xi32>
      %add3A_269 = arith.addi %iota3A, %add3A_268 : vector<16xi32>
      %shift_right_arithmetic3A = arith.constant 2 : i32
      %shift_right_arithmetic3A_270 = vector.broadcast %shift_right_arithmetic3A : i32 to vector<16xi32>
      %shift_right_arithmetic3A_271 = arith.shrsi %iota3A, %shift_right_arithmetic3A_270 : vector<16xi32>
      %add3A_272 = arith.constant 32 : i32
      %add3A_273 = vector.broadcast %add3A_272 : i32 to vector<16xi32>
      %add3A_274 = arith.addi %shift_right_arithmetic3A_271, %add3A_273 : vector<16xi32>
      %shift_right_arithmetic3A_275 = arith.constant 2 : i32
      %shift_right_arithmetic3A_276 = vector.broadcast %shift_right_arithmetic3A_275 : i32 to vector<16xi32>
      %shift_right_arithmetic3A_277 = arith.shrsi %iota3A, %shift_right_arithmetic3A_276 : vector<16xi32>
      %add3A_278 = arith.constant 36 : i32
      %add3A_279 = vector.broadcast %add3A_278 : i32 to vector<16xi32>
      %add3A_280 = arith.addi %shift_right_arithmetic3A_277, %add3A_279 : vector<16xi32>
      %shift_right_arithmetic3A_281 = arith.constant 2 : i32
      %shift_right_arithmetic3A_282 = vector.broadcast %shift_right_arithmetic3A_281 : i32 to vector<16xi32>
      %shift_right_arithmetic3A_283 = arith.shrsi %iota3A, %shift_right_arithmetic3A_282 : vector<16xi32>
      %add3A_284 = arith.constant 40 : i32
      %add3A_285 = vector.broadcast %add3A_284 : i32 to vector<16xi32>
      %add3A_286 = arith.addi %shift_right_arithmetic3A_283, %add3A_285 : vector<16xi32>
      %shift_right_arithmetic3A_287 = arith.constant 2 : i32
      %shift_right_arithmetic3A_288 = vector.broadcast %shift_right_arithmetic3A_287 : i32 to vector<16xi32>
      %shift_right_arithmetic3A_289 = arith.shrsi %iota3A, %shift_right_arithmetic3A_288 : vector<16xi32>
      %add3A_290 = arith.constant 44 : i32
      %add3A_291 = vector.broadcast %add3A_290 : i32 to vector<16xi32>
      %add3A_292 = arith.addi %shift_right_arithmetic3A_289, %add3A_291 : vector<16xi32>
      %shift_right_arithmetic3A_293 = arith.constant 2 : i32
      %shift_right_arithmetic3A_294 = vector.broadcast %shift_right_arithmetic3A_293 : i32 to vector<16xi32>
      %shift_right_arithmetic3A_295 = arith.shrsi %iota3A, %shift_right_arithmetic3A_294 : vector<16xi32>
      %add3A_296 = arith.constant 48 : i32
      %add3A_297 = vector.broadcast %add3A_296 : i32 to vector<16xi32>
      %add3A_298 = arith.addi %shift_right_arithmetic3A_295, %add3A_297 : vector<16xi32>
      %shift_right_arithmetic3A_299 = arith.constant 2 : i32
      %shift_right_arithmetic3A_300 = vector.broadcast %shift_right_arithmetic3A_299 : i32 to vector<16xi32>
      %shift_right_arithmetic3A_301 = arith.shrsi %iota3A, %shift_right_arithmetic3A_300 : vector<16xi32>
      %add3A_302 = arith.constant 52 : i32
      %add3A_303 = vector.broadcast %add3A_302 : i32 to vector<16xi32>
      %add3A_304 = arith.addi %shift_right_arithmetic3A_301, %add3A_303 : vector<16xi32>
      %shift_right_arithmetic3A_305 = arith.constant 2 : i32
      %shift_right_arithmetic3A_306 = vector.broadcast %shift_right_arithmetic3A_305 : i32 to vector<16xi32>
      %shift_right_arithmetic3A_307 = arith.shrsi %iota3A, %shift_right_arithmetic3A_306 : vector<16xi32>
      %add3A_308 = arith.constant 56 : i32
      %add3A_309 = vector.broadcast %add3A_308 : i32 to vector<16xi32>
      %add3A_310 = arith.addi %shift_right_arithmetic3A_307, %add3A_309 : vector<16xi32>
      %shift_right_arithmetic3A_311 = arith.constant 2 : i32
      %shift_right_arithmetic3A_312 = vector.broadcast %shift_right_arithmetic3A_311 : i32 to vector<16xi32>
      %shift_right_arithmetic3A_313 = arith.shrsi %iota3A, %shift_right_arithmetic3A_312 : vector<16xi32>
      %add3A_314 = arith.constant 60 : i32
      %add3A_315 = vector.broadcast %add3A_314 : i32 to vector<16xi32>
      %add3A_316 = arith.addi %shift_right_arithmetic3A_313, %add3A_315 : vector<16xi32>
      %and3A_317 = arith.constant 96 : i32
      %and3A_318 = vector.broadcast %and3A_317 : i32 to vector<16xi32>
      %and3A_319 = arith.andi %mul3A_245, %and3A_318 : vector<16xi32>
      %parallel_loop3A = arith.constant 0 : i32
      %parallel_loop3A_320 = arith.constant 32 : i32
      %parallel_loop3A_321 = arith.constant 1 : i32
      scf.for %parallel_loop3A_339 = %parallel_loop3A to %parallel_loop3A_320 step %parallel_loop3A_321  : i32 {
        %parallel_loop3A_340 = arith.constant 4 : i32
        %parallel_loop3A_341 = arith.muli %parallel_loop3A_340, %parallel_loop3A_339 : i32
        %parallel_loop3A_342 = vector.broadcast %parallel_loop3A_341 : i32 to vector<16xi32>
        %parallel_loop3A_343 = arith.constant 0 : i32
        %parallel_loop3A_344 = vector.broadcast %parallel_loop3A_343 : i32 to vector<16xi32>
        %parallel_loop3A_345 = arith.addi %parallel_loop3A_342, %parallel_loop3A_344 : vector<16xi32>
        %parallel_loop3A_346 = arith.constant 1 : i32
        %parallel_loop3A_347 = vector.broadcast %parallel_loop3A_346 : i32 to vector<16xi32>
        %parallel_loop3A_348 = arith.addi %parallel_loop3A_342, %parallel_loop3A_347 : vector<16xi32>
        %parallel_loop3A_349 = arith.constant 2 : i32
        %parallel_loop3A_350 = vector.broadcast %parallel_loop3A_349 : i32 to vector<16xi32>
        %parallel_loop3A_351 = arith.addi %parallel_loop3A_342, %parallel_loop3A_350 : vector<16xi32>
        %parallel_loop3A_352 = arith.constant 3 : i32
        %parallel_loop3A_353 = vector.broadcast %parallel_loop3A_352 : i32 to vector<16xi32>
        %parallel_loop3A_354 = arith.addi %parallel_loop3A_342, %parallel_loop3A_353 : vector<16xi32>
        %parallel_loop3A_355 = arith.constant 0 : i32
        %parallel_loop3A_356 = arith.constant 0 : i32
        %parallel_loop3A_357 = tpu.memref_slice %arg5[%rem3A_215, %parallel_loop3A_355, %parallel_loop3A_356] : memref<4x32x260xf32, #tpu.memory_space<vmem>> -> memref<1x32x260xf32, #tpu.memory_space<vmem>>
        %parallel_loop3A_358 = tpu.memref_squeeze %parallel_loop3A_357 : memref<1x32x260xf32, #tpu.memory_space<vmem>> -> memref<32x260xf32, #tpu.memory_space<vmem>>
        %parallel_loop3A_359 = tpu.vector_load_idx %parallel_loop3A_358[%add3A_248, %parallel_loop3A_345] : memref<32x260xf32, #tpu.memory_space<vmem>>[vector<16xi32>, vector<16xi32>], vector<16xf32>,
        %parallel_loop3A_360 = arith.index_cast %rem3A_215 : i32 to index
        %parallel_loop3A_361 = arith.index_cast %parallel_loop3A_339 : i32 to index
        %parallel_loop3A_362 = arith.constant 0 : index
        %parallel_loop3A_363 = tpu.vector_load %arg6[%parallel_loop3A_360, %parallel_loop3A_361, %parallel_loop3A_362] {strides = array<i32>} : memref<4x64x128xf32, #tpu.memory_space<vmem>>, vector<16xf32>,
        tpu.vector_store %arg6[%parallel_loop3A_360, %parallel_loop3A_361, %parallel_loop3A_362], %parallel_loop3A_359 {strides = array<i32>} : memref<4x64x128xf32, #tpu.memory_space<vmem>>, vector<16xf32>,
        %parallel_loop3A_364 = arith.constant 0 : i32
        %parallel_loop3A_365 = arith.constant 0 : i32
        %parallel_loop3A_366 = tpu.memref_slice %arg5[%rem3A_215, %parallel_loop3A_364, %parallel_loop3A_365] : memref<4x32x260xf32, #tpu.memory_space<vmem>> -> memref<1x32x260xf32, #tpu.memory_space<vmem>>
        %parallel_loop3A_367 = tpu.memref_squeeze %parallel_loop3A_366 : memref<1x32x260xf32, #tpu.memory_space<vmem>> -> memref<32x260xf32, #tpu.memory_space<vmem>>
        %parallel_loop3A_368 = tpu.vector_load_idx %parallel_loop3A_367[%add3A_251, %parallel_loop3A_345] : memref<32x260xf32, #tpu.memory_space<vmem>>[vector<16xi32>, vector<16xi32>], vector<16xf32>,
        %parallel_loop3A_369 = arith.index_cast %rem3A_215 : i32 to index
        %parallel_loop3A_370 = arith.index_cast %parallel_loop3A_339 : i32 to index
        %parallel_loop3A_371 = arith.constant 16 : index
        %parallel_loop3A_372 = tpu.vector_load %arg6[%parallel_loop3A_369, %parallel_loop3A_370, %parallel_loop3A_371] {strides = array<i32>} : memref<4x64x128xf32, #tpu.memory_space<vmem>>, vector<16xf32>,
        tpu.vector_store %arg6[%parallel_loop3A_369, %parallel_loop3A_370, %parallel_loop3A_371], %parallel_loop3A_368 {strides = array<i32>} : memref<4x64x128xf32, #tpu.memory_space<vmem>>, vector<16xf32>,
        %parallel_loop3A_373 = arith.constant 0 : i32
        %parallel_loop3A_374 = arith.constant 0 : i32
        %parallel_loop3A_375 = tpu.memref_slice %arg5[%rem3A_215, %parallel_loop3A_373, %parallel_loop3A_374] : memref<4x32x260xf32, #tpu.memory_space<vmem>> -> memref<1x32x260xf32, #tpu.memory_space<vmem>>
        %parallel_loop3A_376 = tpu.memref_squeeze %parallel_loop3A_375 : memref<1x32x260xf32, #tpu.memory_space<vmem>> -> memref<32x260xf32, #tpu.memory_space<vmem>>
        %parallel_loop3A_377 = tpu.vector_load_idx %parallel_loop3A_376[%add3A_254, %parallel_loop3A_348] : memref<32x260xf32, #tpu.memory_space<vmem>>[vector<16xi32>, vector<16xi32>], vector<16xf32>,
        %parallel_loop3A_378 = arith.index_cast %rem3A_215 : i32 to index
        %parallel_loop3A_379 = arith.index_cast %parallel_loop3A_339 : i32 to index
        %parallel_loop3A_380 = arith.constant 32 : index
        %parallel_loop3A_381 = tpu.vector_load %arg6[%parallel_loop3A_378, %parallel_loop3A_379, %parallel_loop3A_380] {strides = array<i32>} : memref<4x64x128xf32, #tpu.memory_space<vmem>>, vector<16xf32>,
        tpu.vector_store %arg6[%parallel_loop3A_378, %parallel_loop3A_379, %parallel_loop3A_380], %parallel_loop3A_377 {strides = array<i32>} : memref<4x64x128xf32, #tpu.memory_space<vmem>>, vector<16xf32>,
        %parallel_loop3A_382 = arith.constant 0 : i32
        %parallel_loop3A_383 = arith.constant 0 : i32
        %parallel_loop3A_384 = tpu.memref_slice %arg5[%rem3A_215, %parallel_loop3A_382, %parallel_loop3A_383] : memref<4x32x260xf32, #tpu.memory_space<vmem>> -> memref<1x32x260xf32, #tpu.memory_space<vmem>>
        %parallel_loop3A_385 = tpu.memref_squeeze %parallel_loop3A_384 : memref<1x32x260xf32, #tpu.memory_space<vmem>> -> memref<32x260xf32, #tpu.memory_space<vmem>>
        %parallel_loop3A_386 = tpu.vector_load_idx %parallel_loop3A_385[%add3A_257, %parallel_loop3A_348] : memref<32x260xf32, #tpu.memory_space<vmem>>[vector<16xi32>, vector<16xi32>], vector<16xf32>,
        %parallel_loop3A_387 = arith.index_cast %rem3A_215 : i32 to index
        %parallel_loop3A_388 = arith.index_cast %parallel_loop3A_339 : i32 to index
        %parallel_loop3A_389 = arith.constant 48 : index
        %parallel_loop3A_390 = tpu.vector_load %arg6[%parallel_loop3A_387, %parallel_loop3A_388, %parallel_loop3A_389] {strides = array<i32>} : memref<4x64x128xf32, #tpu.memory_space<vmem>>, vector<16xf32>,
        tpu.vector_store %arg6[%parallel_loop3A_387, %parallel_loop3A_388, %parallel_loop3A_389], %parallel_loop3A_386 {strides = array<i32>} : memref<4x64x128xf32, #tpu.memory_space<vmem>>, vector<16xf32>,
        %parallel_loop3A_391 = arith.constant 0 : i32
        %parallel_loop3A_392 = arith.constant 0 : i32
        %parallel_loop3A_393 = tpu.memref_slice %arg5[%rem3A_215, %parallel_loop3A_391, %parallel_loop3A_392] : memref<4x32x260xf32, #tpu.memory_space<vmem>> -> memref<1x32x260xf32, #tpu.memory_space<vmem>>
        %parallel_loop3A_394 = tpu.memref_squeeze %parallel_loop3A_393 : memref<1x32x260xf32, #tpu.memory_space<vmem>> -> memref<32x260xf32, #tpu.memory_space<vmem>>
        %parallel_loop3A_395 = tpu.vector_load_idx %parallel_loop3A_394[%add3A_260, %parallel_loop3A_351] : memref<32x260xf32, #tpu.memory_space<vmem>>[vector<16xi32>, vector<16xi32>], vector<16xf32>,
        %parallel_loop3A_396 = arith.index_cast %rem3A_215 : i32 to index
        %parallel_loop3A_397 = arith.index_cast %parallel_loop3A_339 : i32 to index
        %parallel_loop3A_398 = arith.constant 64 : index
        %parallel_loop3A_399 = tpu.vector_load %arg6[%parallel_loop3A_396, %parallel_loop3A_397, %parallel_loop3A_398] {strides = array<i32>} : memref<4x64x128xf32, #tpu.memory_space<vmem>>, vector<16xf32>,
        tpu.vector_store %arg6[%parallel_loop3A_396, %parallel_loop3A_397, %parallel_loop3A_398], %parallel_loop3A_395 {strides = array<i32>} : memref<4x64x128xf32, #tpu.memory_space<vmem>>, vector<16xf32>,
        %parallel_loop3A_400 = arith.constant 0 : i32
        %parallel_loop3A_401 = arith.constant 0 : i32
        %parallel_loop3A_402 = tpu.memref_slice %arg5[%rem3A_215, %parallel_loop3A_400, %parallel_loop3A_401] : memref<4x32x260xf32, #tpu.memory_space<vmem>> -> memref<1x32x260xf32, #tpu.memory_space<vmem>>
        %parallel_loop3A_403 = tpu.memref_squeeze %parallel_loop3A_402 : memref<1x32x260xf32, #tpu.memory_space<vmem>> -> memref<32x260xf32, #tpu.memory_space<vmem>>
        %parallel_loop3A_404 = tpu.vector_load_idx %parallel_loop3A_403[%add3A_263, %parallel_loop3A_351] : memref<32x260xf32, #tpu.memory_space<vmem>>[vector<16xi32>, vector<16xi32>], vector<16xf32>,
        %parallel_loop3A_405 = arith.index_cast %rem3A_215 : i32 to index
        %parallel_loop3A_406 = arith.index_cast %parallel_loop3A_339 : i32 to index
        %parallel_loop3A_407 = arith.constant 80 : index
        %parallel_loop3A_408 = tpu.vector_load %arg6[%parallel_loop3A_405, %parallel_loop3A_406, %parallel_loop3A_407] {strides = array<i32>} : memref<4x64x128xf32, #tpu.memory_space<vmem>>, vector<16xf32>,
        tpu.vector_store %arg6[%parallel_loop3A_405, %parallel_loop3A_406, %parallel_loop3A_407], %parallel_loop3A_404 {strides = array<i32>} : memref<4x64x128xf32, #tpu.memory_space<vmem>>, vector<16xf32>,
        %parallel_loop3A_409 = arith.constant 0 : i32
        %parallel_loop3A_410 = arith.constant 0 : i32
        %parallel_loop3A_411 = tpu.memref_slice %arg5[%rem3A_215, %parallel_loop3A_409, %parallel_loop3A_410] : memref<4x32x260xf32, #tpu.memory_space<vmem>> -> memref<1x32x260xf32, #tpu.memory_space<vmem>>
        %parallel_loop3A_412 = tpu.memref_squeeze %parallel_loop3A_411 : memref<1x32x260xf32, #tpu.memory_space<vmem>> -> memref<32x260xf32, #tpu.memory_space<vmem>>
        %parallel_loop3A_413 = tpu.vector_load_idx %parallel_loop3A_412[%add3A_266, %parallel_loop3A_354] : memref<32x260xf32, #tpu.memory_space<vmem>>[vector<16xi32>, vector<16xi32>], vector<16xf32>,
        %parallel_loop3A_414 = arith.index_cast %rem3A_215 : i32 to index
        %parallel_loop3A_415 = arith.index_cast %parallel_loop3A_339 : i32 to index
        %parallel_loop3A_416 = arith.constant 96 : index
        %parallel_loop3A_417 = tpu.vector_load %arg6[%parallel_loop3A_414, %parallel_loop3A_415, %parallel_loop3A_416] {strides = array<i32>} : memref<4x64x128xf32, #tpu.memory_space<vmem>>, vector<16xf32>,
        tpu.vector_store %arg6[%parallel_loop3A_414, %parallel_loop3A_415, %parallel_loop3A_416], %parallel_loop3A_413 {strides = array<i32>} : memref<4x64x128xf32, #tpu.memory_space<vmem>>, vector<16xf32>,
        %parallel_loop3A_418 = arith.constant 0 : i32
        %parallel_loop3A_419 = arith.constant 0 : i32
        %parallel_loop3A_420 = tpu.memref_slice %arg5[%rem3A_215, %parallel_loop3A_418, %parallel_loop3A_419] : memref<4x32x260xf32, #tpu.memory_space<vmem>> -> memref<1x32x260xf32, #tpu.memory_space<vmem>>
        %parallel_loop3A_421 = tpu.memref_squeeze %parallel_loop3A_420 : memref<1x32x260xf32, #tpu.memory_space<vmem>> -> memref<32x260xf32, #tpu.memory_space<vmem>>
        %parallel_loop3A_422 = tpu.vector_load_idx %parallel_loop3A_421[%add3A_269, %parallel_loop3A_354] : memref<32x260xf32, #tpu.memory_space<vmem>>[vector<16xi32>, vector<16xi32>], vector<16xf32>,
        %parallel_loop3A_423 = arith.index_cast %rem3A_215 : i32 to index
        %parallel_loop3A_424 = arith.index_cast %parallel_loop3A_339 : i32 to index
        %parallel_loop3A_425 = arith.constant 112 : index
        %parallel_loop3A_426 = tpu.vector_load %arg6[%parallel_loop3A_423, %parallel_loop3A_424, %parallel_loop3A_425] {strides = array<i32>} : memref<4x64x128xf32, #tpu.memory_space<vmem>>, vector<16xf32>,
        tpu.vector_store %arg6[%parallel_loop3A_423, %parallel_loop3A_424, %parallel_loop3A_425], %parallel_loop3A_422 {strides = array<i32>} : memref<4x64x128xf32, #tpu.memory_space<vmem>>, vector<16xf32>,
        %parallel_loop3A_427 = vector.broadcast %parallel_loop3A_339 : i32 to vector<16xi32>
        %parallel_loop3A_428 = arith.addi %and3A_319, %parallel_loop3A_427 : vector<16xi32>
        %parallel_loop3A_429 = arith.index_cast %rem3A_215 : i32 to index
        %parallel_loop3A_430 = arith.index_cast %parallel_loop3A_339 : i32 to index
        %parallel_loop3A_431 = arith.constant 128 : index
        %parallel_loop3A_432 = tpu.vector_load %arg5[%parallel_loop3A_429, %parallel_loop3A_430, %parallel_loop3A_431] {strides = array<i32>} : memref<4x32x260xf32, #tpu.memory_space<vmem>>, vector<16xf32>,
        %parallel_loop3A_433 = arith.constant 0 : i32
        %parallel_loop3A_434 = arith.constant 0 : i32
        %parallel_loop3A_435 = tpu.memref_slice %arg6[%rem3A_215, %parallel_loop3A_433, %parallel_loop3A_434] : memref<4x64x128xf32, #tpu.memory_space<vmem>> -> memref<1x64x128xf32, #tpu.memory_space<vmem>>
        %parallel_loop3A_436 = tpu.memref_squeeze %parallel_loop3A_435 : memref<1x64x128xf32, #tpu.memory_space<vmem>> -> memref<64x128xf32, #tpu.memory_space<vmem>>
        tpu.vector_store_idx %parallel_loop3A_436[%add3A_274, %parallel_loop3A_428], %parallel_loop3A_432 : memref<64x128xf32, #tpu.memory_space<vmem>>[vector<16xi32>, vector<16xi32>], vector<16xf32>,
        %parallel_loop3A_437 = arith.index_cast %rem3A_215 : i32 to index
        %parallel_loop3A_438 = arith.index_cast %parallel_loop3A_339 : i32 to index
        %parallel_loop3A_439 = arith.constant 144 : index
        %parallel_loop3A_440 = tpu.vector_load %arg5[%parallel_loop3A_437, %parallel_loop3A_438, %parallel_loop3A_439] {strides = array<i32>} : memref<4x32x260xf32, #tpu.memory_space<vmem>>, vector<16xf32>,
        %parallel_loop3A_441 = arith.constant 0 : i32
        %parallel_loop3A_442 = arith.constant 0 : i32
        %parallel_loop3A_443 = tpu.memref_slice %arg6[%rem3A_215, %parallel_loop3A_441, %parallel_loop3A_442] : memref<4x64x128xf32, #tpu.memory_space<vmem>> -> memref<1x64x128xf32, #tpu.memory_space<vmem>>
        %parallel_loop3A_444 = tpu.memref_squeeze %parallel_loop3A_443 : memref<1x64x128xf32, #tpu.memory_space<vmem>> -> memref<64x128xf32, #tpu.memory_space<vmem>>
        tpu.vector_store_idx %parallel_loop3A_444[%add3A_280, %parallel_loop3A_428], %parallel_loop3A_440 : memref<64x128xf32, #tpu.memory_space<vmem>>[vector<16xi32>, vector<16xi32>], vector<16xf32>,
        %parallel_loop3A_445 = arith.index_cast %rem3A_215 : i32 to index
        %parallel_loop3A_446 = arith.index_cast %parallel_loop3A_339 : i32 to index
        %parallel_loop3A_447 = arith.constant 160 : index
        %parallel_loop3A_448 = tpu.vector_load %arg5[%parallel_loop3A_445, %parallel_loop3A_446, %parallel_loop3A_447] {strides = array<i32>} : memref<4x32x260xf32, #tpu.memory_space<vmem>>, vector<16xf32>,
        %parallel_loop3A_449 = arith.constant 0 : i32
        %parallel_loop3A_450 = arith.constant 0 : i32
        %parallel_loop3A_451 = tpu.memref_slice %arg6[%rem3A_215, %parallel_loop3A_449, %parallel_loop3A_450] : memref<4x64x128xf32, #tpu.memory_space<vmem>> -> memref<1x64x128xf32, #tpu.memory_space<vmem>>
        %parallel_loop3A_452 = tpu.memref_squeeze %parallel_loop3A_451 : memref<1x64x128xf32, #tpu.memory_space<vmem>> -> memref<64x128xf32, #tpu.memory_space<vmem>>
        tpu.vector_store_idx %parallel_loop3A_452[%add3A_286, %parallel_loop3A_428], %parallel_loop3A_448 : memref<64x128xf32, #tpu.memory_space<vmem>>[vector<16xi32>, vector<16xi32>], vector<16xf32>,
        %parallel_loop3A_453 = arith.index_cast %rem3A_215 : i32 to index
        %parallel_loop3A_454 = arith.index_cast %parallel_loop3A_339 : i32 to index
        %parallel_loop3A_455 = arith.constant 176 : index
        %parallel_loop3A_456 = tpu.vector_load %arg5[%parallel_loop3A_453, %parallel_loop3A_454, %parallel_loop3A_455] {strides = array<i32>} : memref<4x32x260xf32, #tpu.memory_space<vmem>>, vector<16xf32>,
        %parallel_loop3A_457 = arith.constant 0 : i32
        %parallel_loop3A_458 = arith.constant 0 : i32
        %parallel_loop3A_459 = tpu.memref_slice %arg6[%rem3A_215, %parallel_loop3A_457, %parallel_loop3A_458] : memref<4x64x128xf32, #tpu.memory_space<vmem>> -> memref<1x64x128xf32, #tpu.memory_space<vmem>>
        %parallel_loop3A_460 = tpu.memref_squeeze %parallel_loop3A_459 : memref<1x64x128xf32, #tpu.memory_space<vmem>> -> memref<64x128xf32, #tpu.memory_space<vmem>>
        tpu.vector_store_idx %parallel_loop3A_460[%add3A_292, %parallel_loop3A_428], %parallel_loop3A_456 : memref<64x128xf32, #tpu.memory_space<vmem>>[vector<16xi32>, vector<16xi32>], vector<16xf32>,
        %parallel_loop3A_461 = arith.index_cast %rem3A_215 : i32 to index
        %parallel_loop3A_462 = arith.index_cast %parallel_loop3A_339 : i32 to index
        %parallel_loop3A_463 = arith.constant 192 : index
        %parallel_loop3A_464 = tpu.vector_load %arg5[%parallel_loop3A_461, %parallel_loop3A_462, %parallel_loop3A_463] {strides = array<i32>} : memref<4x32x260xf32, #tpu.memory_space<vmem>>, vector<16xf32>,
        %parallel_loop3A_465 = arith.constant 0 : i32
        %parallel_loop3A_466 = arith.constant 0 : i32
        %parallel_loop3A_467 = tpu.memref_slice %arg6[%rem3A_215, %parallel_loop3A_465, %parallel_loop3A_466] : memref<4x64x128xf32, #tpu.memory_space<vmem>> -> memref<1x64x128xf32, #tpu.memory_space<vmem>>
        %parallel_loop3A_468 = tpu.memref_squeeze %parallel_loop3A_467 : memref<1x64x128xf32, #tpu.memory_space<vmem>> -> memref<64x128xf32, #tpu.memory_space<vmem>>
        tpu.vector_store_idx %parallel_loop3A_468[%add3A_298, %parallel_loop3A_428], %parallel_loop3A_464 : memref<64x128xf32, #tpu.memory_space<vmem>>[vector<16xi32>, vector<16xi32>], vector<16xf32>,
        %parallel_loop3A_469 = arith.index_cast %rem3A_215 : i32 to index
        %parallel_loop3A_470 = arith.index_cast %parallel_loop3A_339 : i32 to index
        %parallel_loop3A_471 = arith.constant 208 : index
        %parallel_loop3A_472 = tpu.vector_load %arg5[%parallel_loop3A_469, %parallel_loop3A_470, %parallel_loop3A_471] {strides = array<i32>} : memref<4x32x260xf32, #tpu.memory_space<vmem>>, vector<16xf32>,
        %parallel_loop3A_473 = arith.constant 0 : i32
        %parallel_loop3A_474 = arith.constant 0 : i32
        %parallel_loop3A_475 = tpu.memref_slice %arg6[%rem3A_215, %parallel_loop3A_473, %parallel_loop3A_474] : memref<4x64x128xf32, #tpu.memory_space<vmem>> -> memref<1x64x128xf32, #tpu.memory_space<vmem>>
        %parallel_loop3A_476 = tpu.memref_squeeze %parallel_loop3A_475 : memref<1x64x128xf32, #tpu.memory_space<vmem>> -> memref<64x128xf32, #tpu.memory_space<vmem>>
        tpu.vector_store_idx %parallel_loop3A_476[%add3A_304, %parallel_loop3A_428], %parallel_loop3A_472 : memref<64x128xf32, #tpu.memory_space<vmem>>[vector<16xi32>, vector<16xi32>], vector<16xf32>,
        %parallel_loop3A_477 = arith.index_cast %rem3A_215 : i32 to index
        %parallel_loop3A_478 = arith.index_cast %parallel_loop3A_339 : i32 to index
        %parallel_loop3A_479 = arith.constant 224 : index
        %parallel_loop3A_480 = tpu.vector_load %arg5[%parallel_loop3A_477, %parallel_loop3A_478, %parallel_loop3A_479] {strides = array<i32>} : memref<4x32x260xf32, #tpu.memory_space<vmem>>, vector<16xf32>,
        %parallel_loop3A_481 = arith.constant 0 : i32
        %parallel_loop3A_482 = arith.constant 0 : i32
        %parallel_loop3A_483 = tpu.memref_slice %arg6[%rem3A_215, %parallel_loop3A_481, %parallel_loop3A_482] : memref<4x64x128xf32, #tpu.memory_space<vmem>> -> memref<1x64x128xf32, #tpu.memory_space<vmem>>
        %parallel_loop3A_484 = tpu.memref_squeeze %parallel_loop3A_483 : memref<1x64x128xf32, #tpu.memory_space<vmem>> -> memref<64x128xf32, #tpu.memory_space<vmem>>
        tpu.vector_store_idx %parallel_loop3A_484[%add3A_310, %parallel_loop3A_428], %parallel_loop3A_480 : memref<64x128xf32, #tpu.memory_space<vmem>>[vector<16xi32>, vector<16xi32>], vector<16xf32>,
        %parallel_loop3A_485 = arith.index_cast %rem3A_215 : i32 to index
        %parallel_loop3A_486 = arith.index_cast %parallel_loop3A_339 : i32 to index
        %parallel_loop3A_487 = arith.constant 240 : index
        %parallel_loop3A_488 = tpu.vector_load %arg5[%parallel_loop3A_485, %parallel_loop3A_486, %parallel_loop3A_487] {strides = array<i32>} : memref<4x32x260xf32, #tpu.memory_space<vmem>>, vector<16xf32>,
        %parallel_loop3A_489 = arith.constant 0 : i32
        %parallel_loop3A_490 = arith.constant 0 : i32
        %parallel_loop3A_491 = tpu.memref_slice %arg6[%rem3A_215, %parallel_loop3A_489, %parallel_loop3A_490] : memref<4x64x128xf32, #tpu.memory_space<vmem>> -> memref<1x64x128xf32, #tpu.memory_space<vmem>>
        %parallel_loop3A_492 = tpu.memref_squeeze %parallel_loop3A_491 : memref<1x64x128xf32, #tpu.memory_space<vmem>> -> memref<64x128xf32, #tpu.memory_space<vmem>>
        tpu.vector_store_idx %parallel_loop3A_492[%add3A_316, %parallel_loop3A_428], %parallel_loop3A_488 : memref<64x128xf32, #tpu.memory_space<vmem>>[vector<16xi32>, vector<16xi32>], vector<16xf32>,
      } {sc.loop_unroll_factor = 4 : i64, sc.parallel_access}
      %mul3A_322 = arith.constant 64 : i32
      %mul3A_323 = arith.muli %add3A_213, %mul3A_322 : i32
      %dma_start3A_324 = arith.constant 0 : i32
      %dma_start3A_325 = arith.constant 0 : i32
      %dma_start3A_326 = tpu.memref_slice %arg6[%rem3A_215, %dma_start3A_324, %dma_start3A_325] : memref<4x64x128xf32, #tpu.memory_space<vmem>> -> memref<1x64x128xf32, #tpu.memory_space<vmem>>
      %dma_start3A_327 = tpu.memref_squeeze %dma_start3A_326 : memref<1x64x128xf32, #tpu.memory_space<vmem>> -> memref<64x128xf32, #tpu.memory_space<vmem>>
      %dma_start3A_328 = arith.constant 0 : i32
      %dma_start3A_329 = tpu.memref_slice %arg4[%mul3A_323, %dma_start3A_328] : memref<250016x128xf32, #tpu.memory_space<hbm>> -> memref<64x128xf32, #tpu.memory_space<hbm>>
      %dma_start3A_330 = tpu.memref_slice %arg8[%rem3A_215] : memref<4x!tpu.dma_semaphore, #tpu.memory_space<semaphore_mem>> -> memref<1x!tpu.dma_semaphore, #tpu.memory_space<semaphore_mem>>
      %dma_start3A_331 = tpu.memref_squeeze %dma_start3A_330 : memref<1x!tpu.dma_semaphore, #tpu.memory_space<semaphore_mem>> -> memref<!tpu.dma_semaphore, #tpu.memory_space<semaphore_mem>>
      %dma_start3A_332 = arith.constant 0 : i32
      %dma_start3A_333 = tpu.memref_slice %arg4[%mul3A_323, %dma_start3A_332] : memref<250016x128xf32, #tpu.memory_space<hbm>> -> memref<64x128xf32, #tpu.memory_space<hbm>>
      %dma_start3A_334 = arith.constant 0 : i32
      %dma_start3A_335 = arith.constant 0 : i32
      %dma_start3A_336 = tpu.memref_slice %arg6[%rem3A_215, %dma_start3A_334, %dma_start3A_335] : memref<4x64x128xf32, #tpu.memory_space<vmem>> -> memref<1x64x128xf32, #tpu.memory_space<vmem>>
      %dma_start3A_337 = tpu.memref_squeeze %dma_start3A_336 : memref<1x64x128xf32, #tpu.memory_space<vmem>> -> memref<64x128xf32, #tpu.memory_space<vmem>>
      tpu.enqueue_dma source(%dma_start3A_337 : memref<64x128xf32, #tpu.memory_space<vmem>>) target(%dma_start3A_333 : memref<64x128xf32, #tpu.memory_space<hbm>>) target_semaphore(%dma_start3A_331 : memref<!tpu.dma_semaphore, #tpu.memory_space<semaphore_mem>>)
      %while3A_338 = arith.constant 0 : i32
      scf.yield %while3A_338 : i32
    }
    %while3A_116 = arith.constant 1 : i32
    %while3A_117 = scf.for %while3A_211 = %while3A_113 to %while3A_109 step %while3A_116 iter_args(%while3A_212 = %while3A_115) -> (i32)  : i32 {
      %add3A_213 = arith.addi %select_n3A, %while3A_211 : i32
      %rem3A_214 = arith.constant 4 : i32
      %rem3A_215 = arith.remsi %while3A_211, %rem3A_214 : i32
      %dma_wait3A_216 = arith.constant 0 : i32
      %dma_wait3A_217 = arith.constant 0 : i32
      %dma_wait3A_218 = tpu.memref_slice %arg5[%rem3A_215, %dma_wait3A_216, %dma_wait3A_217] : memref<4x32x260xf32, #tpu.memory_space<vmem>> -> memref<1x32x256xf32, #tpu.memory_space<vmem>>
      %dma_wait3A_219 = tpu.memref_squeeze %dma_wait3A_218 : memref<1x32x256xf32, #tpu.memory_space<vmem>> -> memref<32x256xf32, #tpu.memory_space<vmem>>
      %dma_wait3A_220 = arith.constant 0 : i32
      %dma_wait3A_221 = arith.constant 0 : i32
      %dma_wait3A_222 = tpu.memref_slice %arg2[%dma_wait3A_220, %dma_wait3A_221] : memref<32x1000001xf32, #tpu.memory_space<hbm>> -> memref<32x256xf32, #tpu.memory_space<hbm>>
      %dma_wait3A_223 = tpu.memref_slice %arg7[%rem3A_215] : memref<4x!tpu.dma_semaphore, #tpu.memory_space<semaphore_mem>> -> memref<1x!tpu.dma_semaphore, #tpu.memory_space<semaphore_mem>>
      %dma_wait3A_224 = tpu.memref_squeeze %dma_wait3A_223 : memref<1x!tpu.dma_semaphore, #tpu.memory_space<semaphore_mem>> -> memref<!tpu.dma_semaphore, #tpu.memory_space<semaphore_mem>>
      %dma_wait3A_225 = arith.constant 0 : i32
      %dma_wait3A_226 = arith.constant 0 : i32
      %dma_wait3A_227 = tpu.memref_slice %arg5[%rem3A_215, %dma_wait3A_225, %dma_wait3A_226] : memref<4x32x260xf32, #tpu.memory_space<vmem>> -> memref<1x32x256xf32, #tpu.memory_space<vmem>>
      %dma_wait3A_228 = tpu.memref_squeeze %dma_wait3A_227 : memref<1x32x256xf32, #tpu.memory_space<vmem>> -> memref<32x256xf32, #tpu.memory_space<vmem>>
      %dma_wait3A_229 = arith.constant 0 : i32
      %dma_wait3A_230 = arith.constant 0 : i32
      %dma_wait3A_231 = tpu.memref_slice %arg2[%dma_wait3A_229, %dma_wait3A_230] : memref<32x1000001xf32, #tpu.memory_space<hbm>> -> memref<32x256xf32, #tpu.memory_space<hbm>>
      tpu.wait_dma2 semaphore(%dma_wait3A_224 : memref<!tpu.dma_semaphore, #tpu.memory_space<semaphore_mem>>) src(%dma_wait3A_231 : memref<32x256xf32, #tpu.memory_space<hbm>>) dst(%dma_wait3A_228 : memref<32x256xf32, #tpu.memory_space<vmem>>)
      %add3A_232 = arith.constant 4 : i32
      %add3A_233 = arith.addi %add3A_213, %add3A_232 : i32
      %sub3A_234 = arith.constant 1 : i32
      %sub3A_235 = arith.subi %add3A_233, %sub3A_234 : i32
      %lt3A = arith.cmpi slt, %sub3A_235, %select_n3A_46 : i32
      %convert_element_type3A_236 = arith.extui %lt3A : i1 to i32
      %cond3A_237 = arith.constant 0 : i32
      %cond3A_238 = arith.cmpi ne, %convert_element_type3A_236, %cond3A_237 : i32
      scf.if %cond3A_238 {
        %add3A_339 = arith.constant 4 : i32
        %add3A_340 = arith.addi %add3A_213, %add3A_339 : i32
        %sub3A_341 = arith.constant 1 : i32
        %sub3A_342 = arith.subi %add3A_340, %sub3A_341 : i32
        %add3A_343 = arith.constant 4 : i32
        %add3A_344 = arith.addi %while3A_211, %add3A_343 : i32
        %sub3A_345 = arith.constant 1 : i32
        %sub3A_346 = arith.subi %add3A_344, %sub3A_345 : i32
        %rem3A_347 = arith.constant 4 : i32
        %rem3A_348 = arith.remsi %sub3A_346, %rem3A_347 : i32
        %mul3A_349 = arith.constant 256 : i32
        %mul3A_350 = arith.muli %sub3A_342, %mul3A_349 : i32
        %dma_start3A_351 = arith.constant 0 : i32
        %dma_start3A_352 = arith.constant 0 : i32
        %dma_start3A_353 = tpu.memref_slice %arg5[%rem3A_348, %dma_start3A_351, %dma_start3A_352] : memref<4x32x260xf32, #tpu.memory_space<vmem>> -> memref<1x32x256xf32, #tpu.memory_space<vmem>>
        %dma_start3A_354 = tpu.memref_squeeze %dma_start3A_353 : memref<1x32x256xf32, #tpu.memory_space<vmem>> -> memref<32x256xf32, #tpu.memory_space<vmem>>
        %dma_start3A_355 = arith.constant 0 : i32
        %dma_start3A_356 = tpu.memref_slice %arg2[%dma_start3A_355, %mul3A_350] : memref<32x1000001xf32, #tpu.memory_space<hbm>> -> memref<32x256xf32, #tpu.memory_space<hbm>>
        %dma_start3A_357 = tpu.memref_slice %arg7[%rem3A_348] : memref<4x!tpu.dma_semaphore, #tpu.memory_space<semaphore_mem>> -> memref<1x!tpu.dma_semaphore, #tpu.memory_space<semaphore_mem>>
        %dma_start3A_358 = tpu.memref_squeeze %dma_start3A_357 : memref<1x!tpu.dma_semaphore, #tpu.memory_space<semaphore_mem>> -> memref<!tpu.dma_semaphore, #tpu.memory_space<semaphore_mem>>
        %dma_start3A_359 = arith.constant 0 : i32
        %dma_start3A_360 = arith.constant 0 : i32
        %dma_start3A_361 = tpu.memref_slice %arg5[%rem3A_348, %dma_start3A_359, %dma_start3A_360] : memref<4x32x260xf32, #tpu.memory_space<vmem>> -> memref<1x32x256xf32, #tpu.memory_space<vmem>>
        %dma_start3A_362 = tpu.memref_squeeze %dma_start3A_361 : memref<1x32x256xf32, #tpu.memory_space<vmem>> -> memref<32x256xf32, #tpu.memory_space<vmem>>
        %dma_start3A_363 = arith.constant 0 : i32
        %dma_start3A_364 = tpu.memref_slice %arg2[%dma_start3A_363, %mul3A_350] : memref<32x1000001xf32, #tpu.memory_space<hbm>> -> memref<32x256xf32, #tpu.memory_space<hbm>>
        tpu.enqueue_dma source(%dma_start3A_364 : memref<32x256xf32, #tpu.memory_space<hbm>>) target(%dma_start3A_362 : memref<32x256xf32, #tpu.memory_space<vmem>>) target_semaphore(%dma_start3A_358 : memref<!tpu.dma_semaphore, #tpu.memory_space<semaphore_mem>>)
      } else {
      }
      %ge3A = arith.constant 4 : i32
      %ge3A_239 = arith.cmpi sge, %while3A_211, %ge3A : i32
      %convert_element_type3A_240 = arith.extui %ge3A_239 : i1 to i32
      %cond3A_241 = arith.constant 0 : i32
      %cond3A_242 = arith.cmpi ne, %convert_element_type3A_240, %cond3A_241 : i32
      scf.if %cond3A_242 {
        %dma_wait3A_339 = arith.constant 0 : i32
        %dma_wait3A_340 = arith.constant 0 : i32
        %dma_wait3A_341 = tpu.memref_slice %arg6[%rem3A_215, %dma_wait3A_339, %dma_wait3A_340] : memref<4x64x128xf32, #tpu.memory_space<vmem>> -> memref<1x64x128xf32, #tpu.memory_space<vmem>>
        %dma_wait3A_342 = tpu.memref_squeeze %dma_wait3A_341 : memref<1x64x128xf32, #tpu.memory_space<vmem>> -> memref<64x128xf32, #tpu.memory_space<vmem>>
        %dma_wait3A_343 = arith.constant 0 : i32
        %dma_wait3A_344 = arith.constant 0 : i32
        %dma_wait3A_345 = tpu.memref_slice %arg4[%dma_wait3A_343, %dma_wait3A_344] : memref<250016x128xf32, #tpu.memory_space<hbm>> -> memref<64x128xf32, #tpu.memory_space<hbm>>
        %dma_wait3A_346 = tpu.memref_slice %arg8[%rem3A_215] : memref<4x!tpu.dma_semaphore, #tpu.memory_space<semaphore_mem>> -> memref<1x!tpu.dma_semaphore, #tpu.memory_space<semaphore_mem>>
        %dma_wait3A_347 = tpu.memref_squeeze %dma_wait3A_346 : memref<1x!tpu.dma_semaphore, #tpu.memory_space<semaphore_mem>> -> memref<!tpu.dma_semaphore, #tpu.memory_space<semaphore_mem>>
        %dma_wait3A_348 = arith.constant 0 : i32
        %dma_wait3A_349 = arith.constant 0 : i32
        %dma_wait3A_350 = tpu.memref_slice %arg4[%dma_wait3A_348, %dma_wait3A_349] : memref<250016x128xf32, #tpu.memory_space<hbm>> -> memref<64x128xf32, #tpu.memory_space<hbm>>
        %dma_wait3A_351 = arith.constant 0 : i32
        %dma_wait3A_352 = arith.constant 0 : i32
        %dma_wait3A_353 = tpu.memref_slice %arg6[%rem3A_215, %dma_wait3A_351, %dma_wait3A_352] : memref<4x64x128xf32, #tpu.memory_space<vmem>> -> memref<1x64x128xf32, #tpu.memory_space<vmem>>
        %dma_wait3A_354 = tpu.memref_squeeze %dma_wait3A_353 : memref<1x64x128xf32, #tpu.memory_space<vmem>> -> memref<64x128xf32, #tpu.memory_space<vmem>>
        tpu.wait_dma2 semaphore(%dma_wait3A_347 : memref<!tpu.dma_semaphore, #tpu.memory_space<semaphore_mem>>) src(%dma_wait3A_354 : memref<64x128xf32, #tpu.memory_space<vmem>>) dst(%dma_wait3A_350 : memref<64x128xf32, #tpu.memory_space<hbm>>)
      } else {
      }
      %iota3A = tpu.iota {dimensions = array<i32: 0>} : vector<16xi32>
      %mul3A_243 = arith.constant 32 : i32
      %mul3A_244 = vector.broadcast %mul3A_243 : i32 to vector<16xi32>
      %mul3A_245 = arith.muli %iota3A, %mul3A_244 : vector<16xi32>
      %add3A_246 = arith.constant 0 : i32
      %add3A_247 = vector.broadcast %add3A_246 : i32 to vector<16xi32>
      %add3A_248 = arith.addi %iota3A, %add3A_247 : vector<16xi32>
      %add3A_249 = arith.constant 16 : i32
      %add3A_250 = vector.broadcast %add3A_249 : i32 to vector<16xi32>
      %add3A_251 = arith.addi %iota3A, %add3A_250 : vector<16xi32>
      %add3A_252 = arith.constant 0 : i32
      %add3A_253 = vector.broadcast %add3A_252 : i32 to vector<16xi32>
      %add3A_254 = arith.addi %iota3A, %add3A_253 : vector<16xi32>
      %add3A_255 = arith.constant 16 : i32
      %add3A_256 = vector.broadcast %add3A_255 : i32 to vector<16xi32>
      %add3A_257 = arith.addi %iota3A, %add3A_256 : vector<16xi32>
      %add3A_258 = arith.constant 0 : i32
      %add3A_259 = vector.broadcast %add3A_258 : i32 to vector<16xi32>
      %add3A_260 = arith.addi %iota3A, %add3A_259 : vector<16xi32>
      %add3A_261 = arith.constant 16 : i32
      %add3A_262 = vector.broadcast %add3A_261 : i32 to vector<16xi32>
      %add3A_263 = arith.addi %iota3A, %add3A_262 : vector<16xi32>
      %add3A_264 = arith.constant 0 : i32
      %add3A_265 = vector.broadcast %add3A_264 : i32 to vector<16xi32>
      %add3A_266 = arith.addi %iota3A, %add3A_265 : vector<16xi32>
      %add3A_267 = arith.constant 16 : i32
      %add3A_268 = vector.broadcast %add3A_267 : i32 to vector<16xi32>
      %add3A_269 = arith.addi %iota3A, %add3A_268 : vector<16xi32>
      %shift_right_arithmetic3A = arith.constant 2 : i32
      %shift_right_arithmetic3A_270 = vector.broadcast %shift_right_arithmetic3A : i32 to vector<16xi32>
      %shift_right_arithmetic3A_271 = arith.shrsi %iota3A, %shift_right_arithmetic3A_270 : vector<16xi32>
      %add3A_272 = arith.constant 32 : i32
      %add3A_273 = vector.broadcast %add3A_272 : i32 to vector<16xi32>
      %add3A_274 = arith.addi %shift_right_arithmetic3A_271, %add3A_273 : vector<16xi32>
      %shift_right_arithmetic3A_275 = arith.constant 2 : i32
      %shift_right_arithmetic3A_276 = vector.broadcast %shift_right_arithmetic3A_275 : i32 to vector<16xi32>
      %shift_right_arithmetic3A_277 = arith.shrsi %iota3A, %shift_right_arithmetic3A_276 : vector<16xi32>
      %add3A_278 = arith.constant 36 : i32
      %add3A_279 = vector.broadcast %add3A_278 : i32 to vector<16xi32>
      %add3A_280 = arith.addi %shift_right_arithmetic3A_277, %add3A_279 : vector<16xi32>
      %shift_right_arithmetic3A_281 = arith.constant 2 : i32
      %shift_right_arithmetic3A_282 = vector.broadcast %shift_right_arithmetic3A_281 : i32 to vector<16xi32>
      %shift_right_arithmetic3A_283 = arith.shrsi %iota3A, %shift_right_arithmetic3A_282 : vector<16xi32>
      %add3A_284 = arith.constant 40 : i32
      %add3A_285 = vector.broadcast %add3A_284 : i32 to vector<16xi32>
      %add3A_286 = arith.addi %shift_right_arithmetic3A_283, %add3A_285 : vector<16xi32>
      %shift_right_arithmetic3A_287 = arith.constant 2 : i32
      %shift_right_arithmetic3A_288 = vector.broadcast %shift_right_arithmetic3A_287 : i32 to vector<16xi32>
      %shift_right_arithmetic3A_289 = arith.shrsi %iota3A, %shift_right_arithmetic3A_288 : vector<16xi32>
      %add3A_290 = arith.constant 44 : i32
      %add3A_291 = vector.broadcast %add3A_290 : i32 to vector<16xi32>
      %add3A_292 = arith.addi %shift_right_arithmetic3A_289, %add3A_291 : vector<16xi32>
      %shift_right_arithmetic3A_293 = arith.constant 2 : i32
      %shift_right_arithmetic3A_294 = vector.broadcast %shift_right_arithmetic3A_293 : i32 to vector<16xi32>
      %shift_right_arithmetic3A_295 = arith.shrsi %iota3A, %shift_right_arithmetic3A_294 : vector<16xi32>
      %add3A_296 = arith.constant 48 : i32
      %add3A_297 = vector.broadcast %add3A_296 : i32 to vector<16xi32>
      %add3A_298 = arith.addi %shift_right_arithmetic3A_295, %add3A_297 : vector<16xi32>
      %shift_right_arithmetic3A_299 = arith.constant 2 : i32
      %shift_right_arithmetic3A_300 = vector.broadcast %shift_right_arithmetic3A_299 : i32 to vector<16xi32>
      %shift_right_arithmetic3A_301 = arith.shrsi %iota3A, %shift_right_arithmetic3A_300 : vector<16xi32>
      %add3A_302 = arith.constant 52 : i32
      %add3A_303 = vector.broadcast %add3A_302 : i32 to vector<16xi32>
      %add3A_304 = arith.addi %shift_right_arithmetic3A_301, %add3A_303 : vector<16xi32>
      %shift_right_arithmetic3A_305 = arith.constant 2 : i32
      %shift_right_arithmetic3A_306 = vector.broadcast %shift_right_arithmetic3A_305 : i32 to vector<16xi32>
      %shift_right_arithmetic3A_307 = arith.shrsi %iota3A, %shift_right_arithmetic3A_306 : vector<16xi32>
      %add3A_308 = arith.constant 56 : i32
      %add3A_309 = vector.broadcast %add3A_308 : i32 to vector<16xi32>
      %add3A_310 = arith.addi %shift_right_arithmetic3A_307, %add3A_309 : vector<16xi32>
      %shift_right_arithmetic3A_311 = arith.constant 2 : i32
      %shift_right_arithmetic3A_312 = vector.broadcast %shift_right_arithmetic3A_311 : i32 to vector<16xi32>
      %shift_right_arithmetic3A_313 = arith.shrsi %iota3A, %shift_right_arithmetic3A_312 : vector<16xi32>
      %add3A_314 = arith.constant 60 : i32
      %add3A_315 = vector.broadcast %add3A_314 : i32 to vector<16xi32>
      %add3A_316 = arith.addi %shift_right_arithmetic3A_313, %add3A_315 : vector<16xi32>
      %and3A_317 = arith.constant 96 : i32
      %and3A_318 = vector.broadcast %and3A_317 : i32 to vector<16xi32>
      %and3A_319 = arith.andi %mul3A_245, %and3A_318 : vector<16xi32>
      %parallel_loop3A = arith.constant 0 : i32
      %parallel_loop3A_320 = arith.constant 32 : i32
      %parallel_loop3A_321 = arith.constant 1 : i32
      scf.for %parallel_loop3A_339 = %parallel_loop3A to %parallel_loop3A_320 step %parallel_loop3A_321  : i32 {
        %parallel_loop3A_340 = arith.constant 4 : i32
        %parallel_loop3A_341 = arith.muli %parallel_loop3A_340, %parallel_loop3A_339 : i32
        %parallel_loop3A_342 = vector.broadcast %parallel_loop3A_341 : i32 to vector<16xi32>
        %parallel_loop3A_343 = arith.constant 0 : i32
        %parallel_loop3A_344 = vector.broadcast %parallel_loop3A_343 : i32 to vector<16xi32>
        %parallel_loop3A_345 = arith.addi %parallel_loop3A_342, %parallel_loop3A_344 : vector<16xi32>
        %parallel_loop3A_346 = arith.constant 1 : i32
        %parallel_loop3A_347 = vector.broadcast %parallel_loop3A_346 : i32 to vector<16xi32>
        %parallel_loop3A_348 = arith.addi %parallel_loop3A_342, %parallel_loop3A_347 : vector<16xi32>
        %parallel_loop3A_349 = arith.constant 2 : i32
        %parallel_loop3A_350 = vector.broadcast %parallel_loop3A_349 : i32 to vector<16xi32>
        %parallel_loop3A_351 = arith.addi %parallel_loop3A_342, %parallel_loop3A_350 : vector<16xi32>
        %parallel_loop3A_352 = arith.constant 3 : i32
        %parallel_loop3A_353 = vector.broadcast %parallel_loop3A_352 : i32 to vector<16xi32>
        %parallel_loop3A_354 = arith.addi %parallel_loop3A_342, %parallel_loop3A_353 : vector<16xi32>
        %parallel_loop3A_355 = arith.constant 0 : i32
        %parallel_loop3A_356 = arith.constant 0 : i32
        %parallel_loop3A_357 = tpu.memref_slice %arg5[%rem3A_215, %parallel_loop3A_355, %parallel_loop3A_356] : memref<4x32x260xf32, #tpu.memory_space<vmem>> -> memref<1x32x260xf32, #tpu.memory_space<vmem>>
        %parallel_loop3A_358 = tpu.memref_squeeze %parallel_loop3A_357 : memref<1x32x260xf32, #tpu.memory_space<vmem>> -> memref<32x260xf32, #tpu.memory_space<vmem>>
        %parallel_loop3A_359 = tpu.vector_load_idx %parallel_loop3A_358[%add3A_248, %parallel_loop3A_345] : memref<32x260xf32, #tpu.memory_space<vmem>>[vector<16xi32>, vector<16xi32>], vector<16xf32>,
        %parallel_loop3A_360 = arith.index_cast %rem3A_215 : i32 to index
        %parallel_loop3A_361 = arith.index_cast %parallel_loop3A_339 : i32 to index
        %parallel_loop3A_362 = arith.constant 0 : index
        %parallel_loop3A_363 = tpu.vector_load %arg6[%parallel_loop3A_360, %parallel_loop3A_361, %parallel_loop3A_362] {strides = array<i32>} : memref<4x64x128xf32, #tpu.memory_space<vmem>>, vector<16xf32>,
        tpu.vector_store %arg6[%parallel_loop3A_360, %parallel_loop3A_361, %parallel_loop3A_362], %parallel_loop3A_359 {strides = array<i32>} : memref<4x64x128xf32, #tpu.memory_space<vmem>>, vector<16xf32>,
        %parallel_loop3A_364 = arith.constant 0 : i32
        %parallel_loop3A_365 = arith.constant 0 : i32
        %parallel_loop3A_366 = tpu.memref_slice %arg5[%rem3A_215, %parallel_loop3A_364, %parallel_loop3A_365] : memref<4x32x260xf32, #tpu.memory_space<vmem>> -> memref<1x32x260xf32, #tpu.memory_space<vmem>>
        %parallel_loop3A_367 = tpu.memref_squeeze %parallel_loop3A_366 : memref<1x32x260xf32, #tpu.memory_space<vmem>> -> memref<32x260xf32, #tpu.memory_space<vmem>>
        %parallel_loop3A_368 = tpu.vector_load_idx %parallel_loop3A_367[%add3A_251, %parallel_loop3A_345] : memref<32x260xf32, #tpu.memory_space<vmem>>[vector<16xi32>, vector<16xi32>], vector<16xf32>,
        %parallel_loop3A_369 = arith.index_cast %rem3A_215 : i32 to index
        %parallel_loop3A_370 = arith.index_cast %parallel_loop3A_339 : i32 to index
        %parallel_loop3A_371 = arith.constant 16 : index
        %parallel_loop3A_372 = tpu.vector_load %arg6[%parallel_loop3A_369, %parallel_loop3A_370, %parallel_loop3A_371] {strides = array<i32>} : memref<4x64x128xf32, #tpu.memory_space<vmem>>, vector<16xf32>,
        tpu.vector_store %arg6[%parallel_loop3A_369, %parallel_loop3A_370, %parallel_loop3A_371], %parallel_loop3A_368 {strides = array<i32>} : memref<4x64x128xf32, #tpu.memory_space<vmem>>, vector<16xf32>,
        %parallel_loop3A_373 = arith.constant 0 : i32
        %parallel_loop3A_374 = arith.constant 0 : i32
        %parallel_loop3A_375 = tpu.memref_slice %arg5[%rem3A_215, %parallel_loop3A_373, %parallel_loop3A_374] : memref<4x32x260xf32, #tpu.memory_space<vmem>> -> memref<1x32x260xf32, #tpu.memory_space<vmem>>
        %parallel_loop3A_376 = tpu.memref_squeeze %parallel_loop3A_375 : memref<1x32x260xf32, #tpu.memory_space<vmem>> -> memref<32x260xf32, #tpu.memory_space<vmem>>
        %parallel_loop3A_377 = tpu.vector_load_idx %parallel_loop3A_376[%add3A_254, %parallel_loop3A_348] : memref<32x260xf32, #tpu.memory_space<vmem>>[vector<16xi32>, vector<16xi32>], vector<16xf32>,
        %parallel_loop3A_378 = arith.index_cast %rem3A_215 : i32 to index
        %parallel_loop3A_379 = arith.index_cast %parallel_loop3A_339 : i32 to index
        %parallel_loop3A_380 = arith.constant 32 : index
        %parallel_loop3A_381 = tpu.vector_load %arg6[%parallel_loop3A_378, %parallel_loop3A_379, %parallel_loop3A_380] {strides = array<i32>} : memref<4x64x128xf32, #tpu.memory_space<vmem>>, vector<16xf32>,
        tpu.vector_store %arg6[%parallel_loop3A_378, %parallel_loop3A_379, %parallel_loop3A_380], %parallel_loop3A_377 {strides = array<i32>} : memref<4x64x128xf32, #tpu.memory_space<vmem>>, vector<16xf32>,
        %parallel_loop3A_382 = arith.constant 0 : i32
        %parallel_loop3A_383 = arith.constant 0 : i32
        %parallel_loop3A_384 = tpu.memref_slice %arg5[%rem3A_215, %parallel_loop3A_382, %parallel_loop3A_383] : memref<4x32x260xf32, #tpu.memory_space<vmem>> -> memref<1x32x260xf32, #tpu.memory_space<vmem>>
        %parallel_loop3A_385 = tpu.memref_squeeze %parallel_loop3A_384 : memref<1x32x260xf32, #tpu.memory_space<vmem>> -> memref<32x260xf32, #tpu.memory_space<vmem>>
        %parallel_loop3A_386 = tpu.vector_load_idx %parallel_loop3A_385[%add3A_257, %parallel_loop3A_348] : memref<32x260xf32, #tpu.memory_space<vmem>>[vector<16xi32>, vector<16xi32>], vector<16xf32>,
        %parallel_loop3A_387 = arith.index_cast %rem3A_215 : i32 to index
        %parallel_loop3A_388 = arith.index_cast %parallel_loop3A_339 : i32 to index
        %parallel_loop3A_389 = arith.constant 48 : index
        %parallel_loop3A_390 = tpu.vector_load %arg6[%parallel_loop3A_387, %parallel_loop3A_388, %parallel_loop3A_389] {strides = array<i32>} : memref<4x64x128xf32, #tpu.memory_space<vmem>>, vector<16xf32>,
        tpu.vector_store %arg6[%parallel_loop3A_387, %parallel_loop3A_388, %parallel_loop3A_389], %parallel_loop3A_386 {strides = array<i32>} : memref<4x64x128xf32, #tpu.memory_space<vmem>>, vector<16xf32>,
        %parallel_loop3A_391 = arith.constant 0 : i32
        %parallel_loop3A_392 = arith.constant 0 : i32
        %parallel_loop3A_393 = tpu.memref_slice %arg5[%rem3A_215, %parallel_loop3A_391, %parallel_loop3A_392] : memref<4x32x260xf32, #tpu.memory_space<vmem>> -> memref<1x32x260xf32, #tpu.memory_space<vmem>>
        %parallel_loop3A_394 = tpu.memref_squeeze %parallel_loop3A_393 : memref<1x32x260xf32, #tpu.memory_space<vmem>> -> memref<32x260xf32, #tpu.memory_space<vmem>>
        %parallel_loop3A_395 = tpu.vector_load_idx %parallel_loop3A_394[%add3A_260, %parallel_loop3A_351] : memref<32x260xf32, #tpu.memory_space<vmem>>[vector<16xi32>, vector<16xi32>], vector<16xf32>,
        %parallel_loop3A_396 = arith.index_cast %rem3A_215 : i32 to index
        %parallel_loop3A_397 = arith.index_cast %parallel_loop3A_339 : i32 to index
        %parallel_loop3A_398 = arith.constant 64 : index
        %parallel_loop3A_399 = tpu.vector_load %arg6[%parallel_loop3A_396, %parallel_loop3A_397, %parallel_loop3A_398] {strides = array<i32>} : memref<4x64x128xf32, #tpu.memory_space<vmem>>, vector<16xf32>,
        tpu.vector_store %arg6[%parallel_loop3A_396, %parallel_loop3A_397, %parallel_loop3A_398], %parallel_loop3A_395 {strides = array<i32>} : memref<4x64x128xf32, #tpu.memory_space<vmem>>, vector<16xf32>,
        %parallel_loop3A_400 = arith.constant 0 : i32
        %parallel_loop3A_401 = arith.constant 0 : i32
        %parallel_loop3A_402 = tpu.memref_slice %arg5[%rem3A_215, %parallel_loop3A_400, %parallel_loop3A_401] : memref<4x32x260xf32, #tpu.memory_space<vmem>> -> memref<1x32x260xf32, #tpu.memory_space<vmem>>
        %parallel_loop3A_403 = tpu.memref_squeeze %parallel_loop3A_402 : memref<1x32x260xf32, #tpu.memory_space<vmem>> -> memref<32x260xf32, #tpu.memory_space<vmem>>
        %parallel_loop3A_404 = tpu.vector_load_idx %parallel_loop3A_403[%add3A_263, %parallel_loop3A_351] : memref<32x260xf32, #tpu.memory_space<vmem>>[vector<16xi32>, vector<16xi32>], vector<16xf32>,
        %parallel_loop3A_405 = arith.index_cast %rem3A_215 : i32 to index
        %parallel_loop3A_406 = arith.index_cast %parallel_loop3A_339 : i32 to index
        %parallel_loop3A_407 = arith.constant 80 : index
        %parallel_loop3A_408 = tpu.vector_load %arg6[%parallel_loop3A_405, %parallel_loop3A_406, %parallel_loop3A_407] {strides = array<i32>} : memref<4x64x128xf32, #tpu.memory_space<vmem>>, vector<16xf32>,
        tpu.vector_store %arg6[%parallel_loop3A_405, %parallel_loop3A_406, %parallel_loop3A_407], %parallel_loop3A_404 {strides = array<i32>} : memref<4x64x128xf32, #tpu.memory_space<vmem>>, vector<16xf32>,
        %parallel_loop3A_409 = arith.constant 0 : i32
        %parallel_loop3A_410 = arith.constant 0 : i32
        %parallel_loop3A_411 = tpu.memref_slice %arg5[%rem3A_215, %parallel_loop3A_409, %parallel_loop3A_410] : memref<4x32x260xf32, #tpu.memory_space<vmem>> -> memref<1x32x260xf32, #tpu.memory_space<vmem>>
        %parallel_loop3A_412 = tpu.memref_squeeze %parallel_loop3A_411 : memref<1x32x260xf32, #tpu.memory_space<vmem>> -> memref<32x260xf32, #tpu.memory_space<vmem>>
        %parallel_loop3A_413 = tpu.vector_load_idx %parallel_loop3A_412[%add3A_266, %parallel_loop3A_354] : memref<32x260xf32, #tpu.memory_space<vmem>>[vector<16xi32>, vector<16xi32>], vector<16xf32>,
        %parallel_loop3A_414 = arith.index_cast %rem3A_215 : i32 to index
        %parallel_loop3A_415 = arith.index_cast %parallel_loop3A_339 : i32 to index
        %parallel_loop3A_416 = arith.constant 96 : index
        %parallel_loop3A_417 = tpu.vector_load %arg6[%parallel_loop3A_414, %parallel_loop3A_415, %parallel_loop3A_416] {strides = array<i32>} : memref<4x64x128xf32, #tpu.memory_space<vmem>>, vector<16xf32>,
        tpu.vector_store %arg6[%parallel_loop3A_414, %parallel_loop3A_415, %parallel_loop3A_416], %parallel_loop3A_413 {strides = array<i32>} : memref<4x64x128xf32, #tpu.memory_space<vmem>>, vector<16xf32>,
        %parallel_loop3A_418 = arith.constant 0 : i32
        %parallel_loop3A_419 = arith.constant 0 : i32
        %parallel_loop3A_420 = tpu.memref_slice %arg5[%rem3A_215, %parallel_loop3A_418, %parallel_loop3A_419] : memref<4x32x260xf32, #tpu.memory_space<vmem>> -> memref<1x32x260xf32, #tpu.memory_space<vmem>>
        %parallel_loop3A_421 = tpu.memref_squeeze %parallel_loop3A_420 : memref<1x32x260xf32, #tpu.memory_space<vmem>> -> memref<32x260xf32, #tpu.memory_space<vmem>>
        %parallel_loop3A_422 = tpu.vector_load_idx %parallel_loop3A_421[%add3A_269, %parallel_loop3A_354] : memref<32x260xf32, #tpu.memory_space<vmem>>[vector<16xi32>, vector<16xi32>], vector<16xf32>,
        %parallel_loop3A_423 = arith.index_cast %rem3A_215 : i32 to index
        %parallel_loop3A_424 = arith.index_cast %parallel_loop3A_339 : i32 to index
        %parallel_loop3A_425 = arith.constant 112 : index
        %parallel_loop3A_426 = tpu.vector_load %arg6[%parallel_loop3A_423, %parallel_loop3A_424, %parallel_loop3A_425] {strides = array<i32>} : memref<4x64x128xf32, #tpu.memory_space<vmem>>, vector<16xf32>,
        tpu.vector_store %arg6[%parallel_loop3A_423, %parallel_loop3A_424, %parallel_loop3A_425], %parallel_loop3A_422 {strides = array<i32>} : memref<4x64x128xf32, #tpu.memory_space<vmem>>, vector<16xf32>,
        %parallel_loop3A_427 = vector.broadcast %parallel_loop3A_339 : i32 to vector<16xi32>
        %parallel_loop3A_428 = arith.addi %and3A_319, %parallel_loop3A_427 : vector<16xi32>
        %parallel_loop3A_429 = arith.index_cast %rem3A_215 : i32 to index
        %parallel_loop3A_430 = arith.index_cast %parallel_loop3A_339 : i32 to index
        %parallel_loop3A_431 = arith.constant 128 : index
        %parallel_loop3A_432 = tpu.vector_load %arg5[%parallel_loop3A_429, %parallel_loop3A_430, %parallel_loop3A_431] {strides = array<i32>} : memref<4x32x260xf32, #tpu.memory_space<vmem>>, vector<16xf32>,
        %parallel_loop3A_433 = arith.constant 0 : i32
        %parallel_loop3A_434 = arith.constant 0 : i32
        %parallel_loop3A_435 = tpu.memref_slice %arg6[%rem3A_215, %parallel_loop3A_433, %parallel_loop3A_434] : memref<4x64x128xf32, #tpu.memory_space<vmem>> -> memref<1x64x128xf32, #tpu.memory_space<vmem>>
        %parallel_loop3A_436 = tpu.memref_squeeze %parallel_loop3A_435 : memref<1x64x128xf32, #tpu.memory_space<vmem>> -> memref<64x128xf32, #tpu.memory_space<vmem>>
        tpu.vector_store_idx %parallel_loop3A_436[%add3A_274, %parallel_loop3A_428], %parallel_loop3A_432 : memref<64x128xf32, #tpu.memory_space<vmem>>[vector<16xi32>, vector<16xi32>], vector<16xf32>,
        %parallel_loop3A_437 = arith.index_cast %rem3A_215 : i32 to index
        %parallel_loop3A_438 = arith.index_cast %parallel_loop3A_339 : i32 to index
        %parallel_loop3A_439 = arith.constant 144 : index
        %parallel_loop3A_440 = tpu.vector_load %arg5[%parallel_loop3A_437, %parallel_loop3A_438, %parallel_loop3A_439] {strides = array<i32>} : memref<4x32x260xf32, #tpu.memory_space<vmem>>, vector<16xf32>,
        %parallel_loop3A_441 = arith.constant 0 : i32
        %parallel_loop3A_442 = arith.constant 0 : i32
        %parallel_loop3A_443 = tpu.memref_slice %arg6[%rem3A_215, %parallel_loop3A_441, %parallel_loop3A_442] : memref<4x64x128xf32, #tpu.memory_space<vmem>> -> memref<1x64x128xf32, #tpu.memory_space<vmem>>
        %parallel_loop3A_444 = tpu.memref_squeeze %parallel_loop3A_443 : memref<1x64x128xf32, #tpu.memory_space<vmem>> -> memref<64x128xf32, #tpu.memory_space<vmem>>
        tpu.vector_store_idx %parallel_loop3A_444[%add3A_280, %parallel_loop3A_428], %parallel_loop3A_440 : memref<64x128xf32, #tpu.memory_space<vmem>>[vector<16xi32>, vector<16xi32>], vector<16xf32>,
        %parallel_loop3A_445 = arith.index_cast %rem3A_215 : i32 to index
        %parallel_loop3A_446 = arith.index_cast %parallel_loop3A_339 : i32 to index
        %parallel_loop3A_447 = arith.constant 160 : index
        %parallel_loop3A_448 = tpu.vector_load %arg5[%parallel_loop3A_445, %parallel_loop3A_446, %parallel_loop3A_447] {strides = array<i32>} : memref<4x32x260xf32, #tpu.memory_space<vmem>>, vector<16xf32>,
        %parallel_loop3A_449 = arith.constant 0 : i32
        %parallel_loop3A_450 = arith.constant 0 : i32
        %parallel_loop3A_451 = tpu.memref_slice %arg6[%rem3A_215, %parallel_loop3A_449, %parallel_loop3A_450] : memref<4x64x128xf32, #tpu.memory_space<vmem>> -> memref<1x64x128xf32, #tpu.memory_space<vmem>>
        %parallel_loop3A_452 = tpu.memref_squeeze %parallel_loop3A_451 : memref<1x64x128xf32, #tpu.memory_space<vmem>> -> memref<64x128xf32, #tpu.memory_space<vmem>>
        tpu.vector_store_idx %parallel_loop3A_452[%add3A_286, %parallel_loop3A_428], %parallel_loop3A_448 : memref<64x128xf32, #tpu.memory_space<vmem>>[vector<16xi32>, vector<16xi32>], vector<16xf32>,
        %parallel_loop3A_453 = arith.index_cast %rem3A_215 : i32 to index
        %parallel_loop3A_454 = arith.index_cast %parallel_loop3A_339 : i32 to index
        %parallel_loop3A_455 = arith.constant 176 : index
        %parallel_loop3A_456 = tpu.vector_load %arg5[%parallel_loop3A_453, %parallel_loop3A_454, %parallel_loop3A_455] {strides = array<i32>} : memref<4x32x260xf32, #tpu.memory_space<vmem>>, vector<16xf32>,
        %parallel_loop3A_457 = arith.constant 0 : i32
        %parallel_loop3A_458 = arith.constant 0 : i32
        %parallel_loop3A_459 = tpu.memref_slice %arg6[%rem3A_215, %parallel_loop3A_457, %parallel_loop3A_458] : memref<4x64x128xf32, #tpu.memory_space<vmem>> -> memref<1x64x128xf32, #tpu.memory_space<vmem>>
        %parallel_loop3A_460 = tpu.memref_squeeze %parallel_loop3A_459 : memref<1x64x128xf32, #tpu.memory_space<vmem>> -> memref<64x128xf32, #tpu.memory_space<vmem>>
        tpu.vector_store_idx %parallel_loop3A_460[%add3A_292, %parallel_loop3A_428], %parallel_loop3A_456 : memref<64x128xf32, #tpu.memory_space<vmem>>[vector<16xi32>, vector<16xi32>], vector<16xf32>,
        %parallel_loop3A_461 = arith.index_cast %rem3A_215 : i32 to index
        %parallel_loop3A_462 = arith.index_cast %parallel_loop3A_339 : i32 to index
        %parallel_loop3A_463 = arith.constant 192 : index
        %parallel_loop3A_464 = tpu.vector_load %arg5[%parallel_loop3A_461, %parallel_loop3A_462, %parallel_loop3A_463] {strides = array<i32>} : memref<4x32x260xf32, #tpu.memory_space<vmem>>, vector<16xf32>,
        %parallel_loop3A_465 = arith.constant 0 : i32
        %parallel_loop3A_466 = arith.constant 0 : i32
        %parallel_loop3A_467 = tpu.memref_slice %arg6[%rem3A_215, %parallel_loop3A_465, %parallel_loop3A_466] : memref<4x64x128xf32, #tpu.memory_space<vmem>> -> memref<1x64x128xf32, #tpu.memory_space<vmem>>
        %parallel_loop3A_468 = tpu.memref_squeeze %parallel_loop3A_467 : memref<1x64x128xf32, #tpu.memory_space<vmem>> -> memref<64x128xf32, #tpu.memory_space<vmem>>
        tpu.vector_store_idx %parallel_loop3A_468[%add3A_298, %parallel_loop3A_428], %parallel_loop3A_464 : memref<64x128xf32, #tpu.memory_space<vmem>>[vector<16xi32>, vector<16xi32>], vector<16xf32>,
        %parallel_loop3A_469 = arith.index_cast %rem3A_215 : i32 to index
        %parallel_loop3A_470 = arith.index_cast %parallel_loop3A_339 : i32 to index
        %parallel_loop3A_471 = arith.constant 208 : index
        %parallel_loop3A_472 = tpu.vector_load %arg5[%parallel_loop3A_469, %parallel_loop3A_470, %parallel_loop3A_471] {strides = array<i32>} : memref<4x32x260xf32, #tpu.memory_space<vmem>>, vector<16xf32>,
        %parallel_loop3A_473 = arith.constant 0 : i32
        %parallel_loop3A_474 = arith.constant 0 : i32
        %parallel_loop3A_475 = tpu.memref_slice %arg6[%rem3A_215, %parallel_loop3A_473, %parallel_loop3A_474] : memref<4x64x128xf32, #tpu.memory_space<vmem>> -> memref<1x64x128xf32, #tpu.memory_space<vmem>>
        %parallel_loop3A_476 = tpu.memref_squeeze %parallel_loop3A_475 : memref<1x64x128xf32, #tpu.memory_space<vmem>> -> memref<64x128xf32, #tpu.memory_space<vmem>>
        tpu.vector_store_idx %parallel_loop3A_476[%add3A_304, %parallel_loop3A_428], %parallel_loop3A_472 : memref<64x128xf32, #tpu.memory_space<vmem>>[vector<16xi32>, vector<16xi32>], vector<16xf32>,
        %parallel_loop3A_477 = arith.index_cast %rem3A_215 : i32 to index
        %parallel_loop3A_478 = arith.index_cast %parallel_loop3A_339 : i32 to index
        %parallel_loop3A_479 = arith.constant 224 : index
        %parallel_loop3A_480 = tpu.vector_load %arg5[%parallel_loop3A_477, %parallel_loop3A_478, %parallel_loop3A_479] {strides = array<i32>} : memref<4x32x260xf32, #tpu.memory_space<vmem>>, vector<16xf32>,
        %parallel_loop3A_481 = arith.constant 0 : i32
        %parallel_loop3A_482 = arith.constant 0 : i32
        %parallel_loop3A_483 = tpu.memref_slice %arg6[%rem3A_215, %parallel_loop3A_481, %parallel_loop3A_482] : memref<4x64x128xf32, #tpu.memory_space<vmem>> -> memref<1x64x128xf32, #tpu.memory_space<vmem>>
        %parallel_loop3A_484 = tpu.memref_squeeze %parallel_loop3A_483 : memref<1x64x128xf32, #tpu.memory_space<vmem>> -> memref<64x128xf32, #tpu.memory_space<vmem>>
        tpu.vector_store_idx %parallel_loop3A_484[%add3A_310, %parallel_loop3A_428], %parallel_loop3A_480 : memref<64x128xf32, #tpu.memory_space<vmem>>[vector<16xi32>, vector<16xi32>], vector<16xf32>,
        %parallel_loop3A_485 = arith.index_cast %rem3A_215 : i32 to index
        %parallel_loop3A_486 = arith.index_cast %parallel_loop3A_339 : i32 to index
        %parallel_loop3A_487 = arith.constant 240 : index
        %parallel_loop3A_488 = tpu.vector_load %arg5[%parallel_loop3A_485, %parallel_loop3A_486, %parallel_loop3A_487] {strides = array<i32>} : memref<4x32x260xf32, #tpu.memory_space<vmem>>, vector<16xf32>,
        %parallel_loop3A_489 = arith.constant 0 : i32
        %parallel_loop3A_490 = arith.constant 0 : i32
        %parallel_loop3A_491 = tpu.memref_slice %arg6[%rem3A_215, %parallel_loop3A_489, %parallel_loop3A_490] : memref<4x64x128xf32, #tpu.memory_space<vmem>> -> memref<1x64x128xf32, #tpu.memory_space<vmem>>
        %parallel_loop3A_492 = tpu.memref_squeeze %parallel_loop3A_491 : memref<1x64x128xf32, #tpu.memory_space<vmem>> -> memref<64x128xf32, #tpu.memory_space<vmem>>
        tpu.vector_store_idx %parallel_loop3A_492[%add3A_316, %parallel_loop3A_428], %parallel_loop3A_488 : memref<64x128xf32, #tpu.memory_space<vmem>>[vector<16xi32>, vector<16xi32>], vector<16xf32>,
      } {sc.loop_unroll_factor = 4 : i64, sc.parallel_access}
      %mul3A_322 = arith.constant 64 : i32
      %mul3A_323 = arith.muli %add3A_213, %mul3A_322 : i32
      %dma_start3A_324 = arith.constant 0 : i32
      %dma_start3A_325 = arith.constant 0 : i32
      %dma_start3A_326 = tpu.memref_slice %arg6[%rem3A_215, %dma_start3A_324, %dma_start3A_325] : memref<4x64x128xf32, #tpu.memory_space<vmem>> -> memref<1x64x128xf32, #tpu.memory_space<vmem>>
      %dma_start3A_327 = tpu.memref_squeeze %dma_start3A_326 : memref<1x64x128xf32, #tpu.memory_space<vmem>> -> memref<64x128xf32, #tpu.memory_space<vmem>>
      %dma_start3A_328 = arith.constant 0 : i32
      %dma_start3A_329 = tpu.memref_slice %arg4[%mul3A_323, %dma_start3A_328] : memref<250016x128xf32, #tpu.memory_space<hbm>> -> memref<64x128xf32, #tpu.memory_space<hbm>>
      %dma_start3A_330 = tpu.memref_slice %arg8[%rem3A_215] : memref<4x!tpu.dma_semaphore, #tpu.memory_space<semaphore_mem>> -> memref<1x!tpu.dma_semaphore, #tpu.memory_space<semaphore_mem>>
      %dma_start3A_331 = tpu.memref_squeeze %dma_start3A_330 : memref<1x!tpu.dma_semaphore, #tpu.memory_space<semaphore_mem>> -> memref<!tpu.dma_semaphore, #tpu.memory_space<semaphore_mem>>
      %dma_start3A_332 = arith.constant 0 : i32
      %dma_start3A_333 = tpu.memref_slice %arg4[%mul3A_323, %dma_start3A_332] : memref<250016x128xf32, #tpu.memory_space<hbm>> -> memref<64x128xf32, #tpu.memory_space<hbm>>
      %dma_start3A_334 = arith.constant 0 : i32
      %dma_start3A_335 = arith.constant 0 : i32
      %dma_start3A_336 = tpu.memref_slice %arg6[%rem3A_215, %dma_start3A_334, %dma_start3A_335] : memref<4x64x128xf32, #tpu.memory_space<vmem>> -> memref<1x64x128xf32, #tpu.memory_space<vmem>>
      %dma_start3A_337 = tpu.memref_squeeze %dma_start3A_336 : memref<1x64x128xf32, #tpu.memory_space<vmem>> -> memref<64x128xf32, #tpu.memory_space<vmem>>
      tpu.enqueue_dma source(%dma_start3A_337 : memref<64x128xf32, #tpu.memory_space<vmem>>) target(%dma_start3A_333 : memref<64x128xf32, #tpu.memory_space<hbm>>) target_semaphore(%dma_start3A_331 : memref<!tpu.dma_semaphore, #tpu.memory_space<semaphore_mem>>)
      %while3A_338 = arith.constant 0 : i32
      scf.yield %while3A_338 : i32
    }
    %sub3A_118 = arith.subi %select_n3A_46, %select_n3A : i32
    %sub3A_119 = arith.constant 4 : i32
    %sub3A_120 = arith.subi %sub3A_118, %sub3A_119 : i32
    %add3A_121 = arith.constant 0 : i32
    %add3A_122 = arith.addi %sub3A_120, %add3A_121 : i32
    %rem3A_123 = arith.constant 4 : i32
    %rem3A_124 = arith.remsi %add3A_122, %rem3A_123 : i32
    %dma_wait3A = arith.constant 0 : i32
    %dma_wait3A_125 = arith.constant 0 : i32
    %dma_wait3A_126 = tpu.memref_slice %arg6[%rem3A_124, %dma_wait3A, %dma_wait3A_125] : memref<4x64x128xf32, #tpu.memory_space<vmem>> -> memref<1x64x128xf32, #tpu.memory_space<vmem>>
    %dma_wait3A_127 = tpu.memref_squeeze %dma_wait3A_126 : memref<1x64x128xf32, #tpu.memory_space<vmem>> -> memref<64x128xf32, #tpu.memory_space<vmem>>
    %dma_wait3A_128 = arith.constant 0 : i32
    %dma_wait3A_129 = arith.constant 0 : i32
    %dma_wait3A_130 = tpu.memref_slice %arg4[%dma_wait3A_128, %dma_wait3A_129] : memref<250016x128xf32, #tpu.memory_space<hbm>> -> memref<64x128xf32, #tpu.memory_space<hbm>>
    %dma_wait3A_131 = tpu.memref_slice %arg8[%rem3A_124] : memref<4x!tpu.dma_semaphore, #tpu.memory_space<semaphore_mem>> -> memref<1x!tpu.dma_semaphore, #tpu.memory_space<semaphore_mem>>
    %dma_wait3A_132 = tpu.memref_squeeze %dma_wait3A_131 : memref<1x!tpu.dma_semaphore, #tpu.memory_space<semaphore_mem>> -> memref<!tpu.dma_semaphore, #tpu.memory_space<semaphore_mem>>
    %dma_wait3A_133 = arith.constant 0 : i32
    %dma_wait3A_134 = arith.constant 0 : i32
    %dma_wait3A_135 = tpu.memref_slice %arg4[%dma_wait3A_133, %dma_wait3A_134] : memref<250016x128xf32, #tpu.memory_space<hbm>> -> memref<64x128xf32, #tpu.memory_space<hbm>>
    %dma_wait3A_136 = arith.constant 0 : i32
    %dma_wait3A_137 = arith.constant 0 : i32
    %dma_wait3A_138 = tpu.memref_slice %arg6[%rem3A_124, %dma_wait3A_136, %dma_wait3A_137] : memref<4x64x128xf32, #tpu.memory_space<vmem>> -> memref<1x64x128xf32, #tpu.memory_space<vmem>>
    %dma_wait3A_139 = tpu.memref_squeeze %dma_wait3A_138 : memref<1x64x128xf32, #tpu.memory_space<vmem>> -> memref<64x128xf32, #tpu.memory_space<vmem>>
    tpu.wait_dma2 semaphore(%dma_wait3A_132 : memref<!tpu.dma_semaphore, #tpu.memory_space<semaphore_mem>>) src(%dma_wait3A_139 : memref<64x128xf32, #tpu.memory_space<vmem>>) dst(%dma_wait3A_135 : memref<64x128xf32, #tpu.memory_space<hbm>>)
    %sub3A_140 = arith.subi %select_n3A_46, %select_n3A : i32
    %sub3A_141 = arith.constant 4 : i32
    %sub3A_142 = arith.subi %sub3A_140, %sub3A_141 : i32
    %add3A_143 = arith.constant 1 : i32
    %add3A_144 = arith.addi %sub3A_142, %add3A_143 : i32
    %rem3A_145 = arith.constant 4 : i32
    %rem3A_146 = arith.remsi %add3A_144, %rem3A_145 : i32
    %dma_wait3A_147 = arith.constant 0 : i32
    %dma_wait3A_148 = arith.constant 0 : i32
    %dma_wait3A_149 = tpu.memref_slice %arg6[%rem3A_146, %dma_wait3A_147, %dma_wait3A_148] : memref<4x64x128xf32, #tpu.memory_space<vmem>> -> memref<1x64x128xf32, #tpu.memory_space<vmem>>
    %dma_wait3A_150 = tpu.memref_squeeze %dma_wait3A_149 : memref<1x64x128xf32, #tpu.memory_space<vmem>> -> memref<64x128xf32, #tpu.memory_space<vmem>>
    %dma_wait3A_151 = arith.constant 0 : i32
    %dma_wait3A_152 = arith.constant 0 : i32
    %dma_wait3A_153 = tpu.memref_slice %arg4[%dma_wait3A_151, %dma_wait3A_152] : memref<250016x128xf32, #tpu.memory_space<hbm>> -> memref<64x128xf32, #tpu.memory_space<hbm>>
    %dma_wait3A_154 = tpu.memref_slice %arg8[%rem3A_146] : memref<4x!tpu.dma_semaphore, #tpu.memory_space<semaphore_mem>> -> memref<1x!tpu.dma_semaphore, #tpu.memory_space<semaphore_mem>>
    %dma_wait3A_155 = tpu.memref_squeeze %dma_wait3A_154 : memref<1x!tpu.dma_semaphore, #tpu.memory_space<semaphore_mem>> -> memref<!tpu.dma_semaphore, #tpu.memory_space<semaphore_mem>>
    %dma_wait3A_156 = arith.constant 0 : i32
    %dma_wait3A_157 = arith.constant 0 : i32
    %dma_wait3A_158 = tpu.memref_slice %arg4[%dma_wait3A_156, %dma_wait3A_157] : memref<250016x128xf32, #tpu.memory_space<hbm>> -> memref<64x128xf32, #tpu.memory_space<hbm>>
    %dma_wait3A_159 = arith.constant 0 : i32
    %dma_wait3A_160 = arith.constant 0 : i32
    %dma_wait3A_161 = tpu.memref_slice %arg6[%rem3A_146, %dma_wait3A_159, %dma_wait3A_160] : memref<4x64x128xf32, #tpu.memory_space<vmem>> -> memref<1x64x128xf32, #tpu.memory_space<vmem>>
    %dma_wait3A_162 = tpu.memref_squeeze %dma_wait3A_161 : memref<1x64x128xf32, #tpu.memory_space<vmem>> -> memref<64x128xf32, #tpu.memory_space<vmem>>
    tpu.wait_dma2 semaphore(%dma_wait3A_155 : memref<!tpu.dma_semaphore, #tpu.memory_space<semaphore_mem>>) src(%dma_wait3A_162 : memref<64x128xf32, #tpu.memory_space<vmem>>) dst(%dma_wait3A_158 : memref<64x128xf32, #tpu.memory_space<hbm>>)
    %sub3A_163 = arith.subi %select_n3A_46, %select_n3A : i32
    %sub3A_164 = arith.constant 4 : i32
    %sub3A_165 = arith.subi %sub3A_163, %sub3A_164 : i32
    %add3A_166 = arith.constant 2 : i32
    %add3A_167 = arith.addi %sub3A_165, %add3A_166 : i32
    %rem3A_168 = arith.constant 4 : i32
    %rem3A_169 = arith.remsi %add3A_167, %rem3A_168 : i32
    %dma_wait3A_170 = arith.constant 0 : i32
    %dma_wait3A_171 = arith.constant 0 : i32
    %dma_wait3A_172 = tpu.memref_slice %arg6[%rem3A_169, %dma_wait3A_170, %dma_wait3A_171] : memref<4x64x128xf32, #tpu.memory_space<vmem>> -> memref<1x64x128xf32, #tpu.memory_space<vmem>>
    %dma_wait3A_173 = tpu.memref_squeeze %dma_wait3A_172 : memref<1x64x128xf32, #tpu.memory_space<vmem>> -> memref<64x128xf32, #tpu.memory_space<vmem>>
    %dma_wait3A_174 = arith.constant 0 : i32
    %dma_wait3A_175 = arith.constant 0 : i32
    %dma_wait3A_176 = tpu.memref_slice %arg4[%dma_wait3A_174, %dma_wait3A_175] : memref<250016x128xf32, #tpu.memory_space<hbm>> -> memref<64x128xf32, #tpu.memory_space<hbm>>
    %dma_wait3A_177 = tpu.memref_slice %arg8[%rem3A_169] : memref<4x!tpu.dma_semaphore, #tpu.memory_space<semaphore_mem>> -> memref<1x!tpu.dma_semaphore, #tpu.memory_space<semaphore_mem>>
    %dma_wait3A_178 = tpu.memref_squeeze %dma_wait3A_177 : memref<1x!tpu.dma_semaphore, #tpu.memory_space<semaphore_mem>> -> memref<!tpu.dma_semaphore, #tpu.memory_space<semaphore_mem>>
    %dma_wait3A_179 = arith.constant 0 : i32
    %dma_wait3A_180 = arith.constant 0 : i32
    %dma_wait3A_181 = tpu.memref_slice %arg4[%dma_wait3A_179, %dma_wait3A_180] : memref<250016x128xf32, #tpu.memory_space<hbm>> -> memref<64x128xf32, #tpu.memory_space<hbm>>
    %dma_wait3A_182 = arith.constant 0 : i32
    %dma_wait3A_183 = arith.constant 0 : i32
    %dma_wait3A_184 = tpu.memref_slice %arg6[%rem3A_169, %dma_wait3A_182, %dma_wait3A_183] : memref<4x64x128xf32, #tpu.memory_space<vmem>> -> memref<1x64x128xf32, #tpu.memory_space<vmem>>
    %dma_wait3A_185 = tpu.memref_squeeze %dma_wait3A_184 : memref<1x64x128xf32, #tpu.memory_space<vmem>> -> memref<64x128xf32, #tpu.memory_space<vmem>>
    tpu.wait_dma2 semaphore(%dma_wait3A_178 : memref<!tpu.dma_semaphore, #tpu.memory_space<semaphore_mem>>) src(%dma_wait3A_185 : memref<64x128xf32, #tpu.memory_space<vmem>>) dst(%dma_wait3A_181 : memref<64x128xf32, #tpu.memory_space<hbm>>)
    %sub3A_186 = arith.subi %select_n3A_46, %select_n3A : i32
    %sub3A_187 = arith.constant 4 : i32
    %sub3A_188 = arith.subi %sub3A_186, %sub3A_187 : i32
    %add3A_189 = arith.constant 3 : i32
    %add3A_190 = arith.addi %sub3A_188, %add3A_189 : i32
    %rem3A_191 = arith.constant 4 : i32
    %rem3A_192 = arith.remsi %add3A_190, %rem3A_191 : i32
    %dma_wait3A_193 = arith.constant 0 : i32
    %dma_wait3A_194 = arith.constant 0 : i32
    %dma_wait3A_195 = tpu.memref_slice %arg6[%rem3A_192, %dma_wait3A_193, %dma_wait3A_194] : memref<4x64x128xf32, #tpu.memory_space<vmem>> -> memref<1x64x128xf32, #tpu.memory_space<vmem>>
    %dma_wait3A_196 = tpu.memref_squeeze %dma_wait3A_195 : memref<1x64x128xf32, #tpu.memory_space<vmem>> -> memref<64x128xf32, #tpu.memory_space<vmem>>
    %dma_wait3A_197 = arith.constant 0 : i32
    %dma_wait3A_198 = arith.constant 0 : i32
    %dma_wait3A_199 = tpu.memref_slice %arg4[%dma_wait3A_197, %dma_wait3A_198] : memref<250016x128xf32, #tpu.memory_space<hbm>> -> memref<64x128xf32, #tpu.memory_space<hbm>>
    %dma_wait3A_200 = tpu.memref_slice %arg8[%rem3A_192] : memref<4x!tpu.dma_semaphore, #tpu.memory_space<semaphore_mem>> -> memref<1x!tpu.dma_semaphore, #tpu.memory_space<semaphore_mem>>
    %dma_wait3A_201 = tpu.memref_squeeze %dma_wait3A_200 : memref<1x!tpu.dma_semaphore, #tpu.memory_space<semaphore_mem>> -> memref<!tpu.dma_semaphore, #tpu.memory_space<semaphore_mem>>
    %dma_wait3A_202 = arith.constant 0 : i32
    %dma_wait3A_203 = arith.constant 0 : i32
    %dma_wait3A_204 = tpu.memref_slice %arg4[%dma_wait3A_202, %dma_wait3A_203] : memref<250016x128xf32, #tpu.memory_space<hbm>> -> memref<64x128xf32, #tpu.memory_space<hbm>>
    %dma_wait3A_205 = arith.constant 0 : i32
    %dma_wait3A_206 = arith.constant 0 : i32
    %dma_wait3A_207 = tpu.memref_slice %arg6[%rem3A_192, %dma_wait3A_205, %dma_wait3A_206] : memref<4x64x128xf32, #tpu.memory_space<vmem>> -> memref<1x64x128xf32, #tpu.memory_space<vmem>>
    %dma_wait3A_208 = tpu.memref_squeeze %dma_wait3A_207 : memref<1x64x128xf32, #tpu.memory_space<vmem>> -> memref<64x128xf32, #tpu.memory_space<vmem>>
    tpu.wait_dma2 semaphore(%dma_wait3A_201 : memref<!tpu.dma_semaphore, #tpu.memory_space<semaphore_mem>>) src(%dma_wait3A_208 : memref<64x128xf32, #tpu.memory_space<vmem>>) dst(%dma_wait3A_204 : memref<64x128xf32, #tpu.memory_space<hbm>>)
    %eq3A = arith.constant 31 : i32
    %eq3A_209 = arith.cmpi eq, %add3A, %eq3A : i32
    %convert_element_type3A = arith.extui %eq3A_209 : i1 to i32
    %cond3A = arith.constant 0 : i32
    %cond3A_210 = arith.cmpi ne, %convert_element_type3A, %cond3A : i32
    scf.if %cond3A_210 {
      %dma_start3A_211 = arith.constant 0 : i32
      %dma_start3A_212 = arith.constant 0 : i32
      %dma_start3A_213 = arith.constant 0 : i32
      %dma_start3A_214 = arith.constant 0 : i32
      %dma_start3A_215 = tpu.memref_slice %arg6[%dma_start3A_211, %dma_start3A_213, %dma_start3A_214] : memref<4x64x128xf32, #tpu.memory_space<vmem>> -> memref<1x16x128xf32, #tpu.memory_space<vmem>>
      %dma_start3A_216 = tpu.memref_squeeze %dma_start3A_215 : memref<1x16x128xf32, #tpu.memory_space<vmem>> -> memref<16x128xf32, #tpu.memory_space<vmem>>
      %dma_start3A_217 = tpu.memref_slice %arg7[%dma_start3A_212] : memref<4x!tpu.dma_semaphore, #tpu.memory_space<semaphore_mem>> -> memref<1x!tpu.dma_semaphore, #tpu.memory_space<semaphore_mem>>
      %dma_start3A_218 = tpu.memref_squeeze %dma_start3A_217 : memref<1x!tpu.dma_semaphore, #tpu.memory_space<semaphore_mem>> -> memref<!tpu.dma_semaphore, #tpu.memory_space<semaphore_mem>>
      %dma_start3A_219 = arith.constant 0 : i32
      %dma_start3A_220 = arith.constant 0 : i32
      %dma_start3A_221 = tpu.memref_slice %arg6[%dma_start3A_211, %dma_start3A_219, %dma_start3A_220] : memref<4x64x128xf32, #tpu.memory_space<vmem>> -> memref<1x16x128xf32, #tpu.memory_space<vmem>>
      %dma_start3A_222 = tpu.memref_squeeze %dma_start3A_221 : memref<1x16x128xf32, #tpu.memory_space<vmem>> -> memref<16x128xf32, #tpu.memory_space<vmem>>
      tpu.enqueue_dma source(%arg3 : memref<16x128xf32, #tpu.memory_space<hbm>>) target(%dma_start3A_222 : memref<16x128xf32, #tpu.memory_space<vmem>>) target_semaphore(%dma_start3A_218 : memref<!tpu.dma_semaphore, #tpu.memory_space<semaphore_mem>>)
      %dma_wait3A_223 = arith.constant 0 : i32
      %dma_wait3A_224 = arith.constant 0 : i32
      %dma_wait3A_225 = arith.constant 0 : i32
      %dma_wait3A_226 = arith.constant 0 : i32
      %dma_wait3A_227 = tpu.memref_slice %arg6[%dma_wait3A_223, %dma_wait3A_225, %dma_wait3A_226] : memref<4x64x128xf32, #tpu.memory_space<vmem>> -> memref<1x16x128xf32, #tpu.memory_space<vmem>>
      %dma_wait3A_228 = tpu.memref_squeeze %dma_wait3A_227 : memref<1x16x128xf32, #tpu.memory_space<vmem>> -> memref<16x128xf32, #tpu.memory_space<vmem>>
      %dma_wait3A_229 = tpu.memref_slice %arg7[%dma_wait3A_224] : memref<4x!tpu.dma_semaphore, #tpu.memory_space<semaphore_mem>> -> memref<1x!tpu.dma_semaphore, #tpu.memory_space<semaphore_mem>>
      %dma_wait3A_230 = tpu.memref_squeeze %dma_wait3A_229 : memref<1x!tpu.dma_semaphore, #tpu.memory_space<semaphore_mem>> -> memref<!tpu.dma_semaphore, #tpu.memory_space<semaphore_mem>>
      %dma_wait3A_231 = arith.constant 0 : i32
      %dma_wait3A_232 = arith.constant 0 : i32
      %dma_wait3A_233 = tpu.memref_slice %arg6[%dma_wait3A_223, %dma_wait3A_231, %dma_wait3A_232] : memref<4x64x128xf32, #tpu.memory_space<vmem>> -> memref<1x16x128xf32, #tpu.memory_space<vmem>>
      %dma_wait3A_234 = tpu.memref_squeeze %dma_wait3A_233 : memref<1x16x128xf32, #tpu.memory_space<vmem>> -> memref<16x128xf32, #tpu.memory_space<vmem>>
      tpu.wait_dma2 semaphore(%dma_wait3A_230 : memref<!tpu.dma_semaphore, #tpu.memory_space<semaphore_mem>>) src(%arg3 : memref<16x128xf32, #tpu.memory_space<hbm>>) dst(%dma_wait3A_234 : memref<16x128xf32, #tpu.memory_space<vmem>>)
      %dma_start3A_235 = arith.constant 0 : i32
      %dma_start3A_236 = arith.constant 0 : i32
      %dma_start3A_237 = arith.constant 0 : i32
      %dma_start3A_238 = arith.constant 0 : i32
      %dma_start3A_239 = tpu.memref_slice %arg6[%dma_start3A_235, %dma_start3A_237, %dma_start3A_238] : memref<4x64x128xf32, #tpu.memory_space<vmem>> -> memref<1x16x128xf32, #tpu.memory_space<vmem>>
      %dma_start3A_240 = tpu.memref_squeeze %dma_start3A_239 : memref<1x16x128xf32, #tpu.memory_space<vmem>> -> memref<16x128xf32, #tpu.memory_space<vmem>>
      %dma_start3A_241 = arith.constant 249984 : i32
      %dma_start3A_242 = arith.constant 0 : i32
      %dma_start3A_243 = tpu.memref_slice %arg4[%dma_start3A_241, %dma_start3A_242] : memref<250016x128xf32, #tpu.memory_space<hbm>> -> memref<16x128xf32, #tpu.memory_space<hbm>>
      %dma_start3A_244 = tpu.memref_slice %arg8[%dma_start3A_236] : memref<4x!tpu.dma_semaphore, #tpu.memory_space<semaphore_mem>> -> memref<1x!tpu.dma_semaphore, #tpu.memory_space<semaphore_mem>>
      %dma_start3A_245 = tpu.memref_squeeze %dma_start3A_244 : memref<1x!tpu.dma_semaphore, #tpu.memory_space<semaphore_mem>> -> memref<!tpu.dma_semaphore, #tpu.memory_space<semaphore_mem>>
      %dma_start3A_246 = arith.constant 249984 : i32
      %dma_start3A_247 = arith.constant 0 : i32
      %dma_start3A_248 = tpu.memref_slice %arg4[%dma_start3A_246, %dma_start3A_247] : memref<250016x128xf32, #tpu.memory_space<hbm>> -> memref<16x128xf32, #tpu.memory_space<hbm>>
      %dma_start3A_249 = arith.constant 0 : i32
      %dma_start3A_250 = arith.constant 0 : i32
      %dma_start3A_251 = tpu.memref_slice %arg6[%dma_start3A_235, %dma_start3A_249, %dma_start3A_250] : memref<4x64x128xf32, #tpu.memory_space<vmem>> -> memref<1x16x128xf32, #tpu.memory_space<vmem>>
      %dma_start3A_252 = tpu.memref_squeeze %dma_start3A_251 : memref<1x16x128xf32, #tpu.memory_space<vmem>> -> memref<16x128xf32, #tpu.memory_space<vmem>>
      tpu.enqueue_dma source(%dma_start3A_252 : memref<16x128xf32, #tpu.memory_space<vmem>>) target(%dma_start3A_248 : memref<16x128xf32, #tpu.memory_space<hbm>>) target_semaphore(%dma_start3A_245 : memref<!tpu.dma_semaphore, #tpu.memory_space<semaphore_mem>>)
      %dma_wait3A_253 = arith.constant 0 : i32
      %dma_wait3A_254 = arith.constant 0 : i32
      %dma_wait3A_255 = arith.constant 0 : i32
      %dma_wait3A_256 = arith.constant 0 : i32
      %dma_wait3A_257 = tpu.memref_slice %arg6[%dma_wait3A_253, %dma_wait3A_255, %dma_wait3A_256] : memref<4x64x128xf32, #tpu.memory_space<vmem>> -> memref<1x16x128xf32, #tpu.memory_space<vmem>>
      %dma_wait3A_258 = tpu.memref_squeeze %dma_wait3A_257 : memref<1x16x128xf32, #tpu.memory_space<vmem>> -> memref<16x128xf32, #tpu.memory_space<vmem>>
      %dma_wait3A_259 = arith.constant 249984 : i32
      %dma_wait3A_260 = arith.constant 0 : i32
      %dma_wait3A_261 = tpu.memref_slice %arg4[%dma_wait3A_259, %dma_wait3A_260] : memref<250016x128xf32, #tpu.memory_space<hbm>> -> memref<16x128xf32, #tpu.memory_space<hbm>>
      %dma_wait3A_262 = tpu.memref_slice %arg8[%dma_wait3A_254] : memref<4x!tpu.dma_semaphore, #tpu.memory_space<semaphore_mem>> -> memref<1x!tpu.dma_semaphore, #tpu.memory_space<semaphore_mem>>
      %dma_wait3A_263 = tpu.memref_squeeze %dma_wait3A_262 : memref<1x!tpu.dma_semaphore, #tpu.memory_space<semaphore_mem>> -> memref<!tpu.dma_semaphore, #tpu.memory_space<semaphore_mem>>
      %dma_wait3A_264 = arith.constant 249984 : i32
      %dma_wait3A_265 = arith.constant 0 : i32
      %dma_wait3A_266 = tpu.memref_slice %arg4[%dma_wait3A_264, %dma_wait3A_265] : memref<250016x128xf32, #tpu.memory_space<hbm>> -> memref<16x128xf32, #tpu.memory_space<hbm>>
      %dma_wait3A_267 = arith.constant 0 : i32
      %dma_wait3A_268 = arith.constant 0 : i32
      %dma_wait3A_269 = tpu.memref_slice %arg6[%dma_wait3A_253, %dma_wait3A_267, %dma_wait3A_268] : memref<4x64x128xf32, #tpu.memory_space<vmem>> -> memref<1x16x128xf32, #tpu.memory_space<vmem>>
      %dma_wait3A_270 = tpu.memref_squeeze %dma_wait3A_269 : memref<1x16x128xf32, #tpu.memory_space<vmem>> -> memref<16x128xf32, #tpu.memory_space<vmem>>
      tpu.wait_dma2 semaphore(%dma_wait3A_263 : memref<!tpu.dma_semaphore, #tpu.memory_space<semaphore_mem>>) src(%dma_wait3A_270 : memref<16x128xf32, #tpu.memory_space<vmem>>) dst(%dma_wait3A_266 : memref<16x128xf32, #tpu.memory_space<hbm>>)
    } else {
    }
    return
  }
}

</mosaic_0001>

<sc_bundles>
// kernel: kernel.4.cloned.1.call-start
scs
__scs_entry_jumppad:
0x0: {  	(pc) =	sbr.rel $0x88, $3  }
0x1: {  	(tag) =	ssettag $0x0;
	lr =	simm.s32 $0x1  }
0x2: {  	[smem:$0x3F9F] =	sst lr;
	_ =	strace $0xD0000000  }
0x3: {  	_ = 	snop  }
0x4: {  	_ = 	snop  }
0x5: {  	_ = 	snop  }
0x6: {  	_ = 	snop  }
0x7: {  	_ = 	snop  }
__scs_overlays_trampoline_lowered:
0x8: {  	[smem:$0x3FAE] =	sst s0  }
0x9: {  	[smem:$0x3FAF] =	sst s1  }
0xa: {  	[smem:$0x3FB0] =	sst s2  }
0xb: {  	[smem:$0x3FB1] =	sst s3  }
0xc: {  	[smem:$0x3FB2] =	sst s4  }
0xd: {  	[smem:$0x3FB3] =	sst s5  }
0xe: {  	[smem:$0x3FB4] =	sst s6  }
0xf: {  	[smem:$0x3FB5] =	sst s7  }
0x10: {  	[smem:$0x3FB6] =	sst s8  }
0x11: {  	[smem:$0x3FB7] =	sst s9;
	s0 =	simm.s32 @!p0 $0x0  }
0x12: {  	s1 =	sld [smem:$0x3F9D];
	s0 =	simm.s32 @p0 $0x1  }
0x13: {  	[smem:$0x3FB8] =	sst s0;
	s0 =	simm.s32 @!p1 $0x0  }
0x14: {  	s2 =	sld [smem:$0x3F9C];
	s0 =	simm.s32 @p1 $0x1  }
0x15: {  	[smem:$0x3FB9] =	sst s0;
	s0 =	simm.s32 @!p2 $0x0  }
0x16: {  	s3 =	sld [smem:$0x3FDB];
	s0 =	simm.s32 @p2 $0x1  }
0x17: {  	s4 =	simm.s32 $0x1BF5;
	[smem:$0x3FBB] =	sst s0  }
0x18: {  	s0 =	sld [smem:$0x3F9E];
	_ =	swait.ge [sflag:s4], $0x0  }
0x19: {  	s7 =	sld [smem:$0x3F9F]  }
0x1a: {  	s8 =	sadd.s32 $0xFFFFE003, lr  }
0x1b: {  	s9 =	sadd.s32 $0xFFFFFEF7, lr;
	s5 =	simm.s32 $0xFFFFFFFF;
	p2 =	slt.u32 s8, $0xFFFFF086  }
0x1c: {  	p1 =	slt.u32 s9, $0xF7A;
	s5 =	simm.s32 @!p2 $0x0  }
0x1d: {  	s5 =	simm.s32 @p1 $0x1;
	p0 =	seq.s32 s7, s2  }
0x1e: {  	s7 =	smul.u32 @!p0 $0xF7A, s2;
	p2 =	seq.s32 @!p0 s5, $0x0  }
0x1f: {  	s9 =	smul.u32 $0xF7A, s1;
	s8 =	simm.s32 @!p0 $0x1BF5;
	p2 =	por !p2, p0  }
0x20: {  	[sflag:s8] =	ssyncset.s32 @!p0 $0xFFFFF086;
	s6 =	sadd.s32 @!p0 s3, s7;
	s7 =	simm.s32 @!p0 $0x108  }
0x21: {  	s3 =	sadd.s32 s3, s9;
	s6 =	sadd.s32 @!p0 $0x88, s6;
	s7 =	simm.s32 @p2 $0x1082  }
0x22: {  	[simem:s7], [sflag:s8] =	dma.local @!p0 [hbm:s6], $0xF7A  }
0x23: {  	s9 =	sor.u32 $0xD0000000, s2;
	s6 =	simm.s32 $0x108;
	_ =	swait.ge @!p0 [sflag:s8], $0x0  }
0x24: {  	s3 =	sadd.s32 $0x88, s3;
	s6 =	simm.s32 @!p1 $0x1082;
	[sflag:s4] =	ssyncset.s32 $0xFFFFF086  }
0x25: {  	[simem:s6], [sflag:s4] =	dma.local [hbm:s3], $0xF7A  }
0x26: {  	[smem:$0x3F9F] =	sst s1;
	(tag) =	ssettag s2;
	_ =	strace s9  }
0x27: {  	s1 =	sld [smem:$0x3FAF]  }
0x28: {  	s2 =	sld [smem:$0x3FB0]  }
0x29: {  	s4 =	sld [smem:$0x3FB2]  }
0x2a: {  	p0 =	seq.s32 s5, $0x0;
	s5 =	sld [smem:$0x3FB3]  }
0x2b: {  	s6 =	sld [smem:$0x3FB4]  }
0x2c: {  	s7 =	sld [smem:$0x3FB5]  }
0x2d: {  	s3 =	simm.s32 $0x108;
	s8 =	sld [smem:$0x3FB6]  }
0x2e: {  	s3 =	simm.s32 @!p0 $0x1082;
	s9 =	sld [smem:$0x3FB7]  }
0x2f: {  	lr =	sadd.s32 s0, s3;
	s0 =	sld [smem:$0x3FAE]  }
0x30: {  	s3 =	sld [smem:$0x3FB1]  }
0x31: {  	[smem:$0x3FBA] =	sst s10  }
0x32: {  	s10 =	sld [smem:$0x3FB8];
	_ =	sdelay $0x3  }
0x33: {  	p0 =	seq.s32 s10, $0x1;
	s10 =	sld [smem:$0x3FBA];
	_ =	sdelay $0x3  }
0x34: {  	[smem:$0x3FBA] =	sst s10  }
0x35: {  	s10 =	sld [smem:$0x3FB9];
	_ =	sdelay $0x3  }
0x36: {  	p1 =	seq.s32 s10, $0x1;
	s10 =	sld [smem:$0x3FBA];
	_ =	sdelay $0x3  }
0x37: {  	[smem:$0x3FBA] =	sst s10  }
0x38: {  	s10 =	sld [smem:$0x3FBB]  }
0x39: {  	_ = 	snop;
	(pc) =	sbr.ind lr, $3  }
0x3a: {  	_ = 	snop  }
0x3b: {  	_ = 	snop  }
0x3c: {  	p2 =	seq.s32 s10, $0x1;
	s10 =	sld [smem:$0x3FBA]  }
0x3d: {  	_ =	shalt  }
0x3e: {  	_ =	shalt  }
0x3f: {  	_ =	shalt  }
0x40: {  	_ =	shalt  }
0x41: {  	_ =	shalt  }
0x42: {  	_ =	shalt  }
0x43: {  	_ =	shalt  }
0x44: {  	_ =	shalt  }
0x45: {  	_ =	shalt  }
0x46: {  	_ =	shalt  }
0x47: {  	_ =	shalt  }
0x48: {  	_ =	shalt  }
0x49: {  	_ =	shalt  }
0x4a: {  	_ =	shalt  }
0x4b: {  	_ =	shalt  }
0x4c: {  	_ =	shalt  }
0x4d: {  	_ =	shalt  }
0x4e: {  	_ =	shalt  }
0x4f: {  	_ =	shalt  }
0x50: {  	_ =	shalt  }
0x51: {  	_ =	shalt  }
0x52: {  	_ =	shalt  }
0x53: {  	_ =	shalt  }
0x54: {  	_ =	shalt  }
0x55: {  	_ =	shalt  }
0x56: {  	_ =	shalt  }
0x57: {  	_ =	shalt  }
0x58: {  	_ =	shalt  }
0x59: {  	_ =	shalt  }
0x5a: {  	_ =	shalt  }
0x5b: {  	_ =	shalt  }
0x5c: {  	_ =	shalt  }
0x5d: {  	_ =	shalt  }
0x5e: {  	_ =	shalt  }
0x5f: {  	_ =	shalt  }
0x60: {  	_ =	shalt  }
0x61: {  	_ =	shalt  }
0x62: {  	_ =	shalt  }
0x63: {  	_ =	shalt  }
0x64: {  	_ =	shalt  }
0x65: {  	_ =	shalt  }
0x66: {  	_ =	shalt  }
0x67: {  	_ =	shalt  }
0x68: {  	_ =	shalt  }
0x69: {  	_ =	shalt  }
0x6a: {  	_ =	shalt  }
0x6b: {  	_ =	shalt  }
0x6c: {  	_ =	shalt  }
0x6d: {  	_ =	shalt  }
0x6e: {  	_ =	shalt  }
0x6f: {  	_ =	shalt  }
0x70: {  	_ =	shalt  }
0x71: {  	_ =	shalt  }
0x72: {  	_ =	shalt  }
0x73: {  	_ =	shalt  }
0x74: {  	_ =	shalt  }
0x75: {  	_ =	shalt  }
0x76: {  	_ =	shalt  }
0x77: {  	_ =	shalt  }
0x78: {  	_ =	shalt  }
0x79: {  	_ =	shalt  }
0x7a: {  	_ =	shalt  }
0x7b: {  	_ =	shalt  }
0x7c: {  	_ =	shalt  }
0x7d: {  	_ =	shalt  }
0x7e: {  	_ =	shalt  }
0x7f: {  	_ =	shalt  }
0x80: {  	_ =	shalt  }
0x81: {  	_ =	shalt  }
0x82: {  	_ =	shalt  }
0x83: {  	_ =	shalt  }
0x84: {  	_ =	shalt  }
0x85: {  	_ =	shalt  }
0x86: {  	_ =	shalt  }
0x87: {  	_ =	shalt  }
.Lfunc_end0:
.L_simem_size_0:
called_computation_lowered:
.L_overlay_start_0:
0x88: {  	s2 =	sld [smem:$0x3FD9]  }
0x89: {  	s3 =	sld [smem:$0x3FFE];
	_ =	sdelay $0x1  }
0x8a: {  	s1 =	srdreg.scid  }
0x8b: {  	s0 =	sand.u32 $0x1, s1  }
0x8c: {  	s17 =	sshll.u32 s0, $0xA;
	s2 =	sadd.s32 s3, s2  }
0x8d: {  	s2 =	sadd.s32 s2, s17  }
0x8e: {  	[smem:$0x3FC6] =	sst s2  }
0x8f: {  	_ = 	snop  }
0x90: {  	s2 =	sld [smem:$0x3FC8]  }
0x91: {  	s18 =	sld [smem:$0x3FD0];
	(tm) =	ssettm $0x1  }
0x92: {  	s4 =	sld [smem:$0x3FFB];
	_ =	sdelay $0x3  }
0x93: {  	_ =	strace s4  }
0x94: {  	s4 =	sld [smem:$0x3FFC];
	_ =	sdelay $0x3  }
0x95: {  	_ =	strace s4  }
0x96: {  	s4 =	sld [smem:$0x3FFD];
	_ =	sdelay $0x3  }
0x97: {  	_ =	strace s4  }
0x98: {  	_ =	strace $0x8FFFFFFF  }
0x99: {  	s19 =	sld [smem:$0x3FDB];
	_ =	sdelay $0x1  }
0x9a: {  	s5 =	simm.s32 $_scs_section_size  }
0x9b: {  	s6 =	simm.s32 $_size__tile_overlayer_lowered;
	s7 =	simm.s32 $_tile_overlayer_lowered  }
0x9c: {  	s22 =	simm.s32 $0x1BFF;
	s21 =	sshll.u32 s7, $0x1;
	s4 =	sadd.s32 s5, s19  }
0x9d: {  	s8 =	simm.s32 $0x0;
	s20 =	sshll.u32 s6, $0x1;
	s6 =	sadd.s32 s21, s4  }
0x9e: {  	[timem:s8], [sflag:s22] =	dma.local [hbm:s6], s20  }
0x9f: {  	_ =	swait.ge [sflag:s22], s20  }
0xa0: {  	s5 =	ssub.s32 $0x0, s20;
	[sflag:s22] =	ssyncset.done $0x0  }
0xa1: {  	[sflag:s22] =	ssyncadd.s32 s5;
	_ =	sdelay $0x1  }
0xa2: {  	s23 =	simm.s32 $0x1B8B  }
0xa3: {  	_ =	swait.ge [sflag:s23], $0x1  }
0xa4: {  	[sflag:s23] =	ssyncset.done $0x0  }
0xa5: {  	s25 =	simm.s32 $0x1B8E;
	s24 =	sld [smem:$0x3FFE];
	[sflag:s23] =	ssyncadd.s32 $0xFFFFFFFF  }
0xa6: {  	s26 =	simm.s32 $execute0_lowered;
	[smem:$0x3FD2] =	sst s25  }
0xa7: {  	s6 =	sshll.u32 s26, $0x1;
	_ =	strace $0x80000046;
	[dreg:$0x1] =	wrdreg $0xFFFFFFFF  }
0xa8: {  	s28 =	simm.s32 $_size_execute0_lowered;
	s4 =	sadd.s32 s4, s6;
	[dreg:$0x0] =	wrdreg $0x0  }
0xa9: {  	s6 =	sshll.u32 s28, $0x1;
	[dreg:$0x2] =	wrdreg s4  }
0xaa: {  	[dreg:$0x3] =	wrdreg s6  }
0xab: {  	[dreg:$0x4] =	wrdreg $0xC0  }
0xac: {  	_ =	task [dreg:s8], $0x5FFFF  }
0xad: {  	[dreg:$0x1] =	wrdreg $0xFFFFFFFF  }
0xae: {  	[dreg:$0x0] =	wrdreg $0x60  }
0xaf: {  	[dreg:$0x2] =	wrdreg s2  }
0xb0: {  	[dreg:$0x3] =	wrdreg s18  }
0xb1: {  	[dreg:$0x4] =	wrdreg s24  }
0xb2: {  	[dreg:$0x5] =	wrdreg $0x9  }
0xb3: {  	_ =	task.clear_ibuf [dreg:s8], $0x6FFFF;
	_ =	strace $0x90000046  }
0xb4: {  	s29 =	simm.s32 $0x9;
	_ =	strace $0x80000048  }
0xb5: {  	_ =	swait.ge [sflag:s29], $0x1  }
0xb6: {  	[sflag:s29] =	ssyncadd.s32 $0xFFFFFFFF  }
0xb7: {  	_ =	strace $0x90000048  }
0xb8: {  	_ =	sfence  }
0xb9: {  	s30 =	sld [smem:$0x0];
	_ =	sdelay $0x2  }
0xba: {  	s31 =	sshll.u32 s1, $0xD;
	s1 =	sshrl.u32 s1, $0x2  }
0xbb: {  	s3 =	sand.u32 $0x4000, s31;
	s1 =	sadd.s32 s1, s30  }
0xbc: {  	s0 =	sor.u32 s3, s0;
	s1 =	sshll.u32 s1, $0x11  }
0xbd: {  	s0 =	sor.u32 s1, s0  }
0xbe: {  	s0 =	sadd.s32 $0x8F2B, s0  }
0xbf: {  	[sflag:s0] =	ssyncadd.remote.s32 $0x1  }
0xc0: {  	_ =	sfence.sel $0xFFFF  }
0xc1: {  	[dreg:$0x0] =	wrdreg $0xFFFFFFFF;
	(pc) =	sbr.abs _section_cstart, $3  }
0xc2: {  	[dreg:$0x1] =	wrdreg $0xFFFFFFFF  }
0xc3: {  	_ =	task.clear_ibuf [dreg:s8], $0x2FFFF;
	_ =	strace $0x9FFFFFFF  }
0xc4: {  	(tm) =	ssettm $0x7FFFFFFF  }
0xc5: {  	_ =	shalt  }
tec
execute0_lowered:
.L_overlay_start_1:
0x0: {  	(tag) =	ssettag $0x1  }
0x1: {  	v0 =	vimm.s32 $0xF80;
	vm14 =	vcmask $0x300;
	vm13 =	vcmask $0x704  }
0x2: {  	vm12 =	vcmask $0xB08;
	v1 =	vimm.s32 $0x2780;
	vm11 =	vcmask $0xF0C  }
0x3: {  	vm10 =	vcmask $0x1310;
	vm9 =	vcmask $0x1714;
	vm8 =	vcmask $0x1B18  }
0x4: {  	vm7 =	vcmask $0x1F1C;
	vm6 =	vcmask $0x2320;
	vm5 =	vcmask $0x2724  }
0x5: {  	vm4 =	vcmask $0x2B28;
	vm3 =	vcmask $0x2F2C;
	vm2 =	vcmask $0x3330  }
0x6: {  	vm0 =	vcmask $0x3734;
	vm1 =	vcmask $0x3B38;
	v2 =	vimm.s32 $0xF81  }
0x7: {  	v3 =	vimm.s32 $0x2781;
	v4 =	vimm.s32 $0xF82;
	v5 =	vimm.s32 $0x2782  }
0x8: {  	v6 =	vimm.s32 $0xF83;
	v7 =	vimm.s32 $0x2783;
	v8 =	vlaneseq.u32  }
0x9: {  	v0 =	vsel vm14, $0x0, v0;
	v1 =	vsel vm14, $0x1800, v1;
	v2 =	vsel vm14, $0x1, v2  }
0xa: {  	v3 =	vsel vm14, $0x1801, v3;
	v4 =	vsel vm14, $0x2, v4;
	v5 =	vsel vm14, $0x1802, v5  }
0xb: {  	v6 =	vsel vm14, $0x3, v6;
	v7 =	vsel vm14, $0x1803, v7;
	v15 =	vmul.u32 $0x20, v8  }
0xc: {  	v0 =	vsel vm13, $0x80, v0;
	v1 =	vsel vm13, $0x1880, v1;
	v2 =	vsel vm13, $0x81, v2  }
0xd: {  	v3 =	vsel vm13, $0x1881, v3;
	v4 =	vsel vm13, $0x82, v4;
	v5 =	vsel vm13, $0x1882, v5  }
0xe: {  	v6 =	vsel vm13, $0x83, v6;
	v7 =	vsel vm13, $0x1883, v7;
	v0 =	vsel vm12, $0x100, v0  }
0xf: {  	v1 =	vsel vm12, $0x1900, v1;
	v2 =	vsel vm12, $0x101, v2;
	v3 =	vsel vm12, $0x1901, v3  }
0x10: {  	v4 =	vsel vm12, $0x102, v4;
	v5 =	vsel vm12, $0x1902, v5;
	v6 =	vsel vm12, $0x103, v6  }
0x11: {  	v7 =	vsel vm12, $0x1903, v7;
	v8 =	vor.u32 $0x1000, v15;
	v9 =	vor.u32 $0x1200, v15  }
0x12: {  	s0 =	srdreg.scid;
	s1 =	stileid.u32;
	v10 =	vor.u32 $0x1400, v15;
	v11 =	vor.u32 $0x1600, v15;
	v12 =	vor.u32 $0x1800, v15  }
0x13: {  	s5 =	sand.u32 $0x1, s0;
	s19 =	sshll.u32 s1, $0x1;
	v13 =	vor.u32 $0x1A00, v15;
	v14 =	vor.u32 $0x1C00, v15;
	v15 =	vor.u32 $0x1E00, v15  }
0x14: {  	s20 =	rddreg [dreg:$0x0];
	s0 =	sor.u32 s5, s19;
	v0 =	vsel vm11, $0x180, v0;
	v1 =	vsel vm11, $0x1980, v1;
	v2 =	vsel vm11, $0x181, v2  }
0x15: {  	s7 =	simm.s32 $0x0;
	s5 =	ssub.s32 $0x2, s5;
	s9 =	smul.u32 $0xF42, s0;
	v3 =	vsel vm11, $0x1981, v3;
	v4 =	vsel vm11, $0x182, v4;
	v5 =	vsel vm11, $0x1982, v5  }
0x16: {  	[smem:$0x7FF] =	sst s7;
	s12 =	sshrl.u32 s5, $0x1;
	p0 =	sne.s32 s0, $0x1F;
	v6 =	vsel vm11, $0x183, v6;
	v7 =	vsel vm11, $0x1983, v7;
	v0 =	vsel vm10, $0x200, v0  }
0x17: {  	s5 =	ssub.s32 s5, s12;
	v1 =	vsel vm10, $0x1A00, v1;
	v2 =	vsel vm10, $0x201, v2;
	s2 =	sadd.s32 $0xF42, s9;
	v3 =	vsel vm10, $0x1A01, v3;
	s3 =	sshrl.u32 s9, $0x5  }
0x18: {  	v4 =	vsel vm10, $0x202, v4;
	s9 =	sshll.u32 s9, $0x3;
	v5 =	vsel vm10, $0x1A02, v5;
	v6 =	vsel vm10, $0x203, v6;
	s4 =	sshrl.u32 s2, $0x5;
	s2 =	rddreg [dreg:$0x2]  }
0x19: {  	v7 =	vsel vm10, $0x1A03, v7;
	v0 =	vsel vm9, $0x280, v0;
	v1 =	vsel vm9, $0x1A80, v1;
	_ =	strace $0x80000047;
	s9 =	sand.u32 $0xFFF00, s9;
	s21 =	sshll.u32 s3, $0x8  }
0x1a: {  	v2 =	vsel vm9, $0x281, v2;
	v3 =	vsel vm9, $0x1A81, v3;
	v4 =	vsel vm9, $0x282, v4;
	s6 =	ssub.s32 s4, s3;
	s7 =	sadd.s32 s20, s9;
	s9 =	sadd.s32 s20, s21  }
0x1b: {  	v5 =	vsel vm9, $0x1A82, v5;
	v6 =	vsel vm9, $0x283, v6;
	v7 =	vsel vm9, $0x1A83, v7;
	s10 =	sadd.s32 $0xFFFFFFFC, s6;
	s1 =	sadd.s32 $0x100, s9;
	s22 =	sadd.s32 $0xFFFFFFFD, s6  }
0x1c: {  	v0 =	vsel vm8, $0x300, v0;
	v1 =	vsel vm8, $0x1B00, v1;
	v2 =	vsel vm8, $0x301, v2;
	s23 =	sadd.s32 $0x200, s9;
	s28 =	sadd.s32 $0xFFFFFFFE, s6;
	[dreg:$0x4] =	wrdreg s7  }
0x1d: {  	v3 =	vsel vm8, $0x1B01, v3;
	v4 =	vsel vm8, $0x302, v4;
	v5 =	vsel vm8, $0x1B02, v5;
	s14 =	sadd.s32 $0xFFFFFFFF, s6;
	s17 =	sadd.s32 $0x1E8500, s7;
	[dreg:$0x5] =	wrdreg s1  }
0x1e: {  	v6 =	vsel vm8, $0x303, v6;
	v7 =	vsel vm8, $0x1B03, v7;
	v0 =	vsel vm7, $0x380, v0;
	s20 =	sadd.s32 $0x1E8600, s9;
	s8 =	sshll.u32 s10, $0x10;
	[dreg:$0x6] =	wrdreg s23  }
0x1f: {  	v1 =	vsel vm7, $0x1B80, v1;
	v2 =	vsel vm7, $0x381, v2;
	v3 =	vsel vm7, $0x1B81, v3;
	s24 =	sshll.u32 s22, $0x10;
	s13 =	sshll.u32 s28, $0x10;
	[dreg:$0x9] =	wrdreg s17  }
0x20: {  	v4 =	vsel vm7, $0x382, v4;
	v5 =	vsel vm7, $0x1B82, v5;
	v6 =	vsel vm7, $0x383, v6;
	s15 =	sshll.u32 s14, $0x10;
	[dreg:$0xb] =	wrdreg s20;
	s23 =	sadd.s32 $0x2DC880, s9  }
0x21: {  	v7 =	vsel vm7, $0x1B83, v7;
	v0 =	vsel vm6, $0xC00, v0;
	v1 =	vsel vm6, $0x2400, v1;
	s11 =	sshra.s32 s8, $0x1F;
	s26 =	sshra.s32 s24, $0x1F;
	s13 =	sshra.s32 s13, $0x1F  }
0x22: {  	v2 =	vsel vm6, $0xC01, v2;
	v3 =	vsel vm6, $0x2401, v3;
	v4 =	vsel vm6, $0xC02, v4;
	s15 =	sshra.s32 s15, $0x1F;
	[dreg:$0xe] =	wrdreg s23;
	s24 =	smax.u32 s5, $0x1  }
0x23: {  	v5 =	vsel vm6, $0x2402, v5;
	v6 =	vsel vm6, $0xC03, v6;
	v7 =	vsel vm6, $0x2403, v7;
	s11 =	sand.u32 $0x3, s11;
	s13 =	sand.u32 $0x3, s13;
	s30 =	sand.u32 $0x3, s15  }
0x24: {  	v0 =	vsel vm5, $0xC80, v0;
	v1 =	vsel vm5, $0x2480, v1;
	v2 =	vsel vm5, $0xC81, v2;
	[dreg:$0xf] =	wrdreg s24;
	s11 =	sadd.s32 s11, s10;
	s29 =	sadd.s32 s13, s28  }
0x25: {  	v3 =	vsel vm5, $0x2481, v3;
	v4 =	vsel vm5, $0xC82, v4;
	v5 =	vsel vm5, $0x2482, v5;
	s13 =	sadd.s32 s30, s14;
	s30 =	sadd.s32 $0xF4480, s9;
	s11 =	sand.u32 $0xFFFC, s11  }
0x26: {  	v6 =	vsel vm5, $0xC83, v6;
	v7 =	vsel vm5, $0x2483, v7;
	v0 =	vsel vm4, $0xD00, v0;
	s31 =	sand.u32 $0xFFFC, s13;
	[dreg:$0x14] =	wrdreg s30;
	s10 =	ssub.s32 s10, s11  }
0x27: {  	v1 =	vsel vm4, $0x2500, v1;
	v2 =	vsel vm4, $0xD01, v2;
	v3 =	vsel vm4, $0x2501, v3;
	s11 =	sand.u32 $0xFFFC, s29;
	s16 =	ssub.s32 s14, s31;
	s29 =	sadd.s32 $0x2DC980, s9  }
0x28: {  	v4 =	vsel vm4, $0xD02, v4;
	v5 =	vsel vm4, $0x2502, v5;
	v6 =	vsel vm4, $0xD03, v6;
	s31 =	sadd.s32 $0x2DC780, s7;
	s10 =	sshll.u32 s10, $0x10;
	[dreg:$0x13] =	wrdreg s29  }
0x29: {  	v7 =	vsel vm4, $0x2503, v7;
	v0 =	vsel vm3, $0xD80, v0;
	v1 =	vsel vm3, $0x2580, v1;
	s11 =	ssub.s32 s28, s11;
	s28 =	sadd.s32 $0xF4380, s9;
	[dreg:$0x15] =	wrdreg s31  }
0x2a: {  	v2 =	vsel vm3, $0xD81, v2;
	v3 =	vsel vm3, $0x2581, v3;
	v4 =	vsel vm3, $0xD82, v4;
	s10 =	sshra.s32 s10, $0x10;
	s15 =	sshll.u32 s11, $0x10;
	s11 =	sshll.u32 s16, $0x10  }
0x2b: {  	v5 =	vsel vm3, $0x2582, v5;
	v6 =	vsel vm3, $0xD83, v6;
	v7 =	vsel vm3, $0x2583, v7;
	[dreg:$0x12] =	wrdreg s28;
	s25 =	sadd.s32 $0x5, s10;
	s10 =	sand.u32 $0x3, s26  }
0x2c: {  	v0 =	vsel vm2, $0xE00, v0;
	v1 =	vsel vm2, $0x2600, v1;
	v2 =	vsel vm2, $0xE01, v2;
	s19 =	sshra.s32 s11, $0x10;
	s26 =	sadd.s32 $0x1E8700, s9;
	s10 =	sadd.s32 s10, s22  }
0x2d: {  	v3 =	vsel vm2, $0x2601, v3;
	v4 =	vsel vm2, $0xE02, v4;
	v5 =	vsel vm2, $0x2602, v5;
	[dreg:$0x7] =	wrdreg s25;
	s21 =	sadd.s32 $0x5, s19;
	s10 =	sand.u32 $0xFFFC, s10  }
0x2e: {  	v6 =	vsel vm2, $0xE03, v6;
	v7 =	vsel vm2, $0x2603, v7;
	v0 =	vsel vm0, $0xE80, v0;
	s25 =	sadd.s32 $0xF4280, s7;
	[dreg:$0x11] =	wrdreg s26;
	s10 =	ssub.s32 s22, s10  }
.Ltmp0:
0x2f: {  	v1 =	vsel vm0, $0x2680, v1;
	v2 =	vsel vm0, $0xE81, v2;
	v3 =	vsel vm0, $0x2681, v3;
	[dreg:$0xc] =	wrdreg s21;
	s10 =	sshll.u32 s10, $0x10;
	(pc) =	sbr.rel .LBB2_1-.Ltmp0, $4  }
0x30: {  	v4 =	vsel vm0, $0xE82, v4;
	v5 =	vsel vm0, $0x2682, v5;
	v6 =	vsel vm0, $0xE83, v6;
	[dreg:$0x10] =	wrdreg s25;
	s22 =	sadd.s32 $0x3D1000, s2;
	s10 =	sshra.s32 s10, $0x10  }
0x31: {  	v7 =	vsel vm0, $0x2683, v7;
	v0 =	vsel vm1, $0xF00, v0;
	v1 =	vsel vm1, $0x2700, v1;
	[dreg:$0xd] =	wrdreg s22;
	s13 =	sadd.s32 $0x5, s10;
	s10 =	sshra.s32 s15, $0x10  }
0x32: {  	p1 =	slt.s32 s6, $0x1;
	v2 =	vsel vm1, $0xF01, v2;
	v3 =	vsel vm1, $0x2701, v3;
	v4 =	vsel vm1, $0xF02, v4;
	[dreg:$0x8] =	wrdreg s13;
	s18 =	sadd.s32 $0x5, s10  }
0x33: {  	s8 =	sadd.s32 $0x800, s2;
	v5 =	vsel vm1, $0x2702, v5;
	v6 =	vsel vm1, $0xF03, v6;
	v7 =	vsel vm1, $0x2703, v7;
	s2 =	simm.s32 $0x0;
	[dreg:$0xa] =	wrdreg s18  }
.LBB2_5:
0x34: {  	s0 =	rddreg [dreg:$0x7]  }
0x35: {  	_ =	swait.ge [sflag:s0], $0x2000  }
0x36: {  	[sflag:s0] =	ssyncset.done $0x0  }
0x37: {  	s26 =	rddreg [dreg:$0x8];
	[sflag:s0] =	ssyncadd.s32 $0xFFFFE000  }
0x38: {  	_ =	swait.ge [sflag:s26], $0x2000  }
0x39: {  	[sflag:s26] =	ssyncset.done $0x0  }
0x3a: {  	s28 =	rddreg [dreg:$0xa];
	[sflag:s26] =	ssyncadd.s32 $0xFFFFE000  }
0x3b: {  	_ =	swait.ge [sflag:s28], $0x2000  }
0x3c: {  	[sflag:s28] =	ssyncset.done $0x0  }
0x3d: {  	s29 =	rddreg [dreg:$0xc];
	[sflag:s28] =	ssyncadd.s32 $0xFFFFE000  }
0x3e: {  	_ =	swait.ge [sflag:s29], $0x2000  }
0x3f: {  	[sflag:s29] =	ssyncset.done $0x0  }
0x40: {  	[sflag:s29] =	ssyncadd.s32 $0xFFFFE000  }
0x41: {  	s1 =	simm.s32 @!p0 $0xC000;
	s0 =	simm.s32 @!p0 $0x0;
	s2 =	rddreg [dreg:$0x1]  }
0x42: {  	[tilespmem:s1], [sflag:$0x1] =	stream.linear.gather @!p0 [hbm4b:s2+s0], $0x800, $0x38;
	[tilespmem:$0x14000] =	vst v63  }
0x43: {  	s2 =	simm.s32 @!p0 $0x1  }
0x44: {  	_ =	swait.ge @!p0 [sflag:s2], $0x800  }
0x45: {  	[sflag:s2] =	ssyncset.done @!p0 $0x0  }
0x46: {  	[sflag:s2] =	ssyncadd.s32 @!p0 $0xFFFFF800;
	s2 =	rddreg [dreg:$0xd]  }
0x47: {  	[hbm4b:s2+s0] =	stream.linear.scatter @!p0 [tilespmem:s1], [sflag:$0x5], $0x800, $0x38;
	[tilespmem:$0x14000] =	vst v63  }
0x48: {  	s0 =	simm.s32 @!p0 $0x5  }
0x49: {  	_ =	swait.ge @!p0 [sflag:s0], $0x800  }
0x4a: {  	s30 =	rddreg [dreg:$0x16]  }
0x4b: {  	s31 =	rddreg [dreg:$0xf];
	s2 =	sadd.s32 $0x1, s30  }
0x4c: {  	p2 =	sne.s32 s2, s31  }
.Ltmp1:
0x4d: {  	_ = 	snop;
	(pc) =	sbr.rel @!p2 .LBB2_6-.Ltmp1, $3  }
0x4e: {  	_ =	sdelay $0x1  }
0x4f: {  	[sflag:s0] =	ssyncset.done @!p0 $0x0  }
0x50: {  	[sflag:s0] =	ssyncadd.s32 @!p0 $0xFFFFF800  }
.LBB2_1:
0x51: {  	s0 =	simm.s32 $0x0;
	s1 =	rddreg [dreg:$0x4]  }
0x52: {  	[tilespmem:s0], [sflag:$0x1] =	stream.linear.gather [hbm4b:s1+s0], $0x800, $0x38;
	[tilespmem:$0x14000] =	vst v63  }
0x53: {  	s9 =	rddreg [dreg:$0x10];
	s10 =	simm.s32 $0xC00  }
0x54: {  	[tilespmem:s10], [sflag:$0x1] =	stream.linear.gather [hbm4b:s9+s0], $0x800, $0x38;
	[tilespmem:$0x14000] =	vst v63  }
0x55: {  	s11 =	rddreg [dreg:$0x9];
	s12 =	simm.s32 $0x1800  }
0x56: {  	[tilespmem:s12], [sflag:$0x1] =	stream.linear.gather [hbm4b:s11+s0], $0x800, $0x38;
	[tilespmem:$0x14000] =	vst v63  }
0x57: {  	s13 =	rddreg [dreg:$0x15];
	s14 =	simm.s32 $0x2400  }
0x58: {  	[tilespmem:s14], [sflag:$0x1] =	stream.linear.gather [hbm4b:s13+s0], $0x800, $0x38;
	[tilespmem:$0x14000] =	vst v63  }
0x59: {  	s15 =	rddreg [dreg:$0x5];
	s16 =	simm.s32 $0x3000  }
0x5a: {  	[tilespmem:s16], [sflag:$0x2] =	stream.linear.gather [hbm4b:s15+s0], $0x800, $0x38;
	[tilespmem:$0x14000] =	vst v63  }
0x5b: {  	s17 =	rddreg [dreg:$0x12];
	s18 =	simm.s32 $0x3C00  }
0x5c: {  	[tilespmem:s18], [sflag:$0x2] =	stream.linear.gather [hbm4b:s17+s0], $0x800, $0x38;
	[tilespmem:$0x14000] =	vst v63  }
0x5d: {  	s19 =	rddreg [dreg:$0xb];
	s20 =	simm.s32 $0x4800  }
0x5e: {  	[tilespmem:s20], [sflag:$0x2] =	stream.linear.gather [hbm4b:s19+s0], $0x800, $0x38;
	[tilespmem:$0x14000] =	vst v63  }
0x5f: {  	s21 =	rddreg [dreg:$0xe];
	s22 =	simm.s32 $0x5400  }
0x60: {  	[tilespmem:s22], [sflag:$0x2] =	stream.linear.gather [hbm4b:s21+s0], $0x800, $0x38;
	[tilespmem:$0x14000] =	vst v63  }
0x61: {  	s23 =	rddreg [dreg:$0x6];
	s24 =	simm.s32 $0x6000  }
0x62: {  	[tilespmem:s24], [sflag:$0x3] =	stream.linear.gather [hbm4b:s23+s0], $0x800, $0x38;
	[tilespmem:$0x14000] =	vst v63  }
0x63: {  	s25 =	rddreg [dreg:$0x14];
	s26 =	simm.s32 $0x6C00  }
0x64: {  	[tilespmem:s26], [sflag:$0x3] =	stream.linear.gather [hbm4b:s25+s0], $0x800, $0x38;
	[tilespmem:$0x14000] =	vst v63  }
.Ltmp2:
0x65: {  	s28 =	rddreg [dreg:$0x11];
	s29 =	simm.s32 $0x7800;
	(pc) =	sbr.rel @p1 .LBB2_5-.Ltmp2, $4  }
0x66: {  	[tilespmem:s29], [sflag:$0x3] =	stream.linear.gather [hbm4b:s28+s0], $0x800, $0x38;
	[tilespmem:$0x14000] =	vst v63  }
0x67: {  	s30 =	rddreg [dreg:$0x13];
	s31 =	simm.s32 $0x8400  }
0x68: {  	[tilespmem:s31], [sflag:$0x3] =	stream.linear.gather [hbm4b:s30+s0], $0x800, $0x38;
	[tilespmem:$0x14000] =	vst v63  }
0x69: {  	[dreg:$0x16] =	wrdreg s2;
	s2 =	simm.s32 $0x0;
	s0 =	simm.s32 $0x0  }
.LBB2_2:
0x6a: {  	s28 =	sadd.s32 s3, s2  }
0x6b: {  	s29 =	sand.u32 $0x3, s2;
	s5 =	sadd.s32 $0x3, s28  }
0x6c: {  	s9 =	sadd.s32 $0x1, s29;
	p2 =	sge.u32 s5, s4  }
0x6d: {  	_ =	swait.ge [sflag:s9], $0x2000;
	s10 =	sadd.s32 @!p2 $0xFFFFFFFF, s2  }
0x6e: {  	[sflag:s9] =	ssyncset.done $0x0;
	s10 =	sand.u32 @!p2 $0x3, s10  }
0x6f: {  	[sflag:s9] =	ssyncadd.s32 $0xFFFFE000;
	s11 =	smul.u32 @!p2 $0xC000, s10  }
0x70: {  	s5 =	sshll.u32 @!p2 s5, $0x8;
	s9 =	sadd.s32 @!p2 $0x1, s10;
	s1 =	rddreg [dreg:$0x0]  }
0x71: {  	s5 =	sadd.s32 @!p2 s1, s5;
	s10 =	sshrl.u32 @!p2 s11, $0x2;
	s11 =	simm.s32 @!p2 $0x0  }
0x72: {  	[tilespmem:s10], [sflag:s9] =	stream.linear.gather @!p2 [hbm4b:s5+s11], $0x800, $0x38;
	[tilespmem:$0x14000] =	vst v63  }
0x73: {  	s12 =	sadd.s32 @!p2 $0xF4280, s5;
	s13 =	sor.u32 @!p2 $0xC00, s10  }
0x74: {  	[tilespmem:s13], [sflag:s9] =	stream.linear.gather @!p2 [hbm4b:s12+s11], $0x800, $0x38;
	[tilespmem:$0x14000] =	vst v63  }
0x75: {  	s12 =	sadd.s32 @!p2 $0x1E8500, s5;
	s13 =	sadd.s32 @!p2 $0x1800, s10  }
0x76: {  	[tilespmem:s13], [sflag:s9] =	stream.linear.gather @!p2 [hbm4b:s12+s11], $0x800, $0x38;
	[tilespmem:$0x14000] =	vst v63  }
0x77: {  	s31 =	simm.s32 $0x0;
	s5 =	sadd.s32 @!p2 $0x2DC780, s5;
	s10 =	sadd.s32 @!p2 $0x2400, s10  }
0x78: {  	[tilespmem:s10], [sflag:s9] =	stream.linear.gather @!p2 [hbm4b:s5+s11], $0x800, $0x38;
	[tilespmem:$0x14000] =	vst v63  }
0x79: {  	v16 =	vor.u32 s31, v0;
	p2 =	slt.u32 s2, $0x4  }
0x7a: {  	s5 =	sadd.s32 @!p2 $0x5, s29  }
0x7b: {  	s30 =	simm.s32 $0x4;
	s24 =	smul.u32 $0xC000, s29;
	_ =	swait.ge @!p2 [sflag:s5], $0x2000  }
0x7c: {  	s14 =	simm.s32 $0xC;
	v17 =	vor.u32 s30, v0;
	[sflag:s5] =	ssyncset.done @!p2 $0x0  }
0x7d: {  	s25 =	simm.s32 $0x8;
	v18 =	vor.u32 s14, v0;
	s11 =	sshrl.u32 s24, $0x2;
	[sflag:s5] =	ssyncadd.s32 @!p2 $0xFFFFE000  }
0x7e: {  	v19 =	vor.u32 s25, v0;
	v16 =	vld.idx.msk [tilespmem:v16+s11+$0x0], $0xffff  }
0x7f: {  	v20 =	vor.u32 s31, v1  }
0x80: {  	s26 =	sand.u32 $0x3, s0  }
0x81: {  	s5 =	sshll.u32 s26, $0xD;
	v17 =	vld.idx.msk [tilespmem:v17+s11+$0x0], $0xffff  }
0x82: {  	v21 =	vor.u32 s30, v1;
	s1 =	sadd.s32 $0xC100, s5;
	v18 =	vld.idx.msk [tilespmem:v18+s11+$0x0], $0xffff  }
0x83: {  	v22 =	vor.u32 s14, v1;
	v19 =	vld.idx.msk [tilespmem:v19+s11+$0x0], $0xffff;
	[tilespmem:s1+$0xFFFFFF00] =	vst v16  }
0x84: {  	v16 =	vor.u32 s25, v1;
	v20 =	vld.idx.msk [tilespmem:v20+s11+$0x0], $0xffff  }
0x85: {  	v23 =	vor.u32 s31, v2  }
0x86: {  	[tilespmem:s1+$0xFFFFFF80] =	vst v17  }
0x87: {  	[tilespmem:s1+$0x80] =	vst v18;
	v17 =	vld.idx.msk [tilespmem:v21+s11+$0x0], $0xffff  }
0x88: {  	[tilespmem:s1+$0x0] =	vst v19;
	v19 =	vor.u32 s30, v2;
	v18 =	vld.idx.msk [tilespmem:v22+s11+$0x0], $0xffff  }
0x89: {  	v21 =	vor.u32 s14, v2;
	v16 =	vld.idx.msk [tilespmem:v16+s11+$0x0], $0xffff;
	[tilespmem:s1+$0xFFFFFF10] =	vst v20  }
0x8a: {  	v20 =	vor.u32 s25, v2;
	v22 =	vld.idx.msk [tilespmem:v23+s11+$0x0], $0xffff  }
0x8b: {  	v23 =	vor.u32 s31, v3  }
0x8c: {  	[tilespmem:s1+$0xFFFFFF90] =	vst v17  }
0x8d: {  	[tilespmem:s1+$0x90] =	vst v18;
	v17 =	vld.idx.msk [tilespmem:v19+s11+$0x0], $0xffff  }
0x8e: {  	v18 =	vor.u32 s30, v3;
	[tilespmem:s1+$0x10] =	vst v16;
	v16 =	vld.idx.msk [tilespmem:v21+s11+$0x0], $0xffff  }
0x8f: {  	v19 =	vld.idx.msk [tilespmem:v20+s11+$0x0], $0xffff;
	v20 =	vor.u32 s14, v3;
	[tilespmem:s1+$0xFFFFFF20] =	vst v22  }
0x90: {  	v21 =	vor.u32 s25, v3;
	v22 =	vld.idx.msk [tilespmem:v23+s11+$0x0], $0xffff  }
0x91: {  	v23 =	vor.u32 s31, v4  }
0x92: {  	[tilespmem:s1+$0xFFFFFFA0] =	vst v17  }
0x93: {  	[tilespmem:s1+$0xA0] =	vst v16;
	v16 =	vld.idx.msk [tilespmem:v18+s11+$0x0], $0xffff  }
0x94: {  	v18 =	vor.u32 s30, v4;
	[tilespmem:s1+$0x20] =	vst v19;
	v17 =	vld.idx.msk [tilespmem:v20+s11+$0x0], $0xffff  }
0x95: {  	v20 =	vor.u32 s14, v4;
	v19 =	vld.idx.msk [tilespmem:v21+s11+$0x0], $0xffff;
	[tilespmem:s1+$0xFFFFFF30] =	vst v22  }
0x96: {  	v21 =	vor.u32 s25, v4;
	v22 =	vld.idx.msk [tilespmem:v23+s11+$0x0], $0xffff  }
0x97: {  	v23 =	vor.u32 s31, v5  }
0x98: {  	[tilespmem:s1+$0xFFFFFFB0] =	vst v16  }
0x99: {  	v16 =	vld.idx.msk [tilespmem:v18+s11+$0x0], $0xffff;
	[tilespmem:s1+$0xB0] =	vst v17  }
0x9a: {  	v18 =	vor.u32 s30, v5;
	[tilespmem:s1+$0x30] =	vst v19;
	v17 =	vld.idx.msk [tilespmem:v20+s11+$0x0], $0xffff  }
0x9b: {  	v20 =	vor.u32 s14, v5;
	v19 =	vld.idx.msk [tilespmem:v21+s11+$0x0], $0xffff;
	[tilespmem:s1+$0xFFFFFF40] =	vst v22  }
0x9c: {  	v21 =	vor.u32 s25, v5;
	v22 =	vld.idx.msk [tilespmem:v23+s11+$0x0], $0xffff  }
0x9d: {  	v23 =	vor.u32 s31, v6  }
0x9e: {  	[tilespmem:s1+$0xFFFFFFC0] =	vst v16  }
0x9f: {  	s7 =	simm.s32 $0x10;
	v16 =	vld.idx.msk [tilespmem:v18+s11+$0x0], $0xffff;
	[tilespmem:s1+$0xC0] =	vst v17  }
0xa0: {  	v24 =	vor.u32 s7, v0;
	[tilespmem:s1+$0x40] =	vst v19;
	v18 =	vld.idx.msk [tilespmem:v20+s11+$0x0], $0xffff  }
0xa1: {  	v20 =	vor.u32 s14, v6;
	v19 =	vld.idx.msk [tilespmem:v21+s11+$0x0], $0xffff;
	[tilespmem:s1+$0xFFFFFF50] =	vst v22  }
0xa2: {  	v21 =	vor.u32 s25, v6;
	v22 =	vld.idx.msk [tilespmem:v23+s11+$0x0], $0xffff  }
0xa3: {  	s16 =	simm.s32 $0x14;
	v23 =	vor.u32 s31, v7  }
0xa4: {  	[tilespmem:s1+$0xFFFFFFD0] =	vst v16;
	v16 =	vor.u32 s16, v0  }
0xa5: {  	s18 =	simm.s32 $0x18;
	v24 =	vld.idx.msk [tilespmem:v24+s11+$0x0], $0xffff;
	v17 =	vor.u32 s30, v6;
	[tilespmem:s1+$0xD0] =	vst v18  }
0xa6: {  	s9 =	simm.s32 $0x1C;
	v18 =	vor.u32 s18, v0;
	[tilespmem:s1+$0x50] =	vst v19;
	v19 =	vld.idx.msk [tilespmem:v20+s11+$0x0], $0xffff  }
0xa7: {  	v20 =	vor.u32 s9, v0;
	v21 =	vld.idx.msk [tilespmem:v21+s11+$0x0], $0xffff;
	[tilespmem:s1+$0xFFFFFF60] =	vst v22  }
0xa8: {  	v22 =	vor.u32 s14, v7;
	v23 =	vld.idx.msk [tilespmem:v23+s11+$0x0], $0xffff  }
0xa9: {  	s22 =	simm.s32 $0x0;
	v25 =	vor.u32 s25, v7;
	v16 =	vld.idx.msk [tilespmem:v16+s11+$0x0], $0xffff  }
0xaa: {  	s5 =	smul.u32 $0x3000, s22;
	v17 =	vld.idx.msk [tilespmem:v17+s11+$0x0], $0xffff  }
0xab: {  	v18 =	vld.idx.msk [tilespmem:v18+s11+$0x0], $0xffff;
	[tilespmem:s1+$0xE0] =	vst v19;
	v19 =	vor.u32 s16, v1  }
0xac: {  	v26 =	vor.u32 s18, v1;
	s19 =	sor.u32 $0x400, s11;
	s5 =	sshra.s32 s5, $0x2;
	v20 =	vld.idx.msk [tilespmem:v20+s11+$0x0], $0xffff;
	[tilespmem:s1+$0x60] =	vst v21  }
0xad: {  	s23 =	sand.u32 $0x200, s31;
	v27 =	vor.u32 s9, v1;
	s21 =	sadd.s32 $0x200, s1;
	s5 =	sadd.s32 s5, s19;
	v22 =	vld.idx.msk [tilespmem:v22+s11+$0x0], $0xffff;
	[tilespmem:s1+$0xFFFFFF70] =	vst v23  }
0xae: {  	s14 =	sadd.s32 s23, s5;
	[tilespmem:s21+$0xFFFFFF80] =	vst v16;
	v16 =	vld.idx.msk [tilespmem:v25+s11+$0x0], $0xffff;
	v25 =	vor.u32 s7, v1  }
0xaf: {  	v28 =	vor.u32 s30, v7;
	[tilespmem:s21+$0xFFFFFF00] =	vst v24;
	v23 =	vor.u32 s31, v8;
	v21 =	vld [tilespmem:s14+$0x0]  }
0xb0: {  	[tilespmem:s21+$0x0] =	vst v18;
	v19 =	vld.idx.msk [tilespmem:v19+s11+$0x0], $0xffff  }
0xb1: {  	v18 =	vld.idx.msk [tilespmem:v26+s11+$0x0], $0xffff;
	[tilespmem:s21+$0x80] =	vst v20  }
0xb2: {  	s15 =	simm.s32 $0x100;
	s24 =	sshll.u32 s29, $0xD;
	[tilespmem:s1+$0xFFFFFFE0] =	vst v17;
	v17 =	vld.idx.msk [tilespmem:v27+s11+$0x0], $0xffff  }
0xb3: {  	s15 =	sand.u32 $0x300, s15;
	s10 =	sadd.s32 $0xC000, s24;
	v20 =	vor.u32 s18, v2;
	v25 =	vld.idx.msk [tilespmem:v25+s11+$0x0], $0xffff;
	[tilespmem:s1+$0x70] =	vst v16  }
0xb4: {  	s17 =	simm.s32 $0x180;
	s23 =	sadd.s32 s15, s5;
	v16 =	vor.u32 s16, v2;
	[tilespmem:v23+s10+$0x0] =	vst.idx.msk $0xffff, v21;
	v21 =	vld.idx.msk [tilespmem:v28+s11+$0x0], $0xffff  }
0xb5: {  	s22 =	simm.s32 $0x2;
	s25 =	sand.u32 $0x380, s17;
	[tilespmem:s1+$0xF0] =	vst v22;
	v23 =	vor.u32 s9, v2;
	v22 =	vld [tilespmem:s23+$0x0]  }
0xb6: {  	s24 =	simm.s32 $0x3;
	s20 =	sadd.s32 s25, s5;
	v26 =	vor.u32 s22, v8;
	v24 =	vld [tilespmem:s14+$0x10];
	[tilespmem:s21+$0x10] =	vst v18  }
0xb7: {  	v27 =	vor.u32 s7, v2;
	v18 =	vld [tilespmem:s20+$0x0];
	[tilespmem:s21+$0x90] =	vst v17;
	v17 =	vor.u32 s24, v8  }
0xb8: {  	s26 =	simm.s32 $0x80;
	[tilespmem:s21+$0xFFFFFF90] =	vst v19;
	v20 =	vld.idx.msk [tilespmem:v20+s11+$0x0], $0xffff  }
0xb9: {  	s15 =	sand.u32 $0x280, s26;
	v16 =	vld.idx.msk [tilespmem:v16+s11+$0x0], $0xffff;
	[tilespmem:s21+$0xFFFFFF10] =	vst v25  }
0xba: {  	s25 =	simm.s32 $0x1;
	s26 =	sadd.s32 s15, s5;
	v19 =	vor.u32 s18, v3;
	v23 =	vld.idx.msk [tilespmem:v23+s11+$0x0], $0xffff;
	[tilespmem:s1+$0xFFFFFFF0] =	vst v21  }
0xbb: {  	v28 =	vor.u32 s25, v8;
	[tilespmem:v26+s10+$0x0] =	vst.idx.msk $0xffff, v22;
	v22 =	vor.u32 s9, v3;
	v21 =	vld [tilespmem:s26+$0x0]  }
0xbc: {  	v26 =	vld.idx.msk [tilespmem:v27+s11+$0x0], $0xffff;
	v27 =	vor.u32 s16, v3;
	[tilespmem:v17+s10+$0x0] =	vst.idx.msk $0xffff, v18  }
0xbd: {  	v29 =	vor.u32 s22, v9;
	v25 =	vld [tilespmem:s23+$0x10];
	[tilespmem:s21+$0x20] =	vst v20  }
0xbe: {  	v18 =	vor.u32 s24, v9;
	v17 =	vld [tilespmem:s20+$0x10];
	[tilespmem:s21+$0xFFFFFFA0] =	vst v16  }
0xbf: {  	v20 =	vor.u32 s7, v3;
	v19 =	vld.idx.msk [tilespmem:v19+s11+$0x0], $0xffff;
	[tilespmem:s21+$0xA0] =	vst v23  }
0xc0: {  	[tilespmem:v28+s10+$0x0] =	vst.idx.msk $0xffff, v21;
	v16 =	vld.idx.msk [tilespmem:v22+s11+$0x0], $0xffff;
	v28 =	vor.u32 s31, v9  }
0xc1: {  	[tilespmem:s21+$0xFFFFFF20] =	vst v26;
	v22 =	vld.idx.msk [tilespmem:v27+s11+$0x0], $0xffff;
	v27 =	vor.u32 s18, v4  }
0xc2: {  	v23 =	vor.u32 s25, v9;
	[tilespmem:v29+s10+$0x0] =	vst.idx.msk $0xffff, v25;
	v21 =	vld [tilespmem:s26+$0x10]  }
0xc3: {  	v25 =	vld [tilespmem:s23+$0x20];
	[tilespmem:v18+s10+$0x0] =	vst.idx.msk $0xffff, v17  }
0xc4: {  	v29 =	vor.u32 s22, v10;
	v20 =	vld.idx.msk [tilespmem:v20+s11+$0x0], $0xffff;
	[tilespmem:s21+$0x30] =	vst v19  }
0xc5: {  	v18 =	vor.u32 s24, v10;
	v17 =	vld [tilespmem:s20+$0x20];
	[tilespmem:v28+s10+$0x0] =	vst.idx.msk $0xffff, v24  }
0xc6: {  	v26 =	vld.idx.msk [tilespmem:v27+s11+$0x0], $0xffff;
	[tilespmem:s21+$0xFFFFFFB0] =	vst v22  }
0xc7: {  	v24 =	vor.u32 s7, v4;
	v28 =	vor.u32 s31, v10;
	[tilespmem:v23+s10+$0x0] =	vst.idx.msk $0xffff, v21;
	v27 =	vld [tilespmem:s14+$0x20]  }
0xc8: {  	[tilespmem:s21+$0xB0] =	vst v16;
	v23 =	vor.u32 s25, v10;
	v19 =	vld [tilespmem:s26+$0x20]  }
0xc9: {  	[tilespmem:v29+s10+$0x0] =	vst.idx.msk $0xffff, v25  }
0xca: {  	v21 =	vor.u32 s16, v4;
	v25 =	vld [tilespmem:s23+$0x30];
	[tilespmem:v18+s10+$0x0] =	vst.idx.msk $0xffff, v17  }
0xcb: {  	v22 =	vor.u32 s24, v11;
	[tilespmem:s21+$0xFFFFFF30] =	vst v20;
	v17 =	vor.u32 s9, v4;
	v18 =	vld [tilespmem:s20+$0x30]  }
0xcc: {  	v24 =	vld.idx.msk [tilespmem:v24+s11+$0x0], $0xffff;
	[tilespmem:v28+s10+$0x0] =	vst.idx.msk $0xffff, v27;
	v27 =	vor.u32 s22, v11  }
0xcd: {  	v28 =	vor.u32 s31, v11;
	[tilespmem:v23+s10+$0x0] =	vst.idx.msk $0xffff, v19;
	v19 =	vor.u32 s18, v5;
	v16 =	vld [tilespmem:s14+$0x30]  }
0xce: {  	v23 =	vor.u32 s25, v11;
	v20 =	vld [tilespmem:s26+$0x30]  }
0xcf: {  	[tilespmem:s21+$0x40] =	vst v26;
	v21 =	vld.idx.msk [tilespmem:v21+s11+$0x0], $0xffff  }
0xd0: {  	v17 =	vld.idx.msk [tilespmem:v17+s11+$0x0], $0xffff;
	[tilespmem:v22+s10+$0x0] =	vst.idx.msk $0xffff, v18  }
0xd1: {  	v26 =	vor.u32 s7, v5;
	v22 =	vld [tilespmem:s20+$0x40];
	[tilespmem:v27+s10+$0x0] =	vst.idx.msk $0xffff, v25  }
0xd2: {  	v18 =	vor.u32 s16, v5;
	v19 =	vld.idx.msk [tilespmem:v19+s11+$0x0], $0xffff;
	[tilespmem:v28+s10+$0x0] =	vst.idx.msk $0xffff, v16  }
0xd3: {  	v25 =	vor.u32 s22, v12;
	v16 =	vld [tilespmem:s23+$0x40];
	[tilespmem:v23+s10+$0x0] =	vst.idx.msk $0xffff, v20;
	v20 =	vor.u32 s9, v5  }
0xd4: {  	[tilespmem:s21+$0xFFFFFFC0] =	vst v21;
	v27 =	vor.u32 s31, v12;
	v21 =	vld [tilespmem:s14+$0x40]  }
0xd5: {  	v29 =	vor.u32 s25, v12;
	[tilespmem:s21+$0xFFFFFF40] =	vst v24;
	v23 =	vld [tilespmem:s26+$0x40]  }
0xd6: {  	v24 =	vor.u32 s24, v12;
	v28 =	vld.idx.msk [tilespmem:v26+s11+$0x0], $0xffff  }
0xd7: {  	[tilespmem:s21+$0xC0] =	vst v17;
	v18 =	vld.idx.msk [tilespmem:v18+s11+$0x0], $0xffff  }
0xd8: {  	v17 =	vor.u32 s16, v6;
	[tilespmem:v25+s10+$0x0] =	vst.idx.msk $0xffff, v16;
	v30 =	vld.idx.msk [tilespmem:v20+s11+$0x0], $0xffff  }
0xd9: {  	v25 =	vor.u32 s7, v6;
	[tilespmem:v27+s10+$0x0] =	vst.idx.msk $0xffff, v21;
	v16 =	vld [tilespmem:s23+$0x50]  }
0xda: {  	v20 =	vor.u32 s18, v6;
	v21 =	vor.u32 s22, v13;
	[tilespmem:v29+s10+$0x0] =	vst.idx.msk $0xffff, v23;
	v31 =	vld [tilespmem:s14+$0x50]  }
0xdb: {  	[tilespmem:v24+s10+$0x0] =	vst.idx.msk $0xffff, v22;
	v29 =	vor.u32 s25, v13;
	v23 =	vld [tilespmem:s26+$0x50]  }
0xdc: {  	[tilespmem:s21+$0xFFFFFFD0] =	vst v18;
	v18 =	vld [tilespmem:s20+$0x50]  }
0xdd: {  	v22 =	vor.u32 s24, v13;
	[tilespmem:s21+$0xFFFFFF50] =	vst v28;
	v27 =	vor.u32 s9, v6;
	v26 =	vld.idx.msk [tilespmem:v17+s11+$0x0], $0xffff  }
0xde: {  	v32 =	vor.u32 s31, v13;
	[tilespmem:s21+$0x50] =	vst v19;
	v25 =	vld.idx.msk [tilespmem:v25+s11+$0x0], $0xffff  }
0xdf: {  	v24 =	vld.idx.msk [tilespmem:v20+s11+$0x0], $0xffff;
	[tilespmem:v21+s10+$0x0] =	vst.idx.msk $0xffff, v16  }
0xe0: {  	v21 =	vld [tilespmem:s23+$0x60];
	[tilespmem:v29+s10+$0x0] =	vst.idx.msk $0xffff, v23  }
0xe1: {  	[tilespmem:s21+$0xD0] =	vst v30;
	v23 =	vor.u32 s25, v14;
	v20 =	vld [tilespmem:s26+$0x60]  }
0xe2: {  	s12 =	simm.s32 $0x200;
	v19 =	vor.u32 s24, v14;
	[tilespmem:v22+s10+$0x0] =	vst.idx.msk $0xffff, v18;
	v22 =	vor.u32 s22, v14;
	v27 =	vld.idx.msk [tilespmem:v27+s11+$0x0], $0xffff  }
0xe3: {  	s13 =	smov.u32 s21;
	s17 =	simm.s32 $0x20;
	s15 =	simm.s32 $0x8;
	v16 =	vor.u32 s7, v7;
	[tilespmem:v32+s10+$0x0] =	vst.idx.msk $0xffff, v31;
	v18 =	vor.u32 s31, v14;
	v17 =	vld [tilespmem:s20+$0x60]  }
.LBB2_3:
0xe4: {  	s5 =	sadd.s32 $0x4, s17  }
0xe5: {  	v28 =	vor.u32 s17, v0;
	v29 =	vor.u32 s17, v7;
	p2 =	slt.u32 s15, $0x1C;
	[tilespmem:s21+$0xFFFFFFE0] =	vst v26;
	v26 =	vld [tilespmem:s14+$0x60];
	s1 =	smov.u32 s15;
	s15 =	sadd.s32 $0x4, s15  }
0xe6: {  	s7 =	sadd.s32 $0x8, s17;
	v30 =	vor.u32 s5, v0;
	[tilespmem:v23+s10+$0x0] =	vst.idx.msk $0xffff, v20;
	v20 =	vor.u32 s24, v15  }
0xe7: {  	v32 =	vor.u32 s25, v15;
	v23 =	vor.u32 s7, v0;
	s24 =	sadd.s32 $0xC, s17;
	v31 =	vld [tilespmem:s26+$0x70];
	[tilespmem:v22+s10+$0x0] =	vst.idx.msk $0xffff, v21  }
0xe8: {  	v33 =	vor.u32 s22, v15;
	v21 =	vor.u32 s24, v0;
	v22 =	vld [tilespmem:s23+$0x70];
	[tilespmem:v19+s10+$0x0] =	vst.idx.msk $0xffff, v17  }
0xe9: {  	[tilespmem:s21+$0xFFFFFF60] =	vst v25;
	v17 =	vld [tilespmem:s20+$0x70]  }
0xea: {  	v25 =	vor.u32 s9, v7;
	s9 =	smov.u32 s24;
	v19 =	vld.idx.msk [tilespmem:v16+s11+$0x0], $0xffff;
	[tilespmem:v18+s10+$0x0] =	vst.idx.msk $0xffff, v26;
	v16 =	vmov v29  }
0xeb: {  	s20 =	sshrl.u32 s30, $0x3;
	v26 =	vor.u32 s31, v15;
	s31 =	smov.u32 s30;
	s30 =	smov.u32 s1;
	[tilespmem:s21+$0xE0] =	vst v27;
	v18 =	vld [tilespmem:s14+$0x70]  }
0xec: {  	s1 =	smul.u32 $0x3000, s20;
	v27 =	vld.idx.msk [tilespmem:v30+s11+$0x0], $0xffff;
	[tilespmem:v32+s10+$0x0] =	vst.idx.msk $0xffff, v31  }
0xed: {  	v29 =	vor.u32 s5, v1;
	v30 =	vor.u32 s18, v7;
	s18 =	smov.u32 s7;
	v23 =	vld.idx.msk [tilespmem:v23+s11+$0x0], $0xffff;
	[tilespmem:v33+s10+$0x0] =	vst.idx.msk $0xffff, v22  }
0xee: {  	s1 =	sshra.s32 s1, $0x2;
	v21 =	vld.idx.msk [tilespmem:v21+s11+$0x0], $0xffff;
	[tilespmem:v20+s10+$0x0] =	vst.idx.msk $0xffff, v17  }
0xef: {  	s7 =	sand.u32 $0x200, s12;
	s26 =	sadd.s32 s1, s19;
	v17 =	vor.u32 s18, v1;
	v20 =	vor.u32 s9, v1;
	[tilespmem:s21+$0x60] =	vst v24;
	v22 =	vld.idx.msk [tilespmem:v25+s11+$0x0], $0xffff  }
0xf0: {  	s14 =	sadd.s32 s7, s26;
	s21 =	sadd.s32 $0x200, s21;
	v24 =	vld.idx.msk [tilespmem:v28+s11+$0x0], $0xffff;
	[tilespmem:s13+$0xFFFFFF70] =	vst v19  }
0xf1: {  	v25 =	vor.u32 s31, v8;
	v28 =	vor.u32 s16, v7;
	s16 =	smov.u32 s5;
	v19 =	vld [tilespmem:s14+$0x0];
	[tilespmem:v26+s10+$0x0] =	vst.idx.msk $0xffff, v18  }
0xf2: {  	[tilespmem:s21+$0xFFFFFF80] =	vst v27;
	v18 =	vld.idx.msk [tilespmem:v30+s11+$0x0], $0xffff  }
0xf3: {  	v26 =	vor.u32 s17, v1;
	v27 =	vld.idx.msk [tilespmem:v29+s11+$0x0], $0xffff;
	[tilespmem:s21+$0x0] =	vst v23  }
0xf4: {  	v17 =	vld.idx.msk [tilespmem:v17+s11+$0x0], $0xffff;
	[tilespmem:s21+$0x80] =	vst v21  }
0xf5: {  	v20 =	vld.idx.msk [tilespmem:v20+s11+$0x0], $0xffff;
	[tilespmem:s13+$0xF0] =	vst v22  }
0xf6: {  	s1 =	sadd.s32 $0x100, s12;
	v21 =	vor.u32 s18, v2;
	[tilespmem:v25+s10+$0x0] =	vst.idx.msk $0xffff, v19;
	v19 =	vld.idx.msk [tilespmem:v28+s11+$0x0], $0xffff  }
0xf7: {  	s1 =	sand.u32 $0x300, s1;
	s5 =	sadd.s32 $0x180, s12;
	v22 =	vor.u32 s9, v2;
	[tilespmem:s21+$0xFFFFFF00] =	vst v24;
	v23 =	vld [tilespmem:s14+$0x10]  }
0xf8: {  	s22 =	sadd.s32 $0x2, s31;
	s23 =	sadd.s32 s1, s26;
	s1 =	sand.u32 $0x380, s5;
	v24 =	vld.idx.msk [tilespmem:v26+s11+$0x0], $0xffff;
	[tilespmem:s13+$0x70] =	vst v18  }
0xf9: {  	s20 =	sadd.s32 s1, s26;
	v18 =	vor.u32 s16, v2;
	v26 =	vor.u32 s22, v8;
	v25 =	vld [tilespmem:s23+$0x0]  }
0xfa: {  	s24 =	sadd.s32 $0x3, s31;
	s1 =	sadd.s32 $0x80, s12;
	[tilespmem:s21+$0x10] =	vst v17;
	v17 =	vld [tilespmem:s20+$0x0]  }
0xfb: {  	s1 =	sand.u32 $0x280, s1;
	v28 =	vor.u32 s17, v2;
	v21 =	vld.idx.msk [tilespmem:v21+s11+$0x0], $0xffff;
	[tilespmem:s21+$0x90] =	vst v20;
	v20 =	vor.u32 s24, v8  }
0xfc: {  	s25 =	sadd.s32 $0x1, s31;
	s26 =	sadd.s32 s1, s26;
	v22 =	vld.idx.msk [tilespmem:v22+s11+$0x0], $0xffff;
	[tilespmem:s13+$0xFFFFFFF0] =	vst v19;
	s13 =	smov.u32 s21  }
0xfd: {  	v29 =	vor.u32 s25, v8;
	v19 =	vor.u32 s18, v3;
	[tilespmem:s21+$0xFFFFFF90] =	vst v27;
	v27 =	vld [tilespmem:s26+$0x0]  }
0xfe: {  	v18 =	vld.idx.msk [tilespmem:v18+s11+$0x0], $0xffff;
	[tilespmem:v26+s10+$0x0] =	vst.idx.msk $0xffff, v25  }
0xff: {  	[tilespmem:s21+$0xFFFFFF10] =	vst v24;
	v24 =	vor.u32 s9, v3;
	v25 =	vld [tilespmem:s23+$0x10]  }
0x100: {  	v30 =	vor.u32 s22, v9;
	v26 =	vld.idx.msk [tilespmem:v28+s11+$0x0], $0xffff;
	v28 =	vor.u32 s16, v3;
	[tilespmem:v20+s10+$0x0] =	vst.idx.msk $0xffff, v17  }
0x101: {  	v20 =	vor.u32 s24, v9;
	[tilespmem:s21+$0x20] =	vst v21;
	v17 =	vld [tilespmem:s20+$0x10]  }
0x102: {  	v19 =	vld.idx.msk [tilespmem:v19+s11+$0x0], $0xffff;
	[tilespmem:v29+s10+$0x0] =	vst.idx.msk $0xffff, v27  }
0x103: {  	v21 =	vor.u32 s17, v3;
	v27 =	vor.u32 s25, v9;
	[tilespmem:s21+$0xA0] =	vst v22;
	v22 =	vld [tilespmem:s26+$0x10]  }
0x104: {  	[tilespmem:s21+$0xFFFFFFA0] =	vst v18;
	v18 =	vld.idx.msk [tilespmem:v24+s11+$0x0], $0xffff  }
0x105: {  	v29 =	vor.u32 s31, v9;
	v24 =	vld.idx.msk [tilespmem:v28+s11+$0x0], $0xffff;
	v28 =	vor.u32 s18, v4;
	[tilespmem:v30+s10+$0x0] =	vst.idx.msk $0xffff, v25  }
0x106: {  	v30 =	vor.u32 s22, v10;
	v25 =	vld [tilespmem:s23+$0x20];
	[tilespmem:v20+s10+$0x0] =	vst.idx.msk $0xffff, v17  }
0x107: {  	v20 =	vor.u32 s24, v10;
	[tilespmem:s21+$0xFFFFFF20] =	vst v26;
	v17 =	vld [tilespmem:s20+$0x20]  }
0x108: {  	v21 =	vld.idx.msk [tilespmem:v21+s11+$0x0], $0xffff;
	[tilespmem:v27+s10+$0x0] =	vst.idx.msk $0xffff, v22  }
0x109: {  	v26 =	vor.u32 s25, v10;
	v22 =	vor.u32 s16, v4;
	[tilespmem:s21+$0x30] =	vst v19;
	v19 =	vld [tilespmem:s26+$0x20]  }
0x10a: {  	v27 =	vld.idx.msk [tilespmem:v28+s11+$0x0], $0xffff;
	[tilespmem:v29+s10+$0x0] =	vst.idx.msk $0xffff, v23  }
0x10b: {  	v23 =	vor.u32 s17, v4;
	v29 =	vor.u32 s31, v10;
	v28 =	vld [tilespmem:s14+$0x20];
	[tilespmem:v30+s10+$0x0] =	vst.idx.msk $0xffff, v25  }
0x10c: {  	v25 =	vld [tilespmem:s23+$0x30];
	[tilespmem:v20+s10+$0x0] =	vst.idx.msk $0xffff, v17  }
0x10d: {  	v17 =	vor.u32 s9, v4;
	[tilespmem:s21+$0xFFFFFFB0] =	vst v24;
	v20 =	vld [tilespmem:s20+$0x30];
	v24 =	vor.u32 s24, v11  }
0x10e: {  	v22 =	vld.idx.msk [tilespmem:v22+s11+$0x0], $0xffff;
	[tilespmem:v26+s10+$0x0] =	vst.idx.msk $0xffff, v19  }
0x10f: {  	v19 =	vor.u32 s18, v5;
	v26 =	vor.u32 s25, v11;
	[tilespmem:s21+$0xFFFFFF30] =	vst v21;
	v21 =	vld [tilespmem:s26+$0x30]  }
0x110: {  	v23 =	vld.idx.msk [tilespmem:v23+s11+$0x0], $0xffff;
	[tilespmem:v29+s10+$0x0] =	vst.idx.msk $0xffff, v28;
	v28 =	vor.u32 s22, v11  }
0x111: {  	v29 =	vor.u32 s31, v11;
	[tilespmem:s21+$0xB0] =	vst v18;
	v18 =	vld [tilespmem:s14+$0x30]  }
0x112: {  	v17 =	vld.idx.msk [tilespmem:v17+s11+$0x0], $0xffff;
	[tilespmem:v24+s10+$0x0] =	vst.idx.msk $0xffff, v20  }
0x113: {  	v20 =	vor.u32 s16, v5;
	[tilespmem:s21+$0x40] =	vst v27;
	v24 =	vld [tilespmem:s20+$0x40]  }
0x114: {  	v27 =	vor.u32 s17, v5;
	v19 =	vld.idx.msk [tilespmem:v19+s11+$0x0], $0xffff;
	[tilespmem:v26+s10+$0x0] =	vst.idx.msk $0xffff, v21  }
0x115: {  	v30 =	vor.u32 s25, v12;
	v21 =	vor.u32 s9, v5;
	v26 =	vld [tilespmem:s26+$0x40];
	[tilespmem:v28+s10+$0x0] =	vst.idx.msk $0xffff, v25  }
0x116: {  	v25 =	vor.u32 s22, v12;
	[tilespmem:v29+s10+$0x0] =	vst.idx.msk $0xffff, v18;
	v18 =	vld [tilespmem:s23+$0x40]  }
0x117: {  	v28 =	vor.u32 s31, v12;
	[tilespmem:s21+$0xFFFFFFC0] =	vst v22;
	v22 =	vld [tilespmem:s14+$0x40]  }
0x118: {  	[tilespmem:s21+$0xFFFFFF40] =	vst v23;
	v20 =	vld.idx.msk [tilespmem:v20+s11+$0x0], $0xffff;
	v23 =	vor.u32 s24, v12  }
0x119: {  	v27 =	vld.idx.msk [tilespmem:v27+s11+$0x0], $0xffff;
	[tilespmem:s21+$0xC0] =	vst v17  }
0x11a: {  	v17 =	vor.u32 s16, v6;
	v29 =	vld.idx.msk [tilespmem:v21+s11+$0x0], $0xffff;
	[tilespmem:v30+s10+$0x0] =	vst.idx.msk $0xffff, v26  }
0x11b: {  	v31 =	vor.u32 s25, v13;
	v21 =	vor.u32 s18, v6;
	v30 =	vld [tilespmem:s26+$0x50];
	[tilespmem:v25+s10+$0x0] =	vst.idx.msk $0xffff, v18  }
0x11c: {  	[tilespmem:v28+s10+$0x0] =	vst.idx.msk $0xffff, v22;
	v18 =	vld [tilespmem:s23+$0x50];
	v22 =	vor.u32 s22, v13  }
0x11d: {  	v32 =	vor.u32 s24, v13;
	v25 =	vor.u32 s17, v6;
	v28 =	vld [tilespmem:s14+$0x50];
	[tilespmem:v23+s10+$0x0] =	vst.idx.msk $0xffff, v24  }
0x11e: {  	[tilespmem:s21+$0xFFFFFFD0] =	vst v20;
	v33 =	vld [tilespmem:s20+$0x50]  }
0x11f: {  	v34 =	vor.u32 s31, v13;
	s12 =	sadd.s32 $0x200, s12;
	v26 =	vld.idx.msk [tilespmem:v17+s11+$0x0], $0xffff;
	[tilespmem:s21+$0x50] =	vst v19  }
0x120: {  	v35 =	vor.u32 s9, v6;
	v24 =	vld.idx.msk [tilespmem:v21+s11+$0x0], $0xffff;
	[tilespmem:v31+s10+$0x0] =	vst.idx.msk $0xffff, v30  }
.Ltmp3:
0x121: {  	[tilespmem:s21+$0xFFFFFF50] =	vst v27;
	v20 =	vld [tilespmem:s26+$0x60];
	(pc) =	sbr.rel @p2 .LBB2_3-.Ltmp3, $4  }
0x122: {  	v23 =	vor.u32 s25, v14;
	v25 =	vld.idx.msk [tilespmem:v25+s11+$0x0], $0xffff;
	[tilespmem:v22+s10+$0x0] =	vst.idx.msk $0xffff, v18  }
0x123: {  	v22 =	vor.u32 s22, v14;
	v21 =	vld [tilespmem:s23+$0x60];
	[tilespmem:v32+s10+$0x0] =	vst.idx.msk $0xffff, v33  }
0x124: {  	v19 =	vor.u32 s24, v14;
	[tilespmem:s21+$0xD0] =	vst v29;
	v17 =	vld [tilespmem:s20+$0x60]  }
0x125: {  	s17 =	sadd.s32 $0x10, s17;
	v18 =	vor.u32 s31, v14;
	v27 =	vld.idx.msk [tilespmem:v35+s11+$0x0], $0xffff;
	[tilespmem:v34+s10+$0x0] =	vst.idx.msk $0xffff, v28  }
0x126: {  	v28 =	vor.u32 s16, v7  }
0x127: {  	v29 =	vor.u32 s18, v7  }
0x128: {  	v30 =	vor.u32 s9, v7  }
0x129: {  	[tilespmem:s21+$0xFFFFFF60] =	vst v25  }
0x12a: {  	[tilespmem:s21+$0xFFFFFFE0] =	vst v26;
	s1 =	sshrl.u32 s30, $0x3;
	v16 =	vld.idx.msk [tilespmem:v16+s11+$0x0], $0xffff  }
0x12b: {  	[tilespmem:s21+$0x60] =	vst v24;
	s1 =	smul.u32 $0x3000, s1;
	v45 =	vld.idx.msk [tilespmem:v28+s11+$0x0], $0xffff  }
0x12c: {  	[tilespmem:s21+$0xE0] =	vst v27;
	v46 =	vld.idx.msk [tilespmem:v29+s11+$0x0], $0xffff  }
0x12d: {  	s5 =	sadd.s32 $0x100, s12;
	s1 =	sshra.s32 s1, $0x2;
	v47 =	vld.idx.msk [tilespmem:v30+s11+$0x0], $0xffff  }
0x12e: {  	s7 =	sadd.s32 $0x80, s12;
	s1 =	sadd.s32 s1, s19;
	s19 =	sand.u32 $0x200, s12  }
0x12f: {  	s17 =	sadd.s32 $0x180, s12;
	s7 =	sand.u32 $0x280, s7;
	s12 =	sadd.s32 s19, s1;
	[tilespmem:s13+$0xFFFFFF70] =	vst v16  }
0x130: {  	v53 =	vor.u32 s30, v8;
	s5 =	sand.u32 $0x300, s5;
	s11 =	sadd.s32 $0x1, s30;
	s16 =	sadd.s32 s7, s1;
	v52 =	vld [tilespmem:s12+$0x0];
	[tilespmem:s13+$0xFFFFFFF0] =	vst v45  }
0x131: {  	s9 =	sadd.s32 $0x2, s30;
	s18 =	sand.u32 $0x380, s17;
	s15 =	sadd.s32 s5, s1;
	v48 =	vor.u32 s11, v8;
	[tilespmem:s13+$0x70] =	vst v46;
	v24 =	vld [tilespmem:s16+$0x0]  }
0x132: {  	v50 =	vor.u32 s9, v8;
	s21 =	sadd.s32 $0x3, s30;
	s17 =	sadd.s32 s18, s1;
	[tilespmem:s13+$0xF0] =	vst v47;
	v49 =	vld [tilespmem:s15+$0x0]  }
0x133: {  	v51 =	vor.u32 s21, v8;
	v16 =	vld [tilespmem:s17+$0x0];
	_ =	sdelay $0x1  }
0x134: {  	[tilespmem:v53+s10+$0x0] =	vst.idx.msk $0xffff, v52  }
0x135: {  	v58 =	vor.u32 s30, v9;
	v29 =	vld [tilespmem:s12+$0x10];
	[tilespmem:v48+s10+$0x0] =	vst.idx.msk $0xffff, v24  }
0x136: {  	v54 =	vor.u32 s11, v9;
	[tilespmem:v50+s10+$0x0] =	vst.idx.msk $0xffff, v49;
	v24 =	vld [tilespmem:s16+$0x10]  }
0x137: {  	v56 =	vor.u32 s9, v9;
	[tilespmem:v51+s10+$0x0] =	vst.idx.msk $0xffff, v16;
	v55 =	vld [tilespmem:s15+$0x10]  }
0x138: {  	v57 =	vor.u32 s21, v9;
	v16 =	vld [tilespmem:s17+$0x10];
	_ =	sdelay $0x1  }
0x139: {  	[tilespmem:v58+s10+$0x0] =	vst.idx.msk $0xffff, v29  }
0x13a: {  	v62 =	vor.u32 s30, v10;
	v29 =	vld [tilespmem:s12+$0x20];
	[tilespmem:v54+s10+$0x0] =	vst.idx.msk $0xffff, v24  }
0x13b: {  	v59 =	vor.u32 s11, v10;
	[tilespmem:v56+s10+$0x0] =	vst.idx.msk $0xffff, v55;
	v24 =	vld [tilespmem:s16+$0x20]  }
0x13c: {  	v60 =	vor.u32 s9, v10;
	[tilespmem:v57+s10+$0x0] =	vst.idx.msk $0xffff, v16;
	v26 =	vld [tilespmem:s15+$0x20]  }
0x13d: {  	v61 =	vor.u32 s21, v10;
	v16 =	vld [tilespmem:s17+$0x20];
	_ =	sdelay $0x1  }
0x13e: {  	[tilespmem:v62+s10+$0x0] =	vst.idx.msk $0xffff, v29  }
0x13f: {  	v35 =	vor.u32 s30, v11;
	v29 =	vld [tilespmem:s12+$0x30];
	[tilespmem:v59+s10+$0x0] =	vst.idx.msk $0xffff, v24  }
0x140: {  	v63 =	vor.u32 s11, v11;
	[tilespmem:v60+s10+$0x0] =	vst.idx.msk $0xffff, v26;
	v24 =	vld [tilespmem:s16+$0x30]  }
0x141: {  	[tilespmem:v61+s10+$0x0] =	vst.idx.msk $0xffff, v16;
	v16 =	vor.u32 s9, v11;
	v26 =	vld [tilespmem:s15+$0x30]  }
0x142: {  	v34 =	vor.u32 s21, v11;
	v33 =	vld [tilespmem:s17+$0x30];
	_ =	sdelay $0x1  }
0x143: {  	[tilespmem:v35+s10+$0x0] =	vst.idx.msk $0xffff, v29  }
0x144: {  	v41 =	vor.u32 s30, v12;
	v40 =	vld [tilespmem:s12+$0x40];
	[tilespmem:v63+s10+$0x0] =	vst.idx.msk $0xffff, v24  }
0x145: {  	v36 =	vor.u32 s11, v12;
	[tilespmem:v16+s10+$0x0] =	vst.idx.msk $0xffff, v26;
	v16 =	vld [tilespmem:s16+$0x40]  }
0x146: {  	v38 =	vor.u32 s9, v12;
	[tilespmem:v34+s10+$0x0] =	vst.idx.msk $0xffff, v33;
	v37 =	vld [tilespmem:s15+$0x40]  }
0x147: {  	[tilespmem:v23+s10+$0x0] =	vst.idx.msk $0xffff, v20;
	v39 =	vor.u32 s21, v12;
	v27 =	vld [tilespmem:s17+$0x40]  }
0x148: {  	[tilespmem:v19+s10+$0x0] =	vst.idx.msk $0xffff, v17  }
0x149: {  	v42 =	vld [tilespmem:s14+$0x60];
	[tilespmem:v41+s10+$0x0] =	vst.idx.msk $0xffff, v40  }
0x14a: {  	v48 =	vor.u32 s30, v13;
	v17 =	vld [tilespmem:s12+$0x50];
	[tilespmem:v36+s10+$0x0] =	vst.idx.msk $0xffff, v16  }
0x14b: {  	v43 =	vor.u32 s11, v13;
	[tilespmem:v38+s10+$0x0] =	vst.idx.msk $0xffff, v37;
	v16 =	vld [tilespmem:s16+$0x50]  }
0x14c: {  	v45 =	vor.u32 s9, v13;
	[tilespmem:v39+s10+$0x0] =	vst.idx.msk $0xffff, v27;
	v44 =	vld [tilespmem:s15+$0x50]  }
0x14d: {  	[tilespmem:v22+s10+$0x0] =	vst.idx.msk $0xffff, v21;
	v46 =	vor.u32 s21, v13;
	v47 =	vld [tilespmem:s17+$0x50]  }
0x14e: {  	[tilespmem:v18+s10+$0x0] =	vst.idx.msk $0xffff, v42;
	v49 =	vld [tilespmem:s26+$0x70];
	v50 =	vor.u32 s25, v15  }
0x14f: {  	v52 =	vor.u32 s22, v15;
	v51 =	vld [tilespmem:s23+$0x70];
	[tilespmem:v48+s10+$0x0] =	vst.idx.msk $0xffff, v17  }
0x150: {  	v17 =	vor.u32 s30, v14;
	v19 =	vld [tilespmem:s12+$0x60];
	[tilespmem:v43+s10+$0x0] =	vst.idx.msk $0xffff, v16  }
0x151: {  	v53 =	vor.u32 s11, v14;
	[tilespmem:v45+s10+$0x0] =	vst.idx.msk $0xffff, v44;
	v16 =	vld [tilespmem:s16+$0x60]  }
0x152: {  	v54 =	vor.u32 s9, v14;
	[tilespmem:v46+s10+$0x0] =	vst.idx.msk $0xffff, v47;
	v24 =	vld [tilespmem:s15+$0x60]  }
0x153: {  	[tilespmem:v50+s10+$0x0] =	vst.idx.msk $0xffff, v49;
	v55 =	vor.u32 s21, v14;
	v20 =	vld [tilespmem:s17+$0x60]  }
0x154: {  	[tilespmem:v52+s10+$0x0] =	vst.idx.msk $0xffff, v51;
	v56 =	vor.u32 s24, v15;
	v57 =	vld [tilespmem:s20+$0x70]  }
0x155: {  	v58 =	vld [tilespmem:s14+$0x70];
	v59 =	vor.u32 s31, v15;
	[tilespmem:v17+s10+$0x0] =	vst.idx.msk $0xffff, v19  }
0x156: {  	v63 =	vor.u32 s30, v15;
	v17 =	vld [tilespmem:s12+$0x70];
	[tilespmem:v53+s10+$0x0] =	vst.idx.msk $0xffff, v16  }
0x157: {  	v60 =	vor.u32 s11, v15;
	[tilespmem:v54+s10+$0x0] =	vst.idx.msk $0xffff, v24;
	v16 =	vld [tilespmem:s16+$0x70]  }
0x158: {  	v61 =	vor.u32 s9, v15;
	[tilespmem:v55+s10+$0x0] =	vst.idx.msk $0xffff, v20;
	v24 =	vld [tilespmem:s15+$0x70]  }
0x159: {  	s2 =	sadd.s32 $0x1, s2;
	v62 =	vor.u32 s21, v15;
	[tilespmem:v56+s10+$0x0] =	vst.idx.msk $0xffff, v57;
	v23 =	vld [tilespmem:s17+$0x70]  }
0x15a: {  	p2 =	slt.s32 s2, s6;
	[tilespmem:v59+s10+$0x0] =	vst.idx.msk $0xffff, v58  }
.Ltmp4:
0x15b: {  	[tilespmem:v63+s10+$0x0] =	vst.idx.msk $0xffff, v17;
	(pc) =	sbr.rel @p2 .LBB2_2-.Ltmp4, $4  }
.Ltmp5:
0x15c: {  	[tilespmem:v60+s10+$0x0] =	vst.idx.msk $0xffff, v16;
	(pc) =	sbr.rel @!p2 .LBB2_5-.Ltmp5, $4  }
0x15d: {  	s28 =	sshll.u32 s28, $0xA;
	s0 =	sadd.s32 $0x1, s0;
	[tilespmem:v61+s10+$0x0] =	vst.idx.msk $0xffff, v24  }
0x15e: {  	s1 =	sadd.s32 s8, s28;
	s31 =	simm.s32 $0x0;
	s30 =	sadd.s32 $0x5, s29;
	[tilespmem:v62+s10+$0x0] =	vst.idx.msk $0xffff, v23  }
0x15f: {  	[hbm4b:s1+s31] =	stream.linear.scatter [tilespmem:s10], [sflag:s30], $0x2000, $0x38;
	[tilespmem:$0x14000] =	vst v63  }
0x160: {  	_ = 	snop  }
.LBB2_6:
0x161: {  	_ =	sfence.sel $0x180000  }
0x162: {  	[bflag:$0x0] =	sbarrier.arrive $0xFFFF  }
0x163: {  	_ =	strace $0x90000047  }
0x164: {  	s0 =	stileid.u32;
	[bflag:$0x2] =	sbarrier.arrive $0xFFFF  }
0x165: {  	p0 =	sne.s32 s0, $0x0;
	s0 =	rddreg [dreg:$0x3]  }
0x166: {  	s0 =	sadd.s32 @!p0 $0x100000, s0  }
0x167: {  	[sflag:s0] =	ssyncadd.tile.s32 @!p0 $0x1;
	_ =	shalt  }
.Lfunc_end2:
_tile_overlayer_lowered:
.L_overlay_start_2:
0x168: {  	(tag) =	ssettag $0x2  }
0x169: {  	s0 =	rddreg [dreg:$0x0];
	s2 =	stileid.u32  }
0x16a: {  	s1 =	rddreg [dreg:$0x1];
	p0 =	sne.s32 s2, $0x0  }
0x16b: {  	s3 =	rddreg [dreg:$0x2];
	[bflag:$0x3] =	sbarrier.arrive $0xFFFF;
	s2 =	simm.s32 @!p0 $0x1C09  }
0x16c: {  	[timem:s3], [sflag:s2] =	dma.local @!p0 [hbm:s0], s1  }
0x16d: {  	s0 =	simm.s32 @!p0 $0x9  }
0x16e: {  	_ =	swait.ge @!p0 [sflag:s0], s1  }
0x16f: {  	s1 =	ssub.s32 @!p0 $0x0, s1;
	[sflag:s0] =	ssyncset.done @!p0 $0x0  }
0x170: {  	[sflag:s0] =	ssyncadd.s32 @!p0 s1  }
0x171: {  	[bflag:$0x3] =	sbarrier.arrive $0xFFFF  }
0x172: {  	_ =	shalt  }

// kernel: kernel.7.cloned.1.call-start
scs
__scs_entry_jumppad:
0x0: {  	(pc) =	sbr.rel $0x88, $3  }
0x1: {  	(tag) =	ssettag $0x0;
	lr =	simm.s32 $0x1  }
0x2: {  	[smem:$0x3F9F] =	sst lr;
	_ =	strace $0xD0000000  }
0x3: {  	_ = 	snop  }
0x4: {  	_ = 	snop  }
0x5: {  	_ = 	snop  }
0x6: {  	_ = 	snop  }
0x7: {  	_ = 	snop  }
__scs_overlays_trampoline_lowered:
0x8: {  	[smem:$0x3FAE] =	sst s0  }
0x9: {  	[smem:$0x3FAF] =	sst s1  }
0xa: {  	[smem:$0x3FB0] =	sst s2  }
0xb: {  	[smem:$0x3FB1] =	sst s3  }
0xc: {  	[smem:$0x3FB2] =	sst s4  }
0xd: {  	[smem:$0x3FB3] =	sst s5  }
0xe: {  	[smem:$0x3FB4] =	sst s6  }
0xf: {  	[smem:$0x3FB5] =	sst s7  }
0x10: {  	[smem:$0x3FB6] =	sst s8  }
0x11: {  	[smem:$0x3FB7] =	sst s9;
	s0 =	simm.s32 @!p0 $0x0  }
0x12: {  	s1 =	sld [smem:$0x3F9D];
	s0 =	simm.s32 @p0 $0x1  }
0x13: {  	[smem:$0x3FB8] =	sst s0;
	s0 =	simm.s32 @!p1 $0x0  }
0x14: {  	s2 =	sld [smem:$0x3F9C];
	s0 =	simm.s32 @p1 $0x1  }
0x15: {  	[smem:$0x3FB9] =	sst s0;
	s0 =	simm.s32 @!p2 $0x0  }
0x16: {  	s3 =	sld [smem:$0x3FDB];
	s0 =	simm.s32 @p2 $0x1  }
0x17: {  	s4 =	simm.s32 $0x1BF5;
	[smem:$0x3FBB] =	sst s0  }
0x18: {  	s0 =	sld [smem:$0x3F9E];
	_ =	swait.ge [sflag:s4], $0x0  }
0x19: {  	s7 =	sld [smem:$0x3F9F]  }
0x1a: {  	s8 =	sadd.s32 $0xFFFFE003, lr  }
0x1b: {  	s9 =	sadd.s32 $0xFFFFFEF7, lr;
	s5 =	simm.s32 $0xFFFFFFFF;
	p2 =	slt.u32 s8, $0xFFFFF086  }
0x1c: {  	p1 =	slt.u32 s9, $0xF7A;
	s5 =	simm.s32 @!p2 $0x0  }
0x1d: {  	s5 =	simm.s32 @p1 $0x1;
	p0 =	seq.s32 s7, s2  }
0x1e: {  	s7 =	smul.u32 @!p0 $0xF7A, s2;
	p2 =	seq.s32 @!p0 s5, $0x0  }
0x1f: {  	s9 =	smul.u32 $0xF7A, s1;
	s8 =	simm.s32 @!p0 $0x1BF5;
	p2 =	por !p2, p0  }
0x20: {  	[sflag:s8] =	ssyncset.s32 @!p0 $0xFFFFF086;
	s6 =	sadd.s32 @!p0 s3, s7;
	s7 =	simm.s32 @!p0 $0x108  }
0x21: {  	s3 =	sadd.s32 s3, s9;
	s6 =	sadd.s32 @!p0 $0x88, s6;
	s7 =	simm.s32 @p2 $0x1082  }
0x22: {  	[simem:s7], [sflag:s8] =	dma.local @!p0 [hbm:s6], $0xF7A  }
0x23: {  	s9 =	sor.u32 $0xD0000000, s2;
	s6 =	simm.s32 $0x108;
	_ =	swait.ge @!p0 [sflag:s8], $0x0  }
0x24: {  	s3 =	sadd.s32 $0x88, s3;
	s6 =	simm.s32 @!p1 $0x1082;
	[sflag:s4] =	ssyncset.s32 $0xFFFFF086  }
0x25: {  	[simem:s6], [sflag:s4] =	dma.local [hbm:s3], $0xF7A  }
0x26: {  	[smem:$0x3F9F] =	sst s1;
	(tag) =	ssettag s2;
	_ =	strace s9  }
0x27: {  	s1 =	sld [smem:$0x3FAF]  }
0x28: {  	s2 =	sld [smem:$0x3FB0]  }
0x29: {  	s4 =	sld [smem:$0x3FB2]  }
0x2a: {  	p0 =	seq.s32 s5, $0x0;
	s5 =	sld [smem:$0x3FB3]  }
0x2b: {  	s6 =	sld [smem:$0x3FB4]  }
0x2c: {  	s7 =	sld [smem:$0x3FB5]  }
0x2d: {  	s3 =	simm.s32 $0x108;
	s8 =	sld [smem:$0x3FB6]  }
0x2e: {  	s3 =	simm.s32 @!p0 $0x1082;
	s9 =	sld [smem:$0x3FB7]  }
0x2f: {  	lr =	sadd.s32 s0, s3;
	s0 =	sld [smem:$0x3FAE]  }
0x30: {  	s3 =	sld [smem:$0x3FB1]  }
0x31: {  	[smem:$0x3FBA] =	sst s10  }
0x32: {  	s10 =	sld [smem:$0x3FB8];
	_ =	sdelay $0x3  }
0x33: {  	p0 =	seq.s32 s10, $0x1;
	s10 =	sld [smem:$0x3FBA];
	_ =	sdelay $0x3  }
0x34: {  	[smem:$0x3FBA] =	sst s10  }
0x35: {  	s10 =	sld [smem:$0x3FB9];
	_ =	sdelay $0x3  }
0x36: {  	p1 =	seq.s32 s10, $0x1;
	s10 =	sld [smem:$0x3FBA];
	_ =	sdelay $0x3  }
0x37: {  	[smem:$0x3FBA] =	sst s10  }
0x38: {  	s10 =	sld [smem:$0x3FBB]  }
0x39: {  	_ = 	snop;
	(pc) =	sbr.ind lr, $3  }
0x3a: {  	_ = 	snop  }
0x3b: {  	_ = 	snop  }
0x3c: {  	p2 =	seq.s32 s10, $0x1;
	s10 =	sld [smem:$0x3FBA]  }
0x3d: {  	_ =	shalt  }
0x3e: {  	_ =	shalt  }
0x3f: {  	_ =	shalt  }
0x40: {  	_ =	shalt  }
0x41: {  	_ =	shalt  }
0x42: {  	_ =	shalt  }
0x43: {  	_ =	shalt  }
0x44: {  	_ =	shalt  }
0x45: {  	_ =	shalt  }
0x46: {  	_ =	shalt  }
0x47: {  	_ =	shalt  }
0x48: {  	_ =	shalt  }
0x49: {  	_ =	shalt  }
0x4a: {  	_ =	shalt  }
0x4b: {  	_ =	shalt  }
0x4c: {  	_ =	shalt  }
0x4d: {  	_ =	shalt  }
0x4e: {  	_ =	shalt  }
0x4f: {  	_ =	shalt  }
0x50: {  	_ =	shalt  }
0x51: {  	_ =	shalt  }
0x52: {  	_ =	shalt  }
0x53: {  	_ =	shalt  }
0x54: {  	_ =	shalt  }
0x55: {  	_ =	shalt  }
0x56: {  	_ =	shalt  }
0x57: {  	_ =	shalt  }
0x58: {  	_ =	shalt  }
0x59: {  	_ =	shalt  }
0x5a: {  	_ =	shalt  }
0x5b: {  	_ =	shalt  }
0x5c: {  	_ =	shalt  }
0x5d: {  	_ =	shalt  }
0x5e: {  	_ =	shalt  }
0x5f: {  	_ =	shalt  }
0x60: {  	_ =	shalt  }
0x61: {  	_ =	shalt  }
0x62: {  	_ =	shalt  }
0x63: {  	_ =	shalt  }
0x64: {  	_ =	shalt  }
0x65: {  	_ =	shalt  }
0x66: {  	_ =	shalt  }
0x67: {  	_ =	shalt  }
0x68: {  	_ =	shalt  }
0x69: {  	_ =	shalt  }
0x6a: {  	_ =	shalt  }
0x6b: {  	_ =	shalt  }
0x6c: {  	_ =	shalt  }
0x6d: {  	_ =	shalt  }
0x6e: {  	_ =	shalt  }
0x6f: {  	_ =	shalt  }
0x70: {  	_ =	shalt  }
0x71: {  	_ =	shalt  }
0x72: {  	_ =	shalt  }
0x73: {  	_ =	shalt  }
0x74: {  	_ =	shalt  }
0x75: {  	_ =	shalt  }
0x76: {  	_ =	shalt  }
0x77: {  	_ =	shalt  }
0x78: {  	_ =	shalt  }
0x79: {  	_ =	shalt  }
0x7a: {  	_ =	shalt  }
0x7b: {  	_ =	shalt  }
0x7c: {  	_ =	shalt  }
0x7d: {  	_ =	shalt  }
0x7e: {  	_ =	shalt  }
0x7f: {  	_ =	shalt  }
0x80: {  	_ =	shalt  }
0x81: {  	_ =	shalt  }
0x82: {  	_ =	shalt  }
0x83: {  	_ =	shalt  }
0x84: {  	_ =	shalt  }
0x85: {  	_ =	shalt  }
0x86: {  	_ =	shalt  }
0x87: {  	_ =	shalt  }
.Lfunc_end0:
.L_simem_size_0:
called_computation.1_lowered:
.L_overlay_start_0:
0x88: {  	s2 =	sld [smem:$0x3FD9]  }
0x89: {  	s3 =	sld [smem:$0x3FFE];
	_ =	sdelay $0x1  }
0x8a: {  	s1 =	srdreg.scid  }
0x8b: {  	s0 =	sand.u32 $0x1, s1  }
0x8c: {  	s17 =	sshll.u32 s0, $0xA;
	s2 =	sadd.s32 s3, s2  }
0x8d: {  	s2 =	sadd.s32 s2, s17  }
0x8e: {  	[smem:$0x3FC6] =	sst s2  }
0x8f: {  	_ = 	snop  }
0x90: {  	s2 =	sld [smem:$0x3FC9]  }
0x91: {  	s18 =	sld [smem:$0x3FD0];
	(tm) =	ssettm $0x1  }
0x92: {  	s4 =	sld [smem:$0x3FFB];
	_ =	sdelay $0x3  }
0x93: {  	_ =	strace s4  }
0x94: {  	s4 =	sld [smem:$0x3FFC];
	_ =	sdelay $0x3  }
0x95: {  	_ =	strace s4  }
0x96: {  	s4 =	sld [smem:$0x3FFD];
	_ =	sdelay $0x3  }
0x97: {  	_ =	strace s4  }
0x98: {  	_ =	strace $0x8FFFFFFF  }
0x99: {  	s19 =	sld [smem:$0x3FDB];
	_ =	sdelay $0x1  }
0x9a: {  	s5 =	simm.s32 $_scs_section_size  }
0x9b: {  	s6 =	simm.s32 $_size__tile_overlayer_lowered;
	s7 =	simm.s32 $_tile_overlayer_lowered  }
0x9c: {  	s22 =	simm.s32 $0x1BFF;
	s21 =	sshll.u32 s7, $0x1;
	s4 =	sadd.s32 s5, s19  }
0x9d: {  	s8 =	simm.s32 $0x0;
	s20 =	sshll.u32 s6, $0x1;
	s6 =	sadd.s32 s21, s4  }
0x9e: {  	[timem:s8], [sflag:s22] =	dma.local [hbm:s6], s20  }
0x9f: {  	_ =	swait.ge [sflag:s22], s20  }
0xa0: {  	s5 =	ssub.s32 $0x0, s20;
	[sflag:s22] =	ssyncset.done $0x0  }
0xa1: {  	[sflag:s22] =	ssyncadd.s32 s5;
	_ =	sdelay $0x1  }
0xa2: {  	s23 =	simm.s32 $0x1B8B  }
0xa3: {  	_ =	swait.ge [sflag:s23], $0x1  }
0xa4: {  	[sflag:s23] =	ssyncset.done $0x0  }
0xa5: {  	s25 =	simm.s32 $0x1B8E;
	s24 =	sld [smem:$0x3FFE];
	[sflag:s23] =	ssyncadd.s32 $0xFFFFFFFF  }
0xa6: {  	s26 =	simm.s32 $execute0_lowered;
	[smem:$0x3FD2] =	sst s25  }
0xa7: {  	s6 =	sshll.u32 s26, $0x1;
	_ =	strace $0x80000049;
	[dreg:$0x1] =	wrdreg $0xFFFFFFFF  }
0xa8: {  	s28 =	simm.s32 $_size_execute0_lowered;
	s4 =	sadd.s32 s4, s6;
	[dreg:$0x0] =	wrdreg $0x0  }
0xa9: {  	s6 =	sshll.u32 s28, $0x1;
	[dreg:$0x2] =	wrdreg s4  }
0xaa: {  	[dreg:$0x3] =	wrdreg s6  }
0xab: {  	[dreg:$0x4] =	wrdreg $0xC0  }
0xac: {  	_ =	task [dreg:s8], $0x5FFFF  }
0xad: {  	[dreg:$0x1] =	wrdreg $0xFFFFFFFF  }
0xae: {  	[dreg:$0x0] =	wrdreg $0x60  }
0xaf: {  	[dreg:$0x2] =	wrdreg s2  }
0xb0: {  	[dreg:$0x3] =	wrdreg s24  }
0xb1: {  	[dreg:$0x4] =	wrdreg s18  }
0xb2: {  	[dreg:$0x5] =	wrdreg $0x9  }
0xb3: {  	_ =	task.clear_ibuf [dreg:s8], $0x6FFFF;
	_ =	strace $0x90000049  }
0xb4: {  	s29 =	simm.s32 $0x9;
	_ =	strace $0x8000004B  }
0xb5: {  	_ =	swait.ge [sflag:s29], $0x1  }
0xb6: {  	[sflag:s29] =	ssyncadd.s32 $0xFFFFFFFF  }
0xb7: {  	_ =	strace $0x9000004B  }
0xb8: {  	_ =	sfence  }
0xb9: {  	s30 =	sld [smem:$0x0];
	_ =	sdelay $0x2  }
0xba: {  	s31 =	sshll.u32 s1, $0xD;
	s1 =	sshrl.u32 s1, $0x2  }
0xbb: {  	s3 =	sand.u32 $0x4000, s31;
	s1 =	sadd.s32 s1, s30  }
0xbc: {  	s0 =	sor.u32 s3, s0;
	s1 =	sshll.u32 s1, $0x11  }
0xbd: {  	s0 =	sor.u32 s1, s0  }
0xbe: {  	s0 =	sadd.s32 $0x8F2B, s0  }
0xbf: {  	[sflag:s0] =	ssyncadd.remote.s32 $0x1  }
0xc0: {  	_ =	sfence.sel $0xFFFF  }
0xc1: {  	[dreg:$0x0] =	wrdreg $0xFFFFFFFF;
	(pc) =	sbr.abs _section_cstart, $3  }
0xc2: {  	[dreg:$0x1] =	wrdreg $0xFFFFFFFF  }
0xc3: {  	_ =	task.clear_ibuf [dreg:s8], $0x2FFFF;
	_ =	strace $0x9FFFFFFF  }
0xc4: {  	(tm) =	ssettm $0x7FFFFFFF  }
0xc5: {  	_ =	shalt  }
tec
execute0_lowered:
.L_overlay_start_1:
0x0: {  	(tag) =	ssettag $0x1  }
0x1: {  	s0 =	srdreg.scid;
	s1 =	stileid.u32  }
0x2: {  	s2 =	rddreg [dreg:$0x0];
	s0 =	sand.u32 $0x1, s0;
	s1 =	sshll.u32 s1, $0x1  }
0x3: {  	s6 =	rddreg [dreg:$0x1];
	s1 =	sor.u32 s0, s1  }
0x4: {  	s3 =	rddreg [dreg:$0x2];
	s13 =	simm.s32 $0x80;
	s5 =	smul.u32 $0x3400, s1  }
0x5: {  	s22 =	simm.s32 $0x400;
	s23 =	simm.s32 $0x20000;
	s7 =	smul.u32 $0x1A000, s1  }
0x6: {  	s28 =	simm.s32 $0xC;
	s29 =	simm.s32 $0x0;
	s4 =	smul.u32 $0x68, s1  }
0x7: {  	s0 =	ssub.s32 $0x2, s0;
	s24 =	sand.u32 $0x60000, s5;
	s7 =	sand.u32 $0x1E000, s7  }
0x8: {  	s26 =	sshrl.u32 s0, $0x1;
	s25 =	sand.u32 $0x380, s4;
	s1 =	sor.u32 s7, s24  }
0x9: {  	s0 =	ssub.s32 s0, s26;
	s5 =	simm.s32 $0x0;
	s1 =	sor.u32 s25, s1  }
0xa: {  	v0 =	vlaneseq.u32;
	s0 =	smax.u32 s0, $0x1;
	[smem:$0x7FF] =	sst s5;
	s1 =	sshrl.u32 s1, $0x3  }
0xb: {  	v0 =	vmul.u32 $0x80, v0;
	_ =	strace $0x8000004A;
	[dreg:$0x8] =	wrdreg s0;
	s1 =	sadd.s32 s2, s1  }
0xc: {  	s6 =	sadd.s32 $0x800, s6;
	s30 =	sadd.s32 $0x80, s1;
	[dreg:$0x4] =	wrdreg s1  }
0xd: {  	v1 =	vor.u32 $0x800, v0;
	s26 =	simm.s32 $0xB;
	s31 =	sadd.s32 $0x100, s1;
	[dreg:$0x5] =	wrdreg s30  }
0xe: {  	v2 =	vor.u32 $0x1000, v0;
	v3 =	vor.u32 $0x1800, v0;
	v4 =	vor.u32 $0x2000, v0;
	s11 =	sor.u32 $0x4, s4;
	s1 =	sadd.s32 $0x180, s1;
	[dreg:$0x6] =	wrdreg s31  }
0xf: {  	v5 =	vor.u32 $0x2800, v0;
	v6 =	vor.u32 $0x3000, v0;
	v7 =	vor.u32 $0x3800, v0;
	s24 =	simm.s32 $0x9;
	s25 =	simm.s32 $0xA;
	[dreg:$0x7] =	wrdreg s1  }
.LBB2_1:
0x10: {  	s0 =	rddreg [dreg:$0x4]  }
0x11: {  	[tilespmem:s5], [sflag:$0x1] =	stream.linear.gather [hbm4b:s0+s5], $0x80, $0x38;
	[tilespmem:$0x14600] =	vst v63  }
0x12: {  	s10 =	rddreg [dreg:$0x5]  }
0x13: {  	[tilespmem:s13], [sflag:$0x2] =	stream.linear.gather [hbm4b:s10+s5], $0x80, $0x38;
	[tilespmem:$0x14600] =	vst v63  }
0x14: {  	s12 =	rddreg [dreg:$0x6];
	s1 =	simm.s32 $0x100  }
0x15: {  	[tilespmem:s1], [sflag:$0x3] =	stream.linear.gather [hbm4b:s12+s5], $0x80, $0x38;
	[tilespmem:$0x14600] =	vst v63  }
0x16: {  	s14 =	rddreg [dreg:$0x7];
	s15 =	simm.s32 $0x180;
	s16 =	simm.s32 $0x1  }
0x17: {  	[tilespmem:s15], [sflag:$0x4] =	stream.linear.gather [hbm4b:s14+s5], $0x80, $0x38;
	[tilespmem:$0x14600] =	vst v63  }
0x18: {  	_ =	swait.ge [sflag:s16], $0x80  }
0x19: {  	[sflag:s16] =	ssyncset.done $0x0  }
0x1a: {  	[sflag:s16] =	ssyncadd.s32 $0xFFFFFF80  }
0x1b: {  	v8 =	vld [tilespmem:$0x0];
	_ =	sdelay $0x1  }
0x1c: {  	v9 =	vld [tilespmem:$0x10];
	_ =	sdelay $0x1  }
0x1d: {  	v10 =	vld [tilespmem:$0x20]  }
0x1e: {  	v11 =	vshra.s32 v8, $0x2;
	v8 =	vshll.u32 v8, $0x5  }
0x1f: {  	v49 =	vld [tilespmem:$0x30];
	[tilespmem:$0x200] =	vst v11;
	v8 =	vand.u32 $0x60, v8  }
0x20: {  	[tilespmem:$0x400] =	vst v8;
	v8 =	vshra.s32 v9, $0x2;
	v9 =	vshll.u32 v9, $0x5  }
0x21: {  	v50 =	vld [tilespmem:$0x40];
	[tilespmem:$0x210] =	vst v8;
	v8 =	vand.u32 $0x60, v9  }
0x22: {  	[tilespmem:$0x410] =	vst v8;
	v8 =	vshra.s32 v10, $0x2;
	v10 =	vshll.u32 v10, $0x5  }
0x23: {  	v51 =	vld [tilespmem:$0x50];
	[tilespmem:$0x220] =	vst v8;
	v8 =	vand.u32 $0x60, v10  }
0x24: {  	v11 =	vshll.u32 v49, $0x5;
	[tilespmem:$0x420] =	vst v8;
	v8 =	vshra.s32 v49, $0x2  }
0x25: {  	v52 =	vld [tilespmem:$0x60];
	[tilespmem:$0x230] =	vst v8;
	v8 =	vand.u32 $0x60, v11  }
0x26: {  	v9 =	vshll.u32 v50, $0x5;
	[tilespmem:$0x430] =	vst v8;
	v8 =	vshra.s32 v50, $0x2  }
0x27: {  	v53 =	vld [tilespmem:$0x70];
	[tilespmem:$0x240] =	vst v8;
	v8 =	vand.u32 $0x60, v9  }
0x28: {  	v10 =	vshll.u32 v51, $0x5;
	[tilespmem:$0x440] =	vst v8;
	v8 =	vshra.s32 v51, $0x2  }
0x29: {  	[tilespmem:$0x250] =	vst v8;
	v8 =	vand.u32 $0x60, v10  }
0x2a: {  	v54 =	vshll.u32 v52, $0x5;
	[tilespmem:$0x450] =	vst v8;
	v8 =	vshra.s32 v52, $0x2  }
0x2b: {  	[tilespmem:$0x260] =	vst v8;
	v8 =	vand.u32 $0x60, v54  }
0x2c: {  	v9 =	vshll.u32 v53, $0x5;
	[tilespmem:$0x460] =	vst v8;
	v8 =	vshra.s32 v53, $0x2  }
0x2d: {  	[tilespmem:$0x270] =	vst v8;
	v8 =	vand.u32 $0x60, v9  }
0x2e: {  	s17 =	simm.s32 $0x200;
	s18 =	simm.s32 $0x600;
	s19 =	simm.s32 $0x2;
	[tilespmem:$0x470] =	vst v8  }
0x2f: {  	[tilespmem:s18], [sflag:$0x5] =	stream.indirect.gather [hbm4b:s6+s13], $0x80, s17, s13, $0xb8;
	[tilespmem:$0x14600] =	vst v63  }
0x30: {  	_ =	swait.ge [sflag:s19], $0x80  }
0x31: {  	[sflag:s19] =	ssyncset.done $0x0  }
0x32: {  	[sflag:s19] =	ssyncadd.s32 $0xFFFFFF80  }
0x33: {  	v8 =	vld [tilespmem:$0x80];
	_ =	sdelay $0x1  }
0x34: {  	v55 =	vld [tilespmem:$0x90];
	_ =	sdelay $0x1  }
0x35: {  	v56 =	vld [tilespmem:$0xA0]  }
0x36: {  	v57 =	vshra.s32 v8, $0x2;
	v8 =	vshll.u32 v8, $0x5  }
0x37: {  	v58 =	vld [tilespmem:$0xB0];
	[tilespmem:$0x280] =	vst v57;
	v8 =	vand.u32 $0x60, v8  }
0x38: {  	v9 =	vshll.u32 v55, $0x5;
	[tilespmem:$0x480] =	vst v8;
	v8 =	vshra.s32 v55, $0x2  }
0x39: {  	v59 =	vld [tilespmem:$0xC0];
	[tilespmem:$0x290] =	vst v8;
	v8 =	vand.u32 $0x60, v9  }
0x3a: {  	v10 =	vshll.u32 v56, $0x5;
	[tilespmem:$0x490] =	vst v8;
	v8 =	vshra.s32 v56, $0x2  }
0x3b: {  	v60 =	vld [tilespmem:$0xD0];
	[tilespmem:$0x2A0] =	vst v8;
	v8 =	vand.u32 $0x60, v10  }
0x3c: {  	v11 =	vshll.u32 v58, $0x5;
	[tilespmem:$0x4A0] =	vst v8;
	v8 =	vshra.s32 v58, $0x2  }
0x3d: {  	v61 =	vld [tilespmem:$0xE0];
	[tilespmem:$0x2B0] =	vst v8;
	v8 =	vand.u32 $0x60, v11  }
0x3e: {  	v9 =	vshll.u32 v59, $0x5;
	[tilespmem:$0x4B0] =	vst v8;
	v8 =	vshra.s32 v59, $0x2  }
0x3f: {  	v62 =	vld [tilespmem:$0xF0];
	[tilespmem:$0x2C0] =	vst v8;
	v8 =	vand.u32 $0x60, v9  }
0x40: {  	v10 =	vshll.u32 v60, $0x5;
	[tilespmem:$0x4C0] =	vst v8;
	v8 =	vshra.s32 v60, $0x2  }
0x41: {  	[tilespmem:$0x2D0] =	vst v8;
	v8 =	vand.u32 $0x60, v10  }
0x42: {  	v63 =	vshll.u32 v61, $0x5;
	[tilespmem:$0x4D0] =	vst v8;
	v8 =	vshra.s32 v61, $0x2  }
0x43: {  	[tilespmem:$0x2E0] =	vst v8;
	v8 =	vand.u32 $0x60, v63  }
0x44: {  	v9 =	vshll.u32 v62, $0x5;
	[tilespmem:$0x4E0] =	vst v8;
	v8 =	vshra.s32 v62, $0x2  }
0x45: {  	s20 =	simm.s32 $0x280;
	[tilespmem:$0x2F0] =	vst v8;
	v8 =	vand.u32 $0x60, v9  }
0x46: {  	s21 =	simm.s32 $0x4600;
	s30 =	simm.s32 $0x0;
	s31 =	simm.s32 $0x0;
	[tilespmem:$0x4F0] =	vst v8  }
0x47: {  	[tilespmem:s21], [sflag:$0x6] =	stream.indirect.gather [hbm4b:s6+s13], $0x80, s20, s13, $0xb8;
	[tilespmem:$0x14600] =	vst v63  }
.LBB2_2:
0x48: {  	p0 =	sgt.u32 s31, $0x63  }
.Ltmp0:
0x49: {  	_ = 	snop;
	(pc) =	sbr.rel @p0 .LBB2_4-.Ltmp0, $2  }
0x4a: {  	_ =	sdelay $0x2  }
0x4b: {  	s1 =	sand.u32 $0x3, s31  }
0x4c: {  	s0 =	sadd.s32 s31, s11  }
0x4d: {  	s7 =	sshll.u32 s0, $0xA  }
0x4e: {  	s8 =	sshll.u32 s0, $0x7;
	s0 =	sand.u32 $0x380, s0;
	s7 =	sand.u32 $0x1FC00, s7  }
.Ltmp1:
0x4f: {  	s8 =	sand.u32 $0x7FFE0000, s8;
	s0 =	sor.u32 s0, s7;
	(pc) =	sbr.rel .LBB2_5-.Ltmp1, $4  }
0x50: {  	s0 =	sor.u32 s8, s0  }
0x51: {  	s0 =	sshrl.u32 s0, $0x3  }
0x52: {  	s20 =	sshll.u32 s1, $0x7;
	s21 =	sadd.s32 $0x1, s1;
	s0 =	sadd.s32 s2, s0  }
0x53: {  	[tilespmem:s20], [sflag:s21] =	stream.linear.gather [hbm4b:s0+s5], $0x80, $0x38;
	[tilespmem:$0x14600] =	vst v63  }
.LBB2_4:
0x54: {  	p0 =	sgt.u32 s31, $0x65  }
.Ltmp2:
0x55: {  	_ = 	snop;
	(pc) =	sbr.rel @p0 .LBB2_6-.Ltmp2, $1  }
0x56: {  	_ =	sdelay $0x3  }
.LBB2_5:
0x57: {  	s0 =	sxor.u32 $0x2, s1  }
0x58: {  	s7 =	sadd.s32 $0x1, s0  }
0x59: {  	_ =	swait.ge [sflag:s7], $0x80  }
0x5a: {  	[sflag:s7] =	ssyncset.done $0x0  }
0x5b: {  	s21 =	sshll.u32 s0, $0x7;
	[sflag:s7] =	ssyncadd.s32 $0xFFFFFF80  }
0x5c: {  	v8 =	vld [tilespmem:s21+$0x0];
	_ =	sdelay $0x1  }
0x5d: {  	v9 =	vld [tilespmem:s21+$0x10];
	_ =	sdelay $0x1  }
0x5e: {  	v10 =	vld [tilespmem:s21+$0x20]  }
0x5f: {  	v11 =	vshra.s32 v8, $0x2;
	v8 =	vshll.u32 v8, $0x5  }
0x60: {  	v58 =	vld [tilespmem:s21+$0x30];
	[tilespmem:s21+$0x200] =	vst v11;
	v8 =	vand.u32 $0x60, v8  }
0x61: {  	[tilespmem:s21+$0x400] =	vst v8;
	v8 =	vshra.s32 v9, $0x2;
	v9 =	vshll.u32 v9, $0x5  }
0x62: {  	v59 =	vld [tilespmem:s21+$0x40];
	[tilespmem:s21+$0x210] =	vst v8;
	v8 =	vand.u32 $0x60, v9  }
0x63: {  	[tilespmem:s21+$0x410] =	vst v8;
	v8 =	vshra.s32 v10, $0x2;
	v10 =	vshll.u32 v10, $0x5  }
0x64: {  	v60 =	vld [tilespmem:s21+$0x50];
	[tilespmem:s21+$0x220] =	vst v8;
	v8 =	vand.u32 $0x60, v10  }
0x65: {  	v11 =	vshll.u32 v58, $0x5;
	[tilespmem:s21+$0x420] =	vst v8;
	v8 =	vshra.s32 v58, $0x2  }
0x66: {  	v61 =	vld [tilespmem:s21+$0x60];
	[tilespmem:s21+$0x230] =	vst v8;
	v8 =	vand.u32 $0x60, v11  }
0x67: {  	v9 =	vshll.u32 v59, $0x5;
	[tilespmem:s21+$0x430] =	vst v8;
	v8 =	vshra.s32 v59, $0x2  }
0x68: {  	v62 =	vld [tilespmem:s21+$0x70];
	[tilespmem:s21+$0x240] =	vst v8;
	v8 =	vand.u32 $0x60, v9  }
0x69: {  	v10 =	vshll.u32 v60, $0x5;
	[tilespmem:s21+$0x440] =	vst v8;
	v8 =	vshra.s32 v60, $0x2  }
0x6a: {  	[tilespmem:s21+$0x250] =	vst v8;
	v8 =	vand.u32 $0x60, v10  }
0x6b: {  	v63 =	vshll.u32 v61, $0x5;
	[tilespmem:s21+$0x450] =	vst v8;
	v8 =	vshra.s32 v61, $0x2  }
0x6c: {  	[tilespmem:s21+$0x260] =	vst v8;
	v8 =	vand.u32 $0x60, v63  }
0x6d: {  	v9 =	vshll.u32 v62, $0x5;
	[tilespmem:s21+$0x460] =	vst v8;
	v8 =	vshra.s32 v62, $0x2  }
0x6e: {  	s8 =	sshll.u32 s0, $0xE;
	[tilespmem:s21+$0x270] =	vst v8;
	v8 =	vand.u32 $0x60, v9  }
0x6f: {  	s0 =	sadd.s32 $0x5, s0;
	s8 =	sor.u32 $0x600, s8;
	s7 =	sor.u32 $0x200, s21;
	[tilespmem:s21+$0x470] =	vst v8  }
0x70: {  	[tilespmem:s8], [sflag:s0] =	stream.indirect.gather [hbm4b:s6+s13], $0x80, s7, s13, $0xb8;
	[tilespmem:$0x14600] =	vst v63  }
.LBB2_6:
0x71: {  	s0 =	sadd.s32 $0x5, s1  }
0x72: {  	_ =	swait.ge [sflag:s0], $0x4000  }
0x73: {  	p0 =	slt.u32 s31, $0x4;
	[sflag:s0] =	ssyncset.done $0x0  }
0x74: {  	[sflag:s0] =	ssyncadd.s32 $0xFFFFC000;
	s0 =	sadd.s32 @!p0 $0x9, s1  }
0x75: {  	_ =	swait.ge @!p0 [sflag:s0], $0x1000  }
0x76: {  	[sflag:s0] =	ssyncset.done @!p0 $0x0  }
0x77: {  	s8 =	sshll.u32 s1, $0x7;
	[sflag:s0] =	ssyncadd.s32 @!p0 $0xFFFFF000  }
0x78: {  	v15 =	vld [tilespmem:s8+$0x400];
	_ =	sdelay $0x3  }
0x79: {  	s10 =	simm.s32 $0x3  }
0x7a: {  	s9 =	simm.s32 $0x1;
	v8 =	vadd.s32 s10, v15  }
0x7b: {  	s12 =	simm.s32 $0x2;
	v14 =	vld [tilespmem:s8+$0x410];
	v9 =	vadd.s32 s9, v15;
	v8 =	vadd.s32 v0, v8  }
0x7c: {  	v13 =	vld [tilespmem:s8+$0x420];
	v16 =	vadd.s32 v0, v9;
	v9 =	vadd.s32 s12, v15  }
0x7d: {  	s7 =	simm.s32 $0x0;
	v12 =	vld [tilespmem:s8+$0x430];
	v17 =	vadd.s32 v0, v9  }
0x7e: {  	s18 =	sshll.u32 s1, $0xE;
	v11 =	vld [tilespmem:s8+$0x440];
	v18 =	vadd.s32 s7, v15  }
0x7f: {  	s0 =	sor.u32 $0x600, s18;
	v10 =	vld [tilespmem:s8+$0x450];
	v18 =	vadd.s32 v0, v18  }
0x80: {  	v19 =	vld.idx.msk [tilespmem:v8+s0+$0x0], $0xffff;
	v8 =	vadd.s32 s10, v14  }
0x81: {  	v20 =	vadd.s32 s9, v14;
	v16 =	vld.idx.msk [tilespmem:v16+s0+$0x0], $0xffff;
	v21 =	vadd.s32 v1, v8  }
0x82: {  	s14 =	sand.u32 $0x3, s30;
	v22 =	vadd.s32 s12, v14;
	v20 =	vadd.s32 v1, v20;
	v17 =	vld.idx.msk [tilespmem:v17+s0+$0x0], $0xffff  }
0x83: {  	s14 =	sshll.u32 s14, $0xC;
	v22 =	vadd.s32 v1, v22;
	v9 =	vld [tilespmem:s8+$0x460]  }
0x84: {  	s21 =	sor.u32 $0x10700, s14;
	v23 =	vadd.s32 s7, v14;
	v18 =	vld.idx.msk [tilespmem:v18+s0+$0x0], $0xffff  }
0x85: {  	v23 =	vadd.s32 v1, v23;
	v8 =	vld [tilespmem:s8+$0x470];
	[tilespmem:s21+$0x80] =	vst v19  }
0x86: {  	[tilespmem:s21+$0xFFFFFF80] =	vst v16;
	v19 =	vadd.s32 s10, v13;
	v16 =	vld.idx.msk [tilespmem:v21+s0+$0x0], $0xffff  }
0x87: {  	v20 =	vld.idx.msk [tilespmem:v20+s0+$0x0], $0xffff;
	[tilespmem:s21+$0x0] =	vst v17;
	v17 =	vadd.s32 s9, v13;
	v19 =	vadd.s32 v2, v19  }
0x88: {  	v21 =	vld.idx.msk [tilespmem:v22+s0+$0x0], $0xffff;
	v17 =	vadd.s32 v2, v17;
	v22 =	vadd.s32 s12, v13  }
0x89: {  	[tilespmem:s21+$0xFFFFFF00] =	vst v18;
	v18 =	vadd.s32 v2, v22  }
0x8a: {  	v22 =	vld.idx.msk [tilespmem:v23+s0+$0x0], $0xffff;
	v23 =	vadd.s32 s7, v13  }
0x8b: {  	v23 =	vadd.s32 v2, v23;
	[tilespmem:s21+$0x90] =	vst v16  }
0x8c: {  	[tilespmem:s21+$0xFFFFFF90] =	vst v20;
	v16 =	vld.idx.msk [tilespmem:v19+s0+$0x0], $0xffff;
	v19 =	vadd.s32 s10, v12  }
0x8d: {  	v20 =	vadd.s32 s9, v12;
	v17 =	vld.idx.msk [tilespmem:v17+s0+$0x0], $0xffff;
	[tilespmem:s21+$0x10] =	vst v21;
	v19 =	vadd.s32 v3, v19  }
0x8e: {  	s14 =	simm.s32 $0x4;
	v20 =	vadd.s32 v3, v20;
	v21 =	vadd.s32 s12, v12;
	v18 =	vld.idx.msk [tilespmem:v18+s0+$0x0], $0xffff  }
0x8f: {  	v24 =	vadd.s32 s14, v15;
	[tilespmem:s21+$0xFFFFFF10] =	vst v22;
	v21 =	vadd.s32 v3, v21  }
0x90: {  	s17 =	simm.s32 $0x5;
	v22 =	vadd.s32 v0, v24;
	v24 =	vadd.s32 s7, v12;
	v23 =	vld.idx.msk [tilespmem:v23+s0+$0x0], $0xffff  }
0x91: {  	v25 =	vadd.s32 s17, v15;
	v24 =	vadd.s32 v3, v24;
	[tilespmem:s21+$0xA0] =	vst v16  }
0x92: {  	v16 =	vadd.s32 v0, v25;
	[tilespmem:s21+$0xFFFFFFA0] =	vst v17;
	v17 =	vld.idx.msk [tilespmem:v19+s0+$0x0], $0xffff;
	v19 =	vadd.s32 s10, v11  }
0x93: {  	v20 =	vld.idx.msk [tilespmem:v20+s0+$0x0], $0xffff;
	[tilespmem:s21+$0x20] =	vst v18;
	v18 =	vadd.s32 s9, v11;
	v19 =	vadd.s32 v4, v19  }
0x94: {  	s8 =	simm.s32 $0x7;
	v25 =	vadd.s32 s12, v11;
	v21 =	vld.idx.msk [tilespmem:v21+s0+$0x0], $0xffff;
	v18 =	vadd.s32 v4, v18  }
0x95: {  	v22 =	vld.idx.msk [tilespmem:v22+s0+$0x0], $0xffff;
	[tilespmem:s21+$0xFFFFFF20] =	vst v23;
	v23 =	vadd.s32 v4, v25;
	v25 =	vadd.s32 s8, v15  }
0x96: {  	s18 =	simm.s32 $0x6;
	v26 =	vadd.s32 s7, v11;
	v24 =	vld.idx.msk [tilespmem:v24+s0+$0x0], $0xffff;
	v25 =	vadd.s32 v0, v25  }
0x97: {  	v27 =	vld.idx.msk [tilespmem:v16+s0+$0x0], $0xffff;
	v16 =	vadd.s32 s18, v15;
	[tilespmem:s21+$0xB0] =	vst v17;
	v17 =	vadd.s32 v4, v26  }
0x98: {  	[tilespmem:s21+$0xFFFFFFB0] =	vst v20;
	v16 =	vadd.s32 v0, v16;
	v20 =	vadd.s32 s10, v10;
	v19 =	vld.idx.msk [tilespmem:v19+s0+$0x0], $0xffff  }
0x99: {  	v18 =	vld.idx.msk [tilespmem:v18+s0+$0x0], $0xffff;
	[tilespmem:s21+$0x30] =	vst v21;
	v21 =	vadd.s32 s9, v10;
	v20 =	vadd.s32 v5, v20  }
0x9a: {  	s15 =	simm.s32 $0x8;
	v26 =	vadd.s32 s12, v10;
	v23 =	vld.idx.msk [tilespmem:v23+s0+$0x0], $0xffff;
	v21 =	vadd.s32 v5, v21  }
0x9b: {  	v26 =	vadd.s32 v5, v26;
	[tilespmem:s21+$0xFFFFFF30] =	vst v24;
	v24 =	vadd.s32 s15, v15;
	v25 =	vld.idx.msk [tilespmem:v25+s0+$0x0], $0xffff  }
0x9c: {  	v28 =	vadd.s32 s8, v14;
	v24 =	vadd.s32 v0, v24;
	v17 =	vld.idx.msk [tilespmem:v17+s0+$0x0], $0xffff  }
0x9d: {  	v29 =	vadd.s32 s17, v14;
	v28 =	vadd.s32 v1, v28;
	v30 =	vld.idx.msk [tilespmem:v16+s0+$0x0], $0xffff;
	[tilespmem:s21+$0xC0] =	vst v19  }
0x9e: {  	v16 =	vadd.s32 s18, v14;
	v19 =	vadd.s32 v1, v29;
	[tilespmem:s21+$0xFFFFFFC0] =	vst v18;
	v18 =	vld.idx.msk [tilespmem:v20+s0+$0x0], $0xffff  }
0x9f: {  	s20 =	sadd.s32 $0x200, s21;
	v20 =	vadd.s32 v1, v16;
	v21 =	vld.idx.msk [tilespmem:v21+s0+$0x0], $0xffff;
	[tilespmem:s21+$0x40] =	vst v23;
	v16 =	vadd.s32 s10, v9  }
0xa0: {  	[tilespmem:s20+$0xFFFFFF80] =	vst v27;
	v23 =	vadd.s32 s14, v14;
	v26 =	vld.idx.msk [tilespmem:v26+s0+$0x0], $0xffff;
	v29 =	vadd.s32 v6, v16  }
0xa1: {  	v27 =	vadd.s32 s9, v9;
	[tilespmem:s20+$0x80] =	vst v25;
	v16 =	vld.idx.msk [tilespmem:v24+s0+$0x0], $0xffff;
	v23 =	vadd.s32 v1, v23  }
0xa2: {  	[tilespmem:s20+$0xFFFFFF00] =	vst v22;
	v27 =	vadd.s32 v6, v27;
	v24 =	vadd.s32 s7, v10;
	v25 =	vld.idx.msk [tilespmem:v28+s0+$0x0], $0xffff  }
0xa3: {  	v28 =	vadd.s32 s8, v13;
	v24 =	vadd.s32 v5, v24;
	[tilespmem:s20+$0x0] =	vst v30;
	v19 =	vld.idx.msk [tilespmem:v19+s0+$0x0], $0xffff  }
0xa4: {  	v28 =	vadd.s32 v2, v28;
	v30 =	vadd.s32 s17, v13;
	v20 =	vld.idx.msk [tilespmem:v20+s0+$0x0], $0xffff;
	[tilespmem:s21+$0xD0] =	vst v18  }
0xa5: {  	v22 =	vadd.s32 s18, v13;
	[tilespmem:s21+$0xFFFFFF40] =	vst v17;
	v18 =	vadd.s32 v2, v30;
	v29 =	vld.idx.msk [tilespmem:v29+s0+$0x0], $0xffff  }
0xa6: {  	v22 =	vadd.s32 v2, v22;
	v17 =	vadd.s32 s10, v8;
	v30 =	vadd.s32 s14, v13;
	[tilespmem:s21+$0xFFFFFFD0] =	vst v21;
	v23 =	vld.idx.msk [tilespmem:v23+s0+$0x0], $0xffff  }
0xa7: {  	v17 =	vadd.s32 v7, v17;
	v21 =	vadd.s32 v2, v30;
	v30 =	vld.idx.msk [tilespmem:v27+s0+$0x0], $0xffff  }
0xa8: {  	[tilespmem:s20+$0x90] =	vst v25;
	v25 =	vadd.s32 s12, v9;
	v24 =	vld.idx.msk [tilespmem:v24+s0+$0x0], $0xffff  }
0xa9: {  	v27 =	vld.idx.msk [tilespmem:v28+s0+$0x0], $0xffff;
	v25 =	vadd.s32 v6, v25;
	[tilespmem:s20+$0xFFFFFF90] =	vst v19;
	v19 =	vadd.s32 s7, v9  }
0xaa: {  	v28 =	vld.idx.msk [tilespmem:v18+s0+$0x0], $0xffff;
	[tilespmem:s20+$0x10] =	vst v20;
	v18 =	vadd.s32 s8, v12;
	v20 =	vadd.s32 v6, v19  }
0xab: {  	v19 =	vadd.s32 s17, v12;
	v22 =	vld.idx.msk [tilespmem:v22+s0+$0x0], $0xffff;
	v31 =	vadd.s32 v3, v18;
	[tilespmem:s21+$0xE0] =	vst v29  }
0xac: {  	s10 =	simm.s32 $0x9;
	[tilespmem:s20+$0xFFFFFF10] =	vst v23;
	v23 =	vadd.s32 v3, v19;
	v18 =	vadd.s32 s18, v12;
	v17 =	vld.idx.msk [tilespmem:v17+s0+$0x0], $0xffff  }
0xad: {  	[tilespmem:s21+$0x50] =	vst v26;
	v19 =	vadd.s32 s10, v15;
	v29 =	vld.idx.msk [tilespmem:v21+s0+$0x0], $0xffff;
	v32 =	vadd.s32 v3, v18  }
0xae: {  	v33 =	vadd.s32 v0, v19;
	v18 =	vadd.s32 s14, v12;
	[tilespmem:s21+$0xFFFFFF50] =	vst v24;
	v19 =	vld.idx.msk [tilespmem:v25+s0+$0x0], $0xffff  }
0xaf: {  	[tilespmem:s20+$0xA0] =	vst v27;
	v24 =	vadd.s32 s9, v8;
	v34 =	vadd.s32 v3, v18;
	v18 =	vld.idx.msk [tilespmem:v20+s0+$0x0], $0xffff  }
0xb0: {  	v25 =	vadd.s32 s12, v8;
	v26 =	vadd.s32 v7, v24;
	[tilespmem:s20+$0xFFFFFFA0] =	vst v28;
	v20 =	vld.idx.msk [tilespmem:v31+s0+$0x0], $0xffff  }
0xb1: {  	v24 =	vadd.s32 v7, v25;
	v21 =	vld.idx.msk [tilespmem:v23+s0+$0x0], $0xffff;
	[tilespmem:s20+$0x20] =	vst v22;
	v23 =	vadd.s32 s8, v11  }
0xb2: {  	v27 =	vadd.s32 s17, v11;
	v22 =	vld.idx.msk [tilespmem:v32+s0+$0x0], $0xffff;
	[tilespmem:s21+$0xF0] =	vst v17;
	v25 =	vadd.s32 v4, v23  }
0xb3: {  	s19 =	sshll.u32 s1, $0xC;
	v27 =	vadd.s32 v4, v27;
	v28 =	vadd.s32 s18, v11;
	v17 =	vld.idx.msk [tilespmem:v33+s0+$0x0], $0xffff;
	[tilespmem:s20+$0xFFFFFF20] =	vst v29  }
0xb4: {  	s16 =	simm.s32 $0xC;
	[tilespmem:s21+$0xFFFFFFE0] =	vst v30;
	s9 =	sor.u32 $0x10600, s19;
	s12 =	simm.s32 $0xB;
	v28 =	vadd.s32 v4, v28;
	v29 =	vadd.s32 s7, v8;
	v23 =	vld.idx.msk [tilespmem:v34+s0+$0x0], $0xffff  }
.LBB2_7:
0xb5: {  	p0 =	slt.u32 s16, $0x1C;
	v30 =	vadd.s32 s12, v15;
	v29 =	vadd.s32 v7, v29;
	v26 =	vld.idx.msk [tilespmem:v26+s0+$0x0], $0xffff;
	[tilespmem:s21+$0x60] =	vst v19;
	s7 =	smov.u32 s15;
	s15 =	smov.u32 s16  }
0xb6: {  	s19 =	sadd.s32 $0x2, s7;
	v19 =	vadd.s32 v0, v30;
	v30 =	vadd.s32 s14, v11;
	[tilespmem:s20+$0xB0] =	vst v20;
	v20 =	vld.idx.msk [tilespmem:v24+s0+$0x0], $0xffff  }
0xb7: {  	v24 =	vadd.s32 s19, v15;
	v30 =	vadd.s32 v4, v30;
	[tilespmem:s20+$0xFFFFFFB0] =	vst v21;
	v21 =	vld.idx.msk [tilespmem:v25+s0+$0x0], $0xffff  }
0xb8: {  	v24 =	vadd.s32 v0, v24;
	v25 =	vld.idx.msk [tilespmem:v27+s0+$0x0], $0xffff;
	[tilespmem:s20+$0x30] =	vst v22;
	v22 =	vadd.s32 s8, v10  }
0xb9: {  	v27 =	vadd.s32 s17, v10;
	v28 =	vld.idx.msk [tilespmem:v28+s0+$0x0], $0xffff;
	v22 =	vadd.s32 v5, v22;
	[tilespmem:s21+$0xFFFFFF60] =	vst v18  }
0xba: {  	v18 =	vadd.s32 v5, v27;
	[tilespmem:s20+$0xFFFFFF30] =	vst v23;
	v23 =	vadd.s32 s18, v10;
	v27 =	vld.idx.msk [tilespmem:v29+s0+$0x0], $0xffff  }
0xbb: {  	v29 =	vadd.s32 s16, v15;
	v19 =	vld.idx.msk [tilespmem:v19+s0+$0x0], $0xffff;
	v23 =	vadd.s32 v5, v23;
	[tilespmem:s21+$0xFFFFFFF0] =	vst v26  }
0xbc: {  	v26 =	vadd.s32 v0, v29;
	v29 =	vadd.s32 s12, v14;
	v30 =	vld.idx.msk [tilespmem:v30+s0+$0x0], $0xffff;
	[tilespmem:s21+$0x70] =	vst v20  }
0xbd: {  	v20 =	vadd.s32 s10, v14;
	v29 =	vadd.s32 v1, v29;
	v24 =	vld.idx.msk [tilespmem:v24+s0+$0x0], $0xffff;
	[tilespmem:s20+$0xC0] =	vst v21  }
0xbe: {  	v20 =	vadd.s32 v1, v20;
	v21 =	vadd.s32 s19, v14;
	[tilespmem:s20+$0xFFFFFFC0] =	vst v25;
	v22 =	vld.idx.msk [tilespmem:v22+s0+$0x0], $0xffff  }
0xbf: {  	v21 =	vadd.s32 v1, v21;
	v25 =	vadd.s32 s8, v9;
	v18 =	vld.idx.msk [tilespmem:v18+s0+$0x0], $0xffff;
	[tilespmem:s20+$0x40] =	vst v28  }
0xc0: {  	v28 =	vadd.s32 s7, v14;
	v25 =	vadd.s32 v6, v25;
	v23 =	vld.idx.msk [tilespmem:v23+s0+$0x0], $0xffff;
	[tilespmem:s21+$0xFFFFFF70] =	vst v27;
	s21 =	smov.u32 s20;
	s20 =	sadd.s32 $0x200, s20  }
0xc1: {  	v27 =	vadd.s32 v1, v28;
	v26 =	vld.idx.msk [tilespmem:v26+s0+$0x0], $0xffff;
	[tilespmem:s20+$0x80] =	vst v19;
	v19 =	vadd.s32 s14, v10  }
0xc2: {  	v28 =	vadd.s32 s17, v9;
	[tilespmem:s20+$0xFFFFFF80] =	vst v17;
	v17 =	vld.idx.msk [tilespmem:v29+s0+$0x0], $0xffff;
	v19 =	vadd.s32 v5, v19  }
0xc3: {  	v28 =	vadd.s32 v6, v28;
	v20 =	vld.idx.msk [tilespmem:v20+s0+$0x0], $0xffff;
	[tilespmem:s20+$0x0] =	vst v24;
	v24 =	vadd.s32 s12, v13  }
0xc4: {  	v29 =	vadd.s32 s10, v13;
	v21 =	vld.idx.msk [tilespmem:v21+s0+$0x0], $0xffff;
	v24 =	vadd.s32 v2, v24;
	[tilespmem:s21+$0xD0] =	vst v22  }
0xc5: {  	v32 =	vadd.s32 s19, v13;
	v22 =	vadd.s32 v2, v29;
	[tilespmem:s20+$0xFFFFFF00] =	vst v16;
	v25 =	vld.idx.msk [tilespmem:v25+s0+$0x0], $0xffff  }
0xc6: {  	v31 =	vadd.s32 s8, v8;
	s8 =	smov.u32 s12;
	v29 =	vadd.s32 v2, v32;
	v27 =	vld.idx.msk [tilespmem:v27+s0+$0x0], $0xffff;
	[tilespmem:s21+$0xFFFFFF40] =	vst v30  }
0xc7: {  	v30 =	vadd.s32 s7, v13;
	v16 =	vmov v26;
	v19 =	vld.idx.msk [tilespmem:v19+s0+$0x0], $0xffff;
	[tilespmem:s21+$0xFFFFFFD0] =	vst v18;
	v18 =	vadd.s32 v7, v31  }
0xc8: {  	v26 =	vadd.s32 v2, v30;
	[tilespmem:s20+$0x90] =	vst v17;
	v30 =	vld.idx.msk [tilespmem:v28+s0+$0x0], $0xffff;
	v17 =	vadd.s32 s18, v9  }
0xc9: {  	[tilespmem:s20+$0xFFFFFF90] =	vst v20;
	v20 =	vld.idx.msk [tilespmem:v24+s0+$0x0], $0xffff;
	v24 =	vadd.s32 s14, v9;
	v17 =	vadd.s32 v6, v17  }
0xca: {  	v22 =	vld.idx.msk [tilespmem:v22+s0+$0x0], $0xffff;
	[tilespmem:s20+$0x10] =	vst v21;
	v21 =	vadd.s32 s8, v12;
	v24 =	vadd.s32 v6, v24  }
0xcb: {  	v28 =	vadd.s32 s10, v12;
	v29 =	vld.idx.msk [tilespmem:v29+s0+$0x0], $0xffff;
	v21 =	vadd.s32 v3, v21;
	[tilespmem:s21+$0xE0] =	vst v25  }
0xcc: {  	s12 =	sadd.s32 $0x1, s16;
	v25 =	vadd.s32 v3, v28;
	[tilespmem:s20+$0xFFFFFF10] =	vst v27;
	v27 =	vadd.s32 s19, v12;
	v28 =	vld.idx.msk [tilespmem:v18+s0+$0x0], $0xffff  }
0xcd: {  	v18 =	vadd.s32 s12, v15;
	v31 =	vld.idx.msk [tilespmem:v26+s0+$0x0], $0xffff;
	v27 =	vadd.s32 v3, v27;
	[tilespmem:s21+$0x50] =	vst v23  }
0xce: {  	v23 =	vadd.s32 v0, v18;
	v18 =	vadd.s32 s7, v12;
	[tilespmem:s21+$0xFFFFFF50] =	vst v19;
	v19 =	vld.idx.msk [tilespmem:v17+s0+$0x0], $0xffff  }
0xcf: {  	v32 =	vadd.s32 v3, v18;
	v17 =	vadd.s32 s17, v8;
	s17 =	smov.u32 s10;
	s10 =	smov.u32 s12;
	[tilespmem:s20+$0xA0] =	vst v20;
	v18 =	vld.idx.msk [tilespmem:v24+s0+$0x0], $0xffff  }
.Ltmp3:
0xd0: {  	v26 =	vadd.s32 v7, v17;
	v17 =	vadd.s32 s18, v8;
	s18 =	smov.u32 s19;
	[tilespmem:s20+$0xFFFFFFA0] =	vst v22;
	v20 =	vld.idx.msk [tilespmem:v21+s0+$0x0], $0xffff;
	(pc) =	sbr.rel @p0 .LBB2_7-.Ltmp3, $4  }
0xd1: {  	v24 =	vadd.s32 v7, v17;
	v21 =	vld.idx.msk [tilespmem:v25+s0+$0x0], $0xffff;
	[tilespmem:s20+$0x20] =	vst v29;
	v25 =	vadd.s32 s8, v11  }
0xd2: {  	v29 =	vadd.s32 s17, v11;
	v22 =	vld.idx.msk [tilespmem:v27+s0+$0x0], $0xffff;
	v25 =	vadd.s32 v4, v25;
	[tilespmem:s21+$0xF0] =	vst v28  }
0xd3: {  	v27 =	vadd.s32 v4, v29;
	v28 =	vadd.s32 s18, v11;
	v17 =	vld.idx.msk [tilespmem:v23+s0+$0x0], $0xffff;
	[tilespmem:s20+$0xFFFFFF20] =	vst v31  }
0xd4: {  	s16 =	sadd.s32 $0x4, s16;
	s12 =	sadd.s32 $0x3, s15;
	v29 =	vadd.s32 s14, v8;
	s14 =	smov.u32 s7;
	v28 =	vadd.s32 v4, v28;
	v23 =	vld.idx.msk [tilespmem:v32+s0+$0x0], $0xffff;
	[tilespmem:s21+$0xFFFFFFE0] =	vst v30  }
0xd5: {  	_ = 	snop  }
0xd6: {  	[tilespmem:s21+$0x60] =	vst v19  }
0xd7: {  	[tilespmem:s20+$0xB0] =	vst v20  }
0xd8: {  	[tilespmem:s21+$0xFFFFFF60] =	vst v18  }
0xd9: {  	v30 =	vadd.s32 s12, v15;
	v63 =	vld.idx.msk [tilespmem:v26+s0+$0x0], $0xffff;
	s7 =	sadd.s32 $0x2, s15;
	v35 =	vadd.s32 v7, v29;
	s16 =	sadd.s32 $0x200, s20;
	[tilespmem:s20+$0xFFFFFFB0] =	vst v21  }
0xda: {  	v30 =	vadd.s32 v0, v30;
	v31 =	vld.idx.msk [tilespmem:v24+s0+$0x0], $0xffff;
	v32 =	vadd.s32 s7, v15;
	[tilespmem:s16+$0xFFFFFF00] =	vst v16  }
0xdb: {  	v41 =	vadd.s32 s10, v14;
	v33 =	vld.idx.msk [tilespmem:v25+s0+$0x0], $0xffff;
	v15 =	vadd.s32 v0, v32;
	[tilespmem:s20+$0x30] =	vst v22  }
0xdc: {  	v36 =	vadd.s32 s8, v10;
	v43 =	vadd.s32 s15, v14;
	v20 =	vadd.s32 v1, v41;
	v34 =	vld.idx.msk [tilespmem:v27+s0+$0x0], $0xffff;
	[tilespmem:s16+$0xFFFFFF80] =	vst v17  }
0xdd: {  	v40 =	vadd.s32 s12, v14;
	v42 =	vadd.s32 s7, v14;
	v14 =	vadd.s32 v1, v43;
	v37 =	vld.idx.msk [tilespmem:v28+s0+$0x0], $0xffff;
	[tilespmem:s20+$0xFFFFFF30] =	vst v23  }
0xde: {  	v44 =	vadd.s32 s14, v11;
	v38 =	vadd.s32 v5, v36;
	[tilespmem:s21+$0xFFFFFFF0] =	vst v63;
	v18 =	vld.idx.msk [tilespmem:v35+s0+$0x0], $0xffff  }
0xdf: {  	v22 =	vadd.s32 v4, v44;
	v39 =	vld.idx.msk [tilespmem:v30+s0+$0x0], $0xffff;
	[tilespmem:s21+$0x70] =	vst v31  }
0xe0: {  	v19 =	vadd.s32 v1, v40;
	[tilespmem:s20+$0xC0] =	vst v33;
	v15 =	vld.idx.msk [tilespmem:v15+s0+$0x0], $0xffff  }
0xe1: {  	v45 =	vadd.s32 s17, v10;
	v21 =	vadd.s32 v1, v42;
	v20 =	vld.idx.msk [tilespmem:v20+s0+$0x0], $0xffff;
	[tilespmem:s20+$0xFFFFFFC0] =	vst v34  }
0xe2: {  	v54 =	vadd.s32 s18, v10;
	v46 =	vadd.s32 v5, v45;
	v14 =	vld.idx.msk [tilespmem:v14+s0+$0x0], $0xffff;
	[tilespmem:s20+$0x40] =	vst v37  }
0xe3: {  	v48 =	vadd.s32 s12, v13;
	v51 =	vadd.s32 s15, v13;
	v55 =	vadd.s32 v5, v54;
	v23 =	vld.idx.msk [tilespmem:v38+s0+$0x0], $0xffff;
	[tilespmem:s21+$0xFFFFFF70] =	vst v18  }
0xe4: {  	v49 =	vadd.s32 s10, v13;
	v50 =	vadd.s32 s7, v13;
	v13 =	vadd.s32 v2, v51;
	v52 =	vld.idx.msk [tilespmem:v22+s0+$0x0], $0xffff;
	[tilespmem:s16+$0x80] =	vst v39  }
0xe5: {  	v47 =	vld.idx.msk [tilespmem:v19+s0+$0x0], $0xffff;
	[tilespmem:s16+$0x0] =	vst v15;
	v15 =	vadd.s32 v2, v49  }
0xe6: {  	[tilespmem:s16+$0xFFFFFF90] =	vst v20;
	v19 =	vadd.s32 v2, v48;
	v21 =	vld.idx.msk [tilespmem:v21+s0+$0x0], $0xffff  }
0xe7: {  	v53 =	vadd.s32 s8, v9;
	v16 =	vadd.s32 v2, v50;
	v24 =	vld.idx.msk [tilespmem:v46+s0+$0x0], $0xffff;
	[tilespmem:s16+$0xFFFFFF10] =	vst v14  }
0xe8: {  	v31 =	vadd.s32 s17, v9;
	v22 =	vadd.s32 v6, v53;
	v17 =	vld.idx.msk [tilespmem:v55+s0+$0x0], $0xffff;
	[tilespmem:s20+$0xD0] =	vst v23  }
0xe9: {  	v56 =	vadd.s32 s12, v12;
	v61 =	vadd.s32 s15, v12;
	v32 =	vadd.s32 v6, v31;
	[tilespmem:s20+$0xFFFFFF40] =	vst v52;
	v13 =	vld.idx.msk [tilespmem:v13+s0+$0x0], $0xffff  }
0xea: {  	v57 =	vadd.s32 s10, v12;
	v59 =	vadd.s32 s7, v12;
	v12 =	vadd.s32 v3, v61;
	[tilespmem:s16+$0x90] =	vst v47;
	v15 =	vld.idx.msk [tilespmem:v15+s0+$0x0], $0xffff  }
0xeb: {  	v58 =	vadd.s32 v3, v57;
	v19 =	vld.idx.msk [tilespmem:v19+s0+$0x0], $0xffff;
	[tilespmem:s16+$0x10] =	vst v21  }
0xec: {  	v20 =	vadd.s32 v3, v56;
	[tilespmem:s20+$0xFFFFFFD0] =	vst v24;
	v16 =	vld.idx.msk [tilespmem:v16+s0+$0x0], $0xffff  }
0xed: {  	v60 =	vadd.s32 v3, v59;
	v33 =	vadd.s32 s18, v9;
	v22 =	vld.idx.msk [tilespmem:v22+s0+$0x0], $0xffff;
	[tilespmem:s20+$0x50] =	vst v17  }
0xee: {  	v62 =	vadd.s32 s14, v10;
	v34 =	vadd.s32 v6, v33;
	v17 =	vld.idx.msk [tilespmem:v32+s0+$0x0], $0xffff;
	[tilespmem:s16+$0xFFFFFF20] =	vst v13  }
0xef: {  	v26 =	vadd.s32 s12, v11;
	v30 =	vadd.s32 s15, v11;
	v21 =	vadd.s32 v5, v62;
	v12 =	vld.idx.msk [tilespmem:v12+s0+$0x0], $0xffff;
	[tilespmem:s16+$0xFFFFFFA0] =	vst v15  }
0xf0: {  	v29 =	vadd.s32 s7, v11;
	v27 =	vadd.s32 s10, v11;
	v11 =	vadd.s32 v4, v30;
	[tilespmem:s16+$0xA0] =	vst v19;
	v14 =	vld.idx.msk [tilespmem:v58+s0+$0x0], $0xffff  }
0xf1: {  	v28 =	vadd.s32 v4, v27;
	v25 =	vld.idx.msk [tilespmem:v20+s0+$0x0], $0xffff;
	[tilespmem:s16+$0x20] =	vst v16  }
0xf2: {  	[tilespmem:s20+$0xE0] =	vst v22;
	v20 =	vadd.s32 v4, v26;
	v18 =	vld.idx.msk [tilespmem:v60+s0+$0x0], $0xffff  }
0xf3: {  	v63 =	vadd.s32 s8, v8;
	[tilespmem:s20+$0xFFFFFFE0] =	vst v17;
	v15 =	vld.idx.msk [tilespmem:v34+s0+$0x0], $0xffff;
	v16 =	vadd.s32 v4, v29  }
0xf4: {  	v43 =	vadd.s32 s17, v8;
	v24 =	vadd.s32 v7, v63;
	v21 =	vld.idx.msk [tilespmem:v21+s0+$0x0], $0xffff;
	[tilespmem:s16+$0xFFFFFF30] =	vst v12  }
0xf5: {  	v36 =	vadd.s32 s12, v10;
	v40 =	vadd.s32 s15, v10;
	v44 =	vadd.s32 v7, v43;
	v11 =	vld.idx.msk [tilespmem:v11+s0+$0x0], $0xffff;
	[tilespmem:s16+$0xFFFFFFB0] =	vst v14  }
0xf6: {  	v37 =	vadd.s32 s10, v10;
	v39 =	vadd.s32 s7, v10;
	v10 =	vadd.s32 v5, v40;
	[tilespmem:s16+$0xB0] =	vst v25;
	v13 =	vld.idx.msk [tilespmem:v28+s0+$0x0], $0xffff  }
0xf7: {  	v38 =	vadd.s32 v5, v37;
	v35 =	vld.idx.msk [tilespmem:v20+s0+$0x0], $0xffff;
	[tilespmem:s16+$0x30] =	vst v18  }
0xf8: {  	[tilespmem:s20+$0x60] =	vst v15;
	v20 =	vadd.s32 v5, v36;
	v16 =	vld.idx.msk [tilespmem:v16+s0+$0x0], $0xffff  }
0xf9: {  	v41 =	vadd.s32 s14, v9;
	v19 =	vld.idx.msk [tilespmem:v24+s0+$0x0], $0xffff;
	[tilespmem:s20+$0xFFFFFF50] =	vst v21;
	v18 =	vadd.s32 v5, v39  }
0xfa: {  	v42 =	vadd.s32 v6, v41;
	v52 =	vadd.s32 s18, v8;
	v14 =	vld.idx.msk [tilespmem:v44+s0+$0x0], $0xffff;
	[tilespmem:s16+$0xFFFFFF40] =	vst v11  }
0xfb: {  	v50 =	vadd.s32 s15, v9;
	v46 =	vadd.s32 s12, v9;
	v53 =	vadd.s32 v7, v52;
	v10 =	vld.idx.msk [tilespmem:v10+s0+$0x0], $0xffff;
	[tilespmem:s16+$0xFFFFFFC0] =	vst v13  }
0xfc: {  	v48 =	vadd.s32 s10, v9;
	v49 =	vadd.s32 s7, v9;
	v9 =	vadd.s32 v6, v50;
	[tilespmem:s16+$0xC0] =	vst v35;
	v12 =	vld.idx.msk [tilespmem:v38+s0+$0x0], $0xffff  }
0xfd: {  	v45 =	vld.idx.msk [tilespmem:v20+s0+$0x0], $0xffff;
	[tilespmem:s16+$0x40] =	vst v16;
	v20 =	vadd.s32 v6, v48  }
0xfe: {  	v47 =	vadd.s32 v6, v46;
	[tilespmem:s20+$0xF0] =	vst v19;
	v18 =	vld.idx.msk [tilespmem:v18+s0+$0x0], $0xffff  }
0xff: {  	v54 =	vadd.s32 s14, v8;
	v11 =	vadd.s32 v6, v49;
	v51 =	vld.idx.msk [tilespmem:v42+s0+$0x0], $0xffff;
	[tilespmem:s20+$0xFFFFFFF0] =	vst v14  }
0x100: {  	v59 =	vadd.s32 s10, v8;
	v55 =	vadd.s32 v7, v54;
	v56 =	vadd.s32 s12, v8;
	v15 =	vld.idx.msk [tilespmem:v53+s0+$0x0], $0xffff;
	[tilespmem:s16+$0xFFFFFF50] =	vst v10  }
0x101: {  	v62 =	vadd.s32 s7, v8;
	v8 =	vadd.s32 s15, v8;
	v9 =	vld.idx.msk [tilespmem:v9+s0+$0x0], $0xffff;
	[tilespmem:s16+$0xFFFFFFD0] =	vst v12  }
0x102: {  	v8 =	vadd.s32 v7, v8;
	[tilespmem:s16+$0xD0] =	vst v45;
	v58 =	vld.idx.msk [tilespmem:v20+s0+$0x0], $0xffff  }
0x103: {  	v61 =	vadd.s32 v7, v59;
	v16 =	vld.idx.msk [tilespmem:v47+s0+$0x0], $0xffff;
	[tilespmem:s16+$0x50] =	vst v18  }
0x104: {  	v57 =	vadd.s32 v7, v56;
	[tilespmem:s20+$0xFFFFFF60] =	vst v51;
	v60 =	vld.idx.msk [tilespmem:v11+s0+$0x0], $0xffff  }
0x105: {  	v63 =	vadd.s32 v7, v62;
	[tilespmem:s20+$0x70] =	vst v15;
	v13 =	vld.idx.msk [tilespmem:v55+s0+$0x0], $0xffff  }
0x106: {  	[tilespmem:s16+$0xFFFFFF60] =	vst v9  }
0x107: {  	v8 =	vld.idx.msk [tilespmem:v8+s0+$0x0], $0xffff;
	[tilespmem:s16+$0xFFFFFFE0] =	vst v58  }
0x108: {  	[tilespmem:s16+$0xE0] =	vst v16;
	v11 =	vld.idx.msk [tilespmem:v61+s0+$0x0], $0xffff  }
0x109: {  	v12 =	vld.idx.msk [tilespmem:v57+s0+$0x0], $0xffff;
	[tilespmem:s16+$0x60] =	vst v60  }
0x10a: {  	[tilespmem:s20+$0xFFFFFF70] =	vst v13;
	s20 =	sadd.s32 s4, s31;
	s31 =	sadd.s32 $0x1, s31;
	v10 =	vld.idx.msk [tilespmem:v63+s0+$0x0], $0xffff  }
0x10b: {  	p0 =	sne.s32 s31, $0x68  }
.Ltmp4:
0x10c: {  	s21 =	sshll.u32 s20, $0x7;
	[tilespmem:s16+$0xFFFFFF70] =	vst v8;
	(pc) =	sbr.rel @p0 .LBB2_2-.Ltmp4, $4  }
0x10d: {  	s7 =	sand.u32 $0x3F80, s21;
	s0 =	sshll.u32 s20, $0x9;
	[tilespmem:s16+$0xFFFFFFF0] =	vst v11  }
0x10e: {  	s7 =	sadd.s32 s3, s7;
	s0 =	sand.u32 $0xFFF0000, s0;
	[tilespmem:s16+$0xF0] =	vst v12  }
0x10f: {  	s1 =	sadd.s32 $0x9, s1;
	s30 =	sadd.s32 $0x1, s30;
	s0 =	sadd.s32 s0, s7;
	[tilespmem:s16+$0x70] =	vst v10  }
0x110: {  	[hbm4b:s0+s22] =	stream.strided.scatter [tilespmem:s9], [sflag:s1], $0x1000, s23, s22, $0x38;
	[tilespmem:$0x14600] =	vst v63  }
0x111: {  	_ =	swait.ge [sflag:s24], $0x1000  }
0x112: {  	[sflag:s24] =	ssyncset.done $0x0  }
0x113: {  	[sflag:s24] =	ssyncadd.s32 $0xFFFFF000  }
0x114: {  	_ =	swait.ge [sflag:s25], $0x1000  }
0x115: {  	[sflag:s25] =	ssyncset.done $0x0  }
0x116: {  	[sflag:s25] =	ssyncadd.s32 $0xFFFFF000  }
0x117: {  	_ =	swait.ge [sflag:s26], $0x1000  }
0x118: {  	[sflag:s26] =	ssyncset.done $0x0  }
0x119: {  	[sflag:s26] =	ssyncadd.s32 $0xFFFFF000  }
0x11a: {  	_ =	swait.ge [sflag:s28], $0x1000  }
0x11b: {  	s29 =	sadd.s32 $0x1, s29;
	s0 =	rddreg [dreg:$0x8]  }
0x11c: {  	p0 =	sne.s32 s29, s0  }
.Ltmp5:
0x11d: {  	_ = 	snop;
	(pc) =	sbr.rel @p0 .LBB2_1-.Ltmp5, $3  }
0x11e: {  	_ =	sdelay $0x1  }
0x11f: {  	[sflag:s28] =	ssyncset.done $0x0  }
0x120: {  	[sflag:s28] =	ssyncadd.s32 $0xFFFFF000  }
0x121: {  	_ =	sfence.sel $0x180000  }
0x122: {  	[bflag:$0x0] =	sbarrier.arrive $0xFFFF  }
0x123: {  	_ =	strace $0x9000004A  }
0x124: {  	s0 =	stileid.u32;
	[bflag:$0x2] =	sbarrier.arrive $0xFFFF  }
0x125: {  	p0 =	sne.s32 s0, $0x0;
	s0 =	rddreg [dreg:$0x3]  }
0x126: {  	s0 =	sadd.s32 @!p0 $0x100000, s0  }
0x127: {  	[sflag:s0] =	ssyncadd.tile.s32 @!p0 $0x1;
	_ =	shalt  }
.Lfunc_end2:
_tile_overlayer_lowered:
.L_overlay_start_2:
0x128: {  	(tag) =	ssettag $0x2  }
0x129: {  	s0 =	rddreg [dreg:$0x0];
	s2 =	stileid.u32  }
0x12a: {  	s1 =	rddreg [dreg:$0x1];
	p0 =	sne.s32 s2, $0x0  }
0x12b: {  	s3 =	rddreg [dreg:$0x2];
	[bflag:$0x3] =	sbarrier.arrive $0xFFFF;
	s2 =	simm.s32 @!p0 $0x1C0D  }
0x12c: {  	[timem:s3], [sflag:s2] =	dma.local @!p0 [hbm:s0], s1  }
0x12d: {  	s0 =	simm.s32 @!p0 $0xD  }
0x12e: {  	_ =	swait.ge @!p0 [sflag:s0], s1  }
0x12f: {  	s1 =	ssub.s32 @!p0 $0x0, s1;
	[sflag:s0] =	ssyncset.done @!p0 $0x0  }
0x130: {  	[sflag:s0] =	ssyncadd.s32 @!p0 s1  }
0x131: {  	[bflag:$0x3] =	sbarrier.arrive $0xFFFF  }
0x132: {  	_ =	shalt  }

</sc_bundles>
